<compile_context>
chip_gen: v7x
topology: tpu7x:2x2x1
jax: 0.10.2.dev20260603
libtpu: 0.0.44.dev20260713+nightly
codegen_flags: <defaults>
</compile_context>

<pallas_src>
import functools

import jax
import jax.numpy as jnp
from jax import lax
from jax.experimental import pallas as pl
from jax.experimental.pallas import tpu as pltpu
from jax.experimental.pallas import tpu_sc as plsc

E = 8
K = 2
T = 2048
D = 1024
FF = 4096
BBLK = 256
NB = (T * K + E * (BBLK - 1) + BBLK - 1) // BBLK
NP = NB * BBLK
NW = 32
TPW = T // NW
CH = 16
NEG_INF = float("-inf")


def _router_body(x_ref, gate_ref, logits_ref, xs0_ref, xs1_ref,
                 pos0_ref, pos1_ref, bes_ref, xmap_ref):
    x = x_ref[...]
    logits = lax.dot_general(
        x, gate_ref[...], (((1,), (1,)), ((), ())),
        preferred_element_type=jnp.float32, precision=lax.Precision.DEFAULT)
    logits_ref[...] = logits

    lane = lax.broadcasted_iota(jnp.int32, (T, E), 1)
    m1 = jnp.max(logits, axis=1, keepdims=True)
    a1 = jnp.min(jnp.where(logits == m1, lane, E), axis=1, keepdims=True)
    masked = jnp.where(lane == a1, NEG_INF, logits)
    m2 = jnp.max(masked, axis=1, keepdims=True)
    a2 = jnp.min(jnp.where(masked == m2, lane, E), axis=1, keepdims=True)
    p1 = 1.0 / (1.0 + jnp.exp(m2 - m1))
    p2 = 1.0 / (1.0 + jnp.exp(m1 - m2))
    xs0_ref[...] = x * p1
    xs1_ref[...] = x * p2

    oh0 = (lane == a1).astype(jnp.float32)
    oh1 = (lane == a2).astype(jnp.float32)

    C = 512
    bi = lax.broadcasted_iota(jnp.int32, (C, C), 0)
    bj = lax.broadcasted_iota(jnp.int32, (C, C), 1)
    trilm = (bi > bj).astype(jnp.float32)

    def excl_cumsum(oh, carry):
        chunks = []
        for c in range(T // C):
            chnk = lax.slice(oh, (c * C, 0), ((c + 1) * C, E))
            chunks.append(carry + lax.dot_general(
                trilm, chnk, (((1,), (0,)), ((), ())),
                preferred_element_type=jnp.float32,
                precision=lax.Precision.DEFAULT))
            carry = carry + jnp.sum(chnk, axis=0, keepdims=True)
        return jnp.concatenate(chunks, axis=0), carry

    rank0, counts0 = excl_cumsum(oh0, jnp.zeros((1, E), jnp.float32))
    rank1, counts = excl_cumsum(oh1, counts0)

    pc = jnp.floor((counts + (BBLK - 1)) / BBLK) * BBLK
    su = (lax.broadcasted_iota(jnp.int32, (E, E), 0) <
          lax.broadcasted_iota(jnp.int32, (E, E), 1)).astype(jnp.float32)
    offs = lax.dot_general(pc, su, (((1,), (0,)), ((), ())),
                           preferred_element_type=jnp.float32,
                           precision=lax.Precision.DEFAULT)

    pos0_ref[...] = jnp.sum((rank0 + offs) * oh0, axis=1,
                            keepdims=True).astype(jnp.int32)
    pos1_ref[...] = jnp.sum((rank1 + offs) * oh1, axis=1,
                            keepdims=True).astype(jnp.int32)

    cum_end = offs + pc
    end_real = offs + counts
    lane_e = lax.broadcasted_iota(jnp.int32, (NB, E), 1).astype(jnp.float32)
    nreal = jnp.floor((counts + (BBLK - 1)) / BBLK)
    lvb_e = offs / BBLK + nreal - 1.0
    lastreal = jnp.max(jnp.where(counts > 0, lvb_e, -1.0), axis=1,
                       keepdims=True)
    e_last = jnp.max(jnp.where(counts > 0, lane_e[:1], -1.0), axis=1,
                     keepdims=True)
    biota = lax.broadcasted_iota(jnp.int32, (NB, 1), 0).astype(jnp.float32)
    start_b = biota * BBLK
    ohb = ((start_b >= offs) & (start_b < cum_end)).astype(jnp.float32)
    has_e = jnp.sum(ohb, axis=1, keepdims=True)
    bes_b = jnp.sum(ohb * lane_e, axis=1, keepdims=True)
    bes_b = jnp.where(has_e > 0, bes_b, e_last)
    valid = jnp.sum(ohb * (start_b < end_real).astype(jnp.float32), axis=1,
                    keepdims=True)
    lvb_b = jnp.sum(ohb * lvb_e, axis=1, keepdims=True)
    lvb_b = jnp.where(has_e > 0, lvb_b, lastreal)
    xmap_b = jnp.where(valid > 0, biota, lvb_b)
    bes_ref[...] = bes_b.astype(jnp.int32)
    xmap_ref[...] = xmap_b.astype(jnp.int32)


NF = 2
FC = FF // NF


def _gmm_body(bes_ref, xmap_ref, xs_ref, w1_ref, w3_ref, w2_ref, y_ref):
    del bes_ref
    i = pl.program_id(1)

    @pl.when(xmap_ref[i] == i)
    def _():
        xb = xs_ref[...]
        a = lax.dot_general(xb, w1_ref[0], (((1,), (1,)), ((), ())),
                            preferred_element_type=jnp.float32)
        b = lax.dot_general(xb, w3_ref[0], (((1,), (1,)), ((), ())),
                            preferred_element_type=jnp.float32)
        h = a * jax.nn.sigmoid(a) * b
        y_ref[...] = lax.dot_general(h, w2_ref[0], (((1,), (1,)), ((), ())),
                                     preferred_element_type=jnp.float32)


@functools.cache
def _sc_kernels():
    mesh = plsc.VectorSubcoreMesh(core_axis_name="c", subcore_axis_name="s")

    @functools.partial(
        pl.kernel,
        out_type=jax.ShapeDtypeStruct((NP, D), jnp.float32),
        mesh=mesh,
        scratch_types=[
            pltpu.VMEM((TPW, D), jnp.float32),
            pltpu.VMEM((K, 1, TPW), jnp.int32),
            pltpu.SemaphoreType.DMA,
        ],
    )
    def sc_scatter(xs0_hbm, xs1_hbm, pos_hbm, xsorted_hbm, buf, idxv, sem):
        wid = lax.axis_index("s") * 2 + lax.axis_index("c")
        base = wid * TPW
        for k, xsk in ((0, xs0_hbm), (1, xs1_hbm)):
            pltpu.sync_copy(pos_hbm.at[k, pl.ds(base, TPW)], idxv.at[k, 0])
            pltpu.sync_copy(xsk.at[pl.ds(base, TPW), :], buf)
            pltpu.async_copy(buf, xsorted_hbm.at[idxv.at[k, 0]], sem).wait()

    @functools.partial(
        pl.kernel,
        out_type=jax.ShapeDtypeStruct((T, D), jnp.float32),
        mesh=mesh,
        scratch_types=[
            pltpu.VMEM((CH, D), jnp.float32),
            pltpu.VMEM((CH, D), jnp.float32),
            pltpu.VMEM((CH, D), jnp.float32),
            pltpu.VMEM((CH, D), jnp.float32),
            pltpu.VMEM((2 * K, 1, CH), jnp.int32),
            pltpu.SemaphoreType.DMA,
        ],
    )
    def sc_combine(ysorted_hbm, pos_hbm, out_hbm, bufa, bufb, bufc, bufd,
                   idxv, sem):
        wid = lax.axis_index("s") * 2 + lax.axis_index("c")
        bufs = (bufa, bufb, bufc, bufd)

        def accum(_r, __):
            def col_add(cc, ___):
                sl = pl.ds(cc * 16, 16)
                bufa[_r, sl] = ((bufa[_r, sl] + bufb[_r, sl]) +
                                (bufc[_r, sl] + bufd[_r, sl]))
                return 0
            return lax.fori_loop(0, D // 16, col_add, 0, unroll=8)

        for ch in range(TPW // CH):
            tb = wid * TPW + ch * CH
            for j in range(2 * K):
                pltpu.sync_copy(pos_hbm.at[j, pl.ds(tb, CH)], idxv.at[j, 0])
            descs = [
                pltpu.async_copy(ysorted_hbm.at[idxv.at[j, 0]], bufs[j], sem)
                for j in range(2 * K)
            ]
            for d in descs:
                d.wait()
            lax.fori_loop(0, CH, accum, 0)
            pltpu.sync_copy(bufa, out_hbm.at[pl.ds(tb, CH), :])

    return sc_scatter, sc_combine


def kernel(hidden_states, gate_w, w1, w3, w2):
    B, S, _ = hidden_states.shape
    x = hidden_states.reshape(T, D)

    logits, xs0, xs1, pos0, pos1, bes, xmap = pl.pallas_call(
        _router_body,
        out_shape=[
            jax.ShapeDtypeStruct((T, E), jnp.float32),
            jax.ShapeDtypeStruct((T, D), jnp.float32),
            jax.ShapeDtypeStruct((T, D), jnp.float32),
            jax.ShapeDtypeStruct((T, 1), jnp.int32),
            jax.ShapeDtypeStruct((T, 1), jnp.int32),
            jax.ShapeDtypeStruct((NB, 1), jnp.int32),
            jax.ShapeDtypeStruct((NB, 1), jnp.int32),
        ],
    )(x, gate_w)

    sc_scatter, sc_combine = _sc_kernels()
    pos = jnp.stack([pos0[:, 0], pos1[:, 0]])
    x_sorted = sc_scatter(xs0, xs1, pos)

    grid_spec = pltpu.PrefetchScalarGridSpec(
        num_scalar_prefetch=2,
        grid=(NF, NB),
        in_specs=[
            pl.BlockSpec((BBLK, D), lambda f, i, bes_r, xm_r: (xm_r[i], 0)),
            pl.BlockSpec((1, FC, D),
                         lambda f, i, bes_r, xm_r: (bes_r[i], f, 0)),
            pl.BlockSpec((1, FC, D),
                         lambda f, i, bes_r, xm_r: (bes_r[i], f, 0)),
            pl.BlockSpec((1, D, FC),
                         lambda f, i, bes_r, xm_r: (bes_r[i], 0, f)),
        ],
        out_specs=pl.BlockSpec(
            (BBLK, D), lambda f, i, bes_r, xm_r: (f * NB + xm_r[i], 0)),
    )
    y_sorted = pl.pallas_call(
        _gmm_body,
        grid_spec=grid_spec,
        out_shape=jax.ShapeDtypeStruct((NF * NP, D), jnp.float32),
        compiler_params=pltpu.CompilerParams(
            dimension_semantics=("arbitrary", "arbitrary"),
            vmem_limit_bytes=62 * 1024 * 1024,
        ),
    )(bes[:, 0], xmap[:, 0], x_sorted, w1, w3, w2)

    pos4 = jnp.concatenate([pos, pos + NP], axis=0)
    out = sc_combine(y_sorted, pos4)
    return out.reshape(B, S, D), logits

# --- scband reference (transcript-rebuilt; emitter-appended) ---
"""Pipeline reference for scband-prunable-mixtral-sparse-moe-block-wrapper-2010044694834 (READ-ONLY COPY).

The authoritative reference and input builder live on the scoring server;
editing this copy changes nothing except your own understanding.
"""

import jax, jax.numpy as jnp
import numpy as np

NUM_EXPERTS = 8
TOP_K = 2
D_MODEL = 1024
D_FF = 4096
BATCH = 1
SEQ = 2048


def setup_inputs(seed: int = 0) -> dict:
    key = jax.random.key(seed)
    ks = jax.random.split(key, 5)
    hidden_states = jax.random.normal(ks[0], (BATCH, SEQ, D_MODEL), dtype=jnp.float32)
    # learned params
    gate_w = jax.random.normal(ks[1], (NUM_EXPERTS, D_MODEL), dtype=jnp.float32) * 0.02
    w1 = jax.random.normal(ks[2], (NUM_EXPERTS, D_FF, D_MODEL), dtype=jnp.float32) * 0.02
    w3 = jax.random.normal(ks[3], (NUM_EXPERTS, D_FF, D_MODEL), dtype=jnp.float32) * 0.02
    w2 = jax.random.normal(ks[4], (NUM_EXPERTS, D_MODEL, D_FF), dtype=jnp.float32) * 0.02
    return {"hidden_states": hidden_states, "gate_w": gate_w, "w1": w1, "w3": w3, "w2": w2}


def reference(hidden_states, gate_w, w1, w3, w2):
    B, S, D = hidden_states.shape
    x = hidden_states.reshape(-1, D)
    # router (Linear, no bias)
    router_logits = x @ gate_w.T  # [T, E]
    routing_weights = jax.nn.softmax(router_logits.astype(jnp.float32), axis=1)
    weights, selected_experts = jax.lax.top_k(routing_weights, TOP_K)  # [T, K]
    weights = weights / jnp.sum(weights, axis=-1, keepdims=True)
    weights = weights.astype(x.dtype)
    final = jnp.zeros_like(x)
    for e in range(NUM_EXPERTS):
        # per-token routing weight for expert e (0 if expert not selected)
        w_e = jnp.sum(weights * (selected_experts == e).astype(weights.dtype), axis=-1)  # [T]
        # NOTE: original torch code scales the *input* by the routing weight
        # before the (nonlinear) expert MLP: expert(x * w). Unselected tokens have
        # w_e == 0, and expert(0) == 0 for the Mixtral gated MLP (silu(0)*0 -> 0),
        # so the dense loop is mathematically identical to the sparse gather/scatter.
        xs = x * w_e[:, None]
        h = jax.nn.silu(xs @ w1[e].T) * (xs @ w3[e].T)
        final = final + h @ w2[e].T
    final = final.reshape(B, S, D)
    return final, router_logits

if __name__ == "__main__":
    import jax
    _d = setup_inputs()
    print(jax.jit(kernel)(*tuple(_d.values())))

</pallas_src>

<mosaic_0001>
#map = affine_map<(d0, d1) -> (0, 0)>
module attributes {stable_mosaic.version = 14 : i64} {
  func.func @sc_scatter(%arg0: i32, %arg1: i32, %arg2: memref<2048x1024xf32, #tpu.memory_space<hbm>>, %arg3: memref<2048x1024xf32, #tpu.memory_space<hbm>>, %arg4: memref<2x2048xi32, #tpu.memory_space<hbm>>, %arg5: memref<6144x1024xf32, #tpu.memory_space<hbm>>, %arg6: memref<64x1024xf32, #tpu.memory_space<vmem>>, %arg7: memref<2x1x64xi32, #tpu.memory_space<vmem>>, %arg8: memref<!tpu.dma_semaphore, #tpu.memory_space<semaphore_mem>>) attributes {dimension_semantics = [#tpu.dimension_semantics<core_parallel>, #tpu.dimension_semantics<subcore_parallel>], iteration_bounds = array<i64: 2, 16>, scalar_prefetch = 0 : i64, scratch_operands = 3 : i64, tpu.core_type = #tpu.core_type<sc_vector_subcore>, window_params = [{transform_indices = #map}, {transform_indices = #map}, {transform_indices = #map}, {transform_indices = #map}]} {
    %mul3A = arith.constant 2 : i32
    %mul3A_0 = arith.muli %arg1, %mul3A : i32
    %add3A = arith.addi %mul3A_0, %arg0 : i32
    %mul3A_1 = arith.constant 64 : i32
    %mul3A_2 = arith.muli %add3A, %mul3A_1 : i32
    %run_scoped3A = arith.constant 0 : i32
    %run_scoped3A_3 = arith.constant 0 : i32
    %run_scoped3A_4 = arith.constant 0 : i32
    "tpu.region"() ({
      %run_scoped3A_38 = tpu.sem_alloc : memref<!tpu.dma_semaphore, #tpu.memory_space<semaphore_mem>>
      %dma_start3A_39 = arith.constant 0 : i32
      %dma_start3A_40 = tpu.memref_slice %arg7[%run_scoped3A_3, %run_scoped3A_4, %dma_start3A_39] : memref<2x1x64xi32, #tpu.memory_space<vmem>> -> memref<1x1x64xi32, #tpu.memory_space<vmem>>
      %dma_start3A_41 = tpu.memref_squeeze %dma_start3A_40 : memref<1x1x64xi32, #tpu.memory_space<vmem>> -> memref<64xi32, #tpu.memory_space<vmem>>
      %dma_start3A_42 = tpu.memref_slice %arg4[%run_scoped3A, %mul3A_2] : memref<2x2048xi32, #tpu.memory_space<hbm>> -> memref<1x64xi32, #tpu.memory_space<hbm>>
      %dma_start3A_43 = tpu.memref_squeeze %dma_start3A_42 : memref<1x64xi32, #tpu.memory_space<hbm>> -> memref<64xi32, #tpu.memory_space<hbm>>
      %dma_start3A_44 = arith.constant 0 : i32
      %dma_start3A_45 = tpu.memref_slice %arg7[%run_scoped3A_3, %run_scoped3A_4, %dma_start3A_44] : memref<2x1x64xi32, #tpu.memory_space<vmem>> -> memref<1x1x64xi32, #tpu.memory_space<vmem>>
      %dma_start3A_46 = tpu.memref_squeeze %dma_start3A_45 : memref<1x1x64xi32, #tpu.memory_space<vmem>> -> memref<64xi32, #tpu.memory_space<vmem>>
      %dma_start3A_47 = tpu.memref_slice %arg4[%run_scoped3A, %mul3A_2] : memref<2x2048xi32, #tpu.memory_space<hbm>> -> memref<1x64xi32, #tpu.memory_space<hbm>>
      %dma_start3A_48 = tpu.memref_squeeze %dma_start3A_47 : memref<1x64xi32, #tpu.memory_space<hbm>> -> memref<64xi32, #tpu.memory_space<hbm>>
      tpu.enqueue_dma source(%dma_start3A_48 : memref<64xi32, #tpu.memory_space<hbm>>) target(%dma_start3A_46 : memref<64xi32, #tpu.memory_space<vmem>>) target_semaphore(%run_scoped3A_38 : memref<!tpu.dma_semaphore, #tpu.memory_space<semaphore_mem>>)
      %dma_wait3A_49 = arith.constant 0 : i32
      %dma_wait3A_50 = tpu.memref_slice %arg7[%run_scoped3A_3, %run_scoped3A_4, %dma_wait3A_49] : memref<2x1x64xi32, #tpu.memory_space<vmem>> -> memref<1x1x64xi32, #tpu.memory_space<vmem>>
      %dma_wait3A_51 = tpu.memref_squeeze %dma_wait3A_50 : memref<1x1x64xi32, #tpu.memory_space<vmem>> -> memref<64xi32, #tpu.memory_space<vmem>>
      %dma_wait3A_52 = tpu.memref_slice %arg4[%run_scoped3A, %mul3A_2] : memref<2x2048xi32, #tpu.memory_space<hbm>> -> memref<1x64xi32, #tpu.memory_space<hbm>>
      %dma_wait3A_53 = tpu.memref_squeeze %dma_wait3A_52 : memref<1x64xi32, #tpu.memory_space<hbm>> -> memref<64xi32, #tpu.memory_space<hbm>>
      %dma_wait3A_54 = arith.constant 0 : i32
      %dma_wait3A_55 = tpu.memref_slice %arg7[%run_scoped3A_3, %run_scoped3A_4, %dma_wait3A_54] : memref<2x1x64xi32, #tpu.memory_space<vmem>> -> memref<1x1x64xi32, #tpu.memory_space<vmem>>
      %dma_wait3A_56 = tpu.memref_squeeze %dma_wait3A_55 : memref<1x1x64xi32, #tpu.memory_space<vmem>> -> memref<64xi32, #tpu.memory_space<vmem>>
      %dma_wait3A_57 = tpu.memref_slice %arg4[%run_scoped3A, %mul3A_2] : memref<2x2048xi32, #tpu.memory_space<hbm>> -> memref<1x64xi32, #tpu.memory_space<hbm>>
      %dma_wait3A_58 = tpu.memref_squeeze %dma_wait3A_57 : memref<1x64xi32, #tpu.memory_space<hbm>> -> memref<64xi32, #tpu.memory_space<hbm>>
      tpu.wait_dma2 semaphore(%run_scoped3A_38 : memref<!tpu.dma_semaphore, #tpu.memory_space<semaphore_mem>>) src(%dma_wait3A_58 : memref<64xi32, #tpu.memory_space<hbm>>) dst(%dma_wait3A_56 : memref<64xi32, #tpu.memory_space<vmem>>)
      tpu.yield
    }) : () -> ()
    "tpu.region"() ({
      %run_scoped3A_38 = tpu.sem_alloc : memref<!tpu.dma_semaphore, #tpu.memory_space<semaphore_mem>>
      %dma_start3A_39 = arith.constant 0 : i32
      %dma_start3A_40 = tpu.memref_slice %arg2[%mul3A_2, %dma_start3A_39] : memref<2048x1024xf32, #tpu.memory_space<hbm>> -> memref<64x1024xf32, #tpu.memory_space<hbm>>
      %dma_start3A_41 = arith.constant 0 : i32
      %dma_start3A_42 = tpu.memref_slice %arg2[%mul3A_2, %dma_start3A_41] : memref<2048x1024xf32, #tpu.memory_space<hbm>> -> memref<64x1024xf32, #tpu.memory_space<hbm>>
      tpu.enqueue_dma source(%dma_start3A_42 : memref<64x1024xf32, #tpu.memory_space<hbm>>) target(%arg6 : memref<64x1024xf32, #tpu.memory_space<vmem>>) target_semaphore(%run_scoped3A_38 : memref<!tpu.dma_semaphore, #tpu.memory_space<semaphore_mem>>)
      %dma_wait3A_43 = arith.constant 0 : i32
      %dma_wait3A_44 = tpu.memref_slice %arg2[%mul3A_2, %dma_wait3A_43] : memref<2048x1024xf32, #tpu.memory_space<hbm>> -> memref<64x1024xf32, #tpu.memory_space<hbm>>
      %dma_wait3A_45 = arith.constant 0 : i32
      %dma_wait3A_46 = tpu.memref_slice %arg2[%mul3A_2, %dma_wait3A_45] : memref<2048x1024xf32, #tpu.memory_space<hbm>> -> memref<64x1024xf32, #tpu.memory_space<hbm>>
      tpu.wait_dma2 semaphore(%run_scoped3A_38 : memref<!tpu.dma_semaphore, #tpu.memory_space<semaphore_mem>>) src(%dma_wait3A_46 : memref<64x1024xf32, #tpu.memory_space<hbm>>) dst(%arg6 : memref<64x1024xf32, #tpu.memory_space<vmem>>)
      tpu.yield
    }) : () -> ()
    %dma_start3A = arith.constant 0 : i32
    %dma_start3A_5 = arith.constant 0 : i32
    %dma_start3A_6 = arith.constant 0 : i32
    %dma_start3A_7 = tpu.memref_slice %arg7[%dma_start3A, %dma_start3A_5, %dma_start3A_6] : memref<2x1x64xi32, #tpu.memory_space<vmem>> -> memref<1x1x64xi32, #tpu.memory_space<vmem>>
    %dma_start3A_8 = tpu.memref_squeeze %dma_start3A_7 : memref<1x1x64xi32, #tpu.memory_space<vmem>> -> memref<64xi32, #tpu.memory_space<vmem>>
    %dma_start3A_9 = arith.constant 0 : i32
    %dma_start3A_10 = arith.constant 0 : i32
    %dma_start3A_11 = tpu.memref_slice %arg5[%dma_start3A_9, %dma_start3A_10] : memref<6144x1024xf32, #tpu.memory_space<hbm>> -> memref<6144x1024xf32, #tpu.memory_space<hbm>>
    tpu.enqueue_indirect_dma source(%arg6 : memref<64x1024xf32, #tpu.memory_space<vmem>>) target(%dma_start3A_11 : memref<6144x1024xf32, #tpu.memory_space<hbm>>) offsets(%dma_start3A_8 : memref<64xi32, #tpu.memory_space<vmem>>) semaphore(%arg8 : memref<!tpu.dma_semaphore, #tpu.memory_space<semaphore_mem>>)
    %dma_wait3A = arith.constant 0 : i32
    %dma_wait3A_12 = arith.constant 0 : i32
    %dma_wait3A_13 = arith.constant 0 : i32
    %dma_wait3A_14 = tpu.memref_slice %arg7[%dma_wait3A, %dma_wait3A_12, %dma_wait3A_13] : memref<2x1x64xi32, #tpu.memory_space<vmem>> -> memref<1x1x64xi32, #tpu.memory_space<vmem>>
    %dma_wait3A_15 = tpu.memref_squeeze %dma_wait3A_14 : memref<1x1x64xi32, #tpu.memory_space<vmem>> -> memref<64xi32, #tpu.memory_space<vmem>>
    %dma_wait3A_16 = arith.constant 0 : i32
    %dma_wait3A_17 = arith.constant 0 : i32
    %dma_wait3A_18 = tpu.memref_slice %arg5[%dma_wait3A_16, %dma_wait3A_17] : memref<6144x1024xf32, #tpu.memory_space<hbm>> -> memref<6144x1024xf32, #tpu.memory_space<hbm>>
    tpu.wait_indirect_dma semaphore(%arg8 : memref<!tpu.dma_semaphore, #tpu.memory_space<semaphore_mem>>) src(%arg6 : memref<64x1024xf32, #tpu.memory_space<vmem>>) dst(%dma_wait3A_18 : memref<6144x1024xf32, #tpu.memory_space<hbm>>)
    %run_scoped3A_19 = arith.constant 1 : i32
    %run_scoped3A_20 = arith.constant 1 : i32
    %run_scoped3A_21 = arith.constant 0 : i32
    "tpu.region"() ({
      %run_scoped3A_38 = tpu.sem_alloc : memref<!tpu.dma_semaphore, #tpu.memory_space<semaphore_mem>>
      %dma_start3A_39 = arith.constant 0 : i32
      %dma_start3A_40 = tpu.memref_slice %arg7[%run_scoped3A_20, %run_scoped3A_21, %dma_start3A_39] : memref<2x1x64xi32, #tpu.memory_space<vmem>> -> memref<1x1x64xi32, #tpu.memory_space<vmem>>
      %dma_start3A_41 = tpu.memref_squeeze %dma_start3A_40 : memref<1x1x64xi32, #tpu.memory_space<vmem>> -> memref<64xi32, #tpu.memory_space<vmem>>
      %dma_start3A_42 = tpu.memref_slice %arg4[%run_scoped3A_19, %mul3A_2] : memref<2x2048xi32, #tpu.memory_space<hbm>> -> memref<1x64xi32, #tpu.memory_space<hbm>>
      %dma_start3A_43 = tpu.memref_squeeze %dma_start3A_42 : memref<1x64xi32, #tpu.memory_space<hbm>> -> memref<64xi32, #tpu.memory_space<hbm>>
      %dma_start3A_44 = arith.constant 0 : i32
      %dma_start3A_45 = tpu.memref_slice %arg7[%run_scoped3A_20, %run_scoped3A_21, %dma_start3A_44] : memref<2x1x64xi32, #tpu.memory_space<vmem>> -> memref<1x1x64xi32, #tpu.memory_space<vmem>>
      %dma_start3A_46 = tpu.memref_squeeze %dma_start3A_45 : memref<1x1x64xi32, #tpu.memory_space<vmem>> -> memref<64xi32, #tpu.memory_space<vmem>>
      %dma_start3A_47 = tpu.memref_slice %arg4[%run_scoped3A_19, %mul3A_2] : memref<2x2048xi32, #tpu.memory_space<hbm>> -> memref<1x64xi32, #tpu.memory_space<hbm>>
      %dma_start3A_48 = tpu.memref_squeeze %dma_start3A_47 : memref<1x64xi32, #tpu.memory_space<hbm>> -> memref<64xi32, #tpu.memory_space<hbm>>
      tpu.enqueue_dma source(%dma_start3A_48 : memref<64xi32, #tpu.memory_space<hbm>>) target(%dma_start3A_46 : memref<64xi32, #tpu.memory_space<vmem>>) target_semaphore(%run_scoped3A_38 : memref<!tpu.dma_semaphore, #tpu.memory_space<semaphore_mem>>)
      %dma_wait3A_49 = arith.constant 0 : i32
      %dma_wait3A_50 = tpu.memref_slice %arg7[%run_scoped3A_20, %run_scoped3A_21, %dma_wait3A_49] : memref<2x1x64xi32, #tpu.memory_space<vmem>> -> memref<1x1x64xi32, #tpu.memory_space<vmem>>
      %dma_wait3A_51 = tpu.memref_squeeze %dma_wait3A_50 : memref<1x1x64xi32, #tpu.memory_space<vmem>> -> memref<64xi32, #tpu.memory_space<vmem>>
      %dma_wait3A_52 = tpu.memref_slice %arg4[%run_scoped3A_19, %mul3A_2] : memref<2x2048xi32, #tpu.memory_space<hbm>> -> memref<1x64xi32, #tpu.memory_space<hbm>>
      %dma_wait3A_53 = tpu.memref_squeeze %dma_wait3A_52 : memref<1x64xi32, #tpu.memory_space<hbm>> -> memref<64xi32, #tpu.memory_space<hbm>>
      %dma_wait3A_54 = arith.constant 0 : i32
      %dma_wait3A_55 = tpu.memref_slice %arg7[%run_scoped3A_20, %run_scoped3A_21, %dma_wait3A_54] : memref<2x1x64xi32, #tpu.memory_space<vmem>> -> memref<1x1x64xi32, #tpu.memory_space<vmem>>
      %dma_wait3A_56 = tpu.memref_squeeze %dma_wait3A_55 : memref<1x1x64xi32, #tpu.memory_space<vmem>> -> memref<64xi32, #tpu.memory_space<vmem>>
      %dma_wait3A_57 = tpu.memref_slice %arg4[%run_scoped3A_19, %mul3A_2] : memref<2x2048xi32, #tpu.memory_space<hbm>> -> memref<1x64xi32, #tpu.memory_space<hbm>>
      %dma_wait3A_58 = tpu.memref_squeeze %dma_wait3A_57 : memref<1x64xi32, #tpu.memory_space<hbm>> -> memref<64xi32, #tpu.memory_space<hbm>>
      tpu.wait_dma2 semaphore(%run_scoped3A_38 : memref<!tpu.dma_semaphore, #tpu.memory_space<semaphore_mem>>) src(%dma_wait3A_58 : memref<64xi32, #tpu.memory_space<hbm>>) dst(%dma_wait3A_56 : memref<64xi32, #tpu.memory_space<vmem>>)
      tpu.yield
    }) : () -> ()
    "tpu.region"() ({
      %run_scoped3A_38 = tpu.sem_alloc : memref<!tpu.dma_semaphore, #tpu.memory_space<semaphore_mem>>
      %dma_start3A_39 = arith.constant 0 : i32
      %dma_start3A_40 = tpu.memref_slice %arg3[%mul3A_2, %dma_start3A_39] : memref<2048x1024xf32, #tpu.memory_space<hbm>> -> memref<64x1024xf32, #tpu.memory_space<hbm>>
      %dma_start3A_41 = arith.constant 0 : i32
      %dma_start3A_42 = tpu.memref_slice %arg3[%mul3A_2, %dma_start3A_41] : memref<2048x1024xf32, #tpu.memory_space<hbm>> -> memref<64x1024xf32, #tpu.memory_space<hbm>>
      tpu.enqueue_dma source(%dma_start3A_42 : memref<64x1024xf32, #tpu.memory_space<hbm>>) target(%arg6 : memref<64x1024xf32, #tpu.memory_space<vmem>>) target_semaphore(%run_scoped3A_38 : memref<!tpu.dma_semaphore, #tpu.memory_space<semaphore_mem>>)
      %dma_wait3A_43 = arith.constant 0 : i32
      %dma_wait3A_44 = tpu.memref_slice %arg3[%mul3A_2, %dma_wait3A_43] : memref<2048x1024xf32, #tpu.memory_space<hbm>> -> memref<64x1024xf32, #tpu.memory_space<hbm>>
      %dma_wait3A_45 = arith.constant 0 : i32
      %dma_wait3A_46 = tpu.memref_slice %arg3[%mul3A_2, %dma_wait3A_45] : memref<2048x1024xf32, #tpu.memory_space<hbm>> -> memref<64x1024xf32, #tpu.memory_space<hbm>>
      tpu.wait_dma2 semaphore(%run_scoped3A_38 : memref<!tpu.dma_semaphore, #tpu.memory_space<semaphore_mem>>) src(%dma_wait3A_46 : memref<64x1024xf32, #tpu.memory_space<hbm>>) dst(%arg6 : memref<64x1024xf32, #tpu.memory_space<vmem>>)
      tpu.yield
    }) : () -> ()
    %dma_start3A_22 = arith.constant 1 : i32
    %dma_start3A_23 = arith.constant 0 : i32
    %dma_start3A_24 = arith.constant 0 : i32
    %dma_start3A_25 = tpu.memref_slice %arg7[%dma_start3A_22, %dma_start3A_23, %dma_start3A_24] : memref<2x1x64xi32, #tpu.memory_space<vmem>> -> memref<1x1x64xi32, #tpu.memory_space<vmem>>
    %dma_start3A_26 = tpu.memref_squeeze %dma_start3A_25 : memref<1x1x64xi32, #tpu.memory_space<vmem>> -> memref<64xi32, #tpu.memory_space<vmem>>
    %dma_start3A_27 = arith.constant 0 : i32
    %dma_start3A_28 = arith.constant 0 : i32
    %dma_start3A_29 = tpu.memref_slice %arg5[%dma_start3A_27, %dma_start3A_28] : memref<6144x1024xf32, #tpu.memory_space<hbm>> -> memref<6144x1024xf32, #tpu.memory_space<hbm>>
    tpu.enqueue_indirect_dma source(%arg6 : memref<64x1024xf32, #tpu.memory_space<vmem>>) target(%dma_start3A_29 : memref<6144x1024xf32, #tpu.memory_space<hbm>>) offsets(%dma_start3A_26 : memref<64xi32, #tpu.memory_space<vmem>>) semaphore(%arg8 : memref<!tpu.dma_semaphore, #tpu.memory_space<semaphore_mem>>)
    %dma_wait3A_30 = arith.constant 1 : i32
    %dma_wait3A_31 = arith.constant 0 : i32
    %dma_wait3A_32 = arith.constant 0 : i32
    %dma_wait3A_33 = tpu.memref_slice %arg7[%dma_wait3A_30, %dma_wait3A_31, %dma_wait3A_32] : memref<2x1x64xi32, #tpu.memory_space<vmem>> -> memref<1x1x64xi32, #tpu.memory_space<vmem>>
    %dma_wait3A_34 = tpu.memref_squeeze %dma_wait3A_33 : memref<1x1x64xi32, #tpu.memory_space<vmem>> -> memref<64xi32, #tpu.memory_space<vmem>>
    %dma_wait3A_35 = arith.constant 0 : i32
    %dma_wait3A_36 = arith.constant 0 : i32
    %dma_wait3A_37 = tpu.memref_slice %arg5[%dma_wait3A_35, %dma_wait3A_36] : memref<6144x1024xf32, #tpu.memory_space<hbm>> -> memref<6144x1024xf32, #tpu.memory_space<hbm>>
    tpu.wait_indirect_dma semaphore(%arg8 : memref<!tpu.dma_semaphore, #tpu.memory_space<semaphore_mem>>) src(%arg6 : memref<64x1024xf32, #tpu.memory_space<vmem>>) dst(%dma_wait3A_37 : memref<6144x1024xf32, #tpu.memory_space<hbm>>)
    return
  }
}

#map = affine_map<(d0, d1) -> (0, 0)>
module attributes {stable_mosaic.version = 14 : i64} {
  func.func @sc_combine(%arg0: i32, %arg1: i32, %arg2: memref<12288x1024xf32, #tpu.memory_space<hbm>>, %arg3: memref<4x2048xi32, #tpu.memory_space<hbm>>, %arg4: memref<2048x1024xf32, #tpu.memory_space<hbm>>, %arg5: memref<16x1024xf32, #tpu.memory_space<vmem>>, %arg6: memref<16x1024xf32, #tpu.memory_space<vmem>>, %arg7: memref<16x1024xf32, #tpu.memory_space<vmem>>, %arg8: memref<16x1024xf32, #tpu.memory_space<vmem>>, %arg9: memref<4x1x16xi32, #tpu.memory_space<vmem>>, %arg10: memref<!tpu.dma_semaphore, #tpu.memory_space<semaphore_mem>>) attributes {dimension_semantics = [#tpu.dimension_semantics<core_parallel>, #tpu.dimension_semantics<subcore_parallel>], iteration_bounds = array<i64: 2, 16>, scalar_prefetch = 0 : i64, scratch_operands = 6 : i64, tpu.core_type = #tpu.core_type<sc_vector_subcore>, window_params = [{transform_indices = #map}, {transform_indices = #map}, {transform_indices = #map}]} {
    %mul3A = arith.constant 2 : i32
    %mul3A_0 = arith.muli %arg1, %mul3A : i32
    %add3A = arith.addi %mul3A_0, %arg0 : i32
    %mul3A_1 = arith.constant 64 : i32
    %mul3A_2 = arith.muli %add3A, %mul3A_1 : i32
    %add3A_3 = arith.constant 0 : i32
    %add3A_4 = arith.addi %mul3A_2, %add3A_3 : i32
    %run_scoped3A = arith.constant 0 : i32
    %run_scoped3A_5 = arith.constant 0 : i32
    %run_scoped3A_6 = arith.constant 0 : i32
    "tpu.region"() ({
      %run_scoped3A_345 = tpu.sem_alloc : memref<!tpu.dma_semaphore, #tpu.memory_space<semaphore_mem>>
      %dma_start3A_346 = arith.constant 0 : i32
      %dma_start3A_347 = tpu.memref_slice %arg9[%run_scoped3A_5, %run_scoped3A_6, %dma_start3A_346] : memref<4x1x16xi32, #tpu.memory_space<vmem>> -> memref<1x1x16xi32, #tpu.memory_space<vmem>>
      %dma_start3A_348 = tpu.memref_squeeze %dma_start3A_347 : memref<1x1x16xi32, #tpu.memory_space<vmem>> -> memref<16xi32, #tpu.memory_space<vmem>>
      %dma_start3A_349 = tpu.memref_slice %arg3[%run_scoped3A, %add3A_4] : memref<4x2048xi32, #tpu.memory_space<hbm>> -> memref<1x16xi32, #tpu.memory_space<hbm>>
      %dma_start3A_350 = tpu.memref_squeeze %dma_start3A_349 : memref<1x16xi32, #tpu.memory_space<hbm>> -> memref<16xi32, #tpu.memory_space<hbm>>
      %dma_start3A_351 = arith.constant 0 : i32
      %dma_start3A_352 = tpu.memref_slice %arg9[%run_scoped3A_5, %run_scoped3A_6, %dma_start3A_351] : memref<4x1x16xi32, #tpu.memory_space<vmem>> -> memref<1x1x16xi32, #tpu.memory_space<vmem>>
      %dma_start3A_353 = tpu.memref_squeeze %dma_start3A_352 : memref<1x1x16xi32, #tpu.memory_space<vmem>> -> memref<16xi32, #tpu.memory_space<vmem>>
      %dma_start3A_354 = tpu.memref_slice %arg3[%run_scoped3A, %add3A_4] : memref<4x2048xi32, #tpu.memory_space<hbm>> -> memref<1x16xi32, #tpu.memory_space<hbm>>
      %dma_start3A_355 = tpu.memref_squeeze %dma_start3A_354 : memref<1x16xi32, #tpu.memory_space<hbm>> -> memref<16xi32, #tpu.memory_space<hbm>>
      tpu.enqueue_dma source(%dma_start3A_355 : memref<16xi32, #tpu.memory_space<hbm>>) target(%dma_start3A_353 : memref<16xi32, #tpu.memory_space<vmem>>) target_semaphore(%run_scoped3A_345 : memref<!tpu.dma_semaphore, #tpu.memory_space<semaphore_mem>>)
      %dma_wait3A_356 = arith.constant 0 : i32
      %dma_wait3A_357 = tpu.memref_slice %arg9[%run_scoped3A_5, %run_scoped3A_6, %dma_wait3A_356] : memref<4x1x16xi32, #tpu.memory_space<vmem>> -> memref<1x1x16xi32, #tpu.memory_space<vmem>>
      %dma_wait3A_358 = tpu.memref_squeeze %dma_wait3A_357 : memref<1x1x16xi32, #tpu.memory_space<vmem>> -> memref<16xi32, #tpu.memory_space<vmem>>
      %dma_wait3A_359 = tpu.memref_slice %arg3[%run_scoped3A, %add3A_4] : memref<4x2048xi32, #tpu.memory_space<hbm>> -> memref<1x16xi32, #tpu.memory_space<hbm>>
      %dma_wait3A_360 = tpu.memref_squeeze %dma_wait3A_359 : memref<1x16xi32, #tpu.memory_space<hbm>> -> memref<16xi32, #tpu.memory_space<hbm>>
      %dma_wait3A_361 = arith.constant 0 : i32
      %dma_wait3A_362 = tpu.memref_slice %arg9[%run_scoped3A_5, %run_scoped3A_6, %dma_wait3A_361] : memref<4x1x16xi32, #tpu.memory_space<vmem>> -> memref<1x1x16xi32, #tpu.memory_space<vmem>>
      %dma_wait3A_363 = tpu.memref_squeeze %dma_wait3A_362 : memref<1x1x16xi32, #tpu.memory_space<vmem>> -> memref<16xi32, #tpu.memory_space<vmem>>
      %dma_wait3A_364 = tpu.memref_slice %arg3[%run_scoped3A, %add3A_4] : memref<4x2048xi32, #tpu.memory_space<hbm>> -> memref<1x16xi32, #tpu.memory_space<hbm>>
      %dma_wait3A_365 = tpu.memref_squeeze %dma_wait3A_364 : memref<1x16xi32, #tpu.memory_space<hbm>> -> memref<16xi32, #tpu.memory_space<hbm>>
      tpu.wait_dma2 semaphore(%run_scoped3A_345 : memref<!tpu.dma_semaphore, #tpu.memory_space<semaphore_mem>>) src(%dma_wait3A_365 : memref<16xi32, #tpu.memory_space<hbm>>) dst(%dma_wait3A_363 : memref<16xi32, #tpu.memory_space<vmem>>)
      tpu.yield
    }) : () -> ()
    %run_scoped3A_7 = arith.constant 1 : i32
    %run_scoped3A_8 = arith.constant 1 : i32
    %run_scoped3A_9 = arith.constant 0 : i32
    "tpu.region"() ({
      %run_scoped3A_345 = tpu.sem_alloc : memref<!tpu.dma_semaphore, #tpu.memory_space<semaphore_mem>>
      %dma_start3A_346 = arith.constant 0 : i32
      %dma_start3A_347 = tpu.memref_slice %arg9[%run_scoped3A_8, %run_scoped3A_9, %dma_start3A_346] : memref<4x1x16xi32, #tpu.memory_space<vmem>> -> memref<1x1x16xi32, #tpu.memory_space<vmem>>
      %dma_start3A_348 = tpu.memref_squeeze %dma_start3A_347 : memref<1x1x16xi32, #tpu.memory_space<vmem>> -> memref<16xi32, #tpu.memory_space<vmem>>
      %dma_start3A_349 = tpu.memref_slice %arg3[%run_scoped3A_7, %add3A_4] : memref<4x2048xi32, #tpu.memory_space<hbm>> -> memref<1x16xi32, #tpu.memory_space<hbm>>
      %dma_start3A_350 = tpu.memref_squeeze %dma_start3A_349 : memref<1x16xi32, #tpu.memory_space<hbm>> -> memref<16xi32, #tpu.memory_space<hbm>>
      %dma_start3A_351 = arith.constant 0 : i32
      %dma_start3A_352 = tpu.memref_slice %arg9[%run_scoped3A_8, %run_scoped3A_9, %dma_start3A_351] : memref<4x1x16xi32, #tpu.memory_space<vmem>> -> memref<1x1x16xi32, #tpu.memory_space<vmem>>
      %dma_start3A_353 = tpu.memref_squeeze %dma_start3A_352 : memref<1x1x16xi32, #tpu.memory_space<vmem>> -> memref<16xi32, #tpu.memory_space<vmem>>
      %dma_start3A_354 = tpu.memref_slice %arg3[%run_scoped3A_7, %add3A_4] : memref<4x2048xi32, #tpu.memory_space<hbm>> -> memref<1x16xi32, #tpu.memory_space<hbm>>
      %dma_start3A_355 = tpu.memref_squeeze %dma_start3A_354 : memref<1x16xi32, #tpu.memory_space<hbm>> -> memref<16xi32, #tpu.memory_space<hbm>>
      tpu.enqueue_dma source(%dma_start3A_355 : memref<16xi32, #tpu.memory_space<hbm>>) target(%dma_start3A_353 : memref<16xi32, #tpu.memory_space<vmem>>) target_semaphore(%run_scoped3A_345 : memref<!tpu.dma_semaphore, #tpu.memory_space<semaphore_mem>>)
      %dma_wait3A_356 = arith.constant 0 : i32
      %dma_wait3A_357 = tpu.memref_slice %arg9[%run_scoped3A_8, %run_scoped3A_9, %dma_wait3A_356] : memref<4x1x16xi32, #tpu.memory_space<vmem>> -> memref<1x1x16xi32, #tpu.memory_space<vmem>>
      %dma_wait3A_358 = tpu.memref_squeeze %dma_wait3A_357 : memref<1x1x16xi32, #tpu.memory_space<vmem>> -> memref<16xi32, #tpu.memory_space<vmem>>
      %dma_wait3A_359 = tpu.memref_slice %arg3[%run_scoped3A_7, %add3A_4] : memref<4x2048xi32, #tpu.memory_space<hbm>> -> memref<1x16xi32, #tpu.memory_space<hbm>>
      %dma_wait3A_360 = tpu.memref_squeeze %dma_wait3A_359 : memref<1x16xi32, #tpu.memory_space<hbm>> -> memref<16xi32, #tpu.memory_space<hbm>>
      %dma_wait3A_361 = arith.constant 0 : i32
      %dma_wait3A_362 = tpu.memref_slice %arg9[%run_scoped3A_8, %run_scoped3A_9, %dma_wait3A_361] : memref<4x1x16xi32, #tpu.memory_space<vmem>> -> memref<1x1x16xi32, #tpu.memory_space<vmem>>
      %dma_wait3A_363 = tpu.memref_squeeze %dma_wait3A_362 : memref<1x1x16xi32, #tpu.memory_space<vmem>> -> memref<16xi32, #tpu.memory_space<vmem>>
      %dma_wait3A_364 = tpu.memref_slice %arg3[%run_scoped3A_7, %add3A_4] : memref<4x2048xi32, #tpu.memory_space<hbm>> -> memref<1x16xi32, #tpu.memory_space<hbm>>
      %dma_wait3A_365 = tpu.memref_squeeze %dma_wait3A_364 : memref<1x16xi32, #tpu.memory_space<hbm>> -> memref<16xi32, #tpu.memory_space<hbm>>
      tpu.wait_dma2 semaphore(%run_scoped3A_345 : memref<!tpu.dma_semaphore, #tpu.memory_space<semaphore_mem>>) src(%dma_wait3A_365 : memref<16xi32, #tpu.memory_space<hbm>>) dst(%dma_wait3A_363 : memref<16xi32, #tpu.memory_space<vmem>>)
      tpu.yield
    }) : () -> ()
    %run_scoped3A_10 = arith.constant 2 : i32
    %run_scoped3A_11 = arith.constant 2 : i32
    %run_scoped3A_12 = arith.constant 0 : i32
    "tpu.region"() ({
      %run_scoped3A_345 = tpu.sem_alloc : memref<!tpu.dma_semaphore, #tpu.memory_space<semaphore_mem>>
      %dma_start3A_346 = arith.constant 0 : i32
      %dma_start3A_347 = tpu.memref_slice %arg9[%run_scoped3A_11, %run_scoped3A_12, %dma_start3A_346] : memref<4x1x16xi32, #tpu.memory_space<vmem>> -> memref<1x1x16xi32, #tpu.memory_space<vmem>>
      %dma_start3A_348 = tpu.memref_squeeze %dma_start3A_347 : memref<1x1x16xi32, #tpu.memory_space<vmem>> -> memref<16xi32, #tpu.memory_space<vmem>>
      %dma_start3A_349 = tpu.memref_slice %arg3[%run_scoped3A_10, %add3A_4] : memref<4x2048xi32, #tpu.memory_space<hbm>> -> memref<1x16xi32, #tpu.memory_space<hbm>>
      %dma_start3A_350 = tpu.memref_squeeze %dma_start3A_349 : memref<1x16xi32, #tpu.memory_space<hbm>> -> memref<16xi32, #tpu.memory_space<hbm>>
      %dma_start3A_351 = arith.constant 0 : i32
      %dma_start3A_352 = tpu.memref_slice %arg9[%run_scoped3A_11, %run_scoped3A_12, %dma_start3A_351] : memref<4x1x16xi32, #tpu.memory_space<vmem>> -> memref<1x1x16xi32, #tpu.memory_space<vmem>>
      %dma_start3A_353 = tpu.memref_squeeze %dma_start3A_352 : memref<1x1x16xi32, #tpu.memory_space<vmem>> -> memref<16xi32, #tpu.memory_space<vmem>>
      %dma_start3A_354 = tpu.memref_slice %arg3[%run_scoped3A_10, %add3A_4] : memref<4x2048xi32, #tpu.memory_space<hbm>> -> memref<1x16xi32, #tpu.memory_space<hbm>>
      %dma_start3A_355 = tpu.memref_squeeze %dma_start3A_354 : memref<1x16xi32, #tpu.memory_space<hbm>> -> memref<16xi32, #tpu.memory_space<hbm>>
      tpu.enqueue_dma source(%dma_start3A_355 : memref<16xi32, #tpu.memory_space<hbm>>) target(%dma_start3A_353 : memref<16xi32, #tpu.memory_space<vmem>>) target_semaphore(%run_scoped3A_345 : memref<!tpu.dma_semaphore, #tpu.memory_space<semaphore_mem>>)
      %dma_wait3A_356 = arith.constant 0 : i32
      %dma_wait3A_357 = tpu.memref_slice %arg9[%run_scoped3A_11, %run_scoped3A_12, %dma_wait3A_356] : memref<4x1x16xi32, #tpu.memory_space<vmem>> -> memref<1x1x16xi32, #tpu.memory_space<vmem>>
      %dma_wait3A_358 = tpu.memref_squeeze %dma_wait3A_357 : memref<1x1x16xi32, #tpu.memory_space<vmem>> -> memref<16xi32, #tpu.memory_space<vmem>>
      %dma_wait3A_359 = tpu.memref_slice %arg3[%run_scoped3A_10, %add3A_4] : memref<4x2048xi32, #tpu.memory_space<hbm>> -> memref<1x16xi32, #tpu.memory_space<hbm>>
      %dma_wait3A_360 = tpu.memref_squeeze %dma_wait3A_359 : memref<1x16xi32, #tpu.memory_space<hbm>> -> memref<16xi32, #tpu.memory_space<hbm>>
      %dma_wait3A_361 = arith.constant 0 : i32
      %dma_wait3A_362 = tpu.memref_slice %arg9[%run_scoped3A_11, %run_scoped3A_12, %dma_wait3A_361] : memref<4x1x16xi32, #tpu.memory_space<vmem>> -> memref<1x1x16xi32, #tpu.memory_space<vmem>>
      %dma_wait3A_363 = tpu.memref_squeeze %dma_wait3A_362 : memref<1x1x16xi32, #tpu.memory_space<vmem>> -> memref<16xi32, #tpu.memory_space<vmem>>
      %dma_wait3A_364 = tpu.memref_slice %arg3[%run_scoped3A_10, %add3A_4] : memref<4x2048xi32, #tpu.memory_space<hbm>> -> memref<1x16xi32, #tpu.memory_space<hbm>>
      %dma_wait3A_365 = tpu.memref_squeeze %dma_wait3A_364 : memref<1x16xi32, #tpu.memory_space<hbm>> -> memref<16xi32, #tpu.memory_space<hbm>>
      tpu.wait_dma2 semaphore(%run_scoped3A_345 : memref<!tpu.dma_semaphore, #tpu.memory_space<semaphore_mem>>) src(%dma_wait3A_365 : memref<16xi32, #tpu.memory_space<hbm>>) dst(%dma_wait3A_363 : memref<16xi32, #tpu.memory_space<vmem>>)
      tpu.yield
    }) : () -> ()
    %run_scoped3A_13 = arith.constant 3 : i32
    %run_scoped3A_14 = arith.constant 3 : i32
    %run_scoped3A_15 = arith.constant 0 : i32
    "tpu.region"() ({
      %run_scoped3A_345 = tpu.sem_alloc : memref<!tpu.dma_semaphore, #tpu.memory_space<semaphore_mem>>
      %dma_start3A_346 = arith.constant 0 : i32
      %dma_start3A_347 = tpu.memref_slice %arg9[%run_scoped3A_14, %run_scoped3A_15, %dma_start3A_346] : memref<4x1x16xi32, #tpu.memory_space<vmem>> -> memref<1x1x16xi32, #tpu.memory_space<vmem>>
      %dma_start3A_348 = tpu.memref_squeeze %dma_start3A_347 : memref<1x1x16xi32, #tpu.memory_space<vmem>> -> memref<16xi32, #tpu.memory_space<vmem>>
      %dma_start3A_349 = tpu.memref_slice %arg3[%run_scoped3A_13, %add3A_4] : memref<4x2048xi32, #tpu.memory_space<hbm>> -> memref<1x16xi32, #tpu.memory_space<hbm>>
      %dma_start3A_350 = tpu.memref_squeeze %dma_start3A_349 : memref<1x16xi32, #tpu.memory_space<hbm>> -> memref<16xi32, #tpu.memory_space<hbm>>
      %dma_start3A_351 = arith.constant 0 : i32
      %dma_start3A_352 = tpu.memref_slice %arg9[%run_scoped3A_14, %run_scoped3A_15, %dma_start3A_351] : memref<4x1x16xi32, #tpu.memory_space<vmem>> -> memref<1x1x16xi32, #tpu.memory_space<vmem>>
      %dma_start3A_353 = tpu.memref_squeeze %dma_start3A_352 : memref<1x1x16xi32, #tpu.memory_space<vmem>> -> memref<16xi32, #tpu.memory_space<vmem>>
      %dma_start3A_354 = tpu.memref_slice %arg3[%run_scoped3A_13, %add3A_4] : memref<4x2048xi32, #tpu.memory_space<hbm>> -> memref<1x16xi32, #tpu.memory_space<hbm>>
      %dma_start3A_355 = tpu.memref_squeeze %dma_start3A_354 : memref<1x16xi32, #tpu.memory_space<hbm>> -> memref<16xi32, #tpu.memory_space<hbm>>
      tpu.enqueue_dma source(%dma_start3A_355 : memref<16xi32, #tpu.memory_space<hbm>>) target(%dma_start3A_353 : memref<16xi32, #tpu.memory_space<vmem>>) target_semaphore(%run_scoped3A_345 : memref<!tpu.dma_semaphore, #tpu.memory_space<semaphore_mem>>)
      %dma_wait3A_356 = arith.constant 0 : i32
      %dma_wait3A_357 = tpu.memref_slice %arg9[%run_scoped3A_14, %run_scoped3A_15, %dma_wait3A_356] : memref<4x1x16xi32, #tpu.memory_space<vmem>> -> memref<1x1x16xi32, #tpu.memory_space<vmem>>
      %dma_wait3A_358 = tpu.memref_squeeze %dma_wait3A_357 : memref<1x1x16xi32, #tpu.memory_space<vmem>> -> memref<16xi32, #tpu.memory_space<vmem>>
      %dma_wait3A_359 = tpu.memref_slice %arg3[%run_scoped3A_13, %add3A_4] : memref<4x2048xi32, #tpu.memory_space<hbm>> -> memref<1x16xi32, #tpu.memory_space<hbm>>
      %dma_wait3A_360 = tpu.memref_squeeze %dma_wait3A_359 : memref<1x16xi32, #tpu.memory_space<hbm>> -> memref<16xi32, #tpu.memory_space<hbm>>
      %dma_wait3A_361 = arith.constant 0 : i32
      %dma_wait3A_362 = tpu.memref_slice %arg9[%run_scoped3A_14, %run_scoped3A_15, %dma_wait3A_361] : memref<4x1x16xi32, #tpu.memory_space<vmem>> -> memref<1x1x16xi32, #tpu.memory_space<vmem>>
      %dma_wait3A_363 = tpu.memref_squeeze %dma_wait3A_362 : memref<1x1x16xi32, #tpu.memory_space<vmem>> -> memref<16xi32, #tpu.memory_space<vmem>>
      %dma_wait3A_364 = tpu.memref_slice %arg3[%run_scoped3A_13, %add3A_4] : memref<4x2048xi32, #tpu.memory_space<hbm>> -> memref<1x16xi32, #tpu.memory_space<hbm>>
      %dma_wait3A_365 = tpu.memref_squeeze %dma_wait3A_364 : memref<1x16xi32, #tpu.memory_space<hbm>> -> memref<16xi32, #tpu.memory_space<hbm>>
      tpu.wait_dma2 semaphore(%run_scoped3A_345 : memref<!tpu.dma_semaphore, #tpu.memory_space<semaphore_mem>>) src(%dma_wait3A_365 : memref<16xi32, #tpu.memory_space<hbm>>) dst(%dma_wait3A_363 : memref<16xi32, #tpu.memory_space<vmem>>)
      tpu.yield
    }) : () -> ()
    %dma_start3A = arith.constant 0 : i32
    %dma_start3A_16 = arith.constant 0 : i32
    %dma_start3A_17 = arith.constant 0 : i32
    %dma_start3A_18 = tpu.memref_slice %arg9[%dma_start3A, %dma_start3A_16, %dma_start3A_17] : memref<4x1x16xi32, #tpu.memory_space<vmem>> -> memref<1x1x16xi32, #tpu.memory_space<vmem>>
    %dma_start3A_19 = tpu.memref_squeeze %dma_start3A_18 : memref<1x1x16xi32, #tpu.memory_space<vmem>> -> memref<16xi32, #tpu.memory_space<vmem>>
    %dma_start3A_20 = arith.constant 0 : i32
    %dma_start3A_21 = arith.constant 0 : i32
    %dma_start3A_22 = tpu.memref_slice %arg2[%dma_start3A_20, %dma_start3A_21] : memref<12288x1024xf32, #tpu.memory_space<hbm>> -> memref<12288x1024xf32, #tpu.memory_space<hbm>>
    tpu.enqueue_indirect_dma source(%dma_start3A_22 : memref<12288x1024xf32, #tpu.memory_space<hbm>>) target(%arg5 : memref<16x1024xf32, #tpu.memory_space<vmem>>) offsets(%dma_start3A_19 : memref<16xi32, #tpu.memory_space<vmem>>) semaphore(%arg10 : memref<!tpu.dma_semaphore, #tpu.memory_space<semaphore_mem>>)
    %dma_start3A_23 = arith.constant 1 : i32
    %dma_start3A_24 = arith.constant 0 : i32
    %dma_start3A_25 = arith.constant 0 : i32
    %dma_start3A_26 = tpu.memref_slice %arg9[%dma_start3A_23, %dma_start3A_24, %dma_start3A_25] : memref<4x1x16xi32, #tpu.memory_space<vmem>> -> memref<1x1x16xi32, #tpu.memory_space<vmem>>
    %dma_start3A_27 = tpu.memref_squeeze %dma_start3A_26 : memref<1x1x16xi32, #tpu.memory_space<vmem>> -> memref<16xi32, #tpu.memory_space<vmem>>
    %dma_start3A_28 = arith.constant 0 : i32
    %dma_start3A_29 = arith.constant 0 : i32
    %dma_start3A_30 = tpu.memref_slice %arg2[%dma_start3A_28, %dma_start3A_29] : memref<12288x1024xf32, #tpu.memory_space<hbm>> -> memref<12288x1024xf32, #tpu.memory_space<hbm>>
    tpu.enqueue_indirect_dma source(%dma_start3A_30 : memref<12288x1024xf32, #tpu.memory_space<hbm>>) target(%arg6 : memref<16x1024xf32, #tpu.memory_space<vmem>>) offsets(%dma_start3A_27 : memref<16xi32, #tpu.memory_space<vmem>>) semaphore(%arg10 : memref<!tpu.dma_semaphore, #tpu.memory_space<semaphore_mem>>)
    %dma_start3A_31 = arith.constant 2 : i32
    %dma_start3A_32 = arith.constant 0 : i32
    %dma_start3A_33 = arith.constant 0 : i32
    %dma_start3A_34 = tpu.memref_slice %arg9[%dma_start3A_31, %dma_start3A_32, %dma_start3A_33] : memref<4x1x16xi32, #tpu.memory_space<vmem>> -> memref<1x1x16xi32, #tpu.memory_space<vmem>>
    %dma_start3A_35 = tpu.memref_squeeze %dma_start3A_34 : memref<1x1x16xi32, #tpu.memory_space<vmem>> -> memref<16xi32, #tpu.memory_space<vmem>>
    %dma_start3A_36 = arith.constant 0 : i32
    %dma_start3A_37 = arith.constant 0 : i32
    %dma_start3A_38 = tpu.memref_slice %arg2[%dma_start3A_36, %dma_start3A_37] : memref<12288x1024xf32, #tpu.memory_space<hbm>> -> memref<12288x1024xf32, #tpu.memory_space<hbm>>
    tpu.enqueue_indirect_dma source(%dma_start3A_38 : memref<12288x1024xf32, #tpu.memory_space<hbm>>) target(%arg7 : memref<16x1024xf32, #tpu.memory_space<vmem>>) offsets(%dma_start3A_35 : memref<16xi32, #tpu.memory_space<vmem>>) semaphore(%arg10 : memref<!tpu.dma_semaphore, #tpu.memory_space<semaphore_mem>>)
    %dma_start3A_39 = arith.constant 3 : i32
    %dma_start3A_40 = arith.constant 0 : i32
    %dma_start3A_41 = arith.constant 0 : i32
    %dma_start3A_42 = tpu.memref_slice %arg9[%dma_start3A_39, %dma_start3A_40, %dma_start3A_41] : memref<4x1x16xi32, #tpu.memory_space<vmem>> -> memref<1x1x16xi32, #tpu.memory_space<vmem>>
    %dma_start3A_43 = tpu.memref_squeeze %dma_start3A_42 : memref<1x1x16xi32, #tpu.memory_space<vmem>> -> memref<16xi32, #tpu.memory_space<vmem>>
    %dma_start3A_44 = arith.constant 0 : i32
    %dma_start3A_45 = arith.constant 0 : i32
    %dma_start3A_46 = tpu.memref_slice %arg2[%dma_start3A_44, %dma_start3A_45] : memref<12288x1024xf32, #tpu.memory_space<hbm>> -> memref<12288x1024xf32, #tpu.memory_space<hbm>>
    tpu.enqueue_indirect_dma source(%dma_start3A_46 : memref<12288x1024xf32, #tpu.memory_space<hbm>>) target(%arg8 : memref<16x1024xf32, #tpu.memory_space<vmem>>) offsets(%dma_start3A_43 : memref<16xi32, #tpu.memory_space<vmem>>) semaphore(%arg10 : memref<!tpu.dma_semaphore, #tpu.memory_space<semaphore_mem>>)
    %dma_wait3A = arith.constant 0 : i32
    %dma_wait3A_47 = arith.constant 0 : i32
    %dma_wait3A_48 = arith.constant 0 : i32
    %dma_wait3A_49 = tpu.memref_slice %arg9[%dma_wait3A, %dma_wait3A_47, %dma_wait3A_48] : memref<4x1x16xi32, #tpu.memory_space<vmem>> -> memref<1x1x16xi32, #tpu.memory_space<vmem>>
    %dma_wait3A_50 = tpu.memref_squeeze %dma_wait3A_49 : memref<1x1x16xi32, #tpu.memory_space<vmem>> -> memref<16xi32, #tpu.memory_space<vmem>>
    %dma_wait3A_51 = arith.constant 0 : i32
    %dma_wait3A_52 = arith.constant 0 : i32
    %dma_wait3A_53 = tpu.memref_slice %arg2[%dma_wait3A_51, %dma_wait3A_52] : memref<12288x1024xf32, #tpu.memory_space<hbm>> -> memref<12288x1024xf32, #tpu.memory_space<hbm>>
    tpu.wait_indirect_dma semaphore(%arg10 : memref<!tpu.dma_semaphore, #tpu.memory_space<semaphore_mem>>) src(%dma_wait3A_53 : memref<12288x1024xf32, #tpu.memory_space<hbm>>) dst(%arg5 : memref<16x1024xf32, #tpu.memory_space<vmem>>)
    %dma_wait3A_54 = arith.constant 1 : i32
    %dma_wait3A_55 = arith.constant 0 : i32
    %dma_wait3A_56 = arith.constant 0 : i32
    %dma_wait3A_57 = tpu.memref_slice %arg9[%dma_wait3A_54, %dma_wait3A_55, %dma_wait3A_56] : memref<4x1x16xi32, #tpu.memory_space<vmem>> -> memref<1x1x16xi32, #tpu.memory_space<vmem>>
    %dma_wait3A_58 = tpu.memref_squeeze %dma_wait3A_57 : memref<1x1x16xi32, #tpu.memory_space<vmem>> -> memref<16xi32, #tpu.memory_space<vmem>>
    %dma_wait3A_59 = arith.constant 0 : i32
    %dma_wait3A_60 = arith.constant 0 : i32
    %dma_wait3A_61 = tpu.memref_slice %arg2[%dma_wait3A_59, %dma_wait3A_60] : memref<12288x1024xf32, #tpu.memory_space<hbm>> -> memref<12288x1024xf32, #tpu.memory_space<hbm>>
    tpu.wait_indirect_dma semaphore(%arg10 : memref<!tpu.dma_semaphore, #tpu.memory_space<semaphore_mem>>) src(%dma_wait3A_61 : memref<12288x1024xf32, #tpu.memory_space<hbm>>) dst(%arg6 : memref<16x1024xf32, #tpu.memory_space<vmem>>)
    %dma_wait3A_62 = arith.constant 2 : i32
    %dma_wait3A_63 = arith.constant 0 : i32
    %dma_wait3A_64 = arith.constant 0 : i32
    %dma_wait3A_65 = tpu.memref_slice %arg9[%dma_wait3A_62, %dma_wait3A_63, %dma_wait3A_64] : memref<4x1x16xi32, #tpu.memory_space<vmem>> -> memref<1x1x16xi32, #tpu.memory_space<vmem>>
    %dma_wait3A_66 = tpu.memref_squeeze %dma_wait3A_65 : memref<1x1x16xi32, #tpu.memory_space<vmem>> -> memref<16xi32, #tpu.memory_space<vmem>>
    %dma_wait3A_67 = arith.constant 0 : i32
    %dma_wait3A_68 = arith.constant 0 : i32
    %dma_wait3A_69 = tpu.memref_slice %arg2[%dma_wait3A_67, %dma_wait3A_68] : memref<12288x1024xf32, #tpu.memory_space<hbm>> -> memref<12288x1024xf32, #tpu.memory_space<hbm>>
    tpu.wait_indirect_dma semaphore(%arg10 : memref<!tpu.dma_semaphore, #tpu.memory_space<semaphore_mem>>) src(%dma_wait3A_69 : memref<12288x1024xf32, #tpu.memory_space<hbm>>) dst(%arg7 : memref<16x1024xf32, #tpu.memory_space<vmem>>)
    %dma_wait3A_70 = arith.constant 3 : i32
    %dma_wait3A_71 = arith.constant 0 : i32
    %dma_wait3A_72 = arith.constant 0 : i32
    %dma_wait3A_73 = tpu.memref_slice %arg9[%dma_wait3A_70, %dma_wait3A_71, %dma_wait3A_72] : memref<4x1x16xi32, #tpu.memory_space<vmem>> -> memref<1x1x16xi32, #tpu.memory_space<vmem>>
    %dma_wait3A_74 = tpu.memref_squeeze %dma_wait3A_73 : memref<1x1x16xi32, #tpu.memory_space<vmem>> -> memref<16xi32, #tpu.memory_space<vmem>>
    %dma_wait3A_75 = arith.constant 0 : i32
    %dma_wait3A_76 = arith.constant 0 : i32
    %dma_wait3A_77 = tpu.memref_slice %arg2[%dma_wait3A_75, %dma_wait3A_76] : memref<12288x1024xf32, #tpu.memory_space<hbm>> -> memref<12288x1024xf32, #tpu.memory_space<hbm>>
    tpu.wait_indirect_dma semaphore(%arg10 : memref<!tpu.dma_semaphore, #tpu.memory_space<semaphore_mem>>) src(%dma_wait3A_77 : memref<12288x1024xf32, #tpu.memory_space<hbm>>) dst(%arg8 : memref<16x1024xf32, #tpu.memory_space<vmem>>)
    %scan3A = arith.constant 0 : i32
    %scan3A_78 = arith.constant 0 : i32
    %scan3A_79 = arith.constant 16 : i32
    %scan3A_80 = arith.addi %scan3A_78, %scan3A_79 : i32
    %scan3A_81 = arith.constant 1 : i32
    %scan3A_82 = scf.for %scan3A_345 = %scan3A_78 to %scan3A_80 step %scan3A_81 iter_args(%scan3A_346 = %scan3A) -> (i32)  : i32 {
      %scan3A_347 = arith.constant 0 : i32
      %scan3A_348 = arith.constant 0 : i32
      %scan3A_349 = arith.constant 64 : i32
      %scan3A_350 = arith.addi %scan3A_348, %scan3A_349 : i32
      %scan3A_351 = arith.constant 8 : i32
      %scan3A_352 = scf.for %scan3A_354 = %scan3A_348 to %scan3A_350 step %scan3A_351 iter_args(%scan3A_355 = %scan3A_347) -> (i32)  : i32 {
        %mul3A_356 = arith.constant 16 : i32
        %mul3A_357 = arith.muli %scan3A_354, %mul3A_356 : i32
        %get3A = arith.index_cast %scan3A_345 : i32 to index
        %get3A_358 = arith.index_cast %mul3A_357 : i32 to index
        %get3A_359 = tpu.vector_load %arg5[%get3A, %get3A_358] {strides = array<i32>} : memref<16x1024xf32, #tpu.memory_space<vmem>>, vector<1x16xf32>,
        %get3A_360 = vector.shape_cast %get3A_359 : vector<1x16xf32> to vector<16xf32>
        %get3A_361 = arith.index_cast %scan3A_345 : i32 to index
        %get3A_362 = arith.index_cast %mul3A_357 : i32 to index
        %get3A_363 = tpu.vector_load %arg6[%get3A_361, %get3A_362] {strides = array<i32>} : memref<16x1024xf32, #tpu.memory_space<vmem>>, vector<1x16xf32>,
        %get3A_364 = vector.shape_cast %get3A_363 : vector<1x16xf32> to vector<16xf32>
        %add3A_365 = arith.addf %get3A_360, %get3A_364 : vector<16xf32>
        %get3A_366 = arith.index_cast %scan3A_345 : i32 to index
        %get3A_367 = arith.index_cast %mul3A_357 : i32 to index
        %get3A_368 = tpu.vector_load %arg7[%get3A_366, %get3A_367] {strides = array<i32>} : memref<16x1024xf32, #tpu.memory_space<vmem>>, vector<1x16xf32>,
        %get3A_369 = vector.shape_cast %get3A_368 : vector<1x16xf32> to vector<16xf32>
        %get3A_370 = arith.index_cast %scan3A_345 : i32 to index
        %get3A_371 = arith.index_cast %mul3A_357 : i32 to index
        %get3A_372 = tpu.vector_load %arg8[%get3A_370, %get3A_371] {strides = array<i32>} : memref<16x1024xf32, #tpu.memory_space<vmem>>, vector<1x16xf32>,
        %get3A_373 = vector.shape_cast %get3A_372 : vector<1x16xf32> to vector<16xf32>
        %add3A_374 = arith.addf %get3A_369, %get3A_373 : vector<16xf32>
        %add3A_375 = arith.addf %add3A_365, %add3A_374 : vector<16xf32>
        %swap3A = arith.index_cast %scan3A_345 : i32 to index
        %swap3A_376 = arith.index_cast %mul3A_357 : i32 to index
        %swap3A_377 = tpu.vector_load %arg5[%swap3A, %swap3A_376] {strides = array<i32>} : memref<16x1024xf32, #tpu.memory_space<vmem>>, vector<1x16xf32>,
        %swap3A_378 = vector.shape_cast %swap3A_377 : vector<1x16xf32> to vector<16xf32>
        %swap3A_379 = vector.shape_cast %add3A_375 : vector<16xf32> to vector<1x16xf32>
        tpu.vector_store %arg5[%swap3A, %swap3A_376], %swap3A_379 {strides = array<i32>} : memref<16x1024xf32, #tpu.memory_space<vmem>>, vector<1x16xf32>,
        %scan3A_380 = arith.constant 0 : i32
        %scan3A_381 = arith.constant 1 : i32
        %scan3A_382 = arith.addi %scan3A_354, %scan3A_381 : i32
        %mul3A_383 = arith.constant 16 : i32
        %mul3A_384 = arith.muli %scan3A_382, %mul3A_383 : i32
        %get3A_385 = arith.index_cast %scan3A_345 : i32 to index
        %get3A_386 = arith.index_cast %mul3A_384 : i32 to index
        %get3A_387 = tpu.vector_load %arg5[%get3A_385, %get3A_386] {strides = array<i32>} : memref<16x1024xf32, #tpu.memory_space<vmem>>, vector<1x16xf32>,
        %get3A_388 = vector.shape_cast %get3A_387 : vector<1x16xf32> to vector<16xf32>
        %get3A_389 = arith.index_cast %scan3A_345 : i32 to index
        %get3A_390 = arith.index_cast %mul3A_384 : i32 to index
        %get3A_391 = tpu.vector_load %arg6[%get3A_389, %get3A_390] {strides = array<i32>} : memref<16x1024xf32, #tpu.memory_space<vmem>>, vector<1x16xf32>,
        %get3A_392 = vector.shape_cast %get3A_391 : vector<1x16xf32> to vector<16xf32>
        %add3A_393 = arith.addf %get3A_388, %get3A_392 : vector<16xf32>
        %get3A_394 = arith.index_cast %scan3A_345 : i32 to index
        %get3A_395 = arith.index_cast %mul3A_384 : i32 to index
        %get3A_396 = tpu.vector_load %arg7[%get3A_394, %get3A_395] {strides = array<i32>} : memref<16x1024xf32, #tpu.memory_space<vmem>>, vector<1x16xf32>,
        %get3A_397 = vector.shape_cast %get3A_396 : vector<1x16xf32> to vector<16xf32>
        %get3A_398 = arith.index_cast %scan3A_345 : i32 to index
        %get3A_399 = arith.index_cast %mul3A_384 : i32 to index
        %get3A_400 = tpu.vector_load %arg8[%get3A_398, %get3A_399] {strides = array<i32>} : memref<16x1024xf32, #tpu.memory_space<vmem>>, vector<1x16xf32>,
        %get3A_401 = vector.shape_cast %get3A_400 : vector<1x16xf32> to vector<16xf32>
        %add3A_402 = arith.addf %get3A_397, %get3A_401 : vector<16xf32>
        %add3A_403 = arith.addf %add3A_393, %add3A_402 : vector<16xf32>
        %swap3A_404 = arith.index_cast %scan3A_345 : i32 to index
        %swap3A_405 = arith.index_cast %mul3A_384 : i32 to index
        %swap3A_406 = tpu.vector_load %arg5[%swap3A_404, %swap3A_405] {strides = array<i32>} : memref<16x1024xf32, #tpu.memory_space<vmem>>, vector<1x16xf32>,
        %swap3A_407 = vector.shape_cast %swap3A_406 : vector<1x16xf32> to vector<16xf32>
        %swap3A_408 = vector.shape_cast %add3A_403 : vector<16xf32> to vector<1x16xf32>
        tpu.vector_store %arg5[%swap3A_404, %swap3A_405], %swap3A_408 {strides = array<i32>} : memref<16x1024xf32, #tpu.memory_space<vmem>>, vector<1x16xf32>,
        %scan3A_409 = arith.constant 0 : i32
        %scan3A_410 = arith.constant 2 : i32
        %scan3A_411 = arith.addi %scan3A_354, %scan3A_410 : i32
        %mul3A_412 = arith.constant 16 : i32
        %mul3A_413 = arith.muli %scan3A_411, %mul3A_412 : i32
        %get3A_414 = arith.index_cast %scan3A_345 : i32 to index
        %get3A_415 = arith.index_cast %mul3A_413 : i32 to index
        %get3A_416 = tpu.vector_load %arg5[%get3A_414, %get3A_415] {strides = array<i32>} : memref<16x1024xf32, #tpu.memory_space<vmem>>, vector<1x16xf32>,
        %get3A_417 = vector.shape_cast %get3A_416 : vector<1x16xf32> to vector<16xf32>
        %get3A_418 = arith.index_cast %scan3A_345 : i32 to index
        %get3A_419 = arith.index_cast %mul3A_413 : i32 to index
        %get3A_420 = tpu.vector_load %arg6[%get3A_418, %get3A_419] {strides = array<i32>} : memref<16x1024xf32, #tpu.memory_space<vmem>>, vector<1x16xf32>,
        %get3A_421 = vector.shape_cast %get3A_420 : vector<1x16xf32> to vector<16xf32>
        %add3A_422 = arith.addf %get3A_417, %get3A_421 : vector<16xf32>
        %get3A_423 = arith.index_cast %scan3A_345 : i32 to index
        %get3A_424 = arith.index_cast %mul3A_413 : i32 to index
        %get3A_425 = tpu.vector_load %arg7[%get3A_423, %get3A_424] {strides = array<i32>} : memref<16x1024xf32, #tpu.memory_space<vmem>>, vector<1x16xf32>,
        %get3A_426 = vector.shape_cast %get3A_425 : vector<1x16xf32> to vector<16xf32>
        %get3A_427 = arith.index_cast %scan3A_345 : i32 to index
        %get3A_428 = arith.index_cast %mul3A_413 : i32 to index
        %get3A_429 = tpu.vector_load %arg8[%get3A_427, %get3A_428] {strides = array<i32>} : memref<16x1024xf32, #tpu.memory_space<vmem>>, vector<1x16xf32>,
        %get3A_430 = vector.shape_cast %get3A_429 : vector<1x16xf32> to vector<16xf32>
        %add3A_431 = arith.addf %get3A_426, %get3A_430 : vector<16xf32>
        %add3A_432 = arith.addf %add3A_422, %add3A_431 : vector<16xf32>
        %swap3A_433 = arith.index_cast %scan3A_345 : i32 to index
        %swap3A_434 = arith.index_cast %mul3A_413 : i32 to index
        %swap3A_435 = tpu.vector_load %arg5[%swap3A_433, %swap3A_434] {strides = array<i32>} : memref<16x1024xf32, #tpu.memory_space<vmem>>, vector<1x16xf32>,
        %swap3A_436 = vector.shape_cast %swap3A_435 : vector<1x16xf32> to vector<16xf32>
        %swap3A_437 = vector.shape_cast %add3A_432 : vector<16xf32> to vector<1x16xf32>
        tpu.vector_store %arg5[%swap3A_433, %swap3A_434], %swap3A_437 {strides = array<i32>} : memref<16x1024xf32, #tpu.memory_space<vmem>>, vector<1x16xf32>,
        %scan3A_438 = arith.constant 0 : i32
        %scan3A_439 = arith.constant 3 : i32
        %scan3A_440 = arith.addi %scan3A_354, %scan3A_439 : i32
        %mul3A_441 = arith.constant 16 : i32
        %mul3A_442 = arith.muli %scan3A_440, %mul3A_441 : i32
        %get3A_443 = arith.index_cast %scan3A_345 : i32 to index
        %get3A_444 = arith.index_cast %mul3A_442 : i32 to index
        %get3A_445 = tpu.vector_load %arg5[%get3A_443, %get3A_444] {strides = array<i32>} : memref<16x1024xf32, #tpu.memory_space<vmem>>, vector<1x16xf32>,
        %get3A_446 = vector.shape_cast %get3A_445 : vector<1x16xf32> to vector<16xf32>
        %get3A_447 = arith.index_cast %scan3A_345 : i32 to index
        %get3A_448 = arith.index_cast %mul3A_442 : i32 to index
        %get3A_449 = tpu.vector_load %arg6[%get3A_447, %get3A_448] {strides = array<i32>} : memref<16x1024xf32, #tpu.memory_space<vmem>>, vector<1x16xf32>,
        %get3A_450 = vector.shape_cast %get3A_449 : vector<1x16xf32> to vector<16xf32>
        %add3A_451 = arith.addf %get3A_446, %get3A_450 : vector<16xf32>
        %get3A_452 = arith.index_cast %scan3A_345 : i32 to index
        %get3A_453 = arith.index_cast %mul3A_442 : i32 to index
        %get3A_454 = tpu.vector_load %arg7[%get3A_452, %get3A_453] {strides = array<i32>} : memref<16x1024xf32, #tpu.memory_space<vmem>>, vector<1x16xf32>,
        %get3A_455 = vector.shape_cast %get3A_454 : vector<1x16xf32> to vector<16xf32>
        %get3A_456 = arith.index_cast %scan3A_345 : i32 to index
        %get3A_457 = arith.index_cast %mul3A_442 : i32 to index
        %get3A_458 = tpu.vector_load %arg8[%get3A_456, %get3A_457] {strides = array<i32>} : memref<16x1024xf32, #tpu.memory_space<vmem>>, vector<1x16xf32>,
        %get3A_459 = vector.shape_cast %get3A_458 : vector<1x16xf32> to vector<16xf32>
        %add3A_460 = arith.addf %get3A_455, %get3A_459 : vector<16xf32>
        %add3A_461 = arith.addf %add3A_451, %add3A_460 : vector<16xf32>
        %swap3A_462 = arith.index_cast %scan3A_345 : i32 to index
        %swap3A_463 = arith.index_cast %mul3A_442 : i32 to index
        %swap3A_464 = tpu.vector_load %arg5[%swap3A_462, %swap3A_463] {strides = array<i32>} : memref<16x1024xf32, #tpu.memory_space<vmem>>, vector<1x16xf32>,
        %swap3A_465 = vector.shape_cast %swap3A_464 : vector<1x16xf32> to vector<16xf32>
        %swap3A_466 = vector.shape_cast %add3A_461 : vector<16xf32> to vector<1x16xf32>
        tpu.vector_store %arg5[%swap3A_462, %swap3A_463], %swap3A_466 {strides = array<i32>} : memref<16x1024xf32, #tpu.memory_space<vmem>>, vector<1x16xf32>,
        %scan3A_467 = arith.constant 0 : i32
        %scan3A_468 = arith.constant 4 : i32
        %scan3A_469 = arith.addi %scan3A_354, %scan3A_468 : i32
        %mul3A_470 = arith.constant 16 : i32
        %mul3A_471 = arith.muli %scan3A_469, %mul3A_470 : i32
        %get3A_472 = arith.index_cast %scan3A_345 : i32 to index
        %get3A_473 = arith.index_cast %mul3A_471 : i32 to index
        %get3A_474 = tpu.vector_load %arg5[%get3A_472, %get3A_473] {strides = array<i32>} : memref<16x1024xf32, #tpu.memory_space<vmem>>, vector<1x16xf32>,
        %get3A_475 = vector.shape_cast %get3A_474 : vector<1x16xf32> to vector<16xf32>
        %get3A_476 = arith.index_cast %scan3A_345 : i32 to index
        %get3A_477 = arith.index_cast %mul3A_471 : i32 to index
        %get3A_478 = tpu.vector_load %arg6[%get3A_476, %get3A_477] {strides = array<i32>} : memref<16x1024xf32, #tpu.memory_space<vmem>>, vector<1x16xf32>,
        %get3A_479 = vector.shape_cast %get3A_478 : vector<1x16xf32> to vector<16xf32>
        %add3A_480 = arith.addf %get3A_475, %get3A_479 : vector<16xf32>
        %get3A_481 = arith.index_cast %scan3A_345 : i32 to index
        %get3A_482 = arith.index_cast %mul3A_471 : i32 to index
        %get3A_483 = tpu.vector_load %arg7[%get3A_481, %get3A_482] {strides = array<i32>} : memref<16x1024xf32, #tpu.memory_space<vmem>>, vector<1x16xf32>,
        %get3A_484 = vector.shape_cast %get3A_483 : vector<1x16xf32> to vector<16xf32>
        %get3A_485 = arith.index_cast %scan3A_345 : i32 to index
        %get3A_486 = arith.index_cast %mul3A_471 : i32 to index
        %get3A_487 = tpu.vector_load %arg8[%get3A_485, %get3A_486] {strides = array<i32>} : memref<16x1024xf32, #tpu.memory_space<vmem>>, vector<1x16xf32>,
        %get3A_488 = vector.shape_cast %get3A_487 : vector<1x16xf32> to vector<16xf32>
        %add3A_489 = arith.addf %get3A_484, %get3A_488 : vector<16xf32>
        %add3A_490 = arith.addf %add3A_480, %add3A_489 : vector<16xf32>
        %swap3A_491 = arith.index_cast %scan3A_345 : i32 to index
        %swap3A_492 = arith.index_cast %mul3A_471 : i32 to index
        %swap3A_493 = tpu.vector_load %arg5[%swap3A_491, %swap3A_492] {strides = array<i32>} : memref<16x1024xf32, #tpu.memory_space<vmem>>, vector<1x16xf32>,
        %swap3A_494 = vector.shape_cast %swap3A_493 : vector<1x16xf32> to vector<16xf32>
        %swap3A_495 = vector.shape_cast %add3A_490 : vector<16xf32> to vector<1x16xf32>
        tpu.vector_store %arg5[%swap3A_491, %swap3A_492], %swap3A_495 {strides = array<i32>} : memref<16x1024xf32, #tpu.memory_space<vmem>>, vector<1x16xf32>,
        %scan3A_496 = arith.constant 0 : i32
        %scan3A_497 = arith.constant 5 : i32
        %scan3A_498 = arith.addi %scan3A_354, %scan3A_497 : i32
        %mul3A_499 = arith.constant 16 : i32
        %mul3A_500 = arith.muli %scan3A_498, %mul3A_499 : i32
        %get3A_501 = arith.index_cast %scan3A_345 : i32 to index
        %get3A_502 = arith.index_cast %mul3A_500 : i32 to index
        %get3A_503 = tpu.vector_load %arg5[%get3A_501, %get3A_502] {strides = array<i32>} : memref<16x1024xf32, #tpu.memory_space<vmem>>, vector<1x16xf32>,
        %get3A_504 = vector.shape_cast %get3A_503 : vector<1x16xf32> to vector<16xf32>
        %get3A_505 = arith.index_cast %scan3A_345 : i32 to index
        %get3A_506 = arith.index_cast %mul3A_500 : i32 to index
        %get3A_507 = tpu.vector_load %arg6[%get3A_505, %get3A_506] {strides = array<i32>} : memref<16x1024xf32, #tpu.memory_space<vmem>>, vector<1x16xf32>,
        %get3A_508 = vector.shape_cast %get3A_507 : vector<1x16xf32> to vector<16xf32>
        %add3A_509 = arith.addf %get3A_504, %get3A_508 : vector<16xf32>
        %get3A_510 = arith.index_cast %scan3A_345 : i32 to index
        %get3A_511 = arith.index_cast %mul3A_500 : i32 to index
        %get3A_512 = tpu.vector_load %arg7[%get3A_510, %get3A_511] {strides = array<i32>} : memref<16x1024xf32, #tpu.memory_space<vmem>>, vector<1x16xf32>,
        %get3A_513 = vector.shape_cast %get3A_512 : vector<1x16xf32> to vector<16xf32>
        %get3A_514 = arith.index_cast %scan3A_345 : i32 to index
        %get3A_515 = arith.index_cast %mul3A_500 : i32 to index
        %get3A_516 = tpu.vector_load %arg8[%get3A_514, %get3A_515] {strides = array<i32>} : memref<16x1024xf32, #tpu.memory_space<vmem>>, vector<1x16xf32>,
        %get3A_517 = vector.shape_cast %get3A_516 : vector<1x16xf32> to vector<16xf32>
        %add3A_518 = arith.addf %get3A_513, %get3A_517 : vector<16xf32>
        %add3A_519 = arith.addf %add3A_509, %add3A_518 : vector<16xf32>
        %swap3A_520 = arith.index_cast %scan3A_345 : i32 to index
        %swap3A_521 = arith.index_cast %mul3A_500 : i32 to index
        %swap3A_522 = tpu.vector_load %arg5[%swap3A_520, %swap3A_521] {strides = array<i32>} : memref<16x1024xf32, #tpu.memory_space<vmem>>, vector<1x16xf32>,
        %swap3A_523 = vector.shape_cast %swap3A_522 : vector<1x16xf32> to vector<16xf32>
        %swap3A_524 = vector.shape_cast %add3A_519 : vector<16xf32> to vector<1x16xf32>
        tpu.vector_store %arg5[%swap3A_520, %swap3A_521], %swap3A_524 {strides = array<i32>} : memref<16x1024xf32, #tpu.memory_space<vmem>>, vector<1x16xf32>,
        %scan3A_525 = arith.constant 0 : i32
        %scan3A_526 = arith.constant 6 : i32
        %scan3A_527 = arith.addi %scan3A_354, %scan3A_526 : i32
        %mul3A_528 = arith.constant 16 : i32
        %mul3A_529 = arith.muli %scan3A_527, %mul3A_528 : i32
        %get3A_530 = arith.index_cast %scan3A_345 : i32 to index
        %get3A_531 = arith.index_cast %mul3A_529 : i32 to index
        %get3A_532 = tpu.vector_load %arg5[%get3A_530, %get3A_531] {strides = array<i32>} : memref<16x1024xf32, #tpu.memory_space<vmem>>, vector<1x16xf32>,
        %get3A_533 = vector.shape_cast %get3A_532 : vector<1x16xf32> to vector<16xf32>
        %get3A_534 = arith.index_cast %scan3A_345 : i32 to index
        %get3A_535 = arith.index_cast %mul3A_529 : i32 to index
        %get3A_536 = tpu.vector_load %arg6[%get3A_534, %get3A_535] {strides = array<i32>} : memref<16x1024xf32, #tpu.memory_space<vmem>>, vector<1x16xf32>,
        %get3A_537 = vector.shape_cast %get3A_536 : vector<1x16xf32> to vector<16xf32>
        %add3A_538 = arith.addf %get3A_533, %get3A_537 : vector<16xf32>
        %get3A_539 = arith.index_cast %scan3A_345 : i32 to index
        %get3A_540 = arith.index_cast %mul3A_529 : i32 to index
        %get3A_541 = tpu.vector_load %arg7[%get3A_539, %get3A_540] {strides = array<i32>} : memref<16x1024xf32, #tpu.memory_space<vmem>>, vector<1x16xf32>,
        %get3A_542 = vector.shape_cast %get3A_541 : vector<1x16xf32> to vector<16xf32>
        %get3A_543 = arith.index_cast %scan3A_345 : i32 to index
        %get3A_544 = arith.index_cast %mul3A_529 : i32 to index
        %get3A_545 = tpu.vector_load %arg8[%get3A_543, %get3A_544] {strides = array<i32>} : memref<16x1024xf32, #tpu.memory_space<vmem>>, vector<1x16xf32>,
        %get3A_546 = vector.shape_cast %get3A_545 : vector<1x16xf32> to vector<16xf32>
        %add3A_547 = arith.addf %get3A_542, %get3A_546 : vector<16xf32>
        %add3A_548 = arith.addf %add3A_538, %add3A_547 : vector<16xf32>
        %swap3A_549 = arith.index_cast %scan3A_345 : i32 to index
        %swap3A_550 = arith.index_cast %mul3A_529 : i32 to index
        %swap3A_551 = tpu.vector_load %arg5[%swap3A_549, %swap3A_550] {strides = array<i32>} : memref<16x1024xf32, #tpu.memory_space<vmem>>, vector<1x16xf32>,
        %swap3A_552 = vector.shape_cast %swap3A_551 : vector<1x16xf32> to vector<16xf32>
        %swap3A_553 = vector.shape_cast %add3A_548 : vector<16xf32> to vector<1x16xf32>
        tpu.vector_store %arg5[%swap3A_549, %swap3A_550], %swap3A_553 {strides = array<i32>} : memref<16x1024xf32, #tpu.memory_space<vmem>>, vector<1x16xf32>,
        %scan3A_554 = arith.constant 0 : i32
        %scan3A_555 = arith.constant 7 : i32
        %scan3A_556 = arith.addi %scan3A_354, %scan3A_555 : i32
        %mul3A_557 = arith.constant 16 : i32
        %mul3A_558 = arith.muli %scan3A_556, %mul3A_557 : i32
        %get3A_559 = arith.index_cast %scan3A_345 : i32 to index
        %get3A_560 = arith.index_cast %mul3A_558 : i32 to index
        %get3A_561 = tpu.vector_load %arg5[%get3A_559, %get3A_560] {strides = array<i32>} : memref<16x1024xf32, #tpu.memory_space<vmem>>, vector<1x16xf32>,
        %get3A_562 = vector.shape_cast %get3A_561 : vector<1x16xf32> to vector<16xf32>
        %get3A_563 = arith.index_cast %scan3A_345 : i32 to index
        %get3A_564 = arith.index_cast %mul3A_558 : i32 to index
        %get3A_565 = tpu.vector_load %arg6[%get3A_563, %get3A_564] {strides = array<i32>} : memref<16x1024xf32, #tpu.memory_space<vmem>>, vector<1x16xf32>,
        %get3A_566 = vector.shape_cast %get3A_565 : vector<1x16xf32> to vector<16xf32>
        %add3A_567 = arith.addf %get3A_562, %get3A_566 : vector<16xf32>
        %get3A_568 = arith.index_cast %scan3A_345 : i32 to index
        %get3A_569 = arith.index_cast %mul3A_558 : i32 to index
        %get3A_570 = tpu.vector_load %arg7[%get3A_568, %get3A_569] {strides = array<i32>} : memref<16x1024xf32, #tpu.memory_space<vmem>>, vector<1x16xf32>,
        %get3A_571 = vector.shape_cast %get3A_570 : vector<1x16xf32> to vector<16xf32>
        %get3A_572 = arith.index_cast %scan3A_345 : i32 to index
        %get3A_573 = arith.index_cast %mul3A_558 : i32 to index
        %get3A_574 = tpu.vector_load %arg8[%get3A_572, %get3A_573] {strides = array<i32>} : memref<16x1024xf32, #tpu.memory_space<vmem>>, vector<1x16xf32>,
        %get3A_575 = vector.shape_cast %get3A_574 : vector<1x16xf32> to vector<16xf32>
        %add3A_576 = arith.addf %get3A_571, %get3A_575 : vector<16xf32>
        %add3A_577 = arith.addf %add3A_567, %add3A_576 : vector<16xf32>
        %swap3A_578 = arith.index_cast %scan3A_345 : i32 to index
        %swap3A_579 = arith.index_cast %mul3A_558 : i32 to index
        %swap3A_580 = tpu.vector_load %arg5[%swap3A_578, %swap3A_579] {strides = array<i32>} : memref<16x1024xf32, #tpu.memory_space<vmem>>, vector<1x16xf32>,
        %swap3A_581 = vector.shape_cast %swap3A_580 : vector<1x16xf32> to vector<16xf32>
        %swap3A_582 = vector.shape_cast %add3A_577 : vector<16xf32> to vector<1x16xf32>
        tpu.vector_store %arg5[%swap3A_578, %swap3A_579], %swap3A_582 {strides = array<i32>} : memref<16x1024xf32, #tpu.memory_space<vmem>>, vector<1x16xf32>,
        %scan3A_583 = arith.constant 0 : i32
        scf.yield %scan3A_583 : i32
      }
      %scan3A_353 = arith.constant 64 : i32
      scf.yield %scan3A_352 : i32
    }
    %scan3A_83 = arith.constant 16 : i32
    "tpu.region"() ({
      %run_scoped3A_345 = tpu.sem_alloc : memref<!tpu.dma_semaphore, #tpu.memory_space<semaphore_mem>>
      %dma_start3A_346 = arith.constant 0 : i32
      %dma_start3A_347 = tpu.memref_slice %arg4[%add3A_4, %dma_start3A_346] : memref<2048x1024xf32, #tpu.memory_space<hbm>> -> memref<16x1024xf32, #tpu.memory_space<hbm>>
      %dma_start3A_348 = arith.constant 0 : i32
      %dma_start3A_349 = tpu.memref_slice %arg4[%add3A_4, %dma_start3A_348] : memref<2048x1024xf32, #tpu.memory_space<hbm>> -> memref<16x1024xf32, #tpu.memory_space<hbm>>
      tpu.enqueue_dma source(%arg5 : memref<16x1024xf32, #tpu.memory_space<vmem>>) target(%dma_start3A_349 : memref<16x1024xf32, #tpu.memory_space<hbm>>) target_semaphore(%run_scoped3A_345 : memref<!tpu.dma_semaphore, #tpu.memory_space<semaphore_mem>>)
      %dma_wait3A_350 = arith.constant 0 : i32
      %dma_wait3A_351 = tpu.memref_slice %arg4[%add3A_4, %dma_wait3A_350] : memref<2048x1024xf32, #tpu.memory_space<hbm>> -> memref<16x1024xf32, #tpu.memory_space<hbm>>
      %dma_wait3A_352 = arith.constant 0 : i32
      %dma_wait3A_353 = tpu.memref_slice %arg4[%add3A_4, %dma_wait3A_352] : memref<2048x1024xf32, #tpu.memory_space<hbm>> -> memref<16x1024xf32, #tpu.memory_space<hbm>>
      tpu.wait_dma2 semaphore(%run_scoped3A_345 : memref<!tpu.dma_semaphore, #tpu.memory_space<semaphore_mem>>) src(%arg5 : memref<16x1024xf32, #tpu.memory_space<vmem>>) dst(%dma_wait3A_353 : memref<16x1024xf32, #tpu.memory_space<hbm>>)
      tpu.yield
    }) : () -> ()
    %mul3A_84 = arith.constant 64 : i32
    %mul3A_85 = arith.muli %add3A, %mul3A_84 : i32
    %add3A_86 = arith.constant 16 : i32
    %add3A_87 = arith.addi %mul3A_85, %add3A_86 : i32
    %run_scoped3A_88 = arith.constant 0 : i32
    %run_scoped3A_89 = arith.constant 0 : i32
    %run_scoped3A_90 = arith.constant 0 : i32
    "tpu.region"() ({
      %run_scoped3A_345 = tpu.sem_alloc : memref<!tpu.dma_semaphore, #tpu.memory_space<semaphore_mem>>
      %dma_start3A_346 = arith.constant 0 : i32
      %dma_start3A_347 = tpu.memref_slice %arg9[%run_scoped3A_89, %run_scoped3A_90, %dma_start3A_346] : memref<4x1x16xi32, #tpu.memory_space<vmem>> -> memref<1x1x16xi32, #tpu.memory_space<vmem>>
      %dma_start3A_348 = tpu.memref_squeeze %dma_start3A_347 : memref<1x1x16xi32, #tpu.memory_space<vmem>> -> memref<16xi32, #tpu.memory_space<vmem>>
      %dma_start3A_349 = tpu.memref_slice %arg3[%run_scoped3A_88, %add3A_87] : memref<4x2048xi32, #tpu.memory_space<hbm>> -> memref<1x16xi32, #tpu.memory_space<hbm>>
      %dma_start3A_350 = tpu.memref_squeeze %dma_start3A_349 : memref<1x16xi32, #tpu.memory_space<hbm>> -> memref<16xi32, #tpu.memory_space<hbm>>
      %dma_start3A_351 = arith.constant 0 : i32
      %dma_start3A_352 = tpu.memref_slice %arg9[%run_scoped3A_89, %run_scoped3A_90, %dma_start3A_351] : memref<4x1x16xi32, #tpu.memory_space<vmem>> -> memref<1x1x16xi32, #tpu.memory_space<vmem>>
      %dma_start3A_353 = tpu.memref_squeeze %dma_start3A_352 : memref<1x1x16xi32, #tpu.memory_space<vmem>> -> memref<16xi32, #tpu.memory_space<vmem>>
      %dma_start3A_354 = tpu.memref_slice %arg3[%run_scoped3A_88, %add3A_87] : memref<4x2048xi32, #tpu.memory_space<hbm>> -> memref<1x16xi32, #tpu.memory_space<hbm>>
      %dma_start3A_355 = tpu.memref_squeeze %dma_start3A_354 : memref<1x16xi32, #tpu.memory_space<hbm>> -> memref<16xi32, #tpu.memory_space<hbm>>
      tpu.enqueue_dma source(%dma_start3A_355 : memref<16xi32, #tpu.memory_space<hbm>>) target(%dma_start3A_353 : memref<16xi32, #tpu.memory_space<vmem>>) target_semaphore(%run_scoped3A_345 : memref<!tpu.dma_semaphore, #tpu.memory_space<semaphore_mem>>)
      %dma_wait3A_356 = arith.constant 0 : i32
      %dma_wait3A_357 = tpu.memref_slice %arg9[%run_scoped3A_89, %run_scoped3A_90, %dma_wait3A_356] : memref<4x1x16xi32, #tpu.memory_space<vmem>> -> memref<1x1x16xi32, #tpu.memory_space<vmem>>
      %dma_wait3A_358 = tpu.memref_squeeze %dma_wait3A_357 : memref<1x1x16xi32, #tpu.memory_space<vmem>> -> memref<16xi32, #tpu.memory_space<vmem>>
      %dma_wait3A_359 = tpu.memref_slice %arg3[%run_scoped3A_88, %add3A_87] : memref<4x2048xi32, #tpu.memory_space<hbm>> -> memref<1x16xi32, #tpu.memory_space<hbm>>
      %dma_wait3A_360 = tpu.memref_squeeze %dma_wait3A_359 : memref<1x16xi32, #tpu.memory_space<hbm>> -> memref<16xi32, #tpu.memory_space<hbm>>
      %dma_wait3A_361 = arith.constant 0 : i32
      %dma_wait3A_362 = tpu.memref_slice %arg9[%run_scoped3A_89, %run_scoped3A_90, %dma_wait3A_361] : memref<4x1x16xi32, #tpu.memory_space<vmem>> -> memref<1x1x16xi32, #tpu.memory_space<vmem>>
      %dma_wait3A_363 = tpu.memref_squeeze %dma_wait3A_362 : memref<1x1x16xi32, #tpu.memory_space<vmem>> -> memref<16xi32, #tpu.memory_space<vmem>>
      %dma_wait3A_364 = tpu.memref_slice %arg3[%run_scoped3A_88, %add3A_87] : memref<4x2048xi32, #tpu.memory_space<hbm>> -> memref<1x16xi32, #tpu.memory_space<hbm>>
      %dma_wait3A_365 = tpu.memref_squeeze %dma_wait3A_364 : memref<1x16xi32, #tpu.memory_space<hbm>> -> memref<16xi32, #tpu.memory_space<hbm>>
      tpu.wait_dma2 semaphore(%run_scoped3A_345 : memref<!tpu.dma_semaphore, #tpu.memory_space<semaphore_mem>>) src(%dma_wait3A_365 : memref<16xi32, #tpu.memory_space<hbm>>) dst(%dma_wait3A_363 : memref<16xi32, #tpu.memory_space<vmem>>)
      tpu.yield
    }) : () -> ()
    %run_scoped3A_91 = arith.constant 1 : i32
    %run_scoped3A_92 = arith.constant 1 : i32
    %run_scoped3A_93 = arith.constant 0 : i32
    "tpu.region"() ({
      %run_scoped3A_345 = tpu.sem_alloc : memref<!tpu.dma_semaphore, #tpu.memory_space<semaphore_mem>>
      %dma_start3A_346 = arith.constant 0 : i32
      %dma_start3A_347 = tpu.memref_slice %arg9[%run_scoped3A_92, %run_scoped3A_93, %dma_start3A_346] : memref<4x1x16xi32, #tpu.memory_space<vmem>> -> memref<1x1x16xi32, #tpu.memory_space<vmem>>
      %dma_start3A_348 = tpu.memref_squeeze %dma_start3A_347 : memref<1x1x16xi32, #tpu.memory_space<vmem>> -> memref<16xi32, #tpu.memory_space<vmem>>
      %dma_start3A_349 = tpu.memref_slice %arg3[%run_scoped3A_91, %add3A_87] : memref<4x2048xi32, #tpu.memory_space<hbm>> -> memref<1x16xi32, #tpu.memory_space<hbm>>
      %dma_start3A_350 = tpu.memref_squeeze %dma_start3A_349 : memref<1x16xi32, #tpu.memory_space<hbm>> -> memref<16xi32, #tpu.memory_space<hbm>>
      %dma_start3A_351 = arith.constant 0 : i32
      %dma_start3A_352 = tpu.memref_slice %arg9[%run_scoped3A_92, %run_scoped3A_93, %dma_start3A_351] : memref<4x1x16xi32, #tpu.memory_space<vmem>> -> memref<1x1x16xi32, #tpu.memory_space<vmem>>
      %dma_start3A_353 = tpu.memref_squeeze %dma_start3A_352 : memref<1x1x16xi32, #tpu.memory_space<vmem>> -> memref<16xi32, #tpu.memory_space<vmem>>
      %dma_start3A_354 = tpu.memref_slice %arg3[%run_scoped3A_91, %add3A_87] : memref<4x2048xi32, #tpu.memory_space<hbm>> -> memref<1x16xi32, #tpu.memory_space<hbm>>
      %dma_start3A_355 = tpu.memref_squeeze %dma_start3A_354 : memref<1x16xi32, #tpu.memory_space<hbm>> -> memref<16xi32, #tpu.memory_space<hbm>>
      tpu.enqueue_dma source(%dma_start3A_355 : memref<16xi32, #tpu.memory_space<hbm>>) target(%dma_start3A_353 : memref<16xi32, #tpu.memory_space<vmem>>) target_semaphore(%run_scoped3A_345 : memref<!tpu.dma_semaphore, #tpu.memory_space<semaphore_mem>>)
      %dma_wait3A_356 = arith.constant 0 : i32
      %dma_wait3A_357 = tpu.memref_slice %arg9[%run_scoped3A_92, %run_scoped3A_93, %dma_wait3A_356] : memref<4x1x16xi32, #tpu.memory_space<vmem>> -> memref<1x1x16xi32, #tpu.memory_space<vmem>>
      %dma_wait3A_358 = tpu.memref_squeeze %dma_wait3A_357 : memref<1x1x16xi32, #tpu.memory_space<vmem>> -> memref<16xi32, #tpu.memory_space<vmem>>
      %dma_wait3A_359 = tpu.memref_slice %arg3[%run_scoped3A_91, %add3A_87] : memref<4x2048xi32, #tpu.memory_space<hbm>> -> memref<1x16xi32, #tpu.memory_space<hbm>>
      %dma_wait3A_360 = tpu.memref_squeeze %dma_wait3A_359 : memref<1x16xi32, #tpu.memory_space<hbm>> -> memref<16xi32, #tpu.memory_space<hbm>>
      %dma_wait3A_361 = arith.constant 0 : i32
      %dma_wait3A_362 = tpu.memref_slice %arg9[%run_scoped3A_92, %run_scoped3A_93, %dma_wait3A_361] : memref<4x1x16xi32, #tpu.memory_space<vmem>> -> memref<1x1x16xi32, #tpu.memory_space<vmem>>
      %dma_wait3A_363 = tpu.memref_squeeze %dma_wait3A_362 : memref<1x1x16xi32, #tpu.memory_space<vmem>> -> memref<16xi32, #tpu.memory_space<vmem>>
      %dma_wait3A_364 = tpu.memref_slice %arg3[%run_scoped3A_91, %add3A_87] : memref<4x2048xi32, #tpu.memory_space<hbm>> -> memref<1x16xi32, #tpu.memory_space<hbm>>
      %dma_wait3A_365 = tpu.memref_squeeze %dma_wait3A_364 : memref<1x16xi32, #tpu.memory_space<hbm>> -> memref<16xi32, #tpu.memory_space<hbm>>
      tpu.wait_dma2 semaphore(%run_scoped3A_345 : memref<!tpu.dma_semaphore, #tpu.memory_space<semaphore_mem>>) src(%dma_wait3A_365 : memref<16xi32, #tpu.memory_space<hbm>>) dst(%dma_wait3A_363 : memref<16xi32, #tpu.memory_space<vmem>>)
      tpu.yield
    }) : () -> ()
    %run_scoped3A_94 = arith.constant 2 : i32
    %run_scoped3A_95 = arith.constant 2 : i32
    %run_scoped3A_96 = arith.constant 0 : i32
    "tpu.region"() ({
      %run_scoped3A_345 = tpu.sem_alloc : memref<!tpu.dma_semaphore, #tpu.memory_space<semaphore_mem>>
      %dma_start3A_346 = arith.constant 0 : i32
      %dma_start3A_347 = tpu.memref_slice %arg9[%run_scoped3A_95, %run_scoped3A_96, %dma_start3A_346] : memref<4x1x16xi32, #tpu.memory_space<vmem>> -> memref<1x1x16xi32, #tpu.memory_space<vmem>>
      %dma_start3A_348 = tpu.memref_squeeze %dma_start3A_347 : memref<1x1x16xi32, #tpu.memory_space<vmem>> -> memref<16xi32, #tpu.memory_space<vmem>>
      %dma_start3A_349 = tpu.memref_slice %arg3[%run_scoped3A_94, %add3A_87] : memref<4x2048xi32, #tpu.memory_space<hbm>> -> memref<1x16xi32, #tpu.memory_space<hbm>>
      %dma_start3A_350 = tpu.memref_squeeze %dma_start3A_349 : memref<1x16xi32, #tpu.memory_space<hbm>> -> memref<16xi32, #tpu.memory_space<hbm>>
      %dma_start3A_351 = arith.constant 0 : i32
      %dma_start3A_352 = tpu.memref_slice %arg9[%run_scoped3A_95, %run_scoped3A_96, %dma_start3A_351] : memref<4x1x16xi32, #tpu.memory_space<vmem>> -> memref<1x1x16xi32, #tpu.memory_space<vmem>>
      %dma_start3A_353 = tpu.memref_squeeze %dma_start3A_352 : memref<1x1x16xi32, #tpu.memory_space<vmem>> -> memref<16xi32, #tpu.memory_space<vmem>>
      %dma_start3A_354 = tpu.memref_slice %arg3[%run_scoped3A_94, %add3A_87] : memref<4x2048xi32, #tpu.memory_space<hbm>> -> memref<1x16xi32, #tpu.memory_space<hbm>>
      %dma_start3A_355 = tpu.memref_squeeze %dma_start3A_354 : memref<1x16xi32, #tpu.memory_space<hbm>> -> memref<16xi32, #tpu.memory_space<hbm>>
      tpu.enqueue_dma source(%dma_start3A_355 : memref<16xi32, #tpu.memory_space<hbm>>) target(%dma_start3A_353 : memref<16xi32, #tpu.memory_space<vmem>>) target_semaphore(%run_scoped3A_345 : memref<!tpu.dma_semaphore, #tpu.memory_space<semaphore_mem>>)
      %dma_wait3A_356 = arith.constant 0 : i32
      %dma_wait3A_357 = tpu.memref_slice %arg9[%run_scoped3A_95, %run_scoped3A_96, %dma_wait3A_356] : memref<4x1x16xi32, #tpu.memory_space<vmem>> -> memref<1x1x16xi32, #tpu.memory_space<vmem>>
      %dma_wait3A_358 = tpu.memref_squeeze %dma_wait3A_357 : memref<1x1x16xi32, #tpu.memory_space<vmem>> -> memref<16xi32, #tpu.memory_space<vmem>>
      %dma_wait3A_359 = tpu.memref_slice %arg3[%run_scoped3A_94, %add3A_87] : memref<4x2048xi32, #tpu.memory_space<hbm>> -> memref<1x16xi32, #tpu.memory_space<hbm>>
      %dma_wait3A_360 = tpu.memref_squeeze %dma_wait3A_359 : memref<1x16xi32, #tpu.memory_space<hbm>> -> memref<16xi32, #tpu.memory_space<hbm>>
      %dma_wait3A_361 = arith.constant 0 : i32
      %dma_wait3A_362 = tpu.memref_slice %arg9[%run_scoped3A_95, %run_scoped3A_96, %dma_wait3A_361] : memref<4x1x16xi32, #tpu.memory_space<vmem>> -> memref<1x1x16xi32, #tpu.memory_space<vmem>>
      %dma_wait3A_363 = tpu.memref_squeeze %dma_wait3A_362 : memref<1x1x16xi32, #tpu.memory_space<vmem>> -> memref<16xi32, #tpu.memory_space<vmem>>
      %dma_wait3A_364 = tpu.memref_slice %arg3[%run_scoped3A_94, %add3A_87] : memref<4x2048xi32, #tpu.memory_space<hbm>> -> memref<1x16xi32, #tpu.memory_space<hbm>>
      %dma_wait3A_365 = tpu.memref_squeeze %dma_wait3A_364 : memref<1x16xi32, #tpu.memory_space<hbm>> -> memref<16xi32, #tpu.memory_space<hbm>>
      tpu.wait_dma2 semaphore(%run_scoped3A_345 : memref<!tpu.dma_semaphore, #tpu.memory_space<semaphore_mem>>) src(%dma_wait3A_365 : memref<16xi32, #tpu.memory_space<hbm>>) dst(%dma_wait3A_363 : memref<16xi32, #tpu.memory_space<vmem>>)
      tpu.yield
    }) : () -> ()
    %run_scoped3A_97 = arith.constant 3 : i32
    %run_scoped3A_98 = arith.constant 3 : i32
    %run_scoped3A_99 = arith.constant 0 : i32
    "tpu.region"() ({
      %run_scoped3A_345 = tpu.sem_alloc : memref<!tpu.dma_semaphore, #tpu.memory_space<semaphore_mem>>
      %dma_start3A_346 = arith.constant 0 : i32
      %dma_start3A_347 = tpu.memref_slice %arg9[%run_scoped3A_98, %run_scoped3A_99, %dma_start3A_346] : memref<4x1x16xi32, #tpu.memory_space<vmem>> -> memref<1x1x16xi32, #tpu.memory_space<vmem>>
      %dma_start3A_348 = tpu.memref_squeeze %dma_start3A_347 : memref<1x1x16xi32, #tpu.memory_space<vmem>> -> memref<16xi32, #tpu.memory_space<vmem>>
      %dma_start3A_349 = tpu.memref_slice %arg3[%run_scoped3A_97, %add3A_87] : memref<4x2048xi32, #tpu.memory_space<hbm>> -> memref<1x16xi32, #tpu.memory_space<hbm>>
      %dma_start3A_350 = tpu.memref_squeeze %dma_start3A_349 : memref<1x16xi32, #tpu.memory_space<hbm>> -> memref<16xi32, #tpu.memory_space<hbm>>
      %dma_start3A_351 = arith.constant 0 : i32
      %dma_start3A_352 = tpu.memref_slice %arg9[%run_scoped3A_98, %run_scoped3A_99, %dma_start3A_351] : memref<4x1x16xi32, #tpu.memory_space<vmem>> -> memref<1x1x16xi32, #tpu.memory_space<vmem>>
      %dma_start3A_353 = tpu.memref_squeeze %dma_start3A_352 : memref<1x1x16xi32, #tpu.memory_space<vmem>> -> memref<16xi32, #tpu.memory_space<vmem>>
      %dma_start3A_354 = tpu.memref_slice %arg3[%run_scoped3A_97, %add3A_87] : memref<4x2048xi32, #tpu.memory_space<hbm>> -> memref<1x16xi32, #tpu.memory_space<hbm>>
      %dma_start3A_355 = tpu.memref_squeeze %dma_start3A_354 : memref<1x16xi32, #tpu.memory_space<hbm>> -> memref<16xi32, #tpu.memory_space<hbm>>
      tpu.enqueue_dma source(%dma_start3A_355 : memref<16xi32, #tpu.memory_space<hbm>>) target(%dma_start3A_353 : memref<16xi32, #tpu.memory_space<vmem>>) target_semaphore(%run_scoped3A_345 : memref<!tpu.dma_semaphore, #tpu.memory_space<semaphore_mem>>)
      %dma_wait3A_356 = arith.constant 0 : i32
      %dma_wait3A_357 = tpu.memref_slice %arg9[%run_scoped3A_98, %run_scoped3A_99, %dma_wait3A_356] : memref<4x1x16xi32, #tpu.memory_space<vmem>> -> memref<1x1x16xi32, #tpu.memory_space<vmem>>
      %dma_wait3A_358 = tpu.memref_squeeze %dma_wait3A_357 : memref<1x1x16xi32, #tpu.memory_space<vmem>> -> memref<16xi32, #tpu.memory_space<vmem>>
      %dma_wait3A_359 = tpu.memref_slice %arg3[%run_scoped3A_97, %add3A_87] : memref<4x2048xi32, #tpu.memory_space<hbm>> -> memref<1x16xi32, #tpu.memory_space<hbm>>
      %dma_wait3A_360 = tpu.memref_squeeze %dma_wait3A_359 : memref<1x16xi32, #tpu.memory_space<hbm>> -> memref<16xi32, #tpu.memory_space<hbm>>
      %dma_wait3A_361 = arith.constant 0 : i32
      %dma_wait3A_362 = tpu.memref_slice %arg9[%run_scoped3A_98, %run_scoped3A_99, %dma_wait3A_361] : memref<4x1x16xi32, #tpu.memory_space<vmem>> -> memref<1x1x16xi32, #tpu.memory_space<vmem>>
      %dma_wait3A_363 = tpu.memref_squeeze %dma_wait3A_362 : memref<1x1x16xi32, #tpu.memory_space<vmem>> -> memref<16xi32, #tpu.memory_space<vmem>>
      %dma_wait3A_364 = tpu.memref_slice %arg3[%run_scoped3A_97, %add3A_87] : memref<4x2048xi32, #tpu.memory_space<hbm>> -> memref<1x16xi32, #tpu.memory_space<hbm>>
      %dma_wait3A_365 = tpu.memref_squeeze %dma_wait3A_364 : memref<1x16xi32, #tpu.memory_space<hbm>> -> memref<16xi32, #tpu.memory_space<hbm>>
      tpu.wait_dma2 semaphore(%run_scoped3A_345 : memref<!tpu.dma_semaphore, #tpu.memory_space<semaphore_mem>>) src(%dma_wait3A_365 : memref<16xi32, #tpu.memory_space<hbm>>) dst(%dma_wait3A_363 : memref<16xi32, #tpu.memory_space<vmem>>)
      tpu.yield
    }) : () -> ()
    %dma_start3A_100 = arith.constant 0 : i32
    %dma_start3A_101 = arith.constant 0 : i32
    %dma_start3A_102 = arith.constant 0 : i32
    %dma_start3A_103 = tpu.memref_slice %arg9[%dma_start3A_100, %dma_start3A_101, %dma_start3A_102] : memref<4x1x16xi32, #tpu.memory_space<vmem>> -> memref<1x1x16xi32, #tpu.memory_space<vmem>>
    %dma_start3A_104 = tpu.memref_squeeze %dma_start3A_103 : memref<1x1x16xi32, #tpu.memory_space<vmem>> -> memref<16xi32, #tpu.memory_space<vmem>>
    %dma_start3A_105 = arith.constant 0 : i32
    %dma_start3A_106 = arith.constant 0 : i32
    %dma_start3A_107 = tpu.memref_slice %arg2[%dma_start3A_105, %dma_start3A_106] : memref<12288x1024xf32, #tpu.memory_space<hbm>> -> memref<12288x1024xf32, #tpu.memory_space<hbm>>
    tpu.enqueue_indirect_dma source(%dma_start3A_107 : memref<12288x1024xf32, #tpu.memory_space<hbm>>) target(%arg5 : memref<16x1024xf32, #tpu.memory_space<vmem>>) offsets(%dma_start3A_104 : memref<16xi32, #tpu.memory_space<vmem>>) semaphore(%arg10 : memref<!tpu.dma_semaphore, #tpu.memory_space<semaphore_mem>>)
    %dma_start3A_108 = arith.constant 1 : i32
    %dma_start3A_109 = arith.constant 0 : i32
    %dma_start3A_110 = arith.constant 0 : i32
    %dma_start3A_111 = tpu.memref_slice %arg9[%dma_start3A_108, %dma_start3A_109, %dma_start3A_110] : memref<4x1x16xi32, #tpu.memory_space<vmem>> -> memref<1x1x16xi32, #tpu.memory_space<vmem>>
    %dma_start3A_112 = tpu.memref_squeeze %dma_start3A_111 : memref<1x1x16xi32, #tpu.memory_space<vmem>> -> memref<16xi32, #tpu.memory_space<vmem>>
    %dma_start3A_113 = arith.constant 0 : i32
    %dma_start3A_114 = arith.constant 0 : i32
    %dma_start3A_115 = tpu.memref_slice %arg2[%dma_start3A_113, %dma_start3A_114] : memref<12288x1024xf32, #tpu.memory_space<hbm>> -> memref<12288x1024xf32, #tpu.memory_space<hbm>>
    tpu.enqueue_indirect_dma source(%dma_start3A_115 : memref<12288x1024xf32, #tpu.memory_space<hbm>>) target(%arg6 : memref<16x1024xf32, #tpu.memory_space<vmem>>) offsets(%dma_start3A_112 : memref<16xi32, #tpu.memory_space<vmem>>) semaphore(%arg10 : memref<!tpu.dma_semaphore, #tpu.memory_space<semaphore_mem>>)
    %dma_start3A_116 = arith.constant 2 : i32
    %dma_start3A_117 = arith.constant 0 : i32
    %dma_start3A_118 = arith.constant 0 : i32
    %dma_start3A_119 = tpu.memref_slice %arg9[%dma_start3A_116, %dma_start3A_117, %dma_start3A_118] : memref<4x1x16xi32, #tpu.memory_space<vmem>> -> memref<1x1x16xi32, #tpu.memory_space<vmem>>
    %dma_start3A_120 = tpu.memref_squeeze %dma_start3A_119 : memref<1x1x16xi32, #tpu.memory_space<vmem>> -> memref<16xi32, #tpu.memory_space<vmem>>
    %dma_start3A_121 = arith.constant 0 : i32
    %dma_start3A_122 = arith.constant 0 : i32
    %dma_start3A_123 = tpu.memref_slice %arg2[%dma_start3A_121, %dma_start3A_122] : memref<12288x1024xf32, #tpu.memory_space<hbm>> -> memref<12288x1024xf32, #tpu.memory_space<hbm>>
    tpu.enqueue_indirect_dma source(%dma_start3A_123 : memref<12288x1024xf32, #tpu.memory_space<hbm>>) target(%arg7 : memref<16x1024xf32, #tpu.memory_space<vmem>>) offsets(%dma_start3A_120 : memref<16xi32, #tpu.memory_space<vmem>>) semaphore(%arg10 : memref<!tpu.dma_semaphore, #tpu.memory_space<semaphore_mem>>)
    %dma_start3A_124 = arith.constant 3 : i32
    %dma_start3A_125 = arith.constant 0 : i32
    %dma_start3A_126 = arith.constant 0 : i32
    %dma_start3A_127 = tpu.memref_slice %arg9[%dma_start3A_124, %dma_start3A_125, %dma_start3A_126] : memref<4x1x16xi32, #tpu.memory_space<vmem>> -> memref<1x1x16xi32, #tpu.memory_space<vmem>>
    %dma_start3A_128 = tpu.memref_squeeze %dma_start3A_127 : memref<1x1x16xi32, #tpu.memory_space<vmem>> -> memref<16xi32, #tpu.memory_space<vmem>>
    %dma_start3A_129 = arith.constant 0 : i32
    %dma_start3A_130 = arith.constant 0 : i32
    %dma_start3A_131 = tpu.memref_slice %arg2[%dma_start3A_129, %dma_start3A_130] : memref<12288x1024xf32, #tpu.memory_space<hbm>> -> memref<12288x1024xf32, #tpu.memory_space<hbm>>
    tpu.enqueue_indirect_dma source(%dma_start3A_131 : memref<12288x1024xf32, #tpu.memory_space<hbm>>) target(%arg8 : memref<16x1024xf32, #tpu.memory_space<vmem>>) offsets(%dma_start3A_128 : memref<16xi32, #tpu.memory_space<vmem>>) semaphore(%arg10 : memref<!tpu.dma_semaphore, #tpu.memory_space<semaphore_mem>>)
    %dma_wait3A_132 = arith.constant 0 : i32
    %dma_wait3A_133 = arith.constant 0 : i32
    %dma_wait3A_134 = arith.constant 0 : i32
    %dma_wait3A_135 = tpu.memref_slice %arg9[%dma_wait3A_132, %dma_wait3A_133, %dma_wait3A_134] : memref<4x1x16xi32, #tpu.memory_space<vmem>> -> memref<1x1x16xi32, #tpu.memory_space<vmem>>
    %dma_wait3A_136 = tpu.memref_squeeze %dma_wait3A_135 : memref<1x1x16xi32, #tpu.memory_space<vmem>> -> memref<16xi32, #tpu.memory_space<vmem>>
    %dma_wait3A_137 = arith.constant 0 : i32
    %dma_wait3A_138 = arith.constant 0 : i32
    %dma_wait3A_139 = tpu.memref_slice %arg2[%dma_wait3A_137, %dma_wait3A_138] : memref<12288x1024xf32, #tpu.memory_space<hbm>> -> memref<12288x1024xf32, #tpu.memory_space<hbm>>
    tpu.wait_indirect_dma semaphore(%arg10 : memref<!tpu.dma_semaphore, #tpu.memory_space<semaphore_mem>>) src(%dma_wait3A_139 : memref<12288x1024xf32, #tpu.memory_space<hbm>>) dst(%arg5 : memref<16x1024xf32, #tpu.memory_space<vmem>>)
    %dma_wait3A_140 = arith.constant 1 : i32
    %dma_wait3A_141 = arith.constant 0 : i32
    %dma_wait3A_142 = arith.constant 0 : i32
    %dma_wait3A_143 = tpu.memref_slice %arg9[%dma_wait3A_140, %dma_wait3A_141, %dma_wait3A_142] : memref<4x1x16xi32, #tpu.memory_space<vmem>> -> memref<1x1x16xi32, #tpu.memory_space<vmem>>
    %dma_wait3A_144 = tpu.memref_squeeze %dma_wait3A_143 : memref<1x1x16xi32, #tpu.memory_space<vmem>> -> memref<16xi32, #tpu.memory_space<vmem>>
    %dma_wait3A_145 = arith.constant 0 : i32
    %dma_wait3A_146 = arith.constant 0 : i32
    %dma_wait3A_147 = tpu.memref_slice %arg2[%dma_wait3A_145, %dma_wait3A_146] : memref<12288x1024xf32, #tpu.memory_space<hbm>> -> memref<12288x1024xf32, #tpu.memory_space<hbm>>
    tpu.wait_indirect_dma semaphore(%arg10 : memref<!tpu.dma_semaphore, #tpu.memory_space<semaphore_mem>>) src(%dma_wait3A_147 : memref<12288x1024xf32, #tpu.memory_space<hbm>>) dst(%arg6 : memref<16x1024xf32, #tpu.memory_space<vmem>>)
    %dma_wait3A_148 = arith.constant 2 : i32
    %dma_wait3A_149 = arith.constant 0 : i32
    %dma_wait3A_150 = arith.constant 0 : i32
    %dma_wait3A_151 = tpu.memref_slice %arg9[%dma_wait3A_148, %dma_wait3A_149, %dma_wait3A_150] : memref<4x1x16xi32, #tpu.memory_space<vmem>> -> memref<1x1x16xi32, #tpu.memory_space<vmem>>
    %dma_wait3A_152 = tpu.memref_squeeze %dma_wait3A_151 : memref<1x1x16xi32, #tpu.memory_space<vmem>> -> memref<16xi32, #tpu.memory_space<vmem>>
    %dma_wait3A_153 = arith.constant 0 : i32
    %dma_wait3A_154 = arith.constant 0 : i32
    %dma_wait3A_155 = tpu.memref_slice %arg2[%dma_wait3A_153, %dma_wait3A_154] : memref<12288x1024xf32, #tpu.memory_space<hbm>> -> memref<12288x1024xf32, #tpu.memory_space<hbm>>
    tpu.wait_indirect_dma semaphore(%arg10 : memref<!tpu.dma_semaphore, #tpu.memory_space<semaphore_mem>>) src(%dma_wait3A_155 : memref<12288x1024xf32, #tpu.memory_space<hbm>>) dst(%arg7 : memref<16x1024xf32, #tpu.memory_space<vmem>>)
    %dma_wait3A_156 = arith.constant 3 : i32
    %dma_wait3A_157 = arith.constant 0 : i32
    %dma_wait3A_158 = arith.constant 0 : i32
    %dma_wait3A_159 = tpu.memref_slice %arg9[%dma_wait3A_156, %dma_wait3A_157, %dma_wait3A_158] : memref<4x1x16xi32, #tpu.memory_space<vmem>> -> memref<1x1x16xi32, #tpu.memory_space<vmem>>
    %dma_wait3A_160 = tpu.memref_squeeze %dma_wait3A_159 : memref<1x1x16xi32, #tpu.memory_space<vmem>> -> memref<16xi32, #tpu.memory_space<vmem>>
    %dma_wait3A_161 = arith.constant 0 : i32
    %dma_wait3A_162 = arith.constant 0 : i32
    %dma_wait3A_163 = tpu.memref_slice %arg2[%dma_wait3A_161, %dma_wait3A_162] : memref<12288x1024xf32, #tpu.memory_space<hbm>> -> memref<12288x1024xf32, #tpu.memory_space<hbm>>
    tpu.wait_indirect_dma semaphore(%arg10 : memref<!tpu.dma_semaphore, #tpu.memory_space<semaphore_mem>>) src(%dma_wait3A_163 : memref<12288x1024xf32, #tpu.memory_space<hbm>>) dst(%arg8 : memref<16x1024xf32, #tpu.memory_space<vmem>>)
    %scan3A_164 = arith.constant 0 : i32
    %scan3A_165 = arith.constant 0 : i32
    %scan3A_166 = arith.constant 16 : i32
    %scan3A_167 = arith.addi %scan3A_165, %scan3A_166 : i32
    %scan3A_168 = arith.constant 1 : i32
    %scan3A_169 = scf.for %scan3A_345 = %scan3A_165 to %scan3A_167 step %scan3A_168 iter_args(%scan3A_346 = %scan3A_164) -> (i32)  : i32 {
      %scan3A_347 = arith.constant 0 : i32
      %scan3A_348 = arith.constant 0 : i32
      %scan3A_349 = arith.constant 64 : i32
      %scan3A_350 = arith.addi %scan3A_348, %scan3A_349 : i32
      %scan3A_351 = arith.constant 8 : i32
      %scan3A_352 = scf.for %scan3A_354 = %scan3A_348 to %scan3A_350 step %scan3A_351 iter_args(%scan3A_355 = %scan3A_347) -> (i32)  : i32 {
        %mul3A_356 = arith.constant 16 : i32
        %mul3A_357 = arith.muli %scan3A_354, %mul3A_356 : i32
        %get3A = arith.index_cast %scan3A_345 : i32 to index
        %get3A_358 = arith.index_cast %mul3A_357 : i32 to index
        %get3A_359 = tpu.vector_load %arg5[%get3A, %get3A_358] {strides = array<i32>} : memref<16x1024xf32, #tpu.memory_space<vmem>>, vector<1x16xf32>,
        %get3A_360 = vector.shape_cast %get3A_359 : vector<1x16xf32> to vector<16xf32>
        %get3A_361 = arith.index_cast %scan3A_345 : i32 to index
        %get3A_362 = arith.index_cast %mul3A_357 : i32 to index
        %get3A_363 = tpu.vector_load %arg6[%get3A_361, %get3A_362] {strides = array<i32>} : memref<16x1024xf32, #tpu.memory_space<vmem>>, vector<1x16xf32>,
        %get3A_364 = vector.shape_cast %get3A_363 : vector<1x16xf32> to vector<16xf32>
        %add3A_365 = arith.addf %get3A_360, %get3A_364 : vector<16xf32>
        %get3A_366 = arith.index_cast %scan3A_345 : i32 to index
        %get3A_367 = arith.index_cast %mul3A_357 : i32 to index
        %get3A_368 = tpu.vector_load %arg7[%get3A_366, %get3A_367] {strides = array<i32>} : memref<16x1024xf32, #tpu.memory_space<vmem>>, vector<1x16xf32>,
        %get3A_369 = vector.shape_cast %get3A_368 : vector<1x16xf32> to vector<16xf32>
        %get3A_370 = arith.index_cast %scan3A_345 : i32 to index
        %get3A_371 = arith.index_cast %mul3A_357 : i32 to index
        %get3A_372 = tpu.vector_load %arg8[%get3A_370, %get3A_371] {strides = array<i32>} : memref<16x1024xf32, #tpu.memory_space<vmem>>, vector<1x16xf32>,
        %get3A_373 = vector.shape_cast %get3A_372 : vector<1x16xf32> to vector<16xf32>
        %add3A_374 = arith.addf %get3A_369, %get3A_373 : vector<16xf32>
        %add3A_375 = arith.addf %add3A_365, %add3A_374 : vector<16xf32>
        %swap3A = arith.index_cast %scan3A_345 : i32 to index
        %swap3A_376 = arith.index_cast %mul3A_357 : i32 to index
        %swap3A_377 = tpu.vector_load %arg5[%swap3A, %swap3A_376] {strides = array<i32>} : memref<16x1024xf32, #tpu.memory_space<vmem>>, vector<1x16xf32>,
        %swap3A_378 = vector.shape_cast %swap3A_377 : vector<1x16xf32> to vector<16xf32>
        %swap3A_379 = vector.shape_cast %add3A_375 : vector<16xf32> to vector<1x16xf32>
        tpu.vector_store %arg5[%swap3A, %swap3A_376], %swap3A_379 {strides = array<i32>} : memref<16x1024xf32, #tpu.memory_space<vmem>>, vector<1x16xf32>,
        %scan3A_380 = arith.constant 0 : i32
        %scan3A_381 = arith.constant 1 : i32
        %scan3A_382 = arith.addi %scan3A_354, %scan3A_381 : i32
        %mul3A_383 = arith.constant 16 : i32
        %mul3A_384 = arith.muli %scan3A_382, %mul3A_383 : i32
        %get3A_385 = arith.index_cast %scan3A_345 : i32 to index
        %get3A_386 = arith.index_cast %mul3A_384 : i32 to index
        %get3A_387 = tpu.vector_load %arg5[%get3A_385, %get3A_386] {strides = array<i32>} : memref<16x1024xf32, #tpu.memory_space<vmem>>, vector<1x16xf32>,
        %get3A_388 = vector.shape_cast %get3A_387 : vector<1x16xf32> to vector<16xf32>
        %get3A_389 = arith.index_cast %scan3A_345 : i32 to index
        %get3A_390 = arith.index_cast %mul3A_384 : i32 to index
        %get3A_391 = tpu.vector_load %arg6[%get3A_389, %get3A_390] {strides = array<i32>} : memref<16x1024xf32, #tpu.memory_space<vmem>>, vector<1x16xf32>,
        %get3A_392 = vector.shape_cast %get3A_391 : vector<1x16xf32> to vector<16xf32>
        %add3A_393 = arith.addf %get3A_388, %get3A_392 : vector<16xf32>
        %get3A_394 = arith.index_cast %scan3A_345 : i32 to index
        %get3A_395 = arith.index_cast %mul3A_384 : i32 to index
        %get3A_396 = tpu.vector_load %arg7[%get3A_394, %get3A_395] {strides = array<i32>} : memref<16x1024xf32, #tpu.memory_space<vmem>>, vector<1x16xf32>,
        %get3A_397 = vector.shape_cast %get3A_396 : vector<1x16xf32> to vector<16xf32>
        %get3A_398 = arith.index_cast %scan3A_345 : i32 to index
        %get3A_399 = arith.index_cast %mul3A_384 : i32 to index
        %get3A_400 = tpu.vector_load %arg8[%get3A_398, %get3A_399] {strides = array<i32>} : memref<16x1024xf32, #tpu.memory_space<vmem>>, vector<1x16xf32>,
        %get3A_401 = vector.shape_cast %get3A_400 : vector<1x16xf32> to vector<16xf32>
        %add3A_402 = arith.addf %get3A_397, %get3A_401 : vector<16xf32>
        %add3A_403 = arith.addf %add3A_393, %add3A_402 : vector<16xf32>
        %swap3A_404 = arith.index_cast %scan3A_345 : i32 to index
        %swap3A_405 = arith.index_cast %mul3A_384 : i32 to index
        %swap3A_406 = tpu.vector_load %arg5[%swap3A_404, %swap3A_405] {strides = array<i32>} : memref<16x1024xf32, #tpu.memory_space<vmem>>, vector<1x16xf32>,
        %swap3A_407 = vector.shape_cast %swap3A_406 : vector<1x16xf32> to vector<16xf32>
        %swap3A_408 = vector.shape_cast %add3A_403 : vector<16xf32> to vector<1x16xf32>
        tpu.vector_store %arg5[%swap3A_404, %swap3A_405], %swap3A_408 {strides = array<i32>} : memref<16x1024xf32, #tpu.memory_space<vmem>>, vector<1x16xf32>,
        %scan3A_409 = arith.constant 0 : i32
        %scan3A_410 = arith.constant 2 : i32
        %scan3A_411 = arith.addi %scan3A_354, %scan3A_410 : i32
        %mul3A_412 = arith.constant 16 : i32
        %mul3A_413 = arith.muli %scan3A_411, %mul3A_412 : i32
        %get3A_414 = arith.index_cast %scan3A_345 : i32 to index
        %get3A_415 = arith.index_cast %mul3A_413 : i32 to index
        %get3A_416 = tpu.vector_load %arg5[%get3A_414, %get3A_415] {strides = array<i32>} : memref<16x1024xf32, #tpu.memory_space<vmem>>, vector<1x16xf32>,
        %get3A_417 = vector.shape_cast %get3A_416 : vector<1x16xf32> to vector<16xf32>
        %get3A_418 = arith.index_cast %scan3A_345 : i32 to index
        %get3A_419 = arith.index_cast %mul3A_413 : i32 to index
        %get3A_420 = tpu.vector_load %arg6[%get3A_418, %get3A_419] {strides = array<i32>} : memref<16x1024xf32, #tpu.memory_space<vmem>>, vector<1x16xf32>,
        %get3A_421 = vector.shape_cast %get3A_420 : vector<1x16xf32> to vector<16xf32>
        %add3A_422 = arith.addf %get3A_417, %get3A_421 : vector<16xf32>
        %get3A_423 = arith.index_cast %scan3A_345 : i32 to index
        %get3A_424 = arith.index_cast %mul3A_413 : i32 to index
        %get3A_425 = tpu.vector_load %arg7[%get3A_423, %get3A_424] {strides = array<i32>} : memref<16x1024xf32, #tpu.memory_space<vmem>>, vector<1x16xf32>,
        %get3A_426 = vector.shape_cast %get3A_425 : vector<1x16xf32> to vector<16xf32>
        %get3A_427 = arith.index_cast %scan3A_345 : i32 to index
        %get3A_428 = arith.index_cast %mul3A_413 : i32 to index
        %get3A_429 = tpu.vector_load %arg8[%get3A_427, %get3A_428] {strides = array<i32>} : memref<16x1024xf32, #tpu.memory_space<vmem>>, vector<1x16xf32>,
        %get3A_430 = vector.shape_cast %get3A_429 : vector<1x16xf32> to vector<16xf32>
        %add3A_431 = arith.addf %get3A_426, %get3A_430 : vector<16xf32>
        %add3A_432 = arith.addf %add3A_422, %add3A_431 : vector<16xf32>
        %swap3A_433 = arith.index_cast %scan3A_345 : i32 to index
        %swap3A_434 = arith.index_cast %mul3A_413 : i32 to index
        %swap3A_435 = tpu.vector_load %arg5[%swap3A_433, %swap3A_434] {strides = array<i32>} : memref<16x1024xf32, #tpu.memory_space<vmem>>, vector<1x16xf32>,
        %swap3A_436 = vector.shape_cast %swap3A_435 : vector<1x16xf32> to vector<16xf32>
        %swap3A_437 = vector.shape_cast %add3A_432 : vector<16xf32> to vector<1x16xf32>
        tpu.vector_store %arg5[%swap3A_433, %swap3A_434], %swap3A_437 {strides = array<i32>} : memref<16x1024xf32, #tpu.memory_space<vmem>>, vector<1x16xf32>,
        %scan3A_438 = arith.constant 0 : i32
        %scan3A_439 = arith.constant 3 : i32
        %scan3A_440 = arith.addi %scan3A_354, %scan3A_439 : i32
        %mul3A_441 = arith.constant 16 : i32
        %mul3A_442 = arith.muli %scan3A_440, %mul3A_441 : i32
        %get3A_443 = arith.index_cast %scan3A_345 : i32 to index
        %get3A_444 = arith.index_cast %mul3A_442 : i32 to index
        %get3A_445 = tpu.vector_load %arg5[%get3A_443, %get3A_444] {strides = array<i32>} : memref<16x1024xf32, #tpu.memory_space<vmem>>, vector<1x16xf32>,
        %get3A_446 = vector.shape_cast %get3A_445 : vector<1x16xf32> to vector<16xf32>
        %get3A_447 = arith.index_cast %scan3A_345 : i32 to index
        %get3A_448 = arith.index_cast %mul3A_442 : i32 to index
        %get3A_449 = tpu.vector_load %arg6[%get3A_447, %get3A_448] {strides = array<i32>} : memref<16x1024xf32, #tpu.memory_space<vmem>>, vector<1x16xf32>,
        %get3A_450 = vector.shape_cast %get3A_449 : vector<1x16xf32> to vector<16xf32>
        %add3A_451 = arith.addf %get3A_446, %get3A_450 : vector<16xf32>
        %get3A_452 = arith.index_cast %scan3A_345 : i32 to index
        %get3A_453 = arith.index_cast %mul3A_442 : i32 to index
        %get3A_454 = tpu.vector_load %arg7[%get3A_452, %get3A_453] {strides = array<i32>} : memref<16x1024xf32, #tpu.memory_space<vmem>>, vector<1x16xf32>,
        %get3A_455 = vector.shape_cast %get3A_454 : vector<1x16xf32> to vector<16xf32>
        %get3A_456 = arith.index_cast %scan3A_345 : i32 to index
        %get3A_457 = arith.index_cast %mul3A_442 : i32 to index
        %get3A_458 = tpu.vector_load %arg8[%get3A_456, %get3A_457] {strides = array<i32>} : memref<16x1024xf32, #tpu.memory_space<vmem>>, vector<1x16xf32>,
        %get3A_459 = vector.shape_cast %get3A_458 : vector<1x16xf32> to vector<16xf32>
        %add3A_460 = arith.addf %get3A_455, %get3A_459 : vector<16xf32>
        %add3A_461 = arith.addf %add3A_451, %add3A_460 : vector<16xf32>
        %swap3A_462 = arith.index_cast %scan3A_345 : i32 to index
        %swap3A_463 = arith.index_cast %mul3A_442 : i32 to index
        %swap3A_464 = tpu.vector_load %arg5[%swap3A_462, %swap3A_463] {strides = array<i32>} : memref<16x1024xf32, #tpu.memory_space<vmem>>, vector<1x16xf32>,
        %swap3A_465 = vector.shape_cast %swap3A_464 : vector<1x16xf32> to vector<16xf32>
        %swap3A_466 = vector.shape_cast %add3A_461 : vector<16xf32> to vector<1x16xf32>
        tpu.vector_store %arg5[%swap3A_462, %swap3A_463], %swap3A_466 {strides = array<i32>} : memref<16x1024xf32, #tpu.memory_space<vmem>>, vector<1x16xf32>,
        %scan3A_467 = arith.constant 0 : i32
        %scan3A_468 = arith.constant 4 : i32
        %scan3A_469 = arith.addi %scan3A_354, %scan3A_468 : i32
        %mul3A_470 = arith.constant 16 : i32
        %mul3A_471 = arith.muli %scan3A_469, %mul3A_470 : i32
        %get3A_472 = arith.index_cast %scan3A_345 : i32 to index
        %get3A_473 = arith.index_cast %mul3A_471 : i32 to index
        %get3A_474 = tpu.vector_load %arg5[%get3A_472, %get3A_473] {strides = array<i32>} : memref<16x1024xf32, #tpu.memory_space<vmem>>, vector<1x16xf32>,
        %get3A_475 = vector.shape_cast %get3A_474 : vector<1x16xf32> to vector<16xf32>
        %get3A_476 = arith.index_cast %scan3A_345 : i32 to index
        %get3A_477 = arith.index_cast %mul3A_471 : i32 to index
        %get3A_478 = tpu.vector_load %arg6[%get3A_476, %get3A_477] {strides = array<i32>} : memref<16x1024xf32, #tpu.memory_space<vmem>>, vector<1x16xf32>,
        %get3A_479 = vector.shape_cast %get3A_478 : vector<1x16xf32> to vector<16xf32>
        %add3A_480 = arith.addf %get3A_475, %get3A_479 : vector<16xf32>
        %get3A_481 = arith.index_cast %scan3A_345 : i32 to index
        %get3A_482 = arith.index_cast %mul3A_471 : i32 to index
        %get3A_483 = tpu.vector_load %arg7[%get3A_481, %get3A_482] {strides = array<i32>} : memref<16x1024xf32, #tpu.memory_space<vmem>>, vector<1x16xf32>,
        %get3A_484 = vector.shape_cast %get3A_483 : vector<1x16xf32> to vector<16xf32>
        %get3A_485 = arith.index_cast %scan3A_345 : i32 to index
        %get3A_486 = arith.index_cast %mul3A_471 : i32 to index
        %get3A_487 = tpu.vector_load %arg8[%get3A_485, %get3A_486] {strides = array<i32>} : memref<16x1024xf32, #tpu.memory_space<vmem>>, vector<1x16xf32>,
        %get3A_488 = vector.shape_cast %get3A_487 : vector<1x16xf32> to vector<16xf32>
        %add3A_489 = arith.addf %get3A_484, %get3A_488 : vector<16xf32>
        %add3A_490 = arith.addf %add3A_480, %add3A_489 : vector<16xf32>
        %swap3A_491 = arith.index_cast %scan3A_345 : i32 to index
        %swap3A_492 = arith.index_cast %mul3A_471 : i32 to index
        %swap3A_493 = tpu.vector_load %arg5[%swap3A_491, %swap3A_492] {strides = array<i32>} : memref<16x1024xf32, #tpu.memory_space<vmem>>, vector<1x16xf32>,
        %swap3A_494 = vector.shape_cast %swap3A_493 : vector<1x16xf32> to vector<16xf32>
        %swap3A_495 = vector.shape_cast %add3A_490 : vector<16xf32> to vector<1x16xf32>
        tpu.vector_store %arg5[%swap3A_491, %swap3A_492], %swap3A_495 {strides = array<i32>} : memref<16x1024xf32, #tpu.memory_space<vmem>>, vector<1x16xf32>,
        %scan3A_496 = arith.constant 0 : i32
        %scan3A_497 = arith.constant 5 : i32
        %scan3A_498 = arith.addi %scan3A_354, %scan3A_497 : i32
        %mul3A_499 = arith.constant 16 : i32
        %mul3A_500 = arith.muli %scan3A_498, %mul3A_499 : i32
        %get3A_501 = arith.index_cast %scan3A_345 : i32 to index
        %get3A_502 = arith.index_cast %mul3A_500 : i32 to index
        %get3A_503 = tpu.vector_load %arg5[%get3A_501, %get3A_502] {strides = array<i32>} : memref<16x1024xf32, #tpu.memory_space<vmem>>, vector<1x16xf32>,
        %get3A_504 = vector.shape_cast %get3A_503 : vector<1x16xf32> to vector<16xf32>
        %get3A_505 = arith.index_cast %scan3A_345 : i32 to index
        %get3A_506 = arith.index_cast %mul3A_500 : i32 to index
        %get3A_507 = tpu.vector_load %arg6[%get3A_505, %get3A_506] {strides = array<i32>} : memref<16x1024xf32, #tpu.memory_space<vmem>>, vector<1x16xf32>,
        %get3A_508 = vector.shape_cast %get3A_507 : vector<1x16xf32> to vector<16xf32>
        %add3A_509 = arith.addf %get3A_504, %get3A_508 : vector<16xf32>
        %get3A_510 = arith.index_cast %scan3A_345 : i32 to index
        %get3A_511 = arith.index_cast %mul3A_500 : i32 to index
        %get3A_512 = tpu.vector_load %arg7[%get3A_510, %get3A_511] {strides = array<i32>} : memref<16x1024xf32, #tpu.memory_space<vmem>>, vector<1x16xf32>,
        %get3A_513 = vector.shape_cast %get3A_512 : vector<1x16xf32> to vector<16xf32>
        %get3A_514 = arith.index_cast %scan3A_345 : i32 to index
        %get3A_515 = arith.index_cast %mul3A_500 : i32 to index
        %get3A_516 = tpu.vector_load %arg8[%get3A_514, %get3A_515] {strides = array<i32>} : memref<16x1024xf32, #tpu.memory_space<vmem>>, vector<1x16xf32>,
        %get3A_517 = vector.shape_cast %get3A_516 : vector<1x16xf32> to vector<16xf32>
        %add3A_518 = arith.addf %get3A_513, %get3A_517 : vector<16xf32>
        %add3A_519 = arith.addf %add3A_509, %add3A_518 : vector<16xf32>
        %swap3A_520 = arith.index_cast %scan3A_345 : i32 to index
        %swap3A_521 = arith.index_cast %mul3A_500 : i32 to index
        %swap3A_522 = tpu.vector_load %arg5[%swap3A_520, %swap3A_521] {strides = array<i32>} : memref<16x1024xf32, #tpu.memory_space<vmem>>, vector<1x16xf32>,
        %swap3A_523 = vector.shape_cast %swap3A_522 : vector<1x16xf32> to vector<16xf32>
        %swap3A_524 = vector.shape_cast %add3A_519 : vector<16xf32> to vector<1x16xf32>
        tpu.vector_store %arg5[%swap3A_520, %swap3A_521], %swap3A_524 {strides = array<i32>} : memref<16x1024xf32, #tpu.memory_space<vmem>>, vector<1x16xf32>,
        %scan3A_525 = arith.constant 0 : i32
        %scan3A_526 = arith.constant 6 : i32
        %scan3A_527 = arith.addi %scan3A_354, %scan3A_526 : i32
        %mul3A_528 = arith.constant 16 : i32
        %mul3A_529 = arith.muli %scan3A_527, %mul3A_528 : i32
        %get3A_530 = arith.index_cast %scan3A_345 : i32 to index
        %get3A_531 = arith.index_cast %mul3A_529 : i32 to index
        %get3A_532 = tpu.vector_load %arg5[%get3A_530, %get3A_531] {strides = array<i32>} : memref<16x1024xf32, #tpu.memory_space<vmem>>, vector<1x16xf32>,
        %get3A_533 = vector.shape_cast %get3A_532 : vector<1x16xf32> to vector<16xf32>
        %get3A_534 = arith.index_cast %scan3A_345 : i32 to index
        %get3A_535 = arith.index_cast %mul3A_529 : i32 to index
        %get3A_536 = tpu.vector_load %arg6[%get3A_534, %get3A_535] {strides = array<i32>} : memref<16x1024xf32, #tpu.memory_space<vmem>>, vector<1x16xf32>,
        %get3A_537 = vector.shape_cast %get3A_536 : vector<1x16xf32> to vector<16xf32>
        %add3A_538 = arith.addf %get3A_533, %get3A_537 : vector<16xf32>
        %get3A_539 = arith.index_cast %scan3A_345 : i32 to index
        %get3A_540 = arith.index_cast %mul3A_529 : i32 to index
        %get3A_541 = tpu.vector_load %arg7[%get3A_539, %get3A_540] {strides = array<i32>} : memref<16x1024xf32, #tpu.memory_space<vmem>>, vector<1x16xf32>,
        %get3A_542 = vector.shape_cast %get3A_541 : vector<1x16xf32> to vector<16xf32>
        %get3A_543 = arith.index_cast %scan3A_345 : i32 to index
        %get3A_544 = arith.index_cast %mul3A_529 : i32 to index
        %get3A_545 = tpu.vector_load %arg8[%get3A_543, %get3A_544] {strides = array<i32>} : memref<16x1024xf32, #tpu.memory_space<vmem>>, vector<1x16xf32>,
        %get3A_546 = vector.shape_cast %get3A_545 : vector<1x16xf32> to vector<16xf32>
        %add3A_547 = arith.addf %get3A_542, %get3A_546 : vector<16xf32>
        %add3A_548 = arith.addf %add3A_538, %add3A_547 : vector<16xf32>
        %swap3A_549 = arith.index_cast %scan3A_345 : i32 to index
        %swap3A_550 = arith.index_cast %mul3A_529 : i32 to index
        %swap3A_551 = tpu.vector_load %arg5[%swap3A_549, %swap3A_550] {strides = array<i32>} : memref<16x1024xf32, #tpu.memory_space<vmem>>, vector<1x16xf32>,
        %swap3A_552 = vector.shape_cast %swap3A_551 : vector<1x16xf32> to vector<16xf32>
        %swap3A_553 = vector.shape_cast %add3A_548 : vector<16xf32> to vector<1x16xf32>
        tpu.vector_store %arg5[%swap3A_549, %swap3A_550], %swap3A_553 {strides = array<i32>} : memref<16x1024xf32, #tpu.memory_space<vmem>>, vector<1x16xf32>,
        %scan3A_554 = arith.constant 0 : i32
        %scan3A_555 = arith.constant 7 : i32
        %scan3A_556 = arith.addi %scan3A_354, %scan3A_555 : i32
        %mul3A_557 = arith.constant 16 : i32
        %mul3A_558 = arith.muli %scan3A_556, %mul3A_557 : i32
        %get3A_559 = arith.index_cast %scan3A_345 : i32 to index
        %get3A_560 = arith.index_cast %mul3A_558 : i32 to index
        %get3A_561 = tpu.vector_load %arg5[%get3A_559, %get3A_560] {strides = array<i32>} : memref<16x1024xf32, #tpu.memory_space<vmem>>, vector<1x16xf32>,
        %get3A_562 = vector.shape_cast %get3A_561 : vector<1x16xf32> to vector<16xf32>
        %get3A_563 = arith.index_cast %scan3A_345 : i32 to index
        %get3A_564 = arith.index_cast %mul3A_558 : i32 to index
        %get3A_565 = tpu.vector_load %arg6[%get3A_563, %get3A_564] {strides = array<i32>} : memref<16x1024xf32, #tpu.memory_space<vmem>>, vector<1x16xf32>,
        %get3A_566 = vector.shape_cast %get3A_565 : vector<1x16xf32> to vector<16xf32>
        %add3A_567 = arith.addf %get3A_562, %get3A_566 : vector<16xf32>
        %get3A_568 = arith.index_cast %scan3A_345 : i32 to index
        %get3A_569 = arith.index_cast %mul3A_558 : i32 to index
        %get3A_570 = tpu.vector_load %arg7[%get3A_568, %get3A_569] {strides = array<i32>} : memref<16x1024xf32, #tpu.memory_space<vmem>>, vector<1x16xf32>,
        %get3A_571 = vector.shape_cast %get3A_570 : vector<1x16xf32> to vector<16xf32>
        %get3A_572 = arith.index_cast %scan3A_345 : i32 to index
        %get3A_573 = arith.index_cast %mul3A_558 : i32 to index
        %get3A_574 = tpu.vector_load %arg8[%get3A_572, %get3A_573] {strides = array<i32>} : memref<16x1024xf32, #tpu.memory_space<vmem>>, vector<1x16xf32>,
        %get3A_575 = vector.shape_cast %get3A_574 : vector<1x16xf32> to vector<16xf32>
        %add3A_576 = arith.addf %get3A_571, %get3A_575 : vector<16xf32>
        %add3A_577 = arith.addf %add3A_567, %add3A_576 : vector<16xf32>
        %swap3A_578 = arith.index_cast %scan3A_345 : i32 to index
        %swap3A_579 = arith.index_cast %mul3A_558 : i32 to index
        %swap3A_580 = tpu.vector_load %arg5[%swap3A_578, %swap3A_579] {strides = array<i32>} : memref<16x1024xf32, #tpu.memory_space<vmem>>, vector<1x16xf32>,
        %swap3A_581 = vector.shape_cast %swap3A_580 : vector<1x16xf32> to vector<16xf32>
        %swap3A_582 = vector.shape_cast %add3A_577 : vector<16xf32> to vector<1x16xf32>
        tpu.vector_store %arg5[%swap3A_578, %swap3A_579], %swap3A_582 {strides = array<i32>} : memref<16x1024xf32, #tpu.memory_space<vmem>>, vector<1x16xf32>,
        %scan3A_583 = arith.constant 0 : i32
        scf.yield %scan3A_583 : i32
      }
      %scan3A_353 = arith.constant 64 : i32
      scf.yield %scan3A_352 : i32
    }
    %scan3A_170 = arith.constant 16 : i32
    "tpu.region"() ({
      %run_scoped3A_345 = tpu.sem_alloc : memref<!tpu.dma_semaphore, #tpu.memory_space<semaphore_mem>>
      %dma_start3A_346 = arith.constant 0 : i32
      %dma_start3A_347 = tpu.memref_slice %arg4[%add3A_87, %dma_start3A_346] : memref<2048x1024xf32, #tpu.memory_space<hbm>> -> memref<16x1024xf32, #tpu.memory_space<hbm>>
      %dma_start3A_348 = arith.constant 0 : i32
      %dma_start3A_349 = tpu.memref_slice %arg4[%add3A_87, %dma_start3A_348] : memref<2048x1024xf32, #tpu.memory_space<hbm>> -> memref<16x1024xf32, #tpu.memory_space<hbm>>
      tpu.enqueue_dma source(%arg5 : memref<16x1024xf32, #tpu.memory_space<vmem>>) target(%dma_start3A_349 : memref<16x1024xf32, #tpu.memory_space<hbm>>) target_semaphore(%run_scoped3A_345 : memref<!tpu.dma_semaphore, #tpu.memory_space<semaphore_mem>>)
      %dma_wait3A_350 = arith.constant 0 : i32
      %dma_wait3A_351 = tpu.memref_slice %arg4[%add3A_87, %dma_wait3A_350] : memref<2048x1024xf32, #tpu.memory_space<hbm>> -> memref<16x1024xf32, #tpu.memory_space<hbm>>
      %dma_wait3A_352 = arith.constant 0 : i32
      %dma_wait3A_353 = tpu.memref_slice %arg4[%add3A_87, %dma_wait3A_352] : memref<2048x1024xf32, #tpu.memory_space<hbm>> -> memref<16x1024xf32, #tpu.memory_space<hbm>>
      tpu.wait_dma2 semaphore(%run_scoped3A_345 : memref<!tpu.dma_semaphore, #tpu.memory_space<semaphore_mem>>) src(%arg5 : memref<16x1024xf32, #tpu.memory_space<vmem>>) dst(%dma_wait3A_353 : memref<16x1024xf32, #tpu.memory_space<hbm>>)
      tpu.yield
    }) : () -> ()
    %mul3A_171 = arith.constant 64 : i32
    %mul3A_172 = arith.muli %add3A, %mul3A_171 : i32
    %add3A_173 = arith.constant 32 : i32
    %add3A_174 = arith.addi %mul3A_172, %add3A_173 : i32
    %run_scoped3A_175 = arith.constant 0 : i32
    %run_scoped3A_176 = arith.constant 0 : i32
    %run_scoped3A_177 = arith.constant 0 : i32
    "tpu.region"() ({
      %run_scoped3A_345 = tpu.sem_alloc : memref<!tpu.dma_semaphore, #tpu.memory_space<semaphore_mem>>
      %dma_start3A_346 = arith.constant 0 : i32
      %dma_start3A_347 = tpu.memref_slice %arg9[%run_scoped3A_176, %run_scoped3A_177, %dma_start3A_346] : memref<4x1x16xi32, #tpu.memory_space<vmem>> -> memref<1x1x16xi32, #tpu.memory_space<vmem>>
      %dma_start3A_348 = tpu.memref_squeeze %dma_start3A_347 : memref<1x1x16xi32, #tpu.memory_space<vmem>> -> memref<16xi32, #tpu.memory_space<vmem>>
      %dma_start3A_349 = tpu.memref_slice %arg3[%run_scoped3A_175, %add3A_174] : memref<4x2048xi32, #tpu.memory_space<hbm>> -> memref<1x16xi32, #tpu.memory_space<hbm>>
      %dma_start3A_350 = tpu.memref_squeeze %dma_start3A_349 : memref<1x16xi32, #tpu.memory_space<hbm>> -> memref<16xi32, #tpu.memory_space<hbm>>
      %dma_start3A_351 = arith.constant 0 : i32
      %dma_start3A_352 = tpu.memref_slice %arg9[%run_scoped3A_176, %run_scoped3A_177, %dma_start3A_351] : memref<4x1x16xi32, #tpu.memory_space<vmem>> -> memref<1x1x16xi32, #tpu.memory_space<vmem>>
      %dma_start3A_353 = tpu.memref_squeeze %dma_start3A_352 : memref<1x1x16xi32, #tpu.memory_space<vmem>> -> memref<16xi32, #tpu.memory_space<vmem>>
      %dma_start3A_354 = tpu.memref_slice %arg3[%run_scoped3A_175, %add3A_174] : memref<4x2048xi32, #tpu.memory_space<hbm>> -> memref<1x16xi32, #tpu.memory_space<hbm>>
      %dma_start3A_355 = tpu.memref_squeeze %dma_start3A_354 : memref<1x16xi32, #tpu.memory_space<hbm>> -> memref<16xi32, #tpu.memory_space<hbm>>
      tpu.enqueue_dma source(%dma_start3A_355 : memref<16xi32, #tpu.memory_space<hbm>>) target(%dma_start3A_353 : memref<16xi32, #tpu.memory_space<vmem>>) target_semaphore(%run_scoped3A_345 : memref<!tpu.dma_semaphore, #tpu.memory_space<semaphore_mem>>)
      %dma_wait3A_356 = arith.constant 0 : i32
      %dma_wait3A_357 = tpu.memref_slice %arg9[%run_scoped3A_176, %run_scoped3A_177, %dma_wait3A_356] : memref<4x1x16xi32, #tpu.memory_space<vmem>> -> memref<1x1x16xi32, #tpu.memory_space<vmem>>
      %dma_wait3A_358 = tpu.memref_squeeze %dma_wait3A_357 : memref<1x1x16xi32, #tpu.memory_space<vmem>> -> memref<16xi32, #tpu.memory_space<vmem>>
      %dma_wait3A_359 = tpu.memref_slice %arg3[%run_scoped3A_175, %add3A_174] : memref<4x2048xi32, #tpu.memory_space<hbm>> -> memref<1x16xi32, #tpu.memory_space<hbm>>
      %dma_wait3A_360 = tpu.memref_squeeze %dma_wait3A_359 : memref<1x16xi32, #tpu.memory_space<hbm>> -> memref<16xi32, #tpu.memory_space<hbm>>
      %dma_wait3A_361 = arith.constant 0 : i32
      %dma_wait3A_362 = tpu.memref_slice %arg9[%run_scoped3A_176, %run_scoped3A_177, %dma_wait3A_361] : memref<4x1x16xi32, #tpu.memory_space<vmem>> -> memref<1x1x16xi32, #tpu.memory_space<vmem>>
      %dma_wait3A_363 = tpu.memref_squeeze %dma_wait3A_362 : memref<1x1x16xi32, #tpu.memory_space<vmem>> -> memref<16xi32, #tpu.memory_space<vmem>>
      %dma_wait3A_364 = tpu.memref_slice %arg3[%run_scoped3A_175, %add3A_174] : memref<4x2048xi32, #tpu.memory_space<hbm>> -> memref<1x16xi32, #tpu.memory_space<hbm>>
      %dma_wait3A_365 = tpu.memref_squeeze %dma_wait3A_364 : memref<1x16xi32, #tpu.memory_space<hbm>> -> memref<16xi32, #tpu.memory_space<hbm>>
      tpu.wait_dma2 semaphore(%run_scoped3A_345 : memref<!tpu.dma_semaphore, #tpu.memory_space<semaphore_mem>>) src(%dma_wait3A_365 : memref<16xi32, #tpu.memory_space<hbm>>) dst(%dma_wait3A_363 : memref<16xi32, #tpu.memory_space<vmem>>)
      tpu.yield
    }) : () -> ()
    %run_scoped3A_178 = arith.constant 1 : i32
    %run_scoped3A_179 = arith.constant 1 : i32
    %run_scoped3A_180 = arith.constant 0 : i32
    "tpu.region"() ({
      %run_scoped3A_345 = tpu.sem_alloc : memref<!tpu.dma_semaphore, #tpu.memory_space<semaphore_mem>>
      %dma_start3A_346 = arith.constant 0 : i32
      %dma_start3A_347 = tpu.memref_slice %arg9[%run_scoped3A_179, %run_scoped3A_180, %dma_start3A_346] : memref<4x1x16xi32, #tpu.memory_space<vmem>> -> memref<1x1x16xi32, #tpu.memory_space<vmem>>
      %dma_start3A_348 = tpu.memref_squeeze %dma_start3A_347 : memref<1x1x16xi32, #tpu.memory_space<vmem>> -> memref<16xi32, #tpu.memory_space<vmem>>
      %dma_start3A_349 = tpu.memref_slice %arg3[%run_scoped3A_178, %add3A_174] : memref<4x2048xi32, #tpu.memory_space<hbm>> -> memref<1x16xi32, #tpu.memory_space<hbm>>
      %dma_start3A_350 = tpu.memref_squeeze %dma_start3A_349 : memref<1x16xi32, #tpu.memory_space<hbm>> -> memref<16xi32, #tpu.memory_space<hbm>>
      %dma_start3A_351 = arith.constant 0 : i32
      %dma_start3A_352 = tpu.memref_slice %arg9[%run_scoped3A_179, %run_scoped3A_180, %dma_start3A_351] : memref<4x1x16xi32, #tpu.memory_space<vmem>> -> memref<1x1x16xi32, #tpu.memory_space<vmem>>
      %dma_start3A_353 = tpu.memref_squeeze %dma_start3A_352 : memref<1x1x16xi32, #tpu.memory_space<vmem>> -> memref<16xi32, #tpu.memory_space<vmem>>
      %dma_start3A_354 = tpu.memref_slice %arg3[%run_scoped3A_178, %add3A_174] : memref<4x2048xi32, #tpu.memory_space<hbm>> -> memref<1x16xi32, #tpu.memory_space<hbm>>
      %dma_start3A_355 = tpu.memref_squeeze %dma_start3A_354 : memref<1x16xi32, #tpu.memory_space<hbm>> -> memref<16xi32, #tpu.memory_space<hbm>>
      tpu.enqueue_dma source(%dma_start3A_355 : memref<16xi32, #tpu.memory_space<hbm>>) target(%dma_start3A_353 : memref<16xi32, #tpu.memory_space<vmem>>) target_semaphore(%run_scoped3A_345 : memref<!tpu.dma_semaphore, #tpu.memory_space<semaphore_mem>>)
      %dma_wait3A_356 = arith.constant 0 : i32
      %dma_wait3A_357 = tpu.memref_slice %arg9[%run_scoped3A_179, %run_scoped3A_180, %dma_wait3A_356] : memref<4x1x16xi32, #tpu.memory_space<vmem>> -> memref<1x1x16xi32, #tpu.memory_space<vmem>>
      %dma_wait3A_358 = tpu.memref_squeeze %dma_wait3A_357 : memref<1x1x16xi32, #tpu.memory_space<vmem>> -> memref<16xi32, #tpu.memory_space<vmem>>
      %dma_wait3A_359 = tpu.memref_slice %arg3[%run_scoped3A_178, %add3A_174] : memref<4x2048xi32, #tpu.memory_space<hbm>> -> memref<1x16xi32, #tpu.memory_space<hbm>>
      %dma_wait3A_360 = tpu.memref_squeeze %dma_wait3A_359 : memref<1x16xi32, #tpu.memory_space<hbm>> -> memref<16xi32, #tpu.memory_space<hbm>>
      %dma_wait3A_361 = arith.constant 0 : i32
      %dma_wait3A_362 = tpu.memref_slice %arg9[%run_scoped3A_179, %run_scoped3A_180, %dma_wait3A_361] : memref<4x1x16xi32, #tpu.memory_space<vmem>> -> memref<1x1x16xi32, #tpu.memory_space<vmem>>
      %dma_wait3A_363 = tpu.memref_squeeze %dma_wait3A_362 : memref<1x1x16xi32, #tpu.memory_space<vmem>> -> memref<16xi32, #tpu.memory_space<vmem>>
      %dma_wait3A_364 = tpu.memref_slice %arg3[%run_scoped3A_178, %add3A_174] : memref<4x2048xi32, #tpu.memory_space<hbm>> -> memref<1x16xi32, #tpu.memory_space<hbm>>
      %dma_wait3A_365 = tpu.memref_squeeze %dma_wait3A_364 : memref<1x16xi32, #tpu.memory_space<hbm>> -> memref<16xi32, #tpu.memory_space<hbm>>
      tpu.wait_dma2 semaphore(%run_scoped3A_345 : memref<!tpu.dma_semaphore, #tpu.memory_space<semaphore_mem>>) src(%dma_wait3A_365 : memref<16xi32, #tpu.memory_space<hbm>>) dst(%dma_wait3A_363 : memref<16xi32, #tpu.memory_space<vmem>>)
      tpu.yield
    }) : () -> ()
    %run_scoped3A_181 = arith.constant 2 : i32
    %run_scoped3A_182 = arith.constant 2 : i32
    %run_scoped3A_183 = arith.constant 0 : i32
    "tpu.region"() ({
      %run_scoped3A_345 = tpu.sem_alloc : memref<!tpu.dma_semaphore, #tpu.memory_space<semaphore_mem>>
      %dma_start3A_346 = arith.constant 0 : i32
      %dma_start3A_347 = tpu.memref_slice %arg9[%run_scoped3A_182, %run_scoped3A_183, %dma_start3A_346] : memref<4x1x16xi32, #tpu.memory_space<vmem>> -> memref<1x1x16xi32, #tpu.memory_space<vmem>>
      %dma_start3A_348 = tpu.memref_squeeze %dma_start3A_347 : memref<1x1x16xi32, #tpu.memory_space<vmem>> -> memref<16xi32, #tpu.memory_space<vmem>>
      %dma_start3A_349 = tpu.memref_slice %arg3[%run_scoped3A_181, %add3A_174] : memref<4x2048xi32, #tpu.memory_space<hbm>> -> memref<1x16xi32, #tpu.memory_space<hbm>>
      %dma_start3A_350 = tpu.memref_squeeze %dma_start3A_349 : memref<1x16xi32, #tpu.memory_space<hbm>> -> memref<16xi32, #tpu.memory_space<hbm>>
      %dma_start3A_351 = arith.constant 0 : i32
      %dma_start3A_352 = tpu.memref_slice %arg9[%run_scoped3A_182, %run_scoped3A_183, %dma_start3A_351] : memref<4x1x16xi32, #tpu.memory_space<vmem>> -> memref<1x1x16xi32, #tpu.memory_space<vmem>>
      %dma_start3A_353 = tpu.memref_squeeze %dma_start3A_352 : memref<1x1x16xi32, #tpu.memory_space<vmem>> -> memref<16xi32, #tpu.memory_space<vmem>>
      %dma_start3A_354 = tpu.memref_slice %arg3[%run_scoped3A_181, %add3A_174] : memref<4x2048xi32, #tpu.memory_space<hbm>> -> memref<1x16xi32, #tpu.memory_space<hbm>>
      %dma_start3A_355 = tpu.memref_squeeze %dma_start3A_354 : memref<1x16xi32, #tpu.memory_space<hbm>> -> memref<16xi32, #tpu.memory_space<hbm>>
      tpu.enqueue_dma source(%dma_start3A_355 : memref<16xi32, #tpu.memory_space<hbm>>) target(%dma_start3A_353 : memref<16xi32, #tpu.memory_space<vmem>>) target_semaphore(%run_scoped3A_345 : memref<!tpu.dma_semaphore, #tpu.memory_space<semaphore_mem>>)
      %dma_wait3A_356 = arith.constant 0 : i32
      %dma_wait3A_357 = tpu.memref_slice %arg9[%run_scoped3A_182, %run_scoped3A_183, %dma_wait3A_356] : memref<4x1x16xi32, #tpu.memory_space<vmem>> -> memref<1x1x16xi32, #tpu.memory_space<vmem>>
      %dma_wait3A_358 = tpu.memref_squeeze %dma_wait3A_357 : memref<1x1x16xi32, #tpu.memory_space<vmem>> -> memref<16xi32, #tpu.memory_space<vmem>>
      %dma_wait3A_359 = tpu.memref_slice %arg3[%run_scoped3A_181, %add3A_174] : memref<4x2048xi32, #tpu.memory_space<hbm>> -> memref<1x16xi32, #tpu.memory_space<hbm>>
      %dma_wait3A_360 = tpu.memref_squeeze %dma_wait3A_359 : memref<1x16xi32, #tpu.memory_space<hbm>> -> memref<16xi32, #tpu.memory_space<hbm>>
      %dma_wait3A_361 = arith.constant 0 : i32
      %dma_wait3A_362 = tpu.memref_slice %arg9[%run_scoped3A_182, %run_scoped3A_183, %dma_wait3A_361] : memref<4x1x16xi32, #tpu.memory_space<vmem>> -> memref<1x1x16xi32, #tpu.memory_space<vmem>>
      %dma_wait3A_363 = tpu.memref_squeeze %dma_wait3A_362 : memref<1x1x16xi32, #tpu.memory_space<vmem>> -> memref<16xi32, #tpu.memory_space<vmem>>
      %dma_wait3A_364 = tpu.memref_slice %arg3[%run_scoped3A_181, %add3A_174] : memref<4x2048xi32, #tpu.memory_space<hbm>> -> memref<1x16xi32, #tpu.memory_space<hbm>>
      %dma_wait3A_365 = tpu.memref_squeeze %dma_wait3A_364 : memref<1x16xi32, #tpu.memory_space<hbm>> -> memref<16xi32, #tpu.memory_space<hbm>>
      tpu.wait_dma2 semaphore(%run_scoped3A_345 : memref<!tpu.dma_semaphore, #tpu.memory_space<semaphore_mem>>) src(%dma_wait3A_365 : memref<16xi32, #tpu.memory_space<hbm>>) dst(%dma_wait3A_363 : memref<16xi32, #tpu.memory_space<vmem>>)
      tpu.yield
    }) : () -> ()
    %run_scoped3A_184 = arith.constant 3 : i32
    %run_scoped3A_185 = arith.constant 3 : i32
    %run_scoped3A_186 = arith.constant 0 : i32
    "tpu.region"() ({
      %run_scoped3A_345 = tpu.sem_alloc : memref<!tpu.dma_semaphore, #tpu.memory_space<semaphore_mem>>
      %dma_start3A_346 = arith.constant 0 : i32
      %dma_start3A_347 = tpu.memref_slice %arg9[%run_scoped3A_185, %run_scoped3A_186, %dma_start3A_346] : memref<4x1x16xi32, #tpu.memory_space<vmem>> -> memref<1x1x16xi32, #tpu.memory_space<vmem>>
      %dma_start3A_348 = tpu.memref_squeeze %dma_start3A_347 : memref<1x1x16xi32, #tpu.memory_space<vmem>> -> memref<16xi32, #tpu.memory_space<vmem>>
      %dma_start3A_349 = tpu.memref_slice %arg3[%run_scoped3A_184, %add3A_174] : memref<4x2048xi32, #tpu.memory_space<hbm>> -> memref<1x16xi32, #tpu.memory_space<hbm>>
      %dma_start3A_350 = tpu.memref_squeeze %dma_start3A_349 : memref<1x16xi32, #tpu.memory_space<hbm>> -> memref<16xi32, #tpu.memory_space<hbm>>
      %dma_start3A_351 = arith.constant 0 : i32
      %dma_start3A_352 = tpu.memref_slice %arg9[%run_scoped3A_185, %run_scoped3A_186, %dma_start3A_351] : memref<4x1x16xi32, #tpu.memory_space<vmem>> -> memref<1x1x16xi32, #tpu.memory_space<vmem>>
      %dma_start3A_353 = tpu.memref_squeeze %dma_start3A_352 : memref<1x1x16xi32, #tpu.memory_space<vmem>> -> memref<16xi32, #tpu.memory_space<vmem>>
      %dma_start3A_354 = tpu.memref_slice %arg3[%run_scoped3A_184, %add3A_174] : memref<4x2048xi32, #tpu.memory_space<hbm>> -> memref<1x16xi32, #tpu.memory_space<hbm>>
      %dma_start3A_355 = tpu.memref_squeeze %dma_start3A_354 : memref<1x16xi32, #tpu.memory_space<hbm>> -> memref<16xi32, #tpu.memory_space<hbm>>
      tpu.enqueue_dma source(%dma_start3A_355 : memref<16xi32, #tpu.memory_space<hbm>>) target(%dma_start3A_353 : memref<16xi32, #tpu.memory_space<vmem>>) target_semaphore(%run_scoped3A_345 : memref<!tpu.dma_semaphore, #tpu.memory_space<semaphore_mem>>)
      %dma_wait3A_356 = arith.constant 0 : i32
      %dma_wait3A_357 = tpu.memref_slice %arg9[%run_scoped3A_185, %run_scoped3A_186, %dma_wait3A_356] : memref<4x1x16xi32, #tpu.memory_space<vmem>> -> memref<1x1x16xi32, #tpu.memory_space<vmem>>
      %dma_wait3A_358 = tpu.memref_squeeze %dma_wait3A_357 : memref<1x1x16xi32, #tpu.memory_space<vmem>> -> memref<16xi32, #tpu.memory_space<vmem>>
      %dma_wait3A_359 = tpu.memref_slice %arg3[%run_scoped3A_184, %add3A_174] : memref<4x2048xi32, #tpu.memory_space<hbm>> -> memref<1x16xi32, #tpu.memory_space<hbm>>
      %dma_wait3A_360 = tpu.memref_squeeze %dma_wait3A_359 : memref<1x16xi32, #tpu.memory_space<hbm>> -> memref<16xi32, #tpu.memory_space<hbm>>
      %dma_wait3A_361 = arith.constant 0 : i32
      %dma_wait3A_362 = tpu.memref_slice %arg9[%run_scoped3A_185, %run_scoped3A_186, %dma_wait3A_361] : memref<4x1x16xi32, #tpu.memory_space<vmem>> -> memref<1x1x16xi32, #tpu.memory_space<vmem>>
      %dma_wait3A_363 = tpu.memref_squeeze %dma_wait3A_362 : memref<1x1x16xi32, #tpu.memory_space<vmem>> -> memref<16xi32, #tpu.memory_space<vmem>>
      %dma_wait3A_364 = tpu.memref_slice %arg3[%run_scoped3A_184, %add3A_174] : memref<4x2048xi32, #tpu.memory_space<hbm>> -> memref<1x16xi32, #tpu.memory_space<hbm>>
      %dma_wait3A_365 = tpu.memref_squeeze %dma_wait3A_364 : memref<1x16xi32, #tpu.memory_space<hbm>> -> memref<16xi32, #tpu.memory_space<hbm>>
      tpu.wait_dma2 semaphore(%run_scoped3A_345 : memref<!tpu.dma_semaphore, #tpu.memory_space<semaphore_mem>>) src(%dma_wait3A_365 : memref<16xi32, #tpu.memory_space<hbm>>) dst(%dma_wait3A_363 : memref<16xi32, #tpu.memory_space<vmem>>)
      tpu.yield
    }) : () -> ()
    %dma_start3A_187 = arith.constant 0 : i32
    %dma_start3A_188 = arith.constant 0 : i32
    %dma_start3A_189 = arith.constant 0 : i32
    %dma_start3A_190 = tpu.memref_slice %arg9[%dma_start3A_187, %dma_start3A_188, %dma_start3A_189] : memref<4x1x16xi32, #tpu.memory_space<vmem>> -> memref<1x1x16xi32, #tpu.memory_space<vmem>>
    %dma_start3A_191 = tpu.memref_squeeze %dma_start3A_190 : memref<1x1x16xi32, #tpu.memory_space<vmem>> -> memref<16xi32, #tpu.memory_space<vmem>>
    %dma_start3A_192 = arith.constant 0 : i32
    %dma_start3A_193 = arith.constant 0 : i32
    %dma_start3A_194 = tpu.memref_slice %arg2[%dma_start3A_192, %dma_start3A_193] : memref<12288x1024xf32, #tpu.memory_space<hbm>> -> memref<12288x1024xf32, #tpu.memory_space<hbm>>
    tpu.enqueue_indirect_dma source(%dma_start3A_194 : memref<12288x1024xf32, #tpu.memory_space<hbm>>) target(%arg5 : memref<16x1024xf32, #tpu.memory_space<vmem>>) offsets(%dma_start3A_191 : memref<16xi32, #tpu.memory_space<vmem>>) semaphore(%arg10 : memref<!tpu.dma_semaphore, #tpu.memory_space<semaphore_mem>>)
    %dma_start3A_195 = arith.constant 1 : i32
    %dma_start3A_196 = arith.constant 0 : i32
    %dma_start3A_197 = arith.constant 0 : i32
    %dma_start3A_198 = tpu.memref_slice %arg9[%dma_start3A_195, %dma_start3A_196, %dma_start3A_197] : memref<4x1x16xi32, #tpu.memory_space<vmem>> -> memref<1x1x16xi32, #tpu.memory_space<vmem>>
    %dma_start3A_199 = tpu.memref_squeeze %dma_start3A_198 : memref<1x1x16xi32, #tpu.memory_space<vmem>> -> memref<16xi32, #tpu.memory_space<vmem>>
    %dma_start3A_200 = arith.constant 0 : i32
    %dma_start3A_201 = arith.constant 0 : i32
    %dma_start3A_202 = tpu.memref_slice %arg2[%dma_start3A_200, %dma_start3A_201] : memref<12288x1024xf32, #tpu.memory_space<hbm>> -> memref<12288x1024xf32, #tpu.memory_space<hbm>>
    tpu.enqueue_indirect_dma source(%dma_start3A_202 : memref<12288x1024xf32, #tpu.memory_space<hbm>>) target(%arg6 : memref<16x1024xf32, #tpu.memory_space<vmem>>) offsets(%dma_start3A_199 : memref<16xi32, #tpu.memory_space<vmem>>) semaphore(%arg10 : memref<!tpu.dma_semaphore, #tpu.memory_space<semaphore_mem>>)
    %dma_start3A_203 = arith.constant 2 : i32
    %dma_start3A_204 = arith.constant 0 : i32
    %dma_start3A_205 = arith.constant 0 : i32
    %dma_start3A_206 = tpu.memref_slice %arg9[%dma_start3A_203, %dma_start3A_204, %dma_start3A_205] : memref<4x1x16xi32, #tpu.memory_space<vmem>> -> memref<1x1x16xi32, #tpu.memory_space<vmem>>
    %dma_start3A_207 = tpu.memref_squeeze %dma_start3A_206 : memref<1x1x16xi32, #tpu.memory_space<vmem>> -> memref<16xi32, #tpu.memory_space<vmem>>
    %dma_start3A_208 = arith.constant 0 : i32
    %dma_start3A_209 = arith.constant 0 : i32
    %dma_start3A_210 = tpu.memref_slice %arg2[%dma_start3A_208, %dma_start3A_209] : memref<12288x1024xf32, #tpu.memory_space<hbm>> -> memref<12288x1024xf32, #tpu.memory_space<hbm>>
    tpu.enqueue_indirect_dma source(%dma_start3A_210 : memref<12288x1024xf32, #tpu.memory_space<hbm>>) target(%arg7 : memref<16x1024xf32, #tpu.memory_space<vmem>>) offsets(%dma_start3A_207 : memref<16xi32, #tpu.memory_space<vmem>>) semaphore(%arg10 : memref<!tpu.dma_semaphore, #tpu.memory_space<semaphore_mem>>)
    %dma_start3A_211 = arith.constant 3 : i32
    %dma_start3A_212 = arith.constant 0 : i32
    %dma_start3A_213 = arith.constant 0 : i32
    %dma_start3A_214 = tpu.memref_slice %arg9[%dma_start3A_211, %dma_start3A_212, %dma_start3A_213] : memref<4x1x16xi32, #tpu.memory_space<vmem>> -> memref<1x1x16xi32, #tpu.memory_space<vmem>>
    %dma_start3A_215 = tpu.memref_squeeze %dma_start3A_214 : memref<1x1x16xi32, #tpu.memory_space<vmem>> -> memref<16xi32, #tpu.memory_space<vmem>>
    %dma_start3A_216 = arith.constant 0 : i32
    %dma_start3A_217 = arith.constant 0 : i32
    %dma_start3A_218 = tpu.memref_slice %arg2[%dma_start3A_216, %dma_start3A_217] : memref<12288x1024xf32, #tpu.memory_space<hbm>> -> memref<12288x1024xf32, #tpu.memory_space<hbm>>
    tpu.enqueue_indirect_dma source(%dma_start3A_218 : memref<12288x1024xf32, #tpu.memory_space<hbm>>) target(%arg8 : memref<16x1024xf32, #tpu.memory_space<vmem>>) offsets(%dma_start3A_215 : memref<16xi32, #tpu.memory_space<vmem>>) semaphore(%arg10 : memref<!tpu.dma_semaphore, #tpu.memory_space<semaphore_mem>>)
    %dma_wait3A_219 = arith.constant 0 : i32
    %dma_wait3A_220 = arith.constant 0 : i32
    %dma_wait3A_221 = arith.constant 0 : i32
    %dma_wait3A_222 = tpu.memref_slice %arg9[%dma_wait3A_219, %dma_wait3A_220, %dma_wait3A_221] : memref<4x1x16xi32, #tpu.memory_space<vmem>> -> memref<1x1x16xi32, #tpu.memory_space<vmem>>
    %dma_wait3A_223 = tpu.memref_squeeze %dma_wait3A_222 : memref<1x1x16xi32, #tpu.memory_space<vmem>> -> memref<16xi32, #tpu.memory_space<vmem>>
    %dma_wait3A_224 = arith.constant 0 : i32
    %dma_wait3A_225 = arith.constant 0 : i32
    %dma_wait3A_226 = tpu.memref_slice %arg2[%dma_wait3A_224, %dma_wait3A_225] : memref<12288x1024xf32, #tpu.memory_space<hbm>> -> memref<12288x1024xf32, #tpu.memory_space<hbm>>
    tpu.wait_indirect_dma semaphore(%arg10 : memref<!tpu.dma_semaphore, #tpu.memory_space<semaphore_mem>>) src(%dma_wait3A_226 : memref<12288x1024xf32, #tpu.memory_space<hbm>>) dst(%arg5 : memref<16x1024xf32, #tpu.memory_space<vmem>>)
    %dma_wait3A_227 = arith.constant 1 : i32
    %dma_wait3A_228 = arith.constant 0 : i32
    %dma_wait3A_229 = arith.constant 0 : i32
    %dma_wait3A_230 = tpu.memref_slice %arg9[%dma_wait3A_227, %dma_wait3A_228, %dma_wait3A_229] : memref<4x1x16xi32, #tpu.memory_space<vmem>> -> memref<1x1x16xi32, #tpu.memory_space<vmem>>
    %dma_wait3A_231 = tpu.memref_squeeze %dma_wait3A_230 : memref<1x1x16xi32, #tpu.memory_space<vmem>> -> memref<16xi32, #tpu.memory_space<vmem>>
    %dma_wait3A_232 = arith.constant 0 : i32
    %dma_wait3A_233 = arith.constant 0 : i32
    %dma_wait3A_234 = tpu.memref_slice %arg2[%dma_wait3A_232, %dma_wait3A_233] : memref<12288x1024xf32, #tpu.memory_space<hbm>> -> memref<12288x1024xf32, #tpu.memory_space<hbm>>
    tpu.wait_indirect_dma semaphore(%arg10 : memref<!tpu.dma_semaphore, #tpu.memory_space<semaphore_mem>>) src(%dma_wait3A_234 : memref<12288x1024xf32, #tpu.memory_space<hbm>>) dst(%arg6 : memref<16x1024xf32, #tpu.memory_space<vmem>>)
    %dma_wait3A_235 = arith.constant 2 : i32
    %dma_wait3A_236 = arith.constant 0 : i32
    %dma_wait3A_237 = arith.constant 0 : i32
    %dma_wait3A_238 = tpu.memref_slice %arg9[%dma_wait3A_235, %dma_wait3A_236, %dma_wait3A_237] : memref<4x1x16xi32, #tpu.memory_space<vmem>> -> memref<1x1x16xi32, #tpu.memory_space<vmem>>
    %dma_wait3A_239 = tpu.memref_squeeze %dma_wait3A_238 : memref<1x1x16xi32, #tpu.memory_space<vmem>> -> memref<16xi32, #tpu.memory_space<vmem>>
    %dma_wait3A_240 = arith.constant 0 : i32
    %dma_wait3A_241 = arith.constant 0 : i32
    %dma_wait3A_242 = tpu.memref_slice %arg2[%dma_wait3A_240, %dma_wait3A_241] : memref<12288x1024xf32, #tpu.memory_space<hbm>> -> memref<12288x1024xf32, #tpu.memory_space<hbm>>
    tpu.wait_indirect_dma semaphore(%arg10 : memref<!tpu.dma_semaphore, #tpu.memory_space<semaphore_mem>>) src(%dma_wait3A_242 : memref<12288x1024xf32, #tpu.memory_space<hbm>>) dst(%arg7 : memref<16x1024xf32, #tpu.memory_space<vmem>>)
    %dma_wait3A_243 = arith.constant 3 : i32
    %dma_wait3A_244 = arith.constant 0 : i32
    %dma_wait3A_245 = arith.constant 0 : i32
    %dma_wait3A_246 = tpu.memref_slice %arg9[%dma_wait3A_243, %dma_wait3A_244, %dma_wait3A_245] : memref<4x1x16xi32, #tpu.memory_space<vmem>> -> memref<1x1x16xi32, #tpu.memory_space<vmem>>
    %dma_wait3A_247 = tpu.memref_squeeze %dma_wait3A_246 : memref<1x1x16xi32, #tpu.memory_space<vmem>> -> memref<16xi32, #tpu.memory_space<vmem>>
    %dma_wait3A_248 = arith.constant 0 : i32
    %dma_wait3A_249 = arith.constant 0 : i32
    %dma_wait3A_250 = tpu.memref_slice %arg2[%dma_wait3A_248, %dma_wait3A_249] : memref<12288x1024xf32, #tpu.memory_space<hbm>> -> memref<12288x1024xf32, #tpu.memory_space<hbm>>
    tpu.wait_indirect_dma semaphore(%arg10 : memref<!tpu.dma_semaphore, #tpu.memory_space<semaphore_mem>>) src(%dma_wait3A_250 : memref<12288x1024xf32, #tpu.memory_space<hbm>>) dst(%arg8 : memref<16x1024xf32, #tpu.memory_space<vmem>>)
    %scan3A_251 = arith.constant 0 : i32
    %scan3A_252 = arith.constant 0 : i32
    %scan3A_253 = arith.constant 16 : i32
    %scan3A_254 = arith.addi %scan3A_252, %scan3A_253 : i32
    %scan3A_255 = arith.constant 1 : i32
    %scan3A_256 = scf.for %scan3A_345 = %scan3A_252 to %scan3A_254 step %scan3A_255 iter_args(%scan3A_346 = %scan3A_251) -> (i32)  : i32 {
      %scan3A_347 = arith.constant 0 : i32
      %scan3A_348 = arith.constant 0 : i32
      %scan3A_349 = arith.constant 64 : i32
      %scan3A_350 = arith.addi %scan3A_348, %scan3A_349 : i32
      %scan3A_351 = arith.constant 8 : i32
      %scan3A_352 = scf.for %scan3A_354 = %scan3A_348 to %scan3A_350 step %scan3A_351 iter_args(%scan3A_355 = %scan3A_347) -> (i32)  : i32 {
        %mul3A_356 = arith.constant 16 : i32
        %mul3A_357 = arith.muli %scan3A_354, %mul3A_356 : i32
        %get3A = arith.index_cast %scan3A_345 : i32 to index
        %get3A_358 = arith.index_cast %mul3A_357 : i32 to index
        %get3A_359 = tpu.vector_load %arg5[%get3A, %get3A_358] {strides = array<i32>} : memref<16x1024xf32, #tpu.memory_space<vmem>>, vector<1x16xf32>,
        %get3A_360 = vector.shape_cast %get3A_359 : vector<1x16xf32> to vector<16xf32>
        %get3A_361 = arith.index_cast %scan3A_345 : i32 to index
        %get3A_362 = arith.index_cast %mul3A_357 : i32 to index
        %get3A_363 = tpu.vector_load %arg6[%get3A_361, %get3A_362] {strides = array<i32>} : memref<16x1024xf32, #tpu.memory_space<vmem>>, vector<1x16xf32>,
        %get3A_364 = vector.shape_cast %get3A_363 : vector<1x16xf32> to vector<16xf32>
        %add3A_365 = arith.addf %get3A_360, %get3A_364 : vector<16xf32>
        %get3A_366 = arith.index_cast %scan3A_345 : i32 to index
        %get3A_367 = arith.index_cast %mul3A_357 : i32 to index
        %get3A_368 = tpu.vector_load %arg7[%get3A_366, %get3A_367] {strides = array<i32>} : memref<16x1024xf32, #tpu.memory_space<vmem>>, vector<1x16xf32>,
        %get3A_369 = vector.shape_cast %get3A_368 : vector<1x16xf32> to vector<16xf32>
        %get3A_370 = arith.index_cast %scan3A_345 : i32 to index
        %get3A_371 = arith.index_cast %mul3A_357 : i32 to index
        %get3A_372 = tpu.vector_load %arg8[%get3A_370, %get3A_371] {strides = array<i32>} : memref<16x1024xf32, #tpu.memory_space<vmem>>, vector<1x16xf32>,
        %get3A_373 = vector.shape_cast %get3A_372 : vector<1x16xf32> to vector<16xf32>
        %add3A_374 = arith.addf %get3A_369, %get3A_373 : vector<16xf32>
        %add3A_375 = arith.addf %add3A_365, %add3A_374 : vector<16xf32>
        %swap3A = arith.index_cast %scan3A_345 : i32 to index
        %swap3A_376 = arith.index_cast %mul3A_357 : i32 to index
        %swap3A_377 = tpu.vector_load %arg5[%swap3A, %swap3A_376] {strides = array<i32>} : memref<16x1024xf32, #tpu.memory_space<vmem>>, vector<1x16xf32>,
        %swap3A_378 = vector.shape_cast %swap3A_377 : vector<1x16xf32> to vector<16xf32>
        %swap3A_379 = vector.shape_cast %add3A_375 : vector<16xf32> to vector<1x16xf32>
        tpu.vector_store %arg5[%swap3A, %swap3A_376], %swap3A_379 {strides = array<i32>} : memref<16x1024xf32, #tpu.memory_space<vmem>>, vector<1x16xf32>,
        %scan3A_380 = arith.constant 0 : i32
        %scan3A_381 = arith.constant 1 : i32
        %scan3A_382 = arith.addi %scan3A_354, %scan3A_381 : i32
        %mul3A_383 = arith.constant 16 : i32
        %mul3A_384 = arith.muli %scan3A_382, %mul3A_383 : i32
        %get3A_385 = arith.index_cast %scan3A_345 : i32 to index
        %get3A_386 = arith.index_cast %mul3A_384 : i32 to index
        %get3A_387 = tpu.vector_load %arg5[%get3A_385, %get3A_386] {strides = array<i32>} : memref<16x1024xf32, #tpu.memory_space<vmem>>, vector<1x16xf32>,
        %get3A_388 = vector.shape_cast %get3A_387 : vector<1x16xf32> to vector<16xf32>
        %get3A_389 = arith.index_cast %scan3A_345 : i32 to index
        %get3A_390 = arith.index_cast %mul3A_384 : i32 to index
        %get3A_391 = tpu.vector_load %arg6[%get3A_389, %get3A_390] {strides = array<i32>} : memref<16x1024xf32, #tpu.memory_space<vmem>>, vector<1x16xf32>,
        %get3A_392 = vector.shape_cast %get3A_391 : vector<1x16xf32> to vector<16xf32>
        %add3A_393 = arith.addf %get3A_388, %get3A_392 : vector<16xf32>
        %get3A_394 = arith.index_cast %scan3A_345 : i32 to index
        %get3A_395 = arith.index_cast %mul3A_384 : i32 to index
        %get3A_396 = tpu.vector_load %arg7[%get3A_394, %get3A_395] {strides = array<i32>} : memref<16x1024xf32, #tpu.memory_space<vmem>>, vector<1x16xf32>,
        %get3A_397 = vector.shape_cast %get3A_396 : vector<1x16xf32> to vector<16xf32>
        %get3A_398 = arith.index_cast %scan3A_345 : i32 to index
        %get3A_399 = arith.index_cast %mul3A_384 : i32 to index
        %get3A_400 = tpu.vector_load %arg8[%get3A_398, %get3A_399] {strides = array<i32>} : memref<16x1024xf32, #tpu.memory_space<vmem>>, vector<1x16xf32>,
        %get3A_401 = vector.shape_cast %get3A_400 : vector<1x16xf32> to vector<16xf32>
        %add3A_402 = arith.addf %get3A_397, %get3A_401 : vector<16xf32>
        %add3A_403 = arith.addf %add3A_393, %add3A_402 : vector<16xf32>
        %swap3A_404 = arith.index_cast %scan3A_345 : i32 to index
        %swap3A_405 = arith.index_cast %mul3A_384 : i32 to index
        %swap3A_406 = tpu.vector_load %arg5[%swap3A_404, %swap3A_405] {strides = array<i32>} : memref<16x1024xf32, #tpu.memory_space<vmem>>, vector<1x16xf32>,
        %swap3A_407 = vector.shape_cast %swap3A_406 : vector<1x16xf32> to vector<16xf32>
        %swap3A_408 = vector.shape_cast %add3A_403 : vector<16xf32> to vector<1x16xf32>
        tpu.vector_store %arg5[%swap3A_404, %swap3A_405], %swap3A_408 {strides = array<i32>} : memref<16x1024xf32, #tpu.memory_space<vmem>>, vector<1x16xf32>,
        %scan3A_409 = arith.constant 0 : i32
        %scan3A_410 = arith.constant 2 : i32
        %scan3A_411 = arith.addi %scan3A_354, %scan3A_410 : i32
        %mul3A_412 = arith.constant 16 : i32
        %mul3A_413 = arith.muli %scan3A_411, %mul3A_412 : i32
        %get3A_414 = arith.index_cast %scan3A_345 : i32 to index
        %get3A_415 = arith.index_cast %mul3A_413 : i32 to index
        %get3A_416 = tpu.vector_load %arg5[%get3A_414, %get3A_415] {strides = array<i32>} : memref<16x1024xf32, #tpu.memory_space<vmem>>, vector<1x16xf32>,
        %get3A_417 = vector.shape_cast %get3A_416 : vector<1x16xf32> to vector<16xf32>
        %get3A_418 = arith.index_cast %scan3A_345 : i32 to index
        %get3A_419 = arith.index_cast %mul3A_413 : i32 to index
        %get3A_420 = tpu.vector_load %arg6[%get3A_418, %get3A_419] {strides = array<i32>} : memref<16x1024xf32, #tpu.memory_space<vmem>>, vector<1x16xf32>,
        %get3A_421 = vector.shape_cast %get3A_420 : vector<1x16xf32> to vector<16xf32>
        %add3A_422 = arith.addf %get3A_417, %get3A_421 : vector<16xf32>
        %get3A_423 = arith.index_cast %scan3A_345 : i32 to index
        %get3A_424 = arith.index_cast %mul3A_413 : i32 to index
        %get3A_425 = tpu.vector_load %arg7[%get3A_423, %get3A_424] {strides = array<i32>} : memref<16x1024xf32, #tpu.memory_space<vmem>>, vector<1x16xf32>,
        %get3A_426 = vector.shape_cast %get3A_425 : vector<1x16xf32> to vector<16xf32>
        %get3A_427 = arith.index_cast %scan3A_345 : i32 to index
        %get3A_428 = arith.index_cast %mul3A_413 : i32 to index
        %get3A_429 = tpu.vector_load %arg8[%get3A_427, %get3A_428] {strides = array<i32>} : memref<16x1024xf32, #tpu.memory_space<vmem>>, vector<1x16xf32>,
        %get3A_430 = vector.shape_cast %get3A_429 : vector<1x16xf32> to vector<16xf32>
        %add3A_431 = arith.addf %get3A_426, %get3A_430 : vector<16xf32>
        %add3A_432 = arith.addf %add3A_422, %add3A_431 : vector<16xf32>
        %swap3A_433 = arith.index_cast %scan3A_345 : i32 to index
        %swap3A_434 = arith.index_cast %mul3A_413 : i32 to index
        %swap3A_435 = tpu.vector_load %arg5[%swap3A_433, %swap3A_434] {strides = array<i32>} : memref<16x1024xf32, #tpu.memory_space<vmem>>, vector<1x16xf32>,
        %swap3A_436 = vector.shape_cast %swap3A_435 : vector<1x16xf32> to vector<16xf32>
        %swap3A_437 = vector.shape_cast %add3A_432 : vector<16xf32> to vector<1x16xf32>
        tpu.vector_store %arg5[%swap3A_433, %swap3A_434], %swap3A_437 {strides = array<i32>} : memref<16x1024xf32, #tpu.memory_space<vmem>>, vector<1x16xf32>,
        %scan3A_438 = arith.constant 0 : i32
        %scan3A_439 = arith.constant 3 : i32
        %scan3A_440 = arith.addi %scan3A_354, %scan3A_439 : i32
        %mul3A_441 = arith.constant 16 : i32
        %mul3A_442 = arith.muli %scan3A_440, %mul3A_441 : i32
        %get3A_443 = arith.index_cast %scan3A_345 : i32 to index
        %get3A_444 = arith.index_cast %mul3A_442 : i32 to index
        %get3A_445 = tpu.vector_load %arg5[%get3A_443, %get3A_444] {strides = array<i32>} : memref<16x1024xf32, #tpu.memory_space<vmem>>, vector<1x16xf32>,
        %get3A_446 = vector.shape_cast %get3A_445 : vector<1x16xf32> to vector<16xf32>
        %get3A_447 = arith.index_cast %scan3A_345 : i32 to index
        %get3A_448 = arith.index_cast %mul3A_442 : i32 to index
        %get3A_449 = tpu.vector_load %arg6[%get3A_447, %get3A_448] {strides = array<i32>} : memref<16x1024xf32, #tpu.memory_space<vmem>>, vector<1x16xf32>,
        %get3A_450 = vector.shape_cast %get3A_449 : vector<1x16xf32> to vector<16xf32>
        %add3A_451 = arith.addf %get3A_446, %get3A_450 : vector<16xf32>
        %get3A_452 = arith.index_cast %scan3A_345 : i32 to index
        %get3A_453 = arith.index_cast %mul3A_442 : i32 to index
        %get3A_454 = tpu.vector_load %arg7[%get3A_452, %get3A_453] {strides = array<i32>} : memref<16x1024xf32, #tpu.memory_space<vmem>>, vector<1x16xf32>,
        %get3A_455 = vector.shape_cast %get3A_454 : vector<1x16xf32> to vector<16xf32>
        %get3A_456 = arith.index_cast %scan3A_345 : i32 to index
        %get3A_457 = arith.index_cast %mul3A_442 : i32 to index
        %get3A_458 = tpu.vector_load %arg8[%get3A_456, %get3A_457] {strides = array<i32>} : memref<16x1024xf32, #tpu.memory_space<vmem>>, vector<1x16xf32>,
        %get3A_459 = vector.shape_cast %get3A_458 : vector<1x16xf32> to vector<16xf32>
        %add3A_460 = arith.addf %get3A_455, %get3A_459 : vector<16xf32>
        %add3A_461 = arith.addf %add3A_451, %add3A_460 : vector<16xf32>
        %swap3A_462 = arith.index_cast %scan3A_345 : i32 to index
        %swap3A_463 = arith.index_cast %mul3A_442 : i32 to index
        %swap3A_464 = tpu.vector_load %arg5[%swap3A_462, %swap3A_463] {strides = array<i32>} : memref<16x1024xf32, #tpu.memory_space<vmem>>, vector<1x16xf32>,
        %swap3A_465 = vector.shape_cast %swap3A_464 : vector<1x16xf32> to vector<16xf32>
        %swap3A_466 = vector.shape_cast %add3A_461 : vector<16xf32> to vector<1x16xf32>
        tpu.vector_store %arg5[%swap3A_462, %swap3A_463], %swap3A_466 {strides = array<i32>} : memref<16x1024xf32, #tpu.memory_space<vmem>>, vector<1x16xf32>,
        %scan3A_467 = arith.constant 0 : i32
        %scan3A_468 = arith.constant 4 : i32
        %scan3A_469 = arith.addi %scan3A_354, %scan3A_468 : i32
        %mul3A_470 = arith.constant 16 : i32
        %mul3A_471 = arith.muli %scan3A_469, %mul3A_470 : i32
        %get3A_472 = arith.index_cast %scan3A_345 : i32 to index
        %get3A_473 = arith.index_cast %mul3A_471 : i32 to index
        %get3A_474 = tpu.vector_load %arg5[%get3A_472, %get3A_473] {strides = array<i32>} : memref<16x1024xf32, #tpu.memory_space<vmem>>, vector<1x16xf32>,
        %get3A_475 = vector.shape_cast %get3A_474 : vector<1x16xf32> to vector<16xf32>
        %get3A_476 = arith.index_cast %scan3A_345 : i32 to index
        %get3A_477 = arith.index_cast %mul3A_471 : i32 to index
        %get3A_478 = tpu.vector_load %arg6[%get3A_476, %get3A_477] {strides = array<i32>} : memref<16x1024xf32, #tpu.memory_space<vmem>>, vector<1x16xf32>,
        %get3A_479 = vector.shape_cast %get3A_478 : vector<1x16xf32> to vector<16xf32>
        %add3A_480 = arith.addf %get3A_475, %get3A_479 : vector<16xf32>
        %get3A_481 = arith.index_cast %scan3A_345 : i32 to index
        %get3A_482 = arith.index_cast %mul3A_471 : i32 to index
        %get3A_483 = tpu.vector_load %arg7[%get3A_481, %get3A_482] {strides = array<i32>} : memref<16x1024xf32, #tpu.memory_space<vmem>>, vector<1x16xf32>,
        %get3A_484 = vector.shape_cast %get3A_483 : vector<1x16xf32> to vector<16xf32>
        %get3A_485 = arith.index_cast %scan3A_345 : i32 to index
        %get3A_486 = arith.index_cast %mul3A_471 : i32 to index
        %get3A_487 = tpu.vector_load %arg8[%get3A_485, %get3A_486] {strides = array<i32>} : memref<16x1024xf32, #tpu.memory_space<vmem>>, vector<1x16xf32>,
        %get3A_488 = vector.shape_cast %get3A_487 : vector<1x16xf32> to vector<16xf32>
        %add3A_489 = arith.addf %get3A_484, %get3A_488 : vector<16xf32>
        %add3A_490 = arith.addf %add3A_480, %add3A_489 : vector<16xf32>
        %swap3A_491 = arith.index_cast %scan3A_345 : i32 to index
        %swap3A_492 = arith.index_cast %mul3A_471 : i32 to index
        %swap3A_493 = tpu.vector_load %arg5[%swap3A_491, %swap3A_492] {strides = array<i32>} : memref<16x1024xf32, #tpu.memory_space<vmem>>, vector<1x16xf32>,
        %swap3A_494 = vector.shape_cast %swap3A_493 : vector<1x16xf32> to vector<16xf32>
        %swap3A_495 = vector.shape_cast %add3A_490 : vector<16xf32> to vector<1x16xf32>
        tpu.vector_store %arg5[%swap3A_491, %swap3A_492], %swap3A_495 {strides = array<i32>} : memref<16x1024xf32, #tpu.memory_space<vmem>>, vector<1x16xf32>,
        %scan3A_496 = arith.constant 0 : i32
        %scan3A_497 = arith.constant 5 : i32
        %scan3A_498 = arith.addi %scan3A_354, %scan3A_497 : i32
        %mul3A_499 = arith.constant 16 : i32
        %mul3A_500 = arith.muli %scan3A_498, %mul3A_499 : i32
        %get3A_501 = arith.index_cast %scan3A_345 : i32 to index
        %get3A_502 = arith.index_cast %mul3A_500 : i32 to index
        %get3A_503 = tpu.vector_load %arg5[%get3A_501, %get3A_502] {strides = array<i32>} : memref<16x1024xf32, #tpu.memory_space<vmem>>, vector<1x16xf32>,
        %get3A_504 = vector.shape_cast %get3A_503 : vector<1x16xf32> to vector<16xf32>
        %get3A_505 = arith.index_cast %scan3A_345 : i32 to index
        %get3A_506 = arith.index_cast %mul3A_500 : i32 to index
        %get3A_507 = tpu.vector_load %arg6[%get3A_505, %get3A_506] {strides = array<i32>} : memref<16x1024xf32, #tpu.memory_space<vmem>>, vector<1x16xf32>,
        %get3A_508 = vector.shape_cast %get3A_507 : vector<1x16xf32> to vector<16xf32>
        %add3A_509 = arith.addf %get3A_504, %get3A_508 : vector<16xf32>
        %get3A_510 = arith.index_cast %scan3A_345 : i32 to index
        %get3A_511 = arith.index_cast %mul3A_500 : i32 to index
        %get3A_512 = tpu.vector_load %arg7[%get3A_510, %get3A_511] {strides = array<i32>} : memref<16x1024xf32, #tpu.memory_space<vmem>>, vector<1x16xf32>,
        %get3A_513 = vector.shape_cast %get3A_512 : vector<1x16xf32> to vector<16xf32>
        %get3A_514 = arith.index_cast %scan3A_345 : i32 to index
        %get3A_515 = arith.index_cast %mul3A_500 : i32 to index
        %get3A_516 = tpu.vector_load %arg8[%get3A_514, %get3A_515] {strides = array<i32>} : memref<16x1024xf32, #tpu.memory_space<vmem>>, vector<1x16xf32>,
        %get3A_517 = vector.shape_cast %get3A_516 : vector<1x16xf32> to vector<16xf32>
        %add3A_518 = arith.addf %get3A_513, %get3A_517 : vector<16xf32>
        %add3A_519 = arith.addf %add3A_509, %add3A_518 : vector<16xf32>
        %swap3A_520 = arith.index_cast %scan3A_345 : i32 to index
        %swap3A_521 = arith.index_cast %mul3A_500 : i32 to index
        %swap3A_522 = tpu.vector_load %arg5[%swap3A_520, %swap3A_521] {strides = array<i32>} : memref<16x1024xf32, #tpu.memory_space<vmem>>, vector<1x16xf32>,
        %swap3A_523 = vector.shape_cast %swap3A_522 : vector<1x16xf32> to vector<16xf32>
        %swap3A_524 = vector.shape_cast %add3A_519 : vector<16xf32> to vector<1x16xf32>
        tpu.vector_store %arg5[%swap3A_520, %swap3A_521], %swap3A_524 {strides = array<i32>} : memref<16x1024xf32, #tpu.memory_space<vmem>>, vector<1x16xf32>,
        %scan3A_525 = arith.constant 0 : i32
        %scan3A_526 = arith.constant 6 : i32
        %scan3A_527 = arith.addi %scan3A_354, %scan3A_526 : i32
        %mul3A_528 = arith.constant 16 : i32
        %mul3A_529 = arith.muli %scan3A_527, %mul3A_528 : i32
        %get3A_530 = arith.index_cast %scan3A_345 : i32 to index
        %get3A_531 = arith.index_cast %mul3A_529 : i32 to index
        %get3A_532 = tpu.vector_load %arg5[%get3A_530, %get3A_531] {strides = array<i32>} : memref<16x1024xf32, #tpu.memory_space<vmem>>, vector<1x16xf32>,
        %get3A_533 = vector.shape_cast %get3A_532 : vector<1x16xf32> to vector<16xf32>
        %get3A_534 = arith.index_cast %scan3A_345 : i32 to index
        %get3A_535 = arith.index_cast %mul3A_529 : i32 to index
        %get3A_536 = tpu.vector_load %arg6[%get3A_534, %get3A_535] {strides = array<i32>} : memref<16x1024xf32, #tpu.memory_space<vmem>>, vector<1x16xf32>,
        %get3A_537 = vector.shape_cast %get3A_536 : vector<1x16xf32> to vector<16xf32>
        %add3A_538 = arith.addf %get3A_533, %get3A_537 : vector<16xf32>
        %get3A_539 = arith.index_cast %scan3A_345 : i32 to index
        %get3A_540 = arith.index_cast %mul3A_529 : i32 to index
        %get3A_541 = tpu.vector_load %arg7[%get3A_539, %get3A_540] {strides = array<i32>} : memref<16x1024xf32, #tpu.memory_space<vmem>>, vector<1x16xf32>,
        %get3A_542 = vector.shape_cast %get3A_541 : vector<1x16xf32> to vector<16xf32>
        %get3A_543 = arith.index_cast %scan3A_345 : i32 to index
        %get3A_544 = arith.index_cast %mul3A_529 : i32 to index
        %get3A_545 = tpu.vector_load %arg8[%get3A_543, %get3A_544] {strides = array<i32>} : memref<16x1024xf32, #tpu.memory_space<vmem>>, vector<1x16xf32>,
        %get3A_546 = vector.shape_cast %get3A_545 : vector<1x16xf32> to vector<16xf32>
        %add3A_547 = arith.addf %get3A_542, %get3A_546 : vector<16xf32>
        %add3A_548 = arith.addf %add3A_538, %add3A_547 : vector<16xf32>
        %swap3A_549 = arith.index_cast %scan3A_345 : i32 to index
        %swap3A_550 = arith.index_cast %mul3A_529 : i32 to index
        %swap3A_551 = tpu.vector_load %arg5[%swap3A_549, %swap3A_550] {strides = array<i32>} : memref<16x1024xf32, #tpu.memory_space<vmem>>, vector<1x16xf32>,
        %swap3A_552 = vector.shape_cast %swap3A_551 : vector<1x16xf32> to vector<16xf32>
        %swap3A_553 = vector.shape_cast %add3A_548 : vector<16xf32> to vector<1x16xf32>
        tpu.vector_store %arg5[%swap3A_549, %swap3A_550], %swap3A_553 {strides = array<i32>} : memref<16x1024xf32, #tpu.memory_space<vmem>>, vector<1x16xf32>,
        %scan3A_554 = arith.constant 0 : i32
        %scan3A_555 = arith.constant 7 : i32
        %scan3A_556 = arith.addi %scan3A_354, %scan3A_555 : i32
        %mul3A_557 = arith.constant 16 : i32
        %mul3A_558 = arith.muli %scan3A_556, %mul3A_557 : i32
        %get3A_559 = arith.index_cast %scan3A_345 : i32 to index
        %get3A_560 = arith.index_cast %mul3A_558 : i32 to index
        %get3A_561 = tpu.vector_load %arg5[%get3A_559, %get3A_560] {strides = array<i32>} : memref<16x1024xf32, #tpu.memory_space<vmem>>, vector<1x16xf32>,
        %get3A_562 = vector.shape_cast %get3A_561 : vector<1x16xf32> to vector<16xf32>
        %get3A_563 = arith.index_cast %scan3A_345 : i32 to index
        %get3A_564 = arith.index_cast %mul3A_558 : i32 to index
        %get3A_565 = tpu.vector_load %arg6[%get3A_563, %get3A_564] {strides = array<i32>} : memref<16x1024xf32, #tpu.memory_space<vmem>>, vector<1x16xf32>,
        %get3A_566 = vector.shape_cast %get3A_565 : vector<1x16xf32> to vector<16xf32>
        %add3A_567 = arith.addf %get3A_562, %get3A_566 : vector<16xf32>
        %get3A_568 = arith.index_cast %scan3A_345 : i32 to index
        %get3A_569 = arith.index_cast %mul3A_558 : i32 to index
        %get3A_570 = tpu.vector_load %arg7[%get3A_568, %get3A_569] {strides = array<i32>} : memref<16x1024xf32, #tpu.memory_space<vmem>>, vector<1x16xf32>,
        %get3A_571 = vector.shape_cast %get3A_570 : vector<1x16xf32> to vector<16xf32>
        %get3A_572 = arith.index_cast %scan3A_345 : i32 to index
        %get3A_573 = arith.index_cast %mul3A_558 : i32 to index
        %get3A_574 = tpu.vector_load %arg8[%get3A_572, %get3A_573] {strides = array<i32>} : memref<16x1024xf32, #tpu.memory_space<vmem>>, vector<1x16xf32>,
        %get3A_575 = vector.shape_cast %get3A_574 : vector<1x16xf32> to vector<16xf32>
        %add3A_576 = arith.addf %get3A_571, %get3A_575 : vector<16xf32>
        %add3A_577 = arith.addf %add3A_567, %add3A_576 : vector<16xf32>
        %swap3A_578 = arith.index_cast %scan3A_345 : i32 to index
        %swap3A_579 = arith.index_cast %mul3A_558 : i32 to index
        %swap3A_580 = tpu.vector_load %arg5[%swap3A_578, %swap3A_579] {strides = array<i32>} : memref<16x1024xf32, #tpu.memory_space<vmem>>, vector<1x16xf32>,
        %swap3A_581 = vector.shape_cast %swap3A_580 : vector<1x16xf32> to vector<16xf32>
        %swap3A_582 = vector.shape_cast %add3A_577 : vector<16xf32> to vector<1x16xf32>
        tpu.vector_store %arg5[%swap3A_578, %swap3A_579], %swap3A_582 {strides = array<i32>} : memref<16x1024xf32, #tpu.memory_space<vmem>>, vector<1x16xf32>,
        %scan3A_583 = arith.constant 0 : i32
        scf.yield %scan3A_583 : i32
      }
      %scan3A_353 = arith.constant 64 : i32
      scf.yield %scan3A_352 : i32
    }
    %scan3A_257 = arith.constant 16 : i32
    "tpu.region"() ({
      %run_scoped3A_345 = tpu.sem_alloc : memref<!tpu.dma_semaphore, #tpu.memory_space<semaphore_mem>>
      %dma_start3A_346 = arith.constant 0 : i32
      %dma_start3A_347 = tpu.memref_slice %arg4[%add3A_174, %dma_start3A_346] : memref<2048x1024xf32, #tpu.memory_space<hbm>> -> memref<16x1024xf32, #tpu.memory_space<hbm>>
      %dma_start3A_348 = arith.constant 0 : i32
      %dma_start3A_349 = tpu.memref_slice %arg4[%add3A_174, %dma_start3A_348] : memref<2048x1024xf32, #tpu.memory_space<hbm>> -> memref<16x1024xf32, #tpu.memory_space<hbm>>
      tpu.enqueue_dma source(%arg5 : memref<16x1024xf32, #tpu.memory_space<vmem>>) target(%dma_start3A_349 : memref<16x1024xf32, #tpu.memory_space<hbm>>) target_semaphore(%run_scoped3A_345 : memref<!tpu.dma_semaphore, #tpu.memory_space<semaphore_mem>>)
      %dma_wait3A_350 = arith.constant 0 : i32
      %dma_wait3A_351 = tpu.memref_slice %arg4[%add3A_174, %dma_wait3A_350] : memref<2048x1024xf32, #tpu.memory_space<hbm>> -> memref<16x1024xf32, #tpu.memory_space<hbm>>
      %dma_wait3A_352 = arith.constant 0 : i32
      %dma_wait3A_353 = tpu.memref_slice %arg4[%add3A_174, %dma_wait3A_352] : memref<2048x1024xf32, #tpu.memory_space<hbm>> -> memref<16x1024xf32, #tpu.memory_space<hbm>>
      tpu.wait_dma2 semaphore(%run_scoped3A_345 : memref<!tpu.dma_semaphore, #tpu.memory_space<semaphore_mem>>) src(%arg5 : memref<16x1024xf32, #tpu.memory_space<vmem>>) dst(%dma_wait3A_353 : memref<16x1024xf32, #tpu.memory_space<hbm>>)
      tpu.yield
    }) : () -> ()
    %mul3A_258 = arith.constant 64 : i32
    %mul3A_259 = arith.muli %add3A, %mul3A_258 : i32
    %add3A_260 = arith.constant 48 : i32
    %add3A_261 = arith.addi %mul3A_259, %add3A_260 : i32
    %run_scoped3A_262 = arith.constant 0 : i32
    %run_scoped3A_263 = arith.constant 0 : i32
    %run_scoped3A_264 = arith.constant 0 : i32
    "tpu.region"() ({
      %run_scoped3A_345 = tpu.sem_alloc : memref<!tpu.dma_semaphore, #tpu.memory_space<semaphore_mem>>
      %dma_start3A_346 = arith.constant 0 : i32
      %dma_start3A_347 = tpu.memref_slice %arg9[%run_scoped3A_263, %run_scoped3A_264, %dma_start3A_346] : memref<4x1x16xi32, #tpu.memory_space<vmem>> -> memref<1x1x16xi32, #tpu.memory_space<vmem>>
      %dma_start3A_348 = tpu.memref_squeeze %dma_start3A_347 : memref<1x1x16xi32, #tpu.memory_space<vmem>> -> memref<16xi32, #tpu.memory_space<vmem>>
      %dma_start3A_349 = tpu.memref_slice %arg3[%run_scoped3A_262, %add3A_261] : memref<4x2048xi32, #tpu.memory_space<hbm>> -> memref<1x16xi32, #tpu.memory_space<hbm>>
      %dma_start3A_350 = tpu.memref_squeeze %dma_start3A_349 : memref<1x16xi32, #tpu.memory_space<hbm>> -> memref<16xi32, #tpu.memory_space<hbm>>
      %dma_start3A_351 = arith.constant 0 : i32
      %dma_start3A_352 = tpu.memref_slice %arg9[%run_scoped3A_263, %run_scoped3A_264, %dma_start3A_351] : memref<4x1x16xi32, #tpu.memory_space<vmem>> -> memref<1x1x16xi32, #tpu.memory_space<vmem>>
      %dma_start3A_353 = tpu.memref_squeeze %dma_start3A_352 : memref<1x1x16xi32, #tpu.memory_space<vmem>> -> memref<16xi32, #tpu.memory_space<vmem>>
      %dma_start3A_354 = tpu.memref_slice %arg3[%run_scoped3A_262, %add3A_261] : memref<4x2048xi32, #tpu.memory_space<hbm>> -> memref<1x16xi32, #tpu.memory_space<hbm>>
      %dma_start3A_355 = tpu.memref_squeeze %dma_start3A_354 : memref<1x16xi32, #tpu.memory_space<hbm>> -> memref<16xi32, #tpu.memory_space<hbm>>
      tpu.enqueue_dma source(%dma_start3A_355 : memref<16xi32, #tpu.memory_space<hbm>>) target(%dma_start3A_353 : memref<16xi32, #tpu.memory_space<vmem>>) target_semaphore(%run_scoped3A_345 : memref<!tpu.dma_semaphore, #tpu.memory_space<semaphore_mem>>)
      %dma_wait3A_356 = arith.constant 0 : i32
      %dma_wait3A_357 = tpu.memref_slice %arg9[%run_scoped3A_263, %run_scoped3A_264, %dma_wait3A_356] : memref<4x1x16xi32, #tpu.memory_space<vmem>> -> memref<1x1x16xi32, #tpu.memory_space<vmem>>
      %dma_wait3A_358 = tpu.memref_squeeze %dma_wait3A_357 : memref<1x1x16xi32, #tpu.memory_space<vmem>> -> memref<16xi32, #tpu.memory_space<vmem>>
      %dma_wait3A_359 = tpu.memref_slice %arg3[%run_scoped3A_262, %add3A_261] : memref<4x2048xi32, #tpu.memory_space<hbm>> -> memref<1x16xi32, #tpu.memory_space<hbm>>
      %dma_wait3A_360 = tpu.memref_squeeze %dma_wait3A_359 : memref<1x16xi32, #tpu.memory_space<hbm>> -> memref<16xi32, #tpu.memory_space<hbm>>
      %dma_wait3A_361 = arith.constant 0 : i32
      %dma_wait3A_362 = tpu.memref_slice %arg9[%run_scoped3A_263, %run_scoped3A_264, %dma_wait3A_361] : memref<4x1x16xi32, #tpu.memory_space<vmem>> -> memref<1x1x16xi32, #tpu.memory_space<vmem>>
      %dma_wait3A_363 = tpu.memref_squeeze %dma_wait3A_362 : memref<1x1x16xi32, #tpu.memory_space<vmem>> -> memref<16xi32, #tpu.memory_space<vmem>>
      %dma_wait3A_364 = tpu.memref_slice %arg3[%run_scoped3A_262, %add3A_261] : memref<4x2048xi32, #tpu.memory_space<hbm>> -> memref<1x16xi32, #tpu.memory_space<hbm>>
      %dma_wait3A_365 = tpu.memref_squeeze %dma_wait3A_364 : memref<1x16xi32, #tpu.memory_space<hbm>> -> memref<16xi32, #tpu.memory_space<hbm>>
      tpu.wait_dma2 semaphore(%run_scoped3A_345 : memref<!tpu.dma_semaphore, #tpu.memory_space<semaphore_mem>>) src(%dma_wait3A_365 : memref<16xi32, #tpu.memory_space<hbm>>) dst(%dma_wait3A_363 : memref<16xi32, #tpu.memory_space<vmem>>)
      tpu.yield
    }) : () -> ()
    %run_scoped3A_265 = arith.constant 1 : i32
    %run_scoped3A_266 = arith.constant 1 : i32
    %run_scoped3A_267 = arith.constant 0 : i32
    "tpu.region"() ({
      %run_scoped3A_345 = tpu.sem_alloc : memref<!tpu.dma_semaphore, #tpu.memory_space<semaphore_mem>>
      %dma_start3A_346 = arith.constant 0 : i32
      %dma_start3A_347 = tpu.memref_slice %arg9[%run_scoped3A_266, %run_scoped3A_267, %dma_start3A_346] : memref<4x1x16xi32, #tpu.memory_space<vmem>> -> memref<1x1x16xi32, #tpu.memory_space<vmem>>
      %dma_start3A_348 = tpu.memref_squeeze %dma_start3A_347 : memref<1x1x16xi32, #tpu.memory_space<vmem>> -> memref<16xi32, #tpu.memory_space<vmem>>
      %dma_start3A_349 = tpu.memref_slice %arg3[%run_scoped3A_265, %add3A_261] : memref<4x2048xi32, #tpu.memory_space<hbm>> -> memref<1x16xi32, #tpu.memory_space<hbm>>
      %dma_start3A_350 = tpu.memref_squeeze %dma_start3A_349 : memref<1x16xi32, #tpu.memory_space<hbm>> -> memref<16xi32, #tpu.memory_space<hbm>>
      %dma_start3A_351 = arith.constant 0 : i32
      %dma_start3A_352 = tpu.memref_slice %arg9[%run_scoped3A_266, %run_scoped3A_267, %dma_start3A_351] : memref<4x1x16xi32, #tpu.memory_space<vmem>> -> memref<1x1x16xi32, #tpu.memory_space<vmem>>
      %dma_start3A_353 = tpu.memref_squeeze %dma_start3A_352 : memref<1x1x16xi32, #tpu.memory_space<vmem>> -> memref<16xi32, #tpu.memory_space<vmem>>
      %dma_start3A_354 = tpu.memref_slice %arg3[%run_scoped3A_265, %add3A_261] : memref<4x2048xi32, #tpu.memory_space<hbm>> -> memref<1x16xi32, #tpu.memory_space<hbm>>
      %dma_start3A_355 = tpu.memref_squeeze %dma_start3A_354 : memref<1x16xi32, #tpu.memory_space<hbm>> -> memref<16xi32, #tpu.memory_space<hbm>>
      tpu.enqueue_dma source(%dma_start3A_355 : memref<16xi32, #tpu.memory_space<hbm>>) target(%dma_start3A_353 : memref<16xi32, #tpu.memory_space<vmem>>) target_semaphore(%run_scoped3A_345 : memref<!tpu.dma_semaphore, #tpu.memory_space<semaphore_mem>>)
      %dma_wait3A_356 = arith.constant 0 : i32
      %dma_wait3A_357 = tpu.memref_slice %arg9[%run_scoped3A_266, %run_scoped3A_267, %dma_wait3A_356] : memref<4x1x16xi32, #tpu.memory_space<vmem>> -> memref<1x1x16xi32, #tpu.memory_space<vmem>>
      %dma_wait3A_358 = tpu.memref_squeeze %dma_wait3A_357 : memref<1x1x16xi32, #tpu.memory_space<vmem>> -> memref<16xi32, #tpu.memory_space<vmem>>
      %dma_wait3A_359 = tpu.memref_slice %arg3[%run_scoped3A_265, %add3A_261] : memref<4x2048xi32, #tpu.memory_space<hbm>> -> memref<1x16xi32, #tpu.memory_space<hbm>>
      %dma_wait3A_360 = tpu.memref_squeeze %dma_wait3A_359 : memref<1x16xi32, #tpu.memory_space<hbm>> -> memref<16xi32, #tpu.memory_space<hbm>>
      %dma_wait3A_361 = arith.constant 0 : i32
      %dma_wait3A_362 = tpu.memref_slice %arg9[%run_scoped3A_266, %run_scoped3A_267, %dma_wait3A_361] : memref<4x1x16xi32, #tpu.memory_space<vmem>> -> memref<1x1x16xi32, #tpu.memory_space<vmem>>
      %dma_wait3A_363 = tpu.memref_squeeze %dma_wait3A_362 : memref<1x1x16xi32, #tpu.memory_space<vmem>> -> memref<16xi32, #tpu.memory_space<vmem>>
      %dma_wait3A_364 = tpu.memref_slice %arg3[%run_scoped3A_265, %add3A_261] : memref<4x2048xi32, #tpu.memory_space<hbm>> -> memref<1x16xi32, #tpu.memory_space<hbm>>
      %dma_wait3A_365 = tpu.memref_squeeze %dma_wait3A_364 : memref<1x16xi32, #tpu.memory_space<hbm>> -> memref<16xi32, #tpu.memory_space<hbm>>
      tpu.wait_dma2 semaphore(%run_scoped3A_345 : memref<!tpu.dma_semaphore, #tpu.memory_space<semaphore_mem>>) src(%dma_wait3A_365 : memref<16xi32, #tpu.memory_space<hbm>>) dst(%dma_wait3A_363 : memref<16xi32, #tpu.memory_space<vmem>>)
      tpu.yield
    }) : () -> ()
    %run_scoped3A_268 = arith.constant 2 : i32
    %run_scoped3A_269 = arith.constant 2 : i32
    %run_scoped3A_270 = arith.constant 0 : i32
    "tpu.region"() ({
      %run_scoped3A_345 = tpu.sem_alloc : memref<!tpu.dma_semaphore, #tpu.memory_space<semaphore_mem>>
      %dma_start3A_346 = arith.constant 0 : i32
      %dma_start3A_347 = tpu.memref_slice %arg9[%run_scoped3A_269, %run_scoped3A_270, %dma_start3A_346] : memref<4x1x16xi32, #tpu.memory_space<vmem>> -> memref<1x1x16xi32, #tpu.memory_space<vmem>>
      %dma_start3A_348 = tpu.memref_squeeze %dma_start3A_347 : memref<1x1x16xi32, #tpu.memory_space<vmem>> -> memref<16xi32, #tpu.memory_space<vmem>>
      %dma_start3A_349 = tpu.memref_slice %arg3[%run_scoped3A_268, %add3A_261] : memref<4x2048xi32, #tpu.memory_space<hbm>> -> memref<1x16xi32, #tpu.memory_space<hbm>>
      %dma_start3A_350 = tpu.memref_squeeze %dma_start3A_349 : memref<1x16xi32, #tpu.memory_space<hbm>> -> memref<16xi32, #tpu.memory_space<hbm>>
      %dma_start3A_351 = arith.constant 0 : i32
      %dma_start3A_352 = tpu.memref_slice %arg9[%run_scoped3A_269, %run_scoped3A_270, %dma_start3A_351] : memref<4x1x16xi32, #tpu.memory_space<vmem>> -> memref<1x1x16xi32, #tpu.memory_space<vmem>>
      %dma_start3A_353 = tpu.memref_squeeze %dma_start3A_352 : memref<1x1x16xi32, #tpu.memory_space<vmem>> -> memref<16xi32, #tpu.memory_space<vmem>>
      %dma_start3A_354 = tpu.memref_slice %arg3[%run_scoped3A_268, %add3A_261] : memref<4x2048xi32, #tpu.memory_space<hbm>> -> memref<1x16xi32, #tpu.memory_space<hbm>>
      %dma_start3A_355 = tpu.memref_squeeze %dma_start3A_354 : memref<1x16xi32, #tpu.memory_space<hbm>> -> memref<16xi32, #tpu.memory_space<hbm>>
      tpu.enqueue_dma source(%dma_start3A_355 : memref<16xi32, #tpu.memory_space<hbm>>) target(%dma_start3A_353 : memref<16xi32, #tpu.memory_space<vmem>>) target_semaphore(%run_scoped3A_345 : memref<!tpu.dma_semaphore, #tpu.memory_space<semaphore_mem>>)
      %dma_wait3A_356 = arith.constant 0 : i32
      %dma_wait3A_357 = tpu.memref_slice %arg9[%run_scoped3A_269, %run_scoped3A_270, %dma_wait3A_356] : memref<4x1x16xi32, #tpu.memory_space<vmem>> -> memref<1x1x16xi32, #tpu.memory_space<vmem>>
      %dma_wait3A_358 = tpu.memref_squeeze %dma_wait3A_357 : memref<1x1x16xi32, #tpu.memory_space<vmem>> -> memref<16xi32, #tpu.memory_space<vmem>>
      %dma_wait3A_359 = tpu.memref_slice %arg3[%run_scoped3A_268, %add3A_261] : memref<4x2048xi32, #tpu.memory_space<hbm>> -> memref<1x16xi32, #tpu.memory_space<hbm>>
      %dma_wait3A_360 = tpu.memref_squeeze %dma_wait3A_359 : memref<1x16xi32, #tpu.memory_space<hbm>> -> memref<16xi32, #tpu.memory_space<hbm>>
      %dma_wait3A_361 = arith.constant 0 : i32
      %dma_wait3A_362 = tpu.memref_slice %arg9[%run_scoped3A_269, %run_scoped3A_270, %dma_wait3A_361] : memref<4x1x16xi32, #tpu.memory_space<vmem>> -> memref<1x1x16xi32, #tpu.memory_space<vmem>>
      %dma_wait3A_363 = tpu.memref_squeeze %dma_wait3A_362 : memref<1x1x16xi32, #tpu.memory_space<vmem>> -> memref<16xi32, #tpu.memory_space<vmem>>
      %dma_wait3A_364 = tpu.memref_slice %arg3[%run_scoped3A_268, %add3A_261] : memref<4x2048xi32, #tpu.memory_space<hbm>> -> memref<1x16xi32, #tpu.memory_space<hbm>>
      %dma_wait3A_365 = tpu.memref_squeeze %dma_wait3A_364 : memref<1x16xi32, #tpu.memory_space<hbm>> -> memref<16xi32, #tpu.memory_space<hbm>>
      tpu.wait_dma2 semaphore(%run_scoped3A_345 : memref<!tpu.dma_semaphore, #tpu.memory_space<semaphore_mem>>) src(%dma_wait3A_365 : memref<16xi32, #tpu.memory_space<hbm>>) dst(%dma_wait3A_363 : memref<16xi32, #tpu.memory_space<vmem>>)
      tpu.yield
    }) : () -> ()
    %run_scoped3A_271 = arith.constant 3 : i32
    %run_scoped3A_272 = arith.constant 3 : i32
    %run_scoped3A_273 = arith.constant 0 : i32
    "tpu.region"() ({
      %run_scoped3A_345 = tpu.sem_alloc : memref<!tpu.dma_semaphore, #tpu.memory_space<semaphore_mem>>
      %dma_start3A_346 = arith.constant 0 : i32
      %dma_start3A_347 = tpu.memref_slice %arg9[%run_scoped3A_272, %run_scoped3A_273, %dma_start3A_346] : memref<4x1x16xi32, #tpu.memory_space<vmem>> -> memref<1x1x16xi32, #tpu.memory_space<vmem>>
      %dma_start3A_348 = tpu.memref_squeeze %dma_start3A_347 : memref<1x1x16xi32, #tpu.memory_space<vmem>> -> memref<16xi32, #tpu.memory_space<vmem>>
      %dma_start3A_349 = tpu.memref_slice %arg3[%run_scoped3A_271, %add3A_261] : memref<4x2048xi32, #tpu.memory_space<hbm>> -> memref<1x16xi32, #tpu.memory_space<hbm>>
      %dma_start3A_350 = tpu.memref_squeeze %dma_start3A_349 : memref<1x16xi32, #tpu.memory_space<hbm>> -> memref<16xi32, #tpu.memory_space<hbm>>
      %dma_start3A_351 = arith.constant 0 : i32
      %dma_start3A_352 = tpu.memref_slice %arg9[%run_scoped3A_272, %run_scoped3A_273, %dma_start3A_351] : memref<4x1x16xi32, #tpu.memory_space<vmem>> -> memref<1x1x16xi32, #tpu.memory_space<vmem>>
      %dma_start3A_353 = tpu.memref_squeeze %dma_start3A_352 : memref<1x1x16xi32, #tpu.memory_space<vmem>> -> memref<16xi32, #tpu.memory_space<vmem>>
      %dma_start3A_354 = tpu.memref_slice %arg3[%run_scoped3A_271, %add3A_261] : memref<4x2048xi32, #tpu.memory_space<hbm>> -> memref<1x16xi32, #tpu.memory_space<hbm>>
      %dma_start3A_355 = tpu.memref_squeeze %dma_start3A_354 : memref<1x16xi32, #tpu.memory_space<hbm>> -> memref<16xi32, #tpu.memory_space<hbm>>
      tpu.enqueue_dma source(%dma_start3A_355 : memref<16xi32, #tpu.memory_space<hbm>>) target(%dma_start3A_353 : memref<16xi32, #tpu.memory_space<vmem>>) target_semaphore(%run_scoped3A_345 : memref<!tpu.dma_semaphore, #tpu.memory_space<semaphore_mem>>)
      %dma_wait3A_356 = arith.constant 0 : i32
      %dma_wait3A_357 = tpu.memref_slice %arg9[%run_scoped3A_272, %run_scoped3A_273, %dma_wait3A_356] : memref<4x1x16xi32, #tpu.memory_space<vmem>> -> memref<1x1x16xi32, #tpu.memory_space<vmem>>
      %dma_wait3A_358 = tpu.memref_squeeze %dma_wait3A_357 : memref<1x1x16xi32, #tpu.memory_space<vmem>> -> memref<16xi32, #tpu.memory_space<vmem>>
      %dma_wait3A_359 = tpu.memref_slice %arg3[%run_scoped3A_271, %add3A_261] : memref<4x2048xi32, #tpu.memory_space<hbm>> -> memref<1x16xi32, #tpu.memory_space<hbm>>
      %dma_wait3A_360 = tpu.memref_squeeze %dma_wait3A_359 : memref<1x16xi32, #tpu.memory_space<hbm>> -> memref<16xi32, #tpu.memory_space<hbm>>
      %dma_wait3A_361 = arith.constant 0 : i32
      %dma_wait3A_362 = tpu.memref_slice %arg9[%run_scoped3A_272, %run_scoped3A_273, %dma_wait3A_361] : memref<4x1x16xi32, #tpu.memory_space<vmem>> -> memref<1x1x16xi32, #tpu.memory_space<vmem>>
      %dma_wait3A_363 = tpu.memref_squeeze %dma_wait3A_362 : memref<1x1x16xi32, #tpu.memory_space<vmem>> -> memref<16xi32, #tpu.memory_space<vmem>>
      %dma_wait3A_364 = tpu.memref_slice %arg3[%run_scoped3A_271, %add3A_261] : memref<4x2048xi32, #tpu.memory_space<hbm>> -> memref<1x16xi32, #tpu.memory_space<hbm>>
      %dma_wait3A_365 = tpu.memref_squeeze %dma_wait3A_364 : memref<1x16xi32, #tpu.memory_space<hbm>> -> memref<16xi32, #tpu.memory_space<hbm>>
      tpu.wait_dma2 semaphore(%run_scoped3A_345 : memref<!tpu.dma_semaphore, #tpu.memory_space<semaphore_mem>>) src(%dma_wait3A_365 : memref<16xi32, #tpu.memory_space<hbm>>) dst(%dma_wait3A_363 : memref<16xi32, #tpu.memory_space<vmem>>)
      tpu.yield
    }) : () -> ()
    %dma_start3A_274 = arith.constant 0 : i32
    %dma_start3A_275 = arith.constant 0 : i32
    %dma_start3A_276 = arith.constant 0 : i32
    %dma_start3A_277 = tpu.memref_slice %arg9[%dma_start3A_274, %dma_start3A_275, %dma_start3A_276] : memref<4x1x16xi32, #tpu.memory_space<vmem>> -> memref<1x1x16xi32, #tpu.memory_space<vmem>>
    %dma_start3A_278 = tpu.memref_squeeze %dma_start3A_277 : memref<1x1x16xi32, #tpu.memory_space<vmem>> -> memref<16xi32, #tpu.memory_space<vmem>>
    %dma_start3A_279 = arith.constant 0 : i32
    %dma_start3A_280 = arith.constant 0 : i32
    %dma_start3A_281 = tpu.memref_slice %arg2[%dma_start3A_279, %dma_start3A_280] : memref<12288x1024xf32, #tpu.memory_space<hbm>> -> memref<12288x1024xf32, #tpu.memory_space<hbm>>
    tpu.enqueue_indirect_dma source(%dma_start3A_281 : memref<12288x1024xf32, #tpu.memory_space<hbm>>) target(%arg5 : memref<16x1024xf32, #tpu.memory_space<vmem>>) offsets(%dma_start3A_278 : memref<16xi32, #tpu.memory_space<vmem>>) semaphore(%arg10 : memref<!tpu.dma_semaphore, #tpu.memory_space<semaphore_mem>>)
    %dma_start3A_282 = arith.constant 1 : i32
    %dma_start3A_283 = arith.constant 0 : i32
    %dma_start3A_284 = arith.constant 0 : i32
    %dma_start3A_285 = tpu.memref_slice %arg9[%dma_start3A_282, %dma_start3A_283, %dma_start3A_284] : memref<4x1x16xi32, #tpu.memory_space<vmem>> -> memref<1x1x16xi32, #tpu.memory_space<vmem>>
    %dma_start3A_286 = tpu.memref_squeeze %dma_start3A_285 : memref<1x1x16xi32, #tpu.memory_space<vmem>> -> memref<16xi32, #tpu.memory_space<vmem>>
    %dma_start3A_287 = arith.constant 0 : i32
    %dma_start3A_288 = arith.constant 0 : i32
    %dma_start3A_289 = tpu.memref_slice %arg2[%dma_start3A_287, %dma_start3A_288] : memref<12288x1024xf32, #tpu.memory_space<hbm>> -> memref<12288x1024xf32, #tpu.memory_space<hbm>>
    tpu.enqueue_indirect_dma source(%dma_start3A_289 : memref<12288x1024xf32, #tpu.memory_space<hbm>>) target(%arg6 : memref<16x1024xf32, #tpu.memory_space<vmem>>) offsets(%dma_start3A_286 : memref<16xi32, #tpu.memory_space<vmem>>) semaphore(%arg10 : memref<!tpu.dma_semaphore, #tpu.memory_space<semaphore_mem>>)
    %dma_start3A_290 = arith.constant 2 : i32
    %dma_start3A_291 = arith.constant 0 : i32
    %dma_start3A_292 = arith.constant 0 : i32
    %dma_start3A_293 = tpu.memref_slice %arg9[%dma_start3A_290, %dma_start3A_291, %dma_start3A_292] : memref<4x1x16xi32, #tpu.memory_space<vmem>> -> memref<1x1x16xi32, #tpu.memory_space<vmem>>
    %dma_start3A_294 = tpu.memref_squeeze %dma_start3A_293 : memref<1x1x16xi32, #tpu.memory_space<vmem>> -> memref<16xi32, #tpu.memory_space<vmem>>
    %dma_start3A_295 = arith.constant 0 : i32
    %dma_start3A_296 = arith.constant 0 : i32
    %dma_start3A_297 = tpu.memref_slice %arg2[%dma_start3A_295, %dma_start3A_296] : memref<12288x1024xf32, #tpu.memory_space<hbm>> -> memref<12288x1024xf32, #tpu.memory_space<hbm>>
    tpu.enqueue_indirect_dma source(%dma_start3A_297 : memref<12288x1024xf32, #tpu.memory_space<hbm>>) target(%arg7 : memref<16x1024xf32, #tpu.memory_space<vmem>>) offsets(%dma_start3A_294 : memref<16xi32, #tpu.memory_space<vmem>>) semaphore(%arg10 : memref<!tpu.dma_semaphore, #tpu.memory_space<semaphore_mem>>)
    %dma_start3A_298 = arith.constant 3 : i32
    %dma_start3A_299 = arith.constant 0 : i32
    %dma_start3A_300 = arith.constant 0 : i32
    %dma_start3A_301 = tpu.memref_slice %arg9[%dma_start3A_298, %dma_start3A_299, %dma_start3A_300] : memref<4x1x16xi32, #tpu.memory_space<vmem>> -> memref<1x1x16xi32, #tpu.memory_space<vmem>>
    %dma_start3A_302 = tpu.memref_squeeze %dma_start3A_301 : memref<1x1x16xi32, #tpu.memory_space<vmem>> -> memref<16xi32, #tpu.memory_space<vmem>>
    %dma_start3A_303 = arith.constant 0 : i32
    %dma_start3A_304 = arith.constant 0 : i32
    %dma_start3A_305 = tpu.memref_slice %arg2[%dma_start3A_303, %dma_start3A_304] : memref<12288x1024xf32, #tpu.memory_space<hbm>> -> memref<12288x1024xf32, #tpu.memory_space<hbm>>
    tpu.enqueue_indirect_dma source(%dma_start3A_305 : memref<12288x1024xf32, #tpu.memory_space<hbm>>) target(%arg8 : memref<16x1024xf32, #tpu.memory_space<vmem>>) offsets(%dma_start3A_302 : memref<16xi32, #tpu.memory_space<vmem>>) semaphore(%arg10 : memref<!tpu.dma_semaphore, #tpu.memory_space<semaphore_mem>>)
    %dma_wait3A_306 = arith.constant 0 : i32
    %dma_wait3A_307 = arith.constant 0 : i32
    %dma_wait3A_308 = arith.constant 0 : i32
    %dma_wait3A_309 = tpu.memref_slice %arg9[%dma_wait3A_306, %dma_wait3A_307, %dma_wait3A_308] : memref<4x1x16xi32, #tpu.memory_space<vmem>> -> memref<1x1x16xi32, #tpu.memory_space<vmem>>
    %dma_wait3A_310 = tpu.memref_squeeze %dma_wait3A_309 : memref<1x1x16xi32, #tpu.memory_space<vmem>> -> memref<16xi32, #tpu.memory_space<vmem>>
    %dma_wait3A_311 = arith.constant 0 : i32
    %dma_wait3A_312 = arith.constant 0 : i32
    %dma_wait3A_313 = tpu.memref_slice %arg2[%dma_wait3A_311, %dma_wait3A_312] : memref<12288x1024xf32, #tpu.memory_space<hbm>> -> memref<12288x1024xf32, #tpu.memory_space<hbm>>
    tpu.wait_indirect_dma semaphore(%arg10 : memref<!tpu.dma_semaphore, #tpu.memory_space<semaphore_mem>>) src(%dma_wait3A_313 : memref<12288x1024xf32, #tpu.memory_space<hbm>>) dst(%arg5 : memref<16x1024xf32, #tpu.memory_space<vmem>>)
    %dma_wait3A_314 = arith.constant 1 : i32
    %dma_wait3A_315 = arith.constant 0 : i32
    %dma_wait3A_316 = arith.constant 0 : i32
    %dma_wait3A_317 = tpu.memref_slice %arg9[%dma_wait3A_314, %dma_wait3A_315, %dma_wait3A_316] : memref<4x1x16xi32, #tpu.memory_space<vmem>> -> memref<1x1x16xi32, #tpu.memory_space<vmem>>
    %dma_wait3A_318 = tpu.memref_squeeze %dma_wait3A_317 : memref<1x1x16xi32, #tpu.memory_space<vmem>> -> memref<16xi32, #tpu.memory_space<vmem>>
    %dma_wait3A_319 = arith.constant 0 : i32
    %dma_wait3A_320 = arith.constant 0 : i32
    %dma_wait3A_321 = tpu.memref_slice %arg2[%dma_wait3A_319, %dma_wait3A_320] : memref<12288x1024xf32, #tpu.memory_space<hbm>> -> memref<12288x1024xf32, #tpu.memory_space<hbm>>
    tpu.wait_indirect_dma semaphore(%arg10 : memref<!tpu.dma_semaphore, #tpu.memory_space<semaphore_mem>>) src(%dma_wait3A_321 : memref<12288x1024xf32, #tpu.memory_space<hbm>>) dst(%arg6 : memref<16x1024xf32, #tpu.memory_space<vmem>>)
    %dma_wait3A_322 = arith.constant 2 : i32
    %dma_wait3A_323 = arith.constant 0 : i32
    %dma_wait3A_324 = arith.constant 0 : i32
    %dma_wait3A_325 = tpu.memref_slice %arg9[%dma_wait3A_322, %dma_wait3A_323, %dma_wait3A_324] : memref<4x1x16xi32, #tpu.memory_space<vmem>> -> memref<1x1x16xi32, #tpu.memory_space<vmem>>
    %dma_wait3A_326 = tpu.memref_squeeze %dma_wait3A_325 : memref<1x1x16xi32, #tpu.memory_space<vmem>> -> memref<16xi32, #tpu.memory_space<vmem>>
    %dma_wait3A_327 = arith.constant 0 : i32
    %dma_wait3A_328 = arith.constant 0 : i32
    %dma_wait3A_329 = tpu.memref_slice %arg2[%dma_wait3A_327, %dma_wait3A_328] : memref<12288x1024xf32, #tpu.memory_space<hbm>> -> memref<12288x1024xf32, #tpu.memory_space<hbm>>
    tpu.wait_indirect_dma semaphore(%arg10 : memref<!tpu.dma_semaphore, #tpu.memory_space<semaphore_mem>>) src(%dma_wait3A_329 : memref<12288x1024xf32, #tpu.memory_space<hbm>>) dst(%arg7 : memref<16x1024xf32, #tpu.memory_space<vmem>>)
    %dma_wait3A_330 = arith.constant 3 : i32
    %dma_wait3A_331 = arith.constant 0 : i32
    %dma_wait3A_332 = arith.constant 0 : i32
    %dma_wait3A_333 = tpu.memref_slice %arg9[%dma_wait3A_330, %dma_wait3A_331, %dma_wait3A_332] : memref<4x1x16xi32, #tpu.memory_space<vmem>> -> memref<1x1x16xi32, #tpu.memory_space<vmem>>
    %dma_wait3A_334 = tpu.memref_squeeze %dma_wait3A_333 : memref<1x1x16xi32, #tpu.memory_space<vmem>> -> memref<16xi32, #tpu.memory_space<vmem>>
    %dma_wait3A_335 = arith.constant 0 : i32
    %dma_wait3A_336 = arith.constant 0 : i32
    %dma_wait3A_337 = tpu.memref_slice %arg2[%dma_wait3A_335, %dma_wait3A_336] : memref<12288x1024xf32, #tpu.memory_space<hbm>> -> memref<12288x1024xf32, #tpu.memory_space<hbm>>
    tpu.wait_indirect_dma semaphore(%arg10 : memref<!tpu.dma_semaphore, #tpu.memory_space<semaphore_mem>>) src(%dma_wait3A_337 : memref<12288x1024xf32, #tpu.memory_space<hbm>>) dst(%arg8 : memref<16x1024xf32, #tpu.memory_space<vmem>>)
    %scan3A_338 = arith.constant 0 : i32
    %scan3A_339 = arith.constant 0 : i32
    %scan3A_340 = arith.constant 16 : i32
    %scan3A_341 = arith.addi %scan3A_339, %scan3A_340 : i32
    %scan3A_342 = arith.constant 1 : i32
    %scan3A_343 = scf.for %scan3A_345 = %scan3A_339 to %scan3A_341 step %scan3A_342 iter_args(%scan3A_346 = %scan3A_338) -> (i32)  : i32 {
      %scan3A_347 = arith.constant 0 : i32
      %scan3A_348 = arith.constant 0 : i32
      %scan3A_349 = arith.constant 64 : i32
      %scan3A_350 = arith.addi %scan3A_348, %scan3A_349 : i32
      %scan3A_351 = arith.constant 8 : i32
      %scan3A_352 = scf.for %scan3A_354 = %scan3A_348 to %scan3A_350 step %scan3A_351 iter_args(%scan3A_355 = %scan3A_347) -> (i32)  : i32 {
        %mul3A_356 = arith.constant 16 : i32
        %mul3A_357 = arith.muli %scan3A_354, %mul3A_356 : i32
        %get3A = arith.index_cast %scan3A_345 : i32 to index
        %get3A_358 = arith.index_cast %mul3A_357 : i32 to index
        %get3A_359 = tpu.vector_load %arg5[%get3A, %get3A_358] {strides = array<i32>} : memref<16x1024xf32, #tpu.memory_space<vmem>>, vector<1x16xf32>,
        %get3A_360 = vector.shape_cast %get3A_359 : vector<1x16xf32> to vector<16xf32>
        %get3A_361 = arith.index_cast %scan3A_345 : i32 to index
        %get3A_362 = arith.index_cast %mul3A_357 : i32 to index
        %get3A_363 = tpu.vector_load %arg6[%get3A_361, %get3A_362] {strides = array<i32>} : memref<16x1024xf32, #tpu.memory_space<vmem>>, vector<1x16xf32>,
        %get3A_364 = vector.shape_cast %get3A_363 : vector<1x16xf32> to vector<16xf32>
        %add3A_365 = arith.addf %get3A_360, %get3A_364 : vector<16xf32>
        %get3A_366 = arith.index_cast %scan3A_345 : i32 to index
        %get3A_367 = arith.index_cast %mul3A_357 : i32 to index
        %get3A_368 = tpu.vector_load %arg7[%get3A_366, %get3A_367] {strides = array<i32>} : memref<16x1024xf32, #tpu.memory_space<vmem>>, vector<1x16xf32>,
        %get3A_369 = vector.shape_cast %get3A_368 : vector<1x16xf32> to vector<16xf32>
        %get3A_370 = arith.index_cast %scan3A_345 : i32 to index
        %get3A_371 = arith.index_cast %mul3A_357 : i32 to index
        %get3A_372 = tpu.vector_load %arg8[%get3A_370, %get3A_371] {strides = array<i32>} : memref<16x1024xf32, #tpu.memory_space<vmem>>, vector<1x16xf32>,
        %get3A_373 = vector.shape_cast %get3A_372 : vector<1x16xf32> to vector<16xf32>
        %add3A_374 = arith.addf %get3A_369, %get3A_373 : vector<16xf32>
        %add3A_375 = arith.addf %add3A_365, %add3A_374 : vector<16xf32>
        %swap3A = arith.index_cast %scan3A_345 : i32 to index
        %swap3A_376 = arith.index_cast %mul3A_357 : i32 to index
        %swap3A_377 = tpu.vector_load %arg5[%swap3A, %swap3A_376] {strides = array<i32>} : memref<16x1024xf32, #tpu.memory_space<vmem>>, vector<1x16xf32>,
        %swap3A_378 = vector.shape_cast %swap3A_377 : vector<1x16xf32> to vector<16xf32>
        %swap3A_379 = vector.shape_cast %add3A_375 : vector<16xf32> to vector<1x16xf32>
        tpu.vector_store %arg5[%swap3A, %swap3A_376], %swap3A_379 {strides = array<i32>} : memref<16x1024xf32, #tpu.memory_space<vmem>>, vector<1x16xf32>,
        %scan3A_380 = arith.constant 0 : i32
        %scan3A_381 = arith.constant 1 : i32
        %scan3A_382 = arith.addi %scan3A_354, %scan3A_381 : i32
        %mul3A_383 = arith.constant 16 : i32
        %mul3A_384 = arith.muli %scan3A_382, %mul3A_383 : i32
        %get3A_385 = arith.index_cast %scan3A_345 : i32 to index
        %get3A_386 = arith.index_cast %mul3A_384 : i32 to index
        %get3A_387 = tpu.vector_load %arg5[%get3A_385, %get3A_386] {strides = array<i32>} : memref<16x1024xf32, #tpu.memory_space<vmem>>, vector<1x16xf32>,
        %get3A_388 = vector.shape_cast %get3A_387 : vector<1x16xf32> to vector<16xf32>
        %get3A_389 = arith.index_cast %scan3A_345 : i32 to index
        %get3A_390 = arith.index_cast %mul3A_384 : i32 to index
        %get3A_391 = tpu.vector_load %arg6[%get3A_389, %get3A_390] {strides = array<i32>} : memref<16x1024xf32, #tpu.memory_space<vmem>>, vector<1x16xf32>,
        %get3A_392 = vector.shape_cast %get3A_391 : vector<1x16xf32> to vector<16xf32>
        %add3A_393 = arith.addf %get3A_388, %get3A_392 : vector<16xf32>
        %get3A_394 = arith.index_cast %scan3A_345 : i32 to index
        %get3A_395 = arith.index_cast %mul3A_384 : i32 to index
        %get3A_396 = tpu.vector_load %arg7[%get3A_394, %get3A_395] {strides = array<i32>} : memref<16x1024xf32, #tpu.memory_space<vmem>>, vector<1x16xf32>,
        %get3A_397 = vector.shape_cast %get3A_396 : vector<1x16xf32> to vector<16xf32>
        %get3A_398 = arith.index_cast %scan3A_345 : i32 to index
        %get3A_399 = arith.index_cast %mul3A_384 : i32 to index
        %get3A_400 = tpu.vector_load %arg8[%get3A_398, %get3A_399] {strides = array<i32>} : memref<16x1024xf32, #tpu.memory_space<vmem>>, vector<1x16xf32>,
        %get3A_401 = vector.shape_cast %get3A_400 : vector<1x16xf32> to vector<16xf32>
        %add3A_402 = arith.addf %get3A_397, %get3A_401 : vector<16xf32>
        %add3A_403 = arith.addf %add3A_393, %add3A_402 : vector<16xf32>
        %swap3A_404 = arith.index_cast %scan3A_345 : i32 to index
        %swap3A_405 = arith.index_cast %mul3A_384 : i32 to index
        %swap3A_406 = tpu.vector_load %arg5[%swap3A_404, %swap3A_405] {strides = array<i32>} : memref<16x1024xf32, #tpu.memory_space<vmem>>, vector<1x16xf32>,
        %swap3A_407 = vector.shape_cast %swap3A_406 : vector<1x16xf32> to vector<16xf32>
        %swap3A_408 = vector.shape_cast %add3A_403 : vector<16xf32> to vector<1x16xf32>
        tpu.vector_store %arg5[%swap3A_404, %swap3A_405], %swap3A_408 {strides = array<i32>} : memref<16x1024xf32, #tpu.memory_space<vmem>>, vector<1x16xf32>,
        %scan3A_409 = arith.constant 0 : i32
        %scan3A_410 = arith.constant 2 : i32
        %scan3A_411 = arith.addi %scan3A_354, %scan3A_410 : i32
        %mul3A_412 = arith.constant 16 : i32
        %mul3A_413 = arith.muli %scan3A_411, %mul3A_412 : i32
        %get3A_414 = arith.index_cast %scan3A_345 : i32 to index
        %get3A_415 = arith.index_cast %mul3A_413 : i32 to index
        %get3A_416 = tpu.vector_load %arg5[%get3A_414, %get3A_415] {strides = array<i32>} : memref<16x1024xf32, #tpu.memory_space<vmem>>, vector<1x16xf32>,
        %get3A_417 = vector.shape_cast %get3A_416 : vector<1x16xf32> to vector<16xf32>
        %get3A_418 = arith.index_cast %scan3A_345 : i32 to index
        %get3A_419 = arith.index_cast %mul3A_413 : i32 to index
        %get3A_420 = tpu.vector_load %arg6[%get3A_418, %get3A_419] {strides = array<i32>} : memref<16x1024xf32, #tpu.memory_space<vmem>>, vector<1x16xf32>,
        %get3A_421 = vector.shape_cast %get3A_420 : vector<1x16xf32> to vector<16xf32>
        %add3A_422 = arith.addf %get3A_417, %get3A_421 : vector<16xf32>
        %get3A_423 = arith.index_cast %scan3A_345 : i32 to index
        %get3A_424 = arith.index_cast %mul3A_413 : i32 to index
        %get3A_425 = tpu.vector_load %arg7[%get3A_423, %get3A_424] {strides = array<i32>} : memref<16x1024xf32, #tpu.memory_space<vmem>>, vector<1x16xf32>,
        %get3A_426 = vector.shape_cast %get3A_425 : vector<1x16xf32> to vector<16xf32>
        %get3A_427 = arith.index_cast %scan3A_345 : i32 to index
        %get3A_428 = arith.index_cast %mul3A_413 : i32 to index
        %get3A_429 = tpu.vector_load %arg8[%get3A_427, %get3A_428] {strides = array<i32>} : memref<16x1024xf32, #tpu.memory_space<vmem>>, vector<1x16xf32>,
        %get3A_430 = vector.shape_cast %get3A_429 : vector<1x16xf32> to vector<16xf32>
        %add3A_431 = arith.addf %get3A_426, %get3A_430 : vector<16xf32>
        %add3A_432 = arith.addf %add3A_422, %add3A_431 : vector<16xf32>
        %swap3A_433 = arith.index_cast %scan3A_345 : i32 to index
        %swap3A_434 = arith.index_cast %mul3A_413 : i32 to index
        %swap3A_435 = tpu.vector_load %arg5[%swap3A_433, %swap3A_434] {strides = array<i32>} : memref<16x1024xf32, #tpu.memory_space<vmem>>, vector<1x16xf32>,
        %swap3A_436 = vector.shape_cast %swap3A_435 : vector<1x16xf32> to vector<16xf32>
        %swap3A_437 = vector.shape_cast %add3A_432 : vector<16xf32> to vector<1x16xf32>
        tpu.vector_store %arg5[%swap3A_433, %swap3A_434], %swap3A_437 {strides = array<i32>} : memref<16x1024xf32, #tpu.memory_space<vmem>>, vector<1x16xf32>,
        %scan3A_438 = arith.constant 0 : i32
        %scan3A_439 = arith.constant 3 : i32
        %scan3A_440 = arith.addi %scan3A_354, %scan3A_439 : i32
        %mul3A_441 = arith.constant 16 : i32
        %mul3A_442 = arith.muli %scan3A_440, %mul3A_441 : i32
        %get3A_443 = arith.index_cast %scan3A_345 : i32 to index
        %get3A_444 = arith.index_cast %mul3A_442 : i32 to index
        %get3A_445 = tpu.vector_load %arg5[%get3A_443, %get3A_444] {strides = array<i32>} : memref<16x1024xf32, #tpu.memory_space<vmem>>, vector<1x16xf32>,
        %get3A_446 = vector.shape_cast %get3A_445 : vector<1x16xf32> to vector<16xf32>
        %get3A_447 = arith.index_cast %scan3A_345 : i32 to index
        %get3A_448 = arith.index_cast %mul3A_442 : i32 to index
        %get3A_449 = tpu.vector_load %arg6[%get3A_447, %get3A_448] {strides = array<i32>} : memref<16x1024xf32, #tpu.memory_space<vmem>>, vector<1x16xf32>,
        %get3A_450 = vector.shape_cast %get3A_449 : vector<1x16xf32> to vector<16xf32>
        %add3A_451 = arith.addf %get3A_446, %get3A_450 : vector<16xf32>
        %get3A_452 = arith.index_cast %scan3A_345 : i32 to index
        %get3A_453 = arith.index_cast %mul3A_442 : i32 to index
        %get3A_454 = tpu.vector_load %arg7[%get3A_452, %get3A_453] {strides = array<i32>} : memref<16x1024xf32, #tpu.memory_space<vmem>>, vector<1x16xf32>,
        %get3A_455 = vector.shape_cast %get3A_454 : vector<1x16xf32> to vector<16xf32>
        %get3A_456 = arith.index_cast %scan3A_345 : i32 to index
        %get3A_457 = arith.index_cast %mul3A_442 : i32 to index
        %get3A_458 = tpu.vector_load %arg8[%get3A_456, %get3A_457] {strides = array<i32>} : memref<16x1024xf32, #tpu.memory_space<vmem>>, vector<1x16xf32>,
        %get3A_459 = vector.shape_cast %get3A_458 : vector<1x16xf32> to vector<16xf32>
        %add3A_460 = arith.addf %get3A_455, %get3A_459 : vector<16xf32>
        %add3A_461 = arith.addf %add3A_451, %add3A_460 : vector<16xf32>
        %swap3A_462 = arith.index_cast %scan3A_345 : i32 to index
        %swap3A_463 = arith.index_cast %mul3A_442 : i32 to index
        %swap3A_464 = tpu.vector_load %arg5[%swap3A_462, %swap3A_463] {strides = array<i32>} : memref<16x1024xf32, #tpu.memory_space<vmem>>, vector<1x16xf32>,
        %swap3A_465 = vector.shape_cast %swap3A_464 : vector<1x16xf32> to vector<16xf32>
        %swap3A_466 = vector.shape_cast %add3A_461 : vector<16xf32> to vector<1x16xf32>
        tpu.vector_store %arg5[%swap3A_462, %swap3A_463], %swap3A_466 {strides = array<i32>} : memref<16x1024xf32, #tpu.memory_space<vmem>>, vector<1x16xf32>,
        %scan3A_467 = arith.constant 0 : i32
        %scan3A_468 = arith.constant 4 : i32
        %scan3A_469 = arith.addi %scan3A_354, %scan3A_468 : i32
        %mul3A_470 = arith.constant 16 : i32
        %mul3A_471 = arith.muli %scan3A_469, %mul3A_470 : i32
        %get3A_472 = arith.index_cast %scan3A_345 : i32 to index
        %get3A_473 = arith.index_cast %mul3A_471 : i32 to index
        %get3A_474 = tpu.vector_load %arg5[%get3A_472, %get3A_473] {strides = array<i32>} : memref<16x1024xf32, #tpu.memory_space<vmem>>, vector<1x16xf32>,
        %get3A_475 = vector.shape_cast %get3A_474 : vector<1x16xf32> to vector<16xf32>
        %get3A_476 = arith.index_cast %scan3A_345 : i32 to index
        %get3A_477 = arith.index_cast %mul3A_471 : i32 to index
        %get3A_478 = tpu.vector_load %arg6[%get3A_476, %get3A_477] {strides = array<i32>} : memref<16x1024xf32, #tpu.memory_space<vmem>>, vector<1x16xf32>,
        %get3A_479 = vector.shape_cast %get3A_478 : vector<1x16xf32> to vector<16xf32>
        %add3A_480 = arith.addf %get3A_475, %get3A_479 : vector<16xf32>
        %get3A_481 = arith.index_cast %scan3A_345 : i32 to index
        %get3A_482 = arith.index_cast %mul3A_471 : i32 to index
        %get3A_483 = tpu.vector_load %arg7[%get3A_481, %get3A_482] {strides = array<i32>} : memref<16x1024xf32, #tpu.memory_space<vmem>>, vector<1x16xf32>,
        %get3A_484 = vector.shape_cast %get3A_483 : vector<1x16xf32> to vector<16xf32>
        %get3A_485 = arith.index_cast %scan3A_345 : i32 to index
        %get3A_486 = arith.index_cast %mul3A_471 : i32 to index
        %get3A_487 = tpu.vector_load %arg8[%get3A_485, %get3A_486] {strides = array<i32>} : memref<16x1024xf32, #tpu.memory_space<vmem>>, vector<1x16xf32>,
        %get3A_488 = vector.shape_cast %get3A_487 : vector<1x16xf32> to vector<16xf32>
        %add3A_489 = arith.addf %get3A_484, %get3A_488 : vector<16xf32>
        %add3A_490 = arith.addf %add3A_480, %add3A_489 : vector<16xf32>
        %swap3A_491 = arith.index_cast %scan3A_345 : i32 to index
        %swap3A_492 = arith.index_cast %mul3A_471 : i32 to index
        %swap3A_493 = tpu.vector_load %arg5[%swap3A_491, %swap3A_492] {strides = array<i32>} : memref<16x1024xf32, #tpu.memory_space<vmem>>, vector<1x16xf32>,
        %swap3A_494 = vector.shape_cast %swap3A_493 : vector<1x16xf32> to vector<16xf32>
        %swap3A_495 = vector.shape_cast %add3A_490 : vector<16xf32> to vector<1x16xf32>
        tpu.vector_store %arg5[%swap3A_491, %swap3A_492], %swap3A_495 {strides = array<i32>} : memref<16x1024xf32, #tpu.memory_space<vmem>>, vector<1x16xf32>,
        %scan3A_496 = arith.constant 0 : i32
        %scan3A_497 = arith.constant 5 : i32
        %scan3A_498 = arith.addi %scan3A_354, %scan3A_497 : i32
        %mul3A_499 = arith.constant 16 : i32
        %mul3A_500 = arith.muli %scan3A_498, %mul3A_499 : i32
        %get3A_501 = arith.index_cast %scan3A_345 : i32 to index
        %get3A_502 = arith.index_cast %mul3A_500 : i32 to index
        %get3A_503 = tpu.vector_load %arg5[%get3A_501, %get3A_502] {strides = array<i32>} : memref<16x1024xf32, #tpu.memory_space<vmem>>, vector<1x16xf32>,
        %get3A_504 = vector.shape_cast %get3A_503 : vector<1x16xf32> to vector<16xf32>
        %get3A_505 = arith.index_cast %scan3A_345 : i32 to index
        %get3A_506 = arith.index_cast %mul3A_500 : i32 to index
        %get3A_507 = tpu.vector_load %arg6[%get3A_505, %get3A_506] {strides = array<i32>} : memref<16x1024xf32, #tpu.memory_space<vmem>>, vector<1x16xf32>,
        %get3A_508 = vector.shape_cast %get3A_507 : vector<1x16xf32> to vector<16xf32>
        %add3A_509 = arith.addf %get3A_504, %get3A_508 : vector<16xf32>
        %get3A_510 = arith.index_cast %scan3A_345 : i32 to index
        %get3A_511 = arith.index_cast %mul3A_500 : i32 to index
        %get3A_512 = tpu.vector_load %arg7[%get3A_510, %get3A_511] {strides = array<i32>} : memref<16x1024xf32, #tpu.memory_space<vmem>>, vector<1x16xf32>,
        %get3A_513 = vector.shape_cast %get3A_512 : vector<1x16xf32> to vector<16xf32>
        %get3A_514 = arith.index_cast %scan3A_345 : i32 to index
        %get3A_515 = arith.index_cast %mul3A_500 : i32 to index
        %get3A_516 = tpu.vector_load %arg8[%get3A_514, %get3A_515] {strides = array<i32>} : memref<16x1024xf32, #tpu.memory_space<vmem>>, vector<1x16xf32>,
        %get3A_517 = vector.shape_cast %get3A_516 : vector<1x16xf32> to vector<16xf32>
        %add3A_518 = arith.addf %get3A_513, %get3A_517 : vector<16xf32>
        %add3A_519 = arith.addf %add3A_509, %add3A_518 : vector<16xf32>
        %swap3A_520 = arith.index_cast %scan3A_345 : i32 to index
        %swap3A_521 = arith.index_cast %mul3A_500 : i32 to index
        %swap3A_522 = tpu.vector_load %arg5[%swap3A_520, %swap3A_521] {strides = array<i32>} : memref<16x1024xf32, #tpu.memory_space<vmem>>, vector<1x16xf32>,
        %swap3A_523 = vector.shape_cast %swap3A_522 : vector<1x16xf32> to vector<16xf32>
        %swap3A_524 = vector.shape_cast %add3A_519 : vector<16xf32> to vector<1x16xf32>
        tpu.vector_store %arg5[%swap3A_520, %swap3A_521], %swap3A_524 {strides = array<i32>} : memref<16x1024xf32, #tpu.memory_space<vmem>>, vector<1x16xf32>,
        %scan3A_525 = arith.constant 0 : i32
        %scan3A_526 = arith.constant 6 : i32
        %scan3A_527 = arith.addi %scan3A_354, %scan3A_526 : i32
        %mul3A_528 = arith.constant 16 : i32
        %mul3A_529 = arith.muli %scan3A_527, %mul3A_528 : i32
        %get3A_530 = arith.index_cast %scan3A_345 : i32 to index
        %get3A_531 = arith.index_cast %mul3A_529 : i32 to index
        %get3A_532 = tpu.vector_load %arg5[%get3A_530, %get3A_531] {strides = array<i32>} : memref<16x1024xf32, #tpu.memory_space<vmem>>, vector<1x16xf32>,
        %get3A_533 = vector.shape_cast %get3A_532 : vector<1x16xf32> to vector<16xf32>
        %get3A_534 = arith.index_cast %scan3A_345 : i32 to index
        %get3A_535 = arith.index_cast %mul3A_529 : i32 to index
        %get3A_536 = tpu.vector_load %arg6[%get3A_534, %get3A_535] {strides = array<i32>} : memref<16x1024xf32, #tpu.memory_space<vmem>>, vector<1x16xf32>,
        %get3A_537 = vector.shape_cast %get3A_536 : vector<1x16xf32> to vector<16xf32>
        %add3A_538 = arith.addf %get3A_533, %get3A_537 : vector<16xf32>
        %get3A_539 = arith.index_cast %scan3A_345 : i32 to index
        %get3A_540 = arith.index_cast %mul3A_529 : i32 to index
        %get3A_541 = tpu.vector_load %arg7[%get3A_539, %get3A_540] {strides = array<i32>} : memref<16x1024xf32, #tpu.memory_space<vmem>>, vector<1x16xf32>,
        %get3A_542 = vector.shape_cast %get3A_541 : vector<1x16xf32> to vector<16xf32>
        %get3A_543 = arith.index_cast %scan3A_345 : i32 to index
        %get3A_544 = arith.index_cast %mul3A_529 : i32 to index
        %get3A_545 = tpu.vector_load %arg8[%get3A_543, %get3A_544] {strides = array<i32>} : memref<16x1024xf32, #tpu.memory_space<vmem>>, vector<1x16xf32>,
        %get3A_546 = vector.shape_cast %get3A_545 : vector<1x16xf32> to vector<16xf32>
        %add3A_547 = arith.addf %get3A_542, %get3A_546 : vector<16xf32>
        %add3A_548 = arith.addf %add3A_538, %add3A_547 : vector<16xf32>
        %swap3A_549 = arith.index_cast %scan3A_345 : i32 to index
        %swap3A_550 = arith.index_cast %mul3A_529 : i32 to index
        %swap3A_551 = tpu.vector_load %arg5[%swap3A_549, %swap3A_550] {strides = array<i32>} : memref<16x1024xf32, #tpu.memory_space<vmem>>, vector<1x16xf32>,
        %swap3A_552 = vector.shape_cast %swap3A_551 : vector<1x16xf32> to vector<16xf32>
        %swap3A_553 = vector.shape_cast %add3A_548 : vector<16xf32> to vector<1x16xf32>
        tpu.vector_store %arg5[%swap3A_549, %swap3A_550], %swap3A_553 {strides = array<i32>} : memref<16x1024xf32, #tpu.memory_space<vmem>>, vector<1x16xf32>,
        %scan3A_554 = arith.constant 0 : i32
        %scan3A_555 = arith.constant 7 : i32
        %scan3A_556 = arith.addi %scan3A_354, %scan3A_555 : i32
        %mul3A_557 = arith.constant 16 : i32
        %mul3A_558 = arith.muli %scan3A_556, %mul3A_557 : i32
        %get3A_559 = arith.index_cast %scan3A_345 : i32 to index
        %get3A_560 = arith.index_cast %mul3A_558 : i32 to index
        %get3A_561 = tpu.vector_load %arg5[%get3A_559, %get3A_560] {strides = array<i32>} : memref<16x1024xf32, #tpu.memory_space<vmem>>, vector<1x16xf32>,
        %get3A_562 = vector.shape_cast %get3A_561 : vector<1x16xf32> to vector<16xf32>
        %get3A_563 = arith.index_cast %scan3A_345 : i32 to index
        %get3A_564 = arith.index_cast %mul3A_558 : i32 to index
        %get3A_565 = tpu.vector_load %arg6[%get3A_563, %get3A_564] {strides = array<i32>} : memref<16x1024xf32, #tpu.memory_space<vmem>>, vector<1x16xf32>,
        %get3A_566 = vector.shape_cast %get3A_565 : vector<1x16xf32> to vector<16xf32>
        %add3A_567 = arith.addf %get3A_562, %get3A_566 : vector<16xf32>
        %get3A_568 = arith.index_cast %scan3A_345 : i32 to index
        %get3A_569 = arith.index_cast %mul3A_558 : i32 to index
        %get3A_570 = tpu.vector_load %arg7[%get3A_568, %get3A_569] {strides = array<i32>} : memref<16x1024xf32, #tpu.memory_space<vmem>>, vector<1x16xf32>,
        %get3A_571 = vector.shape_cast %get3A_570 : vector<1x16xf32> to vector<16xf32>
        %get3A_572 = arith.index_cast %scan3A_345 : i32 to index
        %get3A_573 = arith.index_cast %mul3A_558 : i32 to index
        %get3A_574 = tpu.vector_load %arg8[%get3A_572, %get3A_573] {strides = array<i32>} : memref<16x1024xf32, #tpu.memory_space<vmem>>, vector<1x16xf32>,
        %get3A_575 = vector.shape_cast %get3A_574 : vector<1x16xf32> to vector<16xf32>
        %add3A_576 = arith.addf %get3A_571, %get3A_575 : vector<16xf32>
        %add3A_577 = arith.addf %add3A_567, %add3A_576 : vector<16xf32>
        %swap3A_578 = arith.index_cast %scan3A_345 : i32 to index
        %swap3A_579 = arith.index_cast %mul3A_558 : i32 to index
        %swap3A_580 = tpu.vector_load %arg5[%swap3A_578, %swap3A_579] {strides = array<i32>} : memref<16x1024xf32, #tpu.memory_space<vmem>>, vector<1x16xf32>,
        %swap3A_581 = vector.shape_cast %swap3A_580 : vector<1x16xf32> to vector<16xf32>
        %swap3A_582 = vector.shape_cast %add3A_577 : vector<16xf32> to vector<1x16xf32>
        tpu.vector_store %arg5[%swap3A_578, %swap3A_579], %swap3A_582 {strides = array<i32>} : memref<16x1024xf32, #tpu.memory_space<vmem>>, vector<1x16xf32>,
        %scan3A_583 = arith.constant 0 : i32
        scf.yield %scan3A_583 : i32
      }
      %scan3A_353 = arith.constant 64 : i32
      scf.yield %scan3A_352 : i32
    }
    %scan3A_344 = arith.constant 16 : i32
    "tpu.region"() ({
      %run_scoped3A_345 = tpu.sem_alloc : memref<!tpu.dma_semaphore, #tpu.memory_space<semaphore_mem>>
      %dma_start3A_346 = arith.constant 0 : i32
      %dma_start3A_347 = tpu.memref_slice %arg4[%add3A_261, %dma_start3A_346] : memref<2048x1024xf32, #tpu.memory_space<hbm>> -> memref<16x1024xf32, #tpu.memory_space<hbm>>
      %dma_start3A_348 = arith.constant 0 : i32
      %dma_start3A_349 = tpu.memref_slice %arg4[%add3A_261, %dma_start3A_348] : memref<2048x1024xf32, #tpu.memory_space<hbm>> -> memref<16x1024xf32, #tpu.memory_space<hbm>>
      tpu.enqueue_dma source(%arg5 : memref<16x1024xf32, #tpu.memory_space<vmem>>) target(%dma_start3A_349 : memref<16x1024xf32, #tpu.memory_space<hbm>>) target_semaphore(%run_scoped3A_345 : memref<!tpu.dma_semaphore, #tpu.memory_space<semaphore_mem>>)
      %dma_wait3A_350 = arith.constant 0 : i32
      %dma_wait3A_351 = tpu.memref_slice %arg4[%add3A_261, %dma_wait3A_350] : memref<2048x1024xf32, #tpu.memory_space<hbm>> -> memref<16x1024xf32, #tpu.memory_space<hbm>>
      %dma_wait3A_352 = arith.constant 0 : i32
      %dma_wait3A_353 = tpu.memref_slice %arg4[%add3A_261, %dma_wait3A_352] : memref<2048x1024xf32, #tpu.memory_space<hbm>> -> memref<16x1024xf32, #tpu.memory_space<hbm>>
      tpu.wait_dma2 semaphore(%run_scoped3A_345 : memref<!tpu.dma_semaphore, #tpu.memory_space<semaphore_mem>>) src(%arg5 : memref<16x1024xf32, #tpu.memory_space<vmem>>) dst(%dma_wait3A_353 : memref<16x1024xf32, #tpu.memory_space<hbm>>)
      tpu.yield
    }) : () -> ()
    return
  }
}

module attributes {stable_mosaic.version = 14 : i64} {
  func.func @_router_body(%arg0: memref<2048x1024xf32, #tpu.memory_space<vmem>>, %arg1: memref<8x1024xf32, #tpu.memory_space<vmem>>, %arg2: memref<2048x8xf32, #tpu.memory_space<vmem>>, %arg3: memref<2048x1024xf32, #tpu.memory_space<vmem>>, %arg4: memref<2048x1024xf32, #tpu.memory_space<vmem>>, %arg5: memref<2048x1xi32, #tpu.memory_space<vmem>>, %arg6: memref<2048x1xi32, #tpu.memory_space<vmem>>, %arg7: memref<24x1xi32, #tpu.memory_space<vmem>>, %arg8: memref<24x1xi32, #tpu.memory_space<vmem>>) attributes {dimension_semantics = [], scalar_prefetch = 0 : i64, scratch_operands = 0 : i64, tpu.core_type = #tpu.core_type<tc>} {
    %get3A = arith.constant 0 : index
    %get3A_0 = arith.constant 0 : index
    %get3A_1 = vector.load %arg0[%get3A, %get3A_0] : memref<2048x1024xf32, #tpu.memory_space<vmem>>, vector<2048x1024xf32>
    %get3A_2 = arith.constant 0 : index
    %get3A_3 = arith.constant 0 : index
    %get3A_4 = vector.load %arg1[%get3A_2, %get3A_3] : memref<8x1024xf32, #tpu.memory_space<vmem>>, vector<8x1024xf32>
    %dot_general3A = arith.constant dense<0.000000e+00> : vector<2048x8xf32>
    %dot_general3A_5 = tpu.matmul %get3A_1, %get3A_4, %dot_general3A {dimension_numbers = #tpu.dot_dimension_numbers<[1], [1], [0], [0], [0, 0, 1, 0], [], []>, transpose_lhs_hint = false} : vector<2048x1024xf32>, vector<8x1024xf32>, vector<2048x8xf32> -> vector<2048x8xf32>
    %swap3A = arith.constant 0 : index
    %swap3A_6 = arith.constant 0 : index
    %swap3A_7 = vector.load %arg2[%swap3A, %swap3A_6] : memref<2048x8xf32, #tpu.memory_space<vmem>>, vector<2048x8xf32>
    tpu.vector_store %arg2[%swap3A, %swap3A_6], %dot_general3A_5 {strides = array<i32>} : memref<2048x8xf32, #tpu.memory_space<vmem>>, vector<2048x8xf32>,
    %iota3A = tpu.iota {dimensions = array<i32: 1>} : vector<2048x8xi32>
    %reduce_max3A = arith.constant dense<0xFF800000> : vector<2048xf32>
    %reduce_max3A_8 = vector.multi_reduction <maximumf>, %dot_general3A_5, %reduce_max3A [1] : vector<2048x8xf32> to vector<2048xf32>
    %broadcast_in_dim3A = vector.shape_cast %reduce_max3A_8 : vector<2048xf32> to vector<2048x1xf32>
    %eq3A = vector.broadcast %broadcast_in_dim3A : vector<2048x1xf32> to vector<2048x8xf32>
    %eq3A_9 = arith.cmpf oeq, %dot_general3A_5, %eq3A : vector<2048x8xf32>
    %jit3A = arith.constant 8 : i32
    %broadcast_in_dim3A_10 = vector.broadcast %jit3A : i32 to vector<2048x8xi32>
    %select_n3A = arith.select %eq3A_9, %iota3A, %broadcast_in_dim3A_10 : vector<2048x8xi1>, vector<2048x8xi32>
    %reduce_min3A = arith.constant dense<2147483647> : vector<2048xi32>
    %reduce_min3A_11 = vector.multi_reduction <minsi>, %select_n3A, %reduce_min3A [1] : vector<2048x8xi32> to vector<2048xi32>
    %broadcast_in_dim3A_12 = vector.shape_cast %reduce_min3A_11 : vector<2048xi32> to vector<2048x1xi32>
    %eq3A_13 = vector.broadcast %broadcast_in_dim3A_12 : vector<2048x1xi32> to vector<2048x8xi32>
    %eq3A_14 = arith.cmpi eq, %iota3A, %eq3A_13 : vector<2048x8xi32>
    %jit3A_15 = arith.constant 0xFF800000 : f32
    %broadcast_in_dim3A_16 = vector.broadcast %jit3A_15 : f32 to vector<2048x8xf32>
    %select_n3A_17 = arith.select %eq3A_14, %broadcast_in_dim3A_16, %dot_general3A_5 : vector<2048x8xi1>, vector<2048x8xf32>
    %reduce_max3A_18 = arith.constant dense<0xFF800000> : vector<2048xf32>
    %reduce_max3A_19 = vector.multi_reduction <maximumf>, %select_n3A_17, %reduce_max3A_18 [1] : vector<2048x8xf32> to vector<2048xf32>
    %broadcast_in_dim3A_20 = vector.shape_cast %reduce_max3A_19 : vector<2048xf32> to vector<2048x1xf32>
    %eq3A_21 = vector.broadcast %broadcast_in_dim3A_20 : vector<2048x1xf32> to vector<2048x8xf32>
    %eq3A_22 = arith.cmpf oeq, %select_n3A_17, %eq3A_21 : vector<2048x8xf32>
    %jit3A_23 = arith.constant 8 : i32
    %broadcast_in_dim3A_24 = vector.broadcast %jit3A_23 : i32 to vector<2048x8xi32>
    %select_n3A_25 = arith.select %eq3A_22, %iota3A, %broadcast_in_dim3A_24 : vector<2048x8xi1>, vector<2048x8xi32>
    %reduce_min3A_26 = arith.constant dense<2147483647> : vector<2048xi32>
    %reduce_min3A_27 = vector.multi_reduction <minsi>, %select_n3A_25, %reduce_min3A_26 [1] : vector<2048x8xi32> to vector<2048xi32>
    %broadcast_in_dim3A_28 = vector.shape_cast %reduce_min3A_27 : vector<2048xi32> to vector<2048x1xi32>
    %sub3A = arith.subf %broadcast_in_dim3A_20, %broadcast_in_dim3A : vector<2048x1xf32>
    %exp3A = math.exp %sub3A : vector<2048x1xf32>
    %add3A = arith.constant 1.000000e+00 : f32
    %add3A_29 = vector.broadcast %add3A : f32 to vector<2048x1xf32>
    %add3A_30 = arith.addf %add3A_29, %exp3A : vector<2048x1xf32>
    %div3A = arith.constant 1.000000e+00 : f32
    %div3A_31 = vector.broadcast %div3A : f32 to vector<2048x1xf32>
    %div3A_32 = arith.divf %div3A_31, %add3A_30 : vector<2048x1xf32>
    %sub3A_33 = arith.subf %broadcast_in_dim3A, %broadcast_in_dim3A_20 : vector<2048x1xf32>
    %exp3A_34 = math.exp %sub3A_33 : vector<2048x1xf32>
    %add3A_35 = arith.constant 1.000000e+00 : f32
    %add3A_36 = vector.broadcast %add3A_35 : f32 to vector<2048x1xf32>
    %add3A_37 = arith.addf %add3A_36, %exp3A_34 : vector<2048x1xf32>
    %div3A_38 = arith.constant 1.000000e+00 : f32
    %div3A_39 = vector.broadcast %div3A_38 : f32 to vector<2048x1xf32>
    %div3A_40 = arith.divf %div3A_39, %add3A_37 : vector<2048x1xf32>
    %mul3A = vector.broadcast %div3A_32 : vector<2048x1xf32> to vector<2048x1024xf32>
    %mul3A_41 = arith.mulf %get3A_1, %mul3A : vector<2048x1024xf32>
    %swap3A_42 = arith.constant 0 : index
    %swap3A_43 = arith.constant 0 : index
    %swap3A_44 = vector.load %arg3[%swap3A_42, %swap3A_43] : memref<2048x1024xf32, #tpu.memory_space<vmem>>, vector<2048x1024xf32>
    tpu.vector_store %arg3[%swap3A_42, %swap3A_43], %mul3A_41 {strides = array<i32>} : memref<2048x1024xf32, #tpu.memory_space<vmem>>, vector<2048x1024xf32>,
    %mul3A_45 = vector.broadcast %div3A_40 : vector<2048x1xf32> to vector<2048x1024xf32>
    %mul3A_46 = arith.mulf %get3A_1, %mul3A_45 : vector<2048x1024xf32>
    %swap3A_47 = arith.constant 0 : index
    %swap3A_48 = arith.constant 0 : index
    %swap3A_49 = vector.load %arg4[%swap3A_47, %swap3A_48] : memref<2048x1024xf32, #tpu.memory_space<vmem>>, vector<2048x1024xf32>
    tpu.vector_store %arg4[%swap3A_47, %swap3A_48], %mul3A_46 {strides = array<i32>} : memref<2048x1024xf32, #tpu.memory_space<vmem>>, vector<2048x1024xf32>,
    %eq3A_50 = vector.broadcast %broadcast_in_dim3A_12 : vector<2048x1xi32> to vector<2048x8xi32>
    %eq3A_51 = arith.cmpi eq, %iota3A, %eq3A_50 : vector<2048x8xi32>
    %convert_element_type3A = arith.extui %eq3A_51 : vector<2048x8xi1> to vector<2048x8xi32>
    %convert_element_type3A_52 = arith.sitofp %convert_element_type3A : vector<2048x8xi32> to vector<2048x8xf32>
    %eq3A_53 = vector.broadcast %broadcast_in_dim3A_28 : vector<2048x1xi32> to vector<2048x8xi32>
    %eq3A_54 = arith.cmpi eq, %iota3A, %eq3A_53 : vector<2048x8xi32>
    %convert_element_type3A_55 = arith.extui %eq3A_54 : vector<2048x8xi1> to vector<2048x8xi32>
    %convert_element_type3A_56 = arith.sitofp %convert_element_type3A_55 : vector<2048x8xi32> to vector<2048x8xf32>
    %iota3A_57 = tpu.iota {dimensions = array<i32: 0>} : vector<512x512xi32>
    %iota3A_58 = tpu.iota {dimensions = array<i32: 1>} : vector<512x512xi32>
    %gt3A = arith.cmpi sgt, %iota3A_57, %iota3A_58 : vector<512x512xi32>
    %convert_element_type3A_59 = arith.extui %gt3A : vector<512x512xi1> to vector<512x512xi32>
    %convert_element_type3A_60 = arith.sitofp %convert_element_type3A_59 : vector<512x512xi32> to vector<512x512xf32>
    %broadcast_in_dim3A_61 = arith.constant 0.000000e+00 : f32
    %broadcast_in_dim3A_62 = vector.broadcast %broadcast_in_dim3A_61 : f32 to vector<1x8xf32>
    %slice3A = vector.extract_strided_slice %convert_element_type3A_52 {offsets = [0, 0], sizes = [512, 8], strides = [1, 1]} : vector<2048x8xf32> to vector<512x8xf32>
    %dot_general3A_63 = arith.constant dense<0.000000e+00> : vector<512x8xf32>
    %dot_general3A_64 = tpu.matmul %convert_element_type3A_60, %slice3A, %dot_general3A_63 {dimension_numbers = #tpu.dot_dimension_numbers<[1], [0], [0], [1], [0, 0, 1, 1], [], []>, transpose_lhs_hint = false} : vector<512x512xf32>, vector<512x8xf32>, vector<512x8xf32> -> vector<512x8xf32>
    %add3A_65 = vector.broadcast %broadcast_in_dim3A_62 : vector<1x8xf32> to vector<512x8xf32>
    %add3A_66 = arith.addf %add3A_65, %dot_general3A_64 : vector<512x8xf32>
    %reduce_sum3A = arith.constant dense<0.000000e+00> : vector<8xf32>
    %reduce_sum3A_67 = vector.multi_reduction <add>, %slice3A, %reduce_sum3A [0] : vector<512x8xf32> to vector<8xf32>
    %broadcast_in_dim3A_68 = vector.shape_cast %reduce_sum3A_67 : vector<8xf32> to vector<1x8xf32>
    %add3A_69 = arith.addf %broadcast_in_dim3A_62, %broadcast_in_dim3A_68 : vector<1x8xf32>
    %slice3A_70 = vector.extract_strided_slice %convert_element_type3A_52 {offsets = [512, 0], sizes = [512, 8], strides = [1, 1]} : vector<2048x8xf32> to vector<512x8xf32>
    %dot_general3A_71 = arith.constant dense<0.000000e+00> : vector<512x8xf32>
    %dot_general3A_72 = tpu.matmul %convert_element_type3A_60, %slice3A_70, %dot_general3A_71 {dimension_numbers = #tpu.dot_dimension_numbers<[1], [0], [0], [1], [0, 0, 1, 1], [], []>, transpose_lhs_hint = false} : vector<512x512xf32>, vector<512x8xf32>, vector<512x8xf32> -> vector<512x8xf32>
    %add3A_73 = vector.broadcast %add3A_69 : vector<1x8xf32> to vector<512x8xf32>
    %add3A_74 = arith.addf %add3A_73, %dot_general3A_72 : vector<512x8xf32>
    %reduce_sum3A_75 = arith.constant dense<0.000000e+00> : vector<8xf32>
    %reduce_sum3A_76 = vector.multi_reduction <add>, %slice3A_70, %reduce_sum3A_75 [0] : vector<512x8xf32> to vector<8xf32>
    %broadcast_in_dim3A_77 = vector.shape_cast %reduce_sum3A_76 : vector<8xf32> to vector<1x8xf32>
    %add3A_78 = arith.addf %add3A_69, %broadcast_in_dim3A_77 : vector<1x8xf32>
    %slice3A_79 = vector.extract_strided_slice %convert_element_type3A_52 {offsets = [1024, 0], sizes = [512, 8], strides = [1, 1]} : vector<2048x8xf32> to vector<512x8xf32>
    %dot_general3A_80 = arith.constant dense<0.000000e+00> : vector<512x8xf32>
    %dot_general3A_81 = tpu.matmul %convert_element_type3A_60, %slice3A_79, %dot_general3A_80 {dimension_numbers = #tpu.dot_dimension_numbers<[1], [0], [0], [1], [0, 0, 1, 1], [], []>, transpose_lhs_hint = false} : vector<512x512xf32>, vector<512x8xf32>, vector<512x8xf32> -> vector<512x8xf32>
    %add3A_82 = vector.broadcast %add3A_78 : vector<1x8xf32> to vector<512x8xf32>
    %add3A_83 = arith.addf %add3A_82, %dot_general3A_81 : vector<512x8xf32>
    %reduce_sum3A_84 = arith.constant dense<0.000000e+00> : vector<8xf32>
    %reduce_sum3A_85 = vector.multi_reduction <add>, %slice3A_79, %reduce_sum3A_84 [0] : vector<512x8xf32> to vector<8xf32>
    %broadcast_in_dim3A_86 = vector.shape_cast %reduce_sum3A_85 : vector<8xf32> to vector<1x8xf32>
    %add3A_87 = arith.addf %add3A_78, %broadcast_in_dim3A_86 : vector<1x8xf32>
    %slice3A_88 = vector.extract_strided_slice %convert_element_type3A_52 {offsets = [1536, 0], sizes = [512, 8], strides = [1, 1]} : vector<2048x8xf32> to vector<512x8xf32>
    %dot_general3A_89 = arith.constant dense<0.000000e+00> : vector<512x8xf32>
    %dot_general3A_90 = tpu.matmul %convert_element_type3A_60, %slice3A_88, %dot_general3A_89 {dimension_numbers = #tpu.dot_dimension_numbers<[1], [0], [0], [1], [0, 0, 1, 1], [], []>, transpose_lhs_hint = false} : vector<512x512xf32>, vector<512x8xf32>, vector<512x8xf32> -> vector<512x8xf32>
    %add3A_91 = vector.broadcast %add3A_87 : vector<1x8xf32> to vector<512x8xf32>
    %add3A_92 = arith.addf %add3A_91, %dot_general3A_90 : vector<512x8xf32>
    %reduce_sum3A_93 = arith.constant dense<0.000000e+00> : vector<8xf32>
    %reduce_sum3A_94 = vector.multi_reduction <add>, %slice3A_88, %reduce_sum3A_93 [0] : vector<512x8xf32> to vector<8xf32>
    %broadcast_in_dim3A_95 = vector.shape_cast %reduce_sum3A_94 : vector<8xf32> to vector<1x8xf32>
    %add3A_96 = arith.addf %add3A_87, %broadcast_in_dim3A_95 : vector<1x8xf32>
    %concatenate3A = tpu.concatenate %add3A_66, %add3A_74, %add3A_83, %add3A_92 in 0 : vector<512x8xf32>, vector<512x8xf32>, vector<512x8xf32>, vector<512x8xf32> -> vector<2048x8xf32>
    %slice3A_97 = vector.extract_strided_slice %convert_element_type3A_56 {offsets = [0, 0], sizes = [512, 8], strides = [1, 1]} : vector<2048x8xf32> to vector<512x8xf32>
    %dot_general3A_98 = arith.constant dense<0.000000e+00> : vector<512x8xf32>
    %dot_general3A_99 = tpu.matmul %convert_element_type3A_60, %slice3A_97, %dot_general3A_98 {dimension_numbers = #tpu.dot_dimension_numbers<[1], [0], [0], [1], [0, 0, 1, 1], [], []>, transpose_lhs_hint = false} : vector<512x512xf32>, vector<512x8xf32>, vector<512x8xf32> -> vector<512x8xf32>
    %add3A_100 = vector.broadcast %add3A_96 : vector<1x8xf32> to vector<512x8xf32>
    %add3A_101 = arith.addf %add3A_100, %dot_general3A_99 : vector<512x8xf32>
    %reduce_sum3A_102 = arith.constant dense<0.000000e+00> : vector<8xf32>
    %reduce_sum3A_103 = vector.multi_reduction <add>, %slice3A_97, %reduce_sum3A_102 [0] : vector<512x8xf32> to vector<8xf32>
    %broadcast_in_dim3A_104 = vector.shape_cast %reduce_sum3A_103 : vector<8xf32> to vector<1x8xf32>
    %add3A_105 = arith.addf %add3A_96, %broadcast_in_dim3A_104 : vector<1x8xf32>
    %slice3A_106 = vector.extract_strided_slice %convert_element_type3A_56 {offsets = [512, 0], sizes = [512, 8], strides = [1, 1]} : vector<2048x8xf32> to vector<512x8xf32>
    %dot_general3A_107 = arith.constant dense<0.000000e+00> : vector<512x8xf32>
    %dot_general3A_108 = tpu.matmul %convert_element_type3A_60, %slice3A_106, %dot_general3A_107 {dimension_numbers = #tpu.dot_dimension_numbers<[1], [0], [0], [1], [0, 0, 1, 1], [], []>, transpose_lhs_hint = false} : vector<512x512xf32>, vector<512x8xf32>, vector<512x8xf32> -> vector<512x8xf32>
    %add3A_109 = vector.broadcast %add3A_105 : vector<1x8xf32> to vector<512x8xf32>
    %add3A_110 = arith.addf %add3A_109, %dot_general3A_108 : vector<512x8xf32>
    %reduce_sum3A_111 = arith.constant dense<0.000000e+00> : vector<8xf32>
    %reduce_sum3A_112 = vector.multi_reduction <add>, %slice3A_106, %reduce_sum3A_111 [0] : vector<512x8xf32> to vector<8xf32>
    %broadcast_in_dim3A_113 = vector.shape_cast %reduce_sum3A_112 : vector<8xf32> to vector<1x8xf32>
    %add3A_114 = arith.addf %add3A_105, %broadcast_in_dim3A_113 : vector<1x8xf32>
    %slice3A_115 = vector.extract_strided_slice %convert_element_type3A_56 {offsets = [1024, 0], sizes = [512, 8], strides = [1, 1]} : vector<2048x8xf32> to vector<512x8xf32>
    %dot_general3A_116 = arith.constant dense<0.000000e+00> : vector<512x8xf32>
    %dot_general3A_117 = tpu.matmul %convert_element_type3A_60, %slice3A_115, %dot_general3A_116 {dimension_numbers = #tpu.dot_dimension_numbers<[1], [0], [0], [1], [0, 0, 1, 1], [], []>, transpose_lhs_hint = false} : vector<512x512xf32>, vector<512x8xf32>, vector<512x8xf32> -> vector<512x8xf32>
    %add3A_118 = vector.broadcast %add3A_114 : vector<1x8xf32> to vector<512x8xf32>
    %add3A_119 = arith.addf %add3A_118, %dot_general3A_117 : vector<512x8xf32>
    %reduce_sum3A_120 = arith.constant dense<0.000000e+00> : vector<8xf32>
    %reduce_sum3A_121 = vector.multi_reduction <add>, %slice3A_115, %reduce_sum3A_120 [0] : vector<512x8xf32> to vector<8xf32>
    %broadcast_in_dim3A_122 = vector.shape_cast %reduce_sum3A_121 : vector<8xf32> to vector<1x8xf32>
    %add3A_123 = arith.addf %add3A_114, %broadcast_in_dim3A_122 : vector<1x8xf32>
    %slice3A_124 = vector.extract_strided_slice %convert_element_type3A_56 {offsets = [1536, 0], sizes = [512, 8], strides = [1, 1]} : vector<2048x8xf32> to vector<512x8xf32>
    %dot_general3A_125 = arith.constant dense<0.000000e+00> : vector<512x8xf32>
    %dot_general3A_126 = tpu.matmul %convert_element_type3A_60, %slice3A_124, %dot_general3A_125 {dimension_numbers = #tpu.dot_dimension_numbers<[1], [0], [0], [1], [0, 0, 1, 1], [], []>, transpose_lhs_hint = false} : vector<512x512xf32>, vector<512x8xf32>, vector<512x8xf32> -> vector<512x8xf32>
    %add3A_127 = vector.broadcast %add3A_123 : vector<1x8xf32> to vector<512x8xf32>
    %add3A_128 = arith.addf %add3A_127, %dot_general3A_126 : vector<512x8xf32>
    %reduce_sum3A_129 = arith.constant dense<0.000000e+00> : vector<8xf32>
    %reduce_sum3A_130 = vector.multi_reduction <add>, %slice3A_124, %reduce_sum3A_129 [0] : vector<512x8xf32> to vector<8xf32>
    %broadcast_in_dim3A_131 = vector.shape_cast %reduce_sum3A_130 : vector<8xf32> to vector<1x8xf32>
    %add3A_132 = arith.addf %add3A_123, %broadcast_in_dim3A_131 : vector<1x8xf32>
    %concatenate3A_133 = tpu.concatenate %add3A_101, %add3A_110, %add3A_119, %add3A_128 in 0 : vector<512x8xf32>, vector<512x8xf32>, vector<512x8xf32>, vector<512x8xf32> -> vector<2048x8xf32>
    %add3A_134 = arith.constant 2.550000e+02 : f32
    %add3A_135 = vector.broadcast %add3A_134 : f32 to vector<1x8xf32>
    %add3A_136 = arith.addf %add3A_132, %add3A_135 : vector<1x8xf32>
    %div3A_137 = arith.constant 2.560000e+02 : f32
    %div3A_138 = vector.broadcast %div3A_137 : f32 to vector<1x8xf32>
    %div3A_139 = arith.divf %add3A_136, %div3A_138 : vector<1x8xf32>
    %floor3A = math.floor %div3A_139 : vector<1x8xf32>
    %mul3A_140 = arith.constant 2.560000e+02 : f32
    %mul3A_141 = vector.broadcast %mul3A_140 : f32 to vector<1x8xf32>
    %mul3A_142 = arith.mulf %floor3A, %mul3A_141 : vector<1x8xf32>
    %iota3A_143 = tpu.iota {dimensions = array<i32: 0>} : vector<8x8xi32>
    %iota3A_144 = tpu.iota {dimensions = array<i32: 1>} : vector<8x8xi32>
    %lt3A = arith.cmpi slt, %iota3A_143, %iota3A_144 : vector<8x8xi32>
    %convert_element_type3A_145 = arith.extui %lt3A : vector<8x8xi1> to vector<8x8xi32>
    %convert_element_type3A_146 = arith.sitofp %convert_element_type3A_145 : vector<8x8xi32> to vector<8x8xf32>
    %dot_general3A_147 = arith.constant dense<0.000000e+00> : vector<1x8xf32>
    %dot_general3A_148 = tpu.matmul %mul3A_142, %convert_element_type3A_146, %dot_general3A_147 {dimension_numbers = #tpu.dot_dimension_numbers<[1], [0], [0], [1], [0, 0, 1, 1], [], []>, transpose_lhs_hint = false} : vector<1x8xf32>, vector<8x8xf32>, vector<1x8xf32> -> vector<1x8xf32>
    %add3A_149 = vector.broadcast %dot_general3A_148 : vector<1x8xf32> to vector<2048x8xf32>
    %add3A_150 = arith.addf %concatenate3A, %add3A_149 : vector<2048x8xf32>
    %mul3A_151 = arith.mulf %add3A_150, %convert_element_type3A_52 : vector<2048x8xf32>
    %reduce_sum3A_152 = arith.constant dense<0.000000e+00> : vector<2048xf32>
    %reduce_sum3A_153 = vector.multi_reduction <add>, %mul3A_151, %reduce_sum3A_152 [1] : vector<2048x8xf32> to vector<2048xf32>
    %broadcast_in_dim3A_154 = vector.shape_cast %reduce_sum3A_153 : vector<2048xf32> to vector<2048x1xf32>
    %convert_element_type3A_155 = arith.fptosi %broadcast_in_dim3A_154 : vector<2048x1xf32> to vector<2048x1xi32>
    %swap3A_156 = arith.constant 0 : index
    %swap3A_157 = arith.constant 0 : index
    %swap3A_158 = vector.load %arg5[%swap3A_156, %swap3A_157] : memref<2048x1xi32, #tpu.memory_space<vmem>>, vector<2048x1xi32>
    tpu.vector_store %arg5[%swap3A_156, %swap3A_157], %convert_element_type3A_155 {strides = array<i32>} : memref<2048x1xi32, #tpu.memory_space<vmem>>, vector<2048x1xi32>,
    %add3A_159 = vector.broadcast %dot_general3A_148 : vector<1x8xf32> to vector<2048x8xf32>
    %add3A_160 = arith.addf %concatenate3A_133, %add3A_159 : vector<2048x8xf32>
    %mul3A_161 = arith.mulf %add3A_160, %convert_element_type3A_56 : vector<2048x8xf32>
    %reduce_sum3A_162 = arith.constant dense<0.000000e+00> : vector<2048xf32>
    %reduce_sum3A_163 = vector.multi_reduction <add>, %mul3A_161, %reduce_sum3A_162 [1] : vector<2048x8xf32> to vector<2048xf32>
    %broadcast_in_dim3A_164 = vector.shape_cast %reduce_sum3A_163 : vector<2048xf32> to vector<2048x1xf32>
    %convert_element_type3A_165 = arith.fptosi %broadcast_in_dim3A_164 : vector<2048x1xf32> to vector<2048x1xi32>
    %swap3A_166 = arith.constant 0 : index
    %swap3A_167 = arith.constant 0 : index
    %swap3A_168 = vector.load %arg6[%swap3A_166, %swap3A_167] : memref<2048x1xi32, #tpu.memory_space<vmem>>, vector<2048x1xi32>
    tpu.vector_store %arg6[%swap3A_166, %swap3A_167], %convert_element_type3A_165 {strides = array<i32>} : memref<2048x1xi32, #tpu.memory_space<vmem>>, vector<2048x1xi32>,
    %add3A_169 = arith.addf %dot_general3A_148, %mul3A_142 : vector<1x8xf32>
    %add3A_170 = arith.addf %dot_general3A_148, %add3A_132 : vector<1x8xf32>
    %iota3A_171 = tpu.iota {dimensions = array<i32: 1>} : vector<24x8xi32>
    %convert_element_type3A_172 = arith.sitofp %iota3A_171 : vector<24x8xi32> to vector<24x8xf32>
    %add3A_173 = arith.constant 2.550000e+02 : f32
    %add3A_174 = vector.broadcast %add3A_173 : f32 to vector<1x8xf32>
    %add3A_175 = arith.addf %add3A_132, %add3A_174 : vector<1x8xf32>
    %div3A_176 = arith.constant 2.560000e+02 : f32
    %div3A_177 = vector.broadcast %div3A_176 : f32 to vector<1x8xf32>
    %div3A_178 = arith.divf %add3A_175, %div3A_177 : vector<1x8xf32>
    %floor3A_179 = math.floor %div3A_178 : vector<1x8xf32>
    %div3A_180 = arith.constant 2.560000e+02 : f32
    %div3A_181 = vector.broadcast %div3A_180 : f32 to vector<1x8xf32>
    %div3A_182 = arith.divf %dot_general3A_148, %div3A_181 : vector<1x8xf32>
    %add3A_183 = arith.addf %div3A_182, %floor3A_179 : vector<1x8xf32>
    %sub3A_184 = arith.constant 1.000000e+00 : f32
    %sub3A_185 = vector.broadcast %sub3A_184 : f32 to vector<1x8xf32>
    %sub3A_186 = arith.subf %add3A_183, %sub3A_185 : vector<1x8xf32>
    %gt3A_187 = arith.constant 0.000000e+00 : f32
    %gt3A_188 = vector.broadcast %gt3A_187 : f32 to vector<1x8xf32>
    %gt3A_189 = arith.cmpf ogt, %add3A_132, %gt3A_188 : vector<1x8xf32>
    %jit3A_190 = arith.constant -1.000000e+00 : f32
    %broadcast_in_dim3A_191 = vector.broadcast %jit3A_190 : f32 to vector<1x8xf32>
    %select_n3A_192 = arith.select %gt3A_189, %sub3A_186, %broadcast_in_dim3A_191 : vector<1x8xi1>, vector<1x8xf32>
    %reduce_max3A_193 = arith.constant dense<0xFF800000> : vector<1xf32>
    %reduce_max3A_194 = vector.multi_reduction <maximumf>, %select_n3A_192, %reduce_max3A_193 [1] : vector<1x8xf32> to vector<1xf32>
    %broadcast_in_dim3A_195 = vector.shape_cast %reduce_max3A_194 : vector<1xf32> to vector<1x1xf32>
    %gt3A_196 = arith.constant 0.000000e+00 : f32
    %gt3A_197 = vector.broadcast %gt3A_196 : f32 to vector<1x8xf32>
    %gt3A_198 = arith.cmpf ogt, %add3A_132, %gt3A_197 : vector<1x8xf32>
    %slice3A_199 = vector.extract_strided_slice %convert_element_type3A_172 {offsets = [0, 0], sizes = [1, 8], strides = [1, 1]} : vector<24x8xf32> to vector<1x8xf32>
    %jit3A_200 = arith.constant -1.000000e+00 : f32
    %broadcast_in_dim3A_201 = vector.broadcast %jit3A_200 : f32 to vector<1x8xf32>
    %select_n3A_202 = arith.select %gt3A_198, %slice3A_199, %broadcast_in_dim3A_201 : vector<1x8xi1>, vector<1x8xf32>
    %reduce_max3A_203 = arith.constant dense<0xFF800000> : vector<1xf32>
    %reduce_max3A_204 = vector.multi_reduction <maximumf>, %select_n3A_202, %reduce_max3A_203 [1] : vector<1x8xf32> to vector<1xf32>
    %broadcast_in_dim3A_205 = vector.shape_cast %reduce_max3A_204 : vector<1xf32> to vector<1x1xf32>
    %iota3A_206 = tpu.iota {dimensions = array<i32: 0>} : vector<24x1xi32>
    %convert_element_type3A_207 = arith.sitofp %iota3A_206 : vector<24x1xi32> to vector<24x1xf32>
    %mul3A_208 = arith.constant 2.560000e+02 : f32
    %mul3A_209 = vector.broadcast %mul3A_208 : f32 to vector<24x1xf32>
    %mul3A_210 = arith.mulf %convert_element_type3A_207, %mul3A_209 : vector<24x1xf32>
    %ge3A = vector.broadcast %mul3A_210 : vector<24x1xf32> to vector<24x8xf32>
    %ge3A_211 = vector.broadcast %dot_general3A_148 : vector<1x8xf32> to vector<24x8xf32>
    %ge3A_212 = arith.cmpf oge, %ge3A, %ge3A_211 : vector<24x8xf32>
    %lt3A_213 = vector.broadcast %mul3A_210 : vector<24x1xf32> to vector<24x8xf32>
    %lt3A_214 = vector.broadcast %add3A_169 : vector<1x8xf32> to vector<24x8xf32>
    %lt3A_215 = arith.cmpf olt, %lt3A_213, %lt3A_214 : vector<24x8xf32>
    %and3A = arith.andi %ge3A_212, %lt3A_215 : vector<24x8xi1>
    %convert_element_type3A_216 = arith.extui %and3A : vector<24x8xi1> to vector<24x8xi32>
    %convert_element_type3A_217 = arith.sitofp %convert_element_type3A_216 : vector<24x8xi32> to vector<24x8xf32>
    %reduce_sum3A_218 = arith.constant dense<0.000000e+00> : vector<24xf32>
    %reduce_sum3A_219 = vector.multi_reduction <add>, %convert_element_type3A_217, %reduce_sum3A_218 [1] : vector<24x8xf32> to vector<24xf32>
    %broadcast_in_dim3A_220 = vector.shape_cast %reduce_sum3A_219 : vector<24xf32> to vector<24x1xf32>
    %mul3A_221 = arith.mulf %convert_element_type3A_217, %convert_element_type3A_172 : vector<24x8xf32>
    %reduce_sum3A_222 = arith.constant dense<0.000000e+00> : vector<24xf32>
    %reduce_sum3A_223 = vector.multi_reduction <add>, %mul3A_221, %reduce_sum3A_222 [1] : vector<24x8xf32> to vector<24xf32>
    %broadcast_in_dim3A_224 = vector.shape_cast %reduce_sum3A_223 : vector<24xf32> to vector<24x1xf32>
    %gt3A_225 = arith.constant 0.000000e+00 : f32
    %gt3A_226 = vector.broadcast %gt3A_225 : f32 to vector<24x1xf32>
    %gt3A_227 = arith.cmpf ogt, %broadcast_in_dim3A_220, %gt3A_226 : vector<24x1xf32>
    %broadcast_in_dim3A_228 = vector.shape_cast %broadcast_in_dim3A_205 : vector<1x1xf32> to vector<1x1xf32>
    %broadcast_in_dim3A_229 = vector.broadcast %broadcast_in_dim3A_228 : vector<1x1xf32> to vector<24x1xf32>
    %select_n3A_230 = arith.select %gt3A_227, %broadcast_in_dim3A_224, %broadcast_in_dim3A_229 : vector<24x1xi1>, vector<24x1xf32>
    %lt3A_231 = vector.broadcast %mul3A_210 : vector<24x1xf32> to vector<24x8xf32>
    %lt3A_232 = vector.broadcast %add3A_170 : vector<1x8xf32> to vector<24x8xf32>
    %lt3A_233 = arith.cmpf olt, %lt3A_231, %lt3A_232 : vector<24x8xf32>
    %convert_element_type3A_234 = arith.extui %lt3A_233 : vector<24x8xi1> to vector<24x8xi32>
    %convert_element_type3A_235 = arith.sitofp %convert_element_type3A_234 : vector<24x8xi32> to vector<24x8xf32>
    %mul3A_236 = arith.mulf %convert_element_type3A_217, %convert_element_type3A_235 : vector<24x8xf32>
    %reduce_sum3A_237 = arith.constant dense<0.000000e+00> : vector<24xf32>
    %reduce_sum3A_238 = vector.multi_reduction <add>, %mul3A_236, %reduce_sum3A_237 [1] : vector<24x8xf32> to vector<24xf32>
    %broadcast_in_dim3A_239 = vector.shape_cast %reduce_sum3A_238 : vector<24xf32> to vector<24x1xf32>
    %mul3A_240 = vector.broadcast %sub3A_186 : vector<1x8xf32> to vector<24x8xf32>
    %mul3A_241 = arith.mulf %convert_element_type3A_217, %mul3A_240 : vector<24x8xf32>
    %reduce_sum3A_242 = arith.constant dense<0.000000e+00> : vector<24xf32>
    %reduce_sum3A_243 = vector.multi_reduction <add>, %mul3A_241, %reduce_sum3A_242 [1] : vector<24x8xf32> to vector<24xf32>
    %broadcast_in_dim3A_244 = vector.shape_cast %reduce_sum3A_243 : vector<24xf32> to vector<24x1xf32>
    %gt3A_245 = arith.constant 0.000000e+00 : f32
    %gt3A_246 = vector.broadcast %gt3A_245 : f32 to vector<24x1xf32>
    %gt3A_247 = arith.cmpf ogt, %broadcast_in_dim3A_220, %gt3A_246 : vector<24x1xf32>
    %broadcast_in_dim3A_248 = vector.shape_cast %broadcast_in_dim3A_195 : vector<1x1xf32> to vector<1x1xf32>
    %broadcast_in_dim3A_249 = vector.broadcast %broadcast_in_dim3A_248 : vector<1x1xf32> to vector<24x1xf32>
    %select_n3A_250 = arith.select %gt3A_247, %broadcast_in_dim3A_244, %broadcast_in_dim3A_249 : vector<24x1xi1>, vector<24x1xf32>
    %gt3A_251 = arith.constant 0.000000e+00 : f32
    %gt3A_252 = vector.broadcast %gt3A_251 : f32 to vector<24x1xf32>
    %gt3A_253 = arith.cmpf ogt, %broadcast_in_dim3A_239, %gt3A_252 : vector<24x1xf32>
    %select_n3A_254 = arith.select %gt3A_253, %convert_element_type3A_207, %select_n3A_250 : vector<24x1xi1>, vector<24x1xf32>
    %convert_element_type3A_255 = arith.fptosi %select_n3A_230 : vector<24x1xf32> to vector<24x1xi32>
    %swap3A_256 = arith.constant 0 : index
    %swap3A_257 = arith.constant 0 : index
    %swap3A_258 = vector.load %arg7[%swap3A_256, %swap3A_257] : memref<24x1xi32, #tpu.memory_space<vmem>>, vector<24x1xi32>
    tpu.vector_store %arg7[%swap3A_256, %swap3A_257], %convert_element_type3A_255 {strides = array<i32>} : memref<24x1xi32, #tpu.memory_space<vmem>>, vector<24x1xi32>,
    %convert_element_type3A_259 = arith.fptosi %select_n3A_254 : vector<24x1xf32> to vector<24x1xi32>
    %swap3A_260 = arith.constant 0 : index
    %swap3A_261 = arith.constant 0 : index
    %swap3A_262 = vector.load %arg8[%swap3A_260, %swap3A_261] : memref<24x1xi32, #tpu.memory_space<vmem>>, vector<24x1xi32>
    tpu.vector_store %arg8[%swap3A_260, %swap3A_261], %convert_element_type3A_259 {strides = array<i32>} : memref<24x1xi32, #tpu.memory_space<vmem>>, vector<24x1xi32>,
    return
  }
}

module attributes {stable_mosaic.version = 14 : i64} {
  func.func @_gmm_body(%arg0: i32, %arg1: i32, %arg2: memref<24xi32, #tpu.memory_space<smem>>, %arg3: memref<24xi32, #tpu.memory_space<smem>>, %arg4: memref<256x1024xf32, #tpu.memory_space<vmem>>, %arg5: memref<1x2048x1024xf32, #tpu.memory_space<vmem>>, %arg6: memref<1x2048x1024xf32, #tpu.memory_space<vmem>>, %arg7: memref<1x1024x2048xf32, #tpu.memory_space<vmem>>, %arg8: memref<256x1024xf32, #tpu.memory_space<vmem>>) attributes {dimension_semantics = [#tpu.dimension_semantics<arbitrary>, #tpu.dimension_semantics<arbitrary>], iteration_bounds = array<i64: 2, 24>, scalar_prefetch = 2 : i64, scratch_operands = 0 : i64, tpu.core_type = #tpu.core_type<tc>, window_params = [{transform_indices = @transform_0, window_bounds = array<i64: 256, 1024>}, {transform_indices = @transform_1, window_bounds = array<i64: 1, 2048, 1024>}, {transform_indices = @transform_2, window_bounds = array<i64: 1, 2048, 1024>}, {transform_indices = @transform_3, window_bounds = array<i64: 1, 1024, 2048>}, {transform_indices = @transform_4, window_bounds = array<i64: 256, 1024>}]} {
    %get3A = arith.index_cast %arg1 : i32 to index
    %get3A_0 = memref.load %arg3[%get3A] : memref<24xi32, #tpu.memory_space<smem>>
    %eq3A = arith.cmpi eq, %get3A_0, %arg1 : i32
    %convert_element_type3A = arith.extui %eq3A : i1 to i32
    %cond3A = arith.constant 0 : i32
    %cond3A_1 = arith.cmpi ne, %convert_element_type3A, %cond3A : i32
    scf.if %cond3A_1 {
      %get3A_2 = arith.constant 0 : index
      %get3A_3 = arith.constant 0 : index
      %get3A_4 = vector.load %arg4[%get3A_2, %get3A_3] : memref<256x1024xf32, #tpu.memory_space<vmem>>, vector<256x1024xf32>
      %get3A_5 = arith.constant 0 : index
      %get3A_6 = arith.constant 0 : index
      %get3A_7 = arith.constant 0 : index
      %get3A_8 = vector.load %arg5[%get3A_5, %get3A_6, %get3A_7] : memref<1x2048x1024xf32, #tpu.memory_space<vmem>>, vector<1x2048x1024xf32>
      %get3A_9 = vector.shape_cast %get3A_8 : vector<1x2048x1024xf32> to vector<2048x1024xf32>
      %dot_general3A = arith.constant dense<0.000000e+00> : vector<256x2048xf32>
      %dot_general3A_10 = tpu.matmul %get3A_4, %get3A_9, %dot_general3A {dimension_numbers = #tpu.dot_dimension_numbers<[1], [1], [0], [0], [0, 0, 1, 0], [], []>, transpose_lhs_hint = false} : vector<256x1024xf32>, vector<2048x1024xf32>, vector<256x2048xf32> -> vector<256x2048xf32>
      %get3A_11 = arith.constant 0 : index
      %get3A_12 = arith.constant 0 : index
      %get3A_13 = arith.constant 0 : index
      %get3A_14 = vector.load %arg6[%get3A_11, %get3A_12, %get3A_13] : memref<1x2048x1024xf32, #tpu.memory_space<vmem>>, vector<1x2048x1024xf32>
      %get3A_15 = vector.shape_cast %get3A_14 : vector<1x2048x1024xf32> to vector<2048x1024xf32>
      %dot_general3A_16 = arith.constant dense<0.000000e+00> : vector<256x2048xf32>
      %dot_general3A_17 = tpu.matmul %get3A_4, %get3A_15, %dot_general3A_16 {dimension_numbers = #tpu.dot_dimension_numbers<[1], [1], [0], [0], [0, 0, 1, 0], [], []>, transpose_lhs_hint = false} : vector<256x1024xf32>, vector<2048x1024xf32>, vector<256x2048xf32> -> vector<256x2048xf32>
      %logistic3A = arith.negf %dot_general3A_10 : vector<256x2048xf32>
      %logistic3A_18 = math.exp %logistic3A : vector<256x2048xf32>
      %logistic3A_19 = arith.constant 1.000000e+00 : f32
      %logistic3A_20 = vector.broadcast %logistic3A_19 : f32 to vector<256x2048xf32>
      %logistic3A_21 = arith.addf %logistic3A_20, %logistic3A_18 : vector<256x2048xf32>
      %logistic3A_22 = arith.divf %logistic3A_20, %logistic3A_21 : vector<256x2048xf32>
      %mul3A = arith.mulf %dot_general3A_10, %logistic3A_22 : vector<256x2048xf32>
      %mul3A_23 = arith.mulf %mul3A, %dot_general3A_17 : vector<256x2048xf32>
      %get3A_24 = arith.constant 0 : index
      %get3A_25 = arith.constant 0 : index
      %get3A_26 = arith.constant 0 : index
      %get3A_27 = vector.load %arg7[%get3A_24, %get3A_25, %get3A_26] : memref<1x1024x2048xf32, #tpu.memory_space<vmem>>, vector<1x1024x2048xf32>
      %get3A_28 = vector.shape_cast %get3A_27 : vector<1x1024x2048xf32> to vector<1024x2048xf32>
      %dot_general3A_29 = arith.constant dense<0.000000e+00> : vector<256x1024xf32>
      %dot_general3A_30 = tpu.matmul %mul3A_23, %get3A_28, %dot_general3A_29 {dimension_numbers = #tpu.dot_dimension_numbers<[1], [1], [0], [0], [0, 0, 1, 0], [], []>, transpose_lhs_hint = false} : vector<256x2048xf32>, vector<1024x2048xf32>, vector<256x1024xf32> -> vector<256x1024xf32>
      %swap3A = arith.constant 0 : index
      %swap3A_31 = arith.constant 0 : index
      %swap3A_32 = vector.load %arg8[%swap3A, %swap3A_31] : memref<256x1024xf32, #tpu.memory_space<vmem>>, vector<256x1024xf32>
      tpu.vector_store %arg8[%swap3A, %swap3A_31], %dot_general3A_30 {strides = array<i32>} : memref<256x1024xf32, #tpu.memory_space<vmem>>, vector<256x1024xf32>,
    } else {
    }
    return
  }
  func.func @transform_0(%arg0: i32, %arg1: i32, %arg2: memref<24xi32, #tpu.memory_space<smem>>, %arg3: memref<24xi32, #tpu.memory_space<smem>>) -> (i32, i32) {
    %get3A = arith.index_cast %arg1 : i32 to index
    %get3A_0 = memref.load %arg3[%get3A] : memref<24xi32, #tpu.memory_space<smem>>
    %c0_i32 = arith.constant 0 : i32
    %c0_i32_1 = arith.constant 0 : i32
    return %get3A_0, %c0_i32 : i32, i32
  }
  func.func @transform_1(%arg0: i32, %arg1: i32, %arg2: memref<24xi32, #tpu.memory_space<smem>>, %arg3: memref<24xi32, #tpu.memory_space<smem>>) -> (i32, i32, i32) {
    %get3A = arith.index_cast %arg1 : i32 to index
    %get3A_0 = memref.load %arg2[%get3A] : memref<24xi32, #tpu.memory_space<smem>>
    %c0_i32 = arith.constant 0 : i32
    %c0_i32_1 = arith.constant 0 : i32
    return %get3A_0, %arg0, %c0_i32 : i32, i32, i32
  }
  func.func @transform_2(%arg0: i32, %arg1: i32, %arg2: memref<24xi32, #tpu.memory_space<smem>>, %arg3: memref<24xi32, #tpu.memory_space<smem>>) -> (i32, i32, i32) {
    %get3A = arith.index_cast %arg1 : i32 to index
    %get3A_0 = memref.load %arg2[%get3A] : memref<24xi32, #tpu.memory_space<smem>>
    %c0_i32 = arith.constant 0 : i32
    %c0_i32_1 = arith.constant 0 : i32
    return %get3A_0, %arg0, %c0_i32 : i32, i32, i32
  }
  func.func @transform_3(%arg0: i32, %arg1: i32, %arg2: memref<24xi32, #tpu.memory_space<smem>>, %arg3: memref<24xi32, #tpu.memory_space<smem>>) -> (i32, i32, i32) {
    %get3A = arith.index_cast %arg1 : i32 to index
    %get3A_0 = memref.load %arg2[%get3A] : memref<24xi32, #tpu.memory_space<smem>>
    %c0_i32 = arith.constant 0 : i32
    %c0_i32_1 = arith.constant 0 : i32
    return %get3A_0, %c0_i32, %arg0 : i32, i32, i32
  }
  func.func @transform_4(%arg0: i32, %arg1: i32, %arg2: memref<24xi32, #tpu.memory_space<smem>>, %arg3: memref<24xi32, #tpu.memory_space<smem>>) -> (i32, i32) {
    %mul3A = arith.constant 24 : i32
    %mul3A_0 = arith.muli %arg0, %mul3A : i32
    %get3A = arith.index_cast %arg1 : i32 to index
    %get3A_1 = memref.load %arg3[%get3A] : memref<24xi32, #tpu.memory_space<smem>>
    %add3A = arith.addi %mul3A_0, %get3A_1 : i32
    %c0_i32 = arith.constant 0 : i32
    %c0_i32_2 = arith.constant 0 : i32
    return %add3A, %c0_i32 : i32, i32
  }
}

</mosaic_0001>

<sc_bundles>
// kernel: kernel.6.cloned.1.call-start
scs
__scs_entry_jumppad:
0x0: {  	(pc) =	sbr.rel $0x88, $3  }
0x1: {  	(tag) =	ssettag $0x0;
	lr =	simm.s32 $0x1  }
0x2: {  	[smem:$0x3F9C] =	sst lr;
	_ =	strace $0xD0000000  }
0x3: {  	_ = 	snop  }
0x4: {  	_ = 	snop  }
0x5: {  	_ = 	snop  }
0x6: {  	_ = 	snop  }
0x7: {  	_ = 	snop  }
__scs_overlays_trampoline_lowered:
0x8: {  	[smem:$0x3FAB] =	sst s0  }
0x9: {  	[smem:$0x3FAC] =	sst s1  }
0xa: {  	[smem:$0x3FAD] =	sst s2  }
0xb: {  	[smem:$0x3FAE] =	sst s3  }
0xc: {  	[smem:$0x3FAF] =	sst s4  }
0xd: {  	[smem:$0x3FB0] =	sst s5  }
0xe: {  	[smem:$0x3FB1] =	sst s6  }
0xf: {  	[smem:$0x3FB2] =	sst s7  }
0x10: {  	[smem:$0x3FB3] =	sst s8  }
0x11: {  	[smem:$0x3FB4] =	sst s9;
	s0 =	simm.s32 @!p0 $0x0  }
0x12: {  	s1 =	sld [smem:$0x3F9A];
	s0 =	simm.s32 @p0 $0x1  }
0x13: {  	[smem:$0x3FB5] =	sst s0;
	s0 =	simm.s32 @!p1 $0x0  }
0x14: {  	s2 =	sld [smem:$0x3F99];
	s0 =	simm.s32 @p1 $0x1  }
0x15: {  	[smem:$0x3FB6] =	sst s0;
	s0 =	simm.s32 @!p2 $0x0  }
0x16: {  	s3 =	sld [smem:$0x3FDB];
	s0 =	simm.s32 @p2 $0x1  }
0x17: {  	s4 =	simm.s32 $0x1BF5;
	[smem:$0x3FB8] =	sst s0  }
0x18: {  	s0 =	sld [smem:$0x3F9B];
	_ =	swait.ge [sflag:s4], $0x0  }
0x19: {  	s7 =	sld [smem:$0x3F9C]  }
0x1a: {  	s8 =	sadd.s32 $0xFFFFE003, lr  }
0x1b: {  	s9 =	sadd.s32 $0xFFFFFEF7, lr;
	s5 =	simm.s32 $0xFFFFFFFF;
	p2 =	slt.u32 s8, $0xFFFFF086  }
0x1c: {  	p1 =	slt.u32 s9, $0xF7A;
	s5 =	simm.s32 @!p2 $0x0  }
0x1d: {  	s5 =	simm.s32 @p1 $0x1;
	p0 =	seq.s32 s7, s2  }
0x1e: {  	s7 =	smul.u32 @!p0 $0xF7A, s2;
	p2 =	seq.s32 @!p0 s5, $0x0  }
0x1f: {  	s9 =	smul.u32 $0xF7A, s1;
	s8 =	simm.s32 @!p0 $0x1BF5;
	p2 =	por !p2, p0  }
0x20: {  	[sflag:s8] =	ssyncset.s32 @!p0 $0xFFFFF086;
	s6 =	sadd.s32 @!p0 s3, s7;
	s7 =	simm.s32 @!p0 $0x108  }
0x21: {  	s3 =	sadd.s32 s3, s9;
	s6 =	sadd.s32 @!p0 $0x88, s6;
	s7 =	simm.s32 @p2 $0x1082  }
0x22: {  	[simem:s7], [sflag:s8] =	dma.local @!p0 [hbm:s6], $0xF7A  }
0x23: {  	s9 =	sor.u32 $0xD0000000, s2;
	s6 =	simm.s32 $0x108;
	_ =	swait.ge @!p0 [sflag:s8], $0x0  }
0x24: {  	s3 =	sadd.s32 $0x88, s3;
	s6 =	simm.s32 @!p1 $0x1082;
	[sflag:s4] =	ssyncset.s32 $0xFFFFF086  }
0x25: {  	[simem:s6], [sflag:s4] =	dma.local [hbm:s3], $0xF7A  }
0x26: {  	[smem:$0x3F9C] =	sst s1;
	(tag) =	ssettag s2;
	_ =	strace s9  }
0x27: {  	s1 =	sld [smem:$0x3FAC]  }
0x28: {  	s2 =	sld [smem:$0x3FAD]  }
0x29: {  	s4 =	sld [smem:$0x3FAF]  }
0x2a: {  	p0 =	seq.s32 s5, $0x0;
	s5 =	sld [smem:$0x3FB0]  }
0x2b: {  	s6 =	sld [smem:$0x3FB1]  }
0x2c: {  	s7 =	sld [smem:$0x3FB2]  }
0x2d: {  	s3 =	simm.s32 $0x108;
	s8 =	sld [smem:$0x3FB3]  }
0x2e: {  	s3 =	simm.s32 @!p0 $0x1082;
	s9 =	sld [smem:$0x3FB4]  }
0x2f: {  	lr =	sadd.s32 s0, s3;
	s0 =	sld [smem:$0x3FAB]  }
0x30: {  	s3 =	sld [smem:$0x3FAE]  }
0x31: {  	[smem:$0x3FB7] =	sst s10  }
0x32: {  	s10 =	sld [smem:$0x3FB5];
	_ =	sdelay $0x3  }
0x33: {  	p0 =	seq.s32 s10, $0x1;
	s10 =	sld [smem:$0x3FB7];
	_ =	sdelay $0x3  }
0x34: {  	[smem:$0x3FB7] =	sst s10  }
0x35: {  	s10 =	sld [smem:$0x3FB6];
	_ =	sdelay $0x3  }
0x36: {  	p1 =	seq.s32 s10, $0x1;
	s10 =	sld [smem:$0x3FB7];
	_ =	sdelay $0x3  }
0x37: {  	[smem:$0x3FB7] =	sst s10  }
0x38: {  	s10 =	sld [smem:$0x3FB8]  }
0x39: {  	_ = 	snop;
	(pc) =	sbr.ind lr, $3  }
0x3a: {  	_ = 	snop  }
0x3b: {  	_ = 	snop  }
0x3c: {  	p2 =	seq.s32 s10, $0x1;
	s10 =	sld [smem:$0x3FB7]  }
0x3d: {  	_ =	shalt  }
0x3e: {  	_ =	shalt  }
0x3f: {  	_ =	shalt  }
0x40: {  	_ =	shalt  }
0x41: {  	_ =	shalt  }
0x42: {  	_ =	shalt  }
0x43: {  	_ =	shalt  }
0x44: {  	_ =	shalt  }
0x45: {  	_ =	shalt  }
0x46: {  	_ =	shalt  }
0x47: {  	_ =	shalt  }
0x48: {  	_ =	shalt  }
0x49: {  	_ =	shalt  }
0x4a: {  	_ =	shalt  }
0x4b: {  	_ =	shalt  }
0x4c: {  	_ =	shalt  }
0x4d: {  	_ =	shalt  }
0x4e: {  	_ =	shalt  }
0x4f: {  	_ =	shalt  }
0x50: {  	_ =	shalt  }
0x51: {  	_ =	shalt  }
0x52: {  	_ =	shalt  }
0x53: {  	_ =	shalt  }
0x54: {  	_ =	shalt  }
0x55: {  	_ =	shalt  }
0x56: {  	_ =	shalt  }
0x57: {  	_ =	shalt  }
0x58: {  	_ =	shalt  }
0x59: {  	_ =	shalt  }
0x5a: {  	_ =	shalt  }
0x5b: {  	_ =	shalt  }
0x5c: {  	_ =	shalt  }
0x5d: {  	_ =	shalt  }
0x5e: {  	_ =	shalt  }
0x5f: {  	_ =	shalt  }
0x60: {  	_ =	shalt  }
0x61: {  	_ =	shalt  }
0x62: {  	_ =	shalt  }
0x63: {  	_ =	shalt  }
0x64: {  	_ =	shalt  }
0x65: {  	_ =	shalt  }
0x66: {  	_ =	shalt  }
0x67: {  	_ =	shalt  }
0x68: {  	_ =	shalt  }
0x69: {  	_ =	shalt  }
0x6a: {  	_ =	shalt  }
0x6b: {  	_ =	shalt  }
0x6c: {  	_ =	shalt  }
0x6d: {  	_ =	shalt  }
0x6e: {  	_ =	shalt  }
0x6f: {  	_ =	shalt  }
0x70: {  	_ =	shalt  }
0x71: {  	_ =	shalt  }
0x72: {  	_ =	shalt  }
0x73: {  	_ =	shalt  }
0x74: {  	_ =	shalt  }
0x75: {  	_ =	shalt  }
0x76: {  	_ =	shalt  }
0x77: {  	_ =	shalt  }
0x78: {  	_ =	shalt  }
0x79: {  	_ =	shalt  }
0x7a: {  	_ =	shalt  }
0x7b: {  	_ =	shalt  }
0x7c: {  	_ =	shalt  }
0x7d: {  	_ =	shalt  }
0x7e: {  	_ =	shalt  }
0x7f: {  	_ =	shalt  }
0x80: {  	_ =	shalt  }
0x81: {  	_ =	shalt  }
0x82: {  	_ =	shalt  }
0x83: {  	_ =	shalt  }
0x84: {  	_ =	shalt  }
0x85: {  	_ =	shalt  }
0x86: {  	_ =	shalt  }
0x87: {  	_ =	shalt  }
.Lfunc_end0:
.L_simem_size_0:
called_computation_lowered:
.L_overlay_start_0:
0x88: {  	s2 =	sld [smem:$0x3FD9]  }
0x89: {  	s3 =	sld [smem:$0x3FFE];
	_ =	sdelay $0x1  }
0x8a: {  	s1 =	srdreg.scid  }
0x8b: {  	s0 =	sand.u32 $0x1, s1  }
0x8c: {  	s14 =	sshll.u32 s0, $0xA;
	s2 =	sadd.s32 s3, s2  }
0x8d: {  	s2 =	sadd.s32 s2, s14  }
0x8e: {  	[smem:$0x3FC3] =	sst s2  }
0x8f: {  	_ = 	snop  }
0x90: {  	s2 =	sld [smem:$0x3FD0];
	_ =	sdelay $0x2  }
0x91: {  	s15 =	simm.s32 $0xA;
	s4 =	simm.s32 $0x10  }
0x92: {  	[smem:s4], [sflag:s15] =	dma.local [hbm:s2], $0x1  }
0x93: {  	_ =	swait.eq [sflag:s15], $0x1  }
0x94: {  	[sflag:s15] =	ssyncset.done $0x0  }
0x95: {  	s16 =	sld [smem:$0x10];
	[sflag:s15] =	ssyncadd.s32 $0xFFFFFFFF  }
0x96: {  	s17 =	sld [smem:$0x11];
	(tm) =	ssettm $0x1  }
0x97: {  	s18 =	sld [smem:$0x3FFB];
	_ =	sdelay $0x3  }
0x98: {  	_ =	strace s18  }
0x99: {  	s4 =	sld [smem:$0x3FFC];
	_ =	sdelay $0x3  }
0x9a: {  	_ =	strace s4  }
0x9b: {  	s4 =	sld [smem:$0x3FFD];
	_ =	sdelay $0x3  }
0x9c: {  	_ =	strace s4  }
0x9d: {  	_ =	strace $0x8FFFFFFF  }
0x9e: {  	s19 =	sld [smem:$0x3FDB];
	_ =	sdelay $0x1  }
0x9f: {  	s5 =	simm.s32 $_scs_section_size  }
0xa0: {  	s6 =	simm.s32 $_size__tile_overlayer_lowered;
	s7 =	simm.s32 $_tile_overlayer_lowered  }
0xa1: {  	s22 =	simm.s32 $0x1BFF;
	s21 =	sshll.u32 s7, $0x1;
	s4 =	sadd.s32 s5, s19  }
0xa2: {  	s8 =	simm.s32 $0x0;
	s20 =	sshll.u32 s6, $0x1;
	s6 =	sadd.s32 s21, s4  }
0xa3: {  	[timem:s8], [sflag:s22] =	dma.local [hbm:s6], s20  }
0xa4: {  	_ =	swait.ge [sflag:s22], s20  }
0xa5: {  	s5 =	ssub.s32 $0x0, s20;
	[sflag:s22] =	ssyncset.done $0x0  }
0xa6: {  	[sflag:s22] =	ssyncadd.s32 s5;
	_ =	sdelay $0x1  }
0xa7: {  	s23 =	simm.s32 $0x1B8B  }
0xa8: {  	_ =	swait.ge [sflag:s23], $0x1  }
0xa9: {  	[sflag:s23] =	ssyncset.done $0x0  }
0xaa: {  	s25 =	simm.s32 $0x1B8E;
	s24 =	sld [smem:$0x3FFE];
	[sflag:s23] =	ssyncadd.s32 $0xFFFFFFFF  }
0xab: {  	s26 =	simm.s32 $execute0_lowered;
	[smem:$0x3FD2] =	sst s25  }
0xac: {  	s6 =	sshll.u32 s26, $0x1;
	_ =	strace $0x80000046;
	[dreg:$0x1] =	wrdreg $0xFFFFFFFF  }
0xad: {  	s28 =	simm.s32 $_size_execute0_lowered;
	s4 =	sadd.s32 s4, s6;
	[dreg:$0x0] =	wrdreg $0x0  }
0xae: {  	s6 =	sshll.u32 s28, $0x1;
	[dreg:$0x2] =	wrdreg s4  }
0xaf: {  	[dreg:$0x3] =	wrdreg s6  }
0xb0: {  	[dreg:$0x4] =	wrdreg $0xC0  }
0xb1: {  	_ =	task [dreg:s8], $0x5FFFF  }
0xb2: {  	[dreg:$0x1] =	wrdreg $0xFFFFFFFF  }
0xb3: {  	[dreg:$0x0] =	wrdreg $0x60  }
0xb4: {  	[dreg:$0x2] =	wrdreg s16  }
0xb5: {  	[dreg:$0x3] =	wrdreg s24  }
0xb6: {  	[dreg:$0x4] =	wrdreg s17  }
0xb7: {  	[dreg:$0x5] =	wrdreg $0x9  }
0xb8: {  	_ =	task.clear_ibuf [dreg:s8], $0x6FFFF;
	_ =	strace $0x90000046  }
0xb9: {  	s29 =	simm.s32 $0x9;
	_ =	strace $0x80000048  }
0xba: {  	_ =	swait.ge [sflag:s29], $0x1  }
0xbb: {  	[sflag:s29] =	ssyncadd.s32 $0xFFFFFFFF  }
0xbc: {  	_ =	strace $0x90000048  }
0xbd: {  	_ =	sfence  }
0xbe: {  	s30 =	sld [smem:$0x0];
	_ =	sdelay $0x2  }
0xbf: {  	s31 =	sshll.u32 s1, $0xD;
	s1 =	sshrl.u32 s1, $0x2  }
0xc0: {  	s3 =	sand.u32 $0x4000, s31;
	s1 =	sadd.s32 s1, s30  }
0xc1: {  	s0 =	sor.u32 s3, s0;
	s1 =	sshll.u32 s1, $0x11  }
0xc2: {  	s0 =	sor.u32 s1, s0  }
0xc3: {  	s0 =	sadd.s32 $0x8F2B, s0  }
0xc4: {  	[sflag:s0] =	ssyncadd.remote.s32 $0x1  }
0xc5: {  	_ =	sfence.sel $0xFFFF  }
0xc6: {  	[dreg:$0x0] =	wrdreg $0xFFFFFFFF;
	(pc) =	sbr.abs _section_cstart, $3  }
0xc7: {  	[dreg:$0x1] =	wrdreg $0xFFFFFFFF  }
0xc8: {  	_ =	task.clear_ibuf [dreg:s8], $0x2FFFF;
	_ =	strace $0x9FFFFFFF  }
0xc9: {  	(tm) =	ssettm $0x7FFFFFFF  }
tec
execute0_lowered:
.L_overlay_start_1:
0x0: {  	(tag) =	ssettag $0x1  }
0x1: {  	s1 =	rddreg [dreg:$0x0]  }
0x2: {  	s0 =	srdreg.scid;
	s7 =	rddreg [dreg:$0x1]  }
0x3: {  	s2 =	stileid.u32;
	s6 =	rddreg [dreg:$0x2]  }
0x4: {  	s25 =	simm.s32 $0x10000;
	s26 =	simm.s32 $0x10080;
	s16 =	simm.s32 $0x1  }
0x5: {  	s19 =	simm.s32 $0x800;
	s20 =	simm.s32 $0x1000;
	s21 =	simm.s32 $0x1800  }
0x6: {  	s22 =	simm.s32 $0x2000;
	s28 =	simm.s32 $0x4800;
	s29 =	simm.s32 $0x5000  }
0x7: {  	s30 =	simm.s32 $0x5800;
	s31 =	simm.s32 $0x6000;
	s12 =	simm.s32 $0x9000  }
0x8: {  	s13 =	simm.s32 $0x9800;
	s14 =	simm.s32 $0xA000;
	s0 =	sand.u32 $0x1, s0  }
0x9: {  	s15 =	simm.s32 $0xA800;
	s2 =	sshll.u32 s2, $0x7;
	s4 =	sshll.u32 s0, $0x6  }
0xa: {  	s0 =	ssub.s32 $0x2, s0;
	s5 =	sor.u32 s4, s2;
	s2 =	simm.s32 $0x0  }
0xb: {  	s10 =	sshrl.u32 s0, $0x1;
	s8 =	sshll.u32 s5, $0x1;
	[smem:$0x7FF] =	sst s2  }
0xc: {  	s11 =	sshll.u32 s5, $0x7;
	s0 =	ssub.s32 s0, s10;
	s5 =	sadd.s32 $0x48200, s7  }
0xd: {  	s10 =	simm.s32 $0x8000;
	s3 =	sand.u32 $0xF00, s8;
	_ =	strace $0x80000047  }
0xe: {  	s1 =	sadd.s32 s1, s11;
	s24 =	sadd.s32 s7, s11;
	[dreg:$0x8] =	wrdreg s25  }
0xf: {  	[dreg:$0x9] =	wrdreg s26;
	s25 =	simm.s32 $0x3800;
	s26 =	simm.s32 $0x4000  }
0x10: {  	s11 =	simm.s32 $0x8800;
	s9 =	sor.u32 s4, s3;
	[dreg:$0x5] =	wrdreg s1  }
0x11: {  	s3 =	sadd.s32 $0x48000, s7;
	s4 =	sor.u32 s4, s8;
	[dreg:$0x7] =	wrdreg s24  }
0x12: {  	s8 =	simm.s32 $0x2;
	s9 =	sshrl.u32 s9, $0x3;
	s4 =	sshrl.u32 s4, $0x3  }
0x13: {  	s24 =	simm.s32 $0x3000;
	s9 =	sadd.s32 s6, s9;
	s23 =	sor.u32 $0x10, s4  }
0x14: {  	v2 =	vlaneseq.u32;
	s4 =	sadd.s32 $0x48100, s7;
	[dreg:$0x4] =	wrdreg s9;
	s1 =	sadd.s32 s6, s23  }
0x15: {  	vm0 =	vmmov $0xffff;
	v1 =	vshrl.u32 v2, $0x3;
	s6 =	sadd.s32 $0x48300, s7;
	s7 =	smax.u32 s0, $0x1;
	s23 =	simm.s32 $0x2800  }
0x16: {  	v0 =	vand.u32 $0x7, v2;
	v2 =	vor.u32 $0x8, v2;
	v1 =	vmul.u32 $0x8, v1;
	s9 =	simm.s32 $0x7800;
	[dreg:$0x6] =	wrdreg s1;
	s1 =	simm.s32 $0x6800  }
.LBB2_1:
0x17: {  	s17 =	rddreg [dreg:$0x4]  }
0x18: {  	s18 =	rddreg [dreg:$0x8]  }
0x19: {  	[tilespmem:s18], [sflag:$0x2] =	stream.linear.gather [hbm4b:s17+s2], $0x40, $0x38;
	[tilespmem:$0x10100] =	vst v63  }
0x1a: {  	_ =	swait.ge [sflag:s8], $0x40  }
0x1b: {  	[sflag:s8] =	ssyncset.done $0x0  }
0x1c: {  	s0 =	rddreg [dreg:$0x5];
	[sflag:s8] =	ssyncadd.s32 $0xFFFFFFC0  }
0x1d: {  	[tilespmem:s2], [sflag:$0x2] =	stream.linear.gather [hbm4b:s0+s2], $0x10000, $0x38;
	[tilespmem:$0x10100] =	vst v63  }
0x1e: {  	_ =	swait.ge [sflag:s8], $0x10000  }
0x1f: {  	[sflag:s8] =	ssyncset.done $0x0  }
0x20: {  	[sflag:s8] =	ssyncadd.s32 $0xFFFF0000  }
0x21: {  	v3 =	vld [tilespmem:$0x10000];
	_ =	sdelay $0x4  }
0x22: {  	v4 =	vshll.u32 v3, $0x3  }
0x23: {  	v3 =	vand.u32 $0x7, v3;
	v4 =	vand.u32 $0xFFFFFFC0, v4  }
0x24: {  	v3 =	vor.u32 v3, v4  }
0x25: {  	v4 =	vperm.xlane v3, v0;
	_ =	sdelay $0x1  }
0x26: {  	v4 =	vadd.s32 v1, v4;
	_ =	sdelay $0x4  }
0x27: {  	[hbm4b:s3+s2] =	stream.indirect_vreg.scatter [tilespmem:s2], [sflag:$0x1], $0x80, v4, vm0, $0xb8;
	[tilespmem:$0x10100] =	vst v63  }
0x28: {  	v3 =	vperm.xlane v3, v2  }
0x29: {  	[hbm4b:s4+s2] =	stream.indirect_vreg.scatter [tilespmem:s19], [sflag:$0x1], $0x80, v4, vm0, $0xb8;
	[tilespmem:$0x10100] =	vst v63  }
0x2a: {  	v3 =	vadd.s32 v1, v3  }
0x2b: {  	[hbm4b:s5+s2] =	stream.indirect_vreg.scatter [tilespmem:s20], [sflag:$0x1], $0x80, v4, vm0, $0xb8;
	[tilespmem:$0x10100] =	vst v63  }
0x2c: {  	_ = 	snop  }
0x2d: {  	[hbm4b:s6+s2] =	stream.indirect_vreg.scatter [tilespmem:s21], [sflag:$0x1], $0x80, v4, vm0, $0xb8;
	[tilespmem:$0x10100] =	vst v63  }
0x2e: {  	_ = 	snop  }
0x2f: {  	[hbm4b:s3+s2] =	stream.indirect_vreg.scatter [tilespmem:s22], [sflag:$0x1], $0x80, v3, vm0, $0xb8;
	[tilespmem:$0x10100] =	vst v63  }
0x30: {  	_ = 	snop  }
0x31: {  	[hbm4b:s4+s2] =	stream.indirect_vreg.scatter [tilespmem:s23], [sflag:$0x1], $0x80, v3, vm0, $0xb8;
	[tilespmem:$0x10100] =	vst v63  }
0x32: {  	_ = 	snop  }
0x33: {  	[hbm4b:s5+s2] =	stream.indirect_vreg.scatter [tilespmem:s24], [sflag:$0x1], $0x80, v3, vm0, $0xb8;
	[tilespmem:$0x10100] =	vst v63  }
0x34: {  	_ = 	snop  }
0x35: {  	[hbm4b:s6+s2] =	stream.indirect_vreg.scatter [tilespmem:s25], [sflag:$0x1], $0x80, v3, vm0, $0xb8;
	[tilespmem:$0x10100] =	vst v63  }
0x36: {  	v3 =	vld [tilespmem:$0x10010];
	_ =	sdelay $0x4  }
0x37: {  	v57 =	vshll.u32 v3, $0x3  }
0x38: {  	v3 =	vand.u32 $0x7, v3;
	v4 =	vand.u32 $0xFFFFFFC0, v57  }
0x39: {  	v3 =	vor.u32 v3, v4  }
0x3a: {  	v4 =	vperm.xlane v3, v0;
	_ =	sdelay $0x1  }
0x3b: {  	v4 =	vadd.s32 v1, v4;
	_ =	sdelay $0x4  }
0x3c: {  	[hbm4b:s3+s2] =	stream.indirect_vreg.scatter [tilespmem:s26], [sflag:$0x1], $0x80, v4, vm0, $0xb8;
	[tilespmem:$0x10100] =	vst v63  }
0x3d: {  	v3 =	vperm.xlane v3, v2  }
0x3e: {  	[hbm4b:s4+s2] =	stream.indirect_vreg.scatter [tilespmem:s28], [sflag:$0x1], $0x80, v4, vm0, $0xb8;
	[tilespmem:$0x10100] =	vst v63  }
0x3f: {  	v3 =	vadd.s32 v1, v3  }
0x40: {  	[hbm4b:s5+s2] =	stream.indirect_vreg.scatter [tilespmem:s29], [sflag:$0x1], $0x80, v4, vm0, $0xb8;
	[tilespmem:$0x10100] =	vst v63  }
0x41: {  	_ = 	snop  }
0x42: {  	[hbm4b:s6+s2] =	stream.indirect_vreg.scatter [tilespmem:s30], [sflag:$0x1], $0x80, v4, vm0, $0xb8;
	[tilespmem:$0x10100] =	vst v63  }
0x43: {  	_ = 	snop  }
0x44: {  	[hbm4b:s3+s2] =	stream.indirect_vreg.scatter [tilespmem:s31], [sflag:$0x1], $0x80, v3, vm0, $0xb8;
	[tilespmem:$0x10100] =	vst v63  }
0x45: {  	_ = 	snop  }
0x46: {  	[hbm4b:s4+s2] =	stream.indirect_vreg.scatter [tilespmem:s1], [sflag:$0x1], $0x80, v3, vm0, $0xb8;
	[tilespmem:$0x10100] =	vst v63  }
0x47: {  	s0 =	simm.s32 $0x7000  }
0x48: {  	[hbm4b:s5+s2] =	stream.indirect_vreg.scatter [tilespmem:s0], [sflag:$0x1], $0x80, v3, vm0, $0xb8;
	[tilespmem:$0x10100] =	vst v63  }
0x49: {  	_ = 	snop  }
0x4a: {  	[hbm4b:s6+s2] =	stream.indirect_vreg.scatter [tilespmem:s9], [sflag:$0x1], $0x80, v3, vm0, $0xb8;
	[tilespmem:$0x10100] =	vst v63  }
0x4b: {  	v3 =	vld [tilespmem:$0x10020];
	_ =	sdelay $0x4  }
0x4c: {  	v58 =	vshll.u32 v3, $0x3  }
0x4d: {  	v3 =	vand.u32 $0x7, v3;
	v4 =	vand.u32 $0xFFFFFFC0, v58  }
0x4e: {  	v3 =	vor.u32 v3, v4  }
0x4f: {  	v4 =	vperm.xlane v3, v0;
	_ =	sdelay $0x1  }
0x50: {  	v4 =	vadd.s32 v1, v4;
	_ =	sdelay $0x4  }
0x51: {  	[hbm4b:s3+s2] =	stream.indirect_vreg.scatter [tilespmem:s10], [sflag:$0x1], $0x80, v4, vm0, $0xb8;
	[tilespmem:$0x10100] =	vst v63  }
0x52: {  	v3 =	vperm.xlane v3, v2  }
0x53: {  	[hbm4b:s4+s2] =	stream.indirect_vreg.scatter [tilespmem:s11], [sflag:$0x1], $0x80, v4, vm0, $0xb8;
	[tilespmem:$0x10100] =	vst v63  }
0x54: {  	v3 =	vadd.s32 v1, v3  }
0x55: {  	[hbm4b:s5+s2] =	stream.indirect_vreg.scatter [tilespmem:s12], [sflag:$0x1], $0x80, v4, vm0, $0xb8;
	[tilespmem:$0x10100] =	vst v63  }
0x56: {  	_ = 	snop  }
0x57: {  	[hbm4b:s6+s2] =	stream.indirect_vreg.scatter [tilespmem:s13], [sflag:$0x1], $0x80, v4, vm0, $0xb8;
	[tilespmem:$0x10100] =	vst v63  }
0x58: {  	_ = 	snop  }
0x59: {  	[hbm4b:s3+s2] =	stream.indirect_vreg.scatter [tilespmem:s14], [sflag:$0x1], $0x80, v3, vm0, $0xb8;
	[tilespmem:$0x10100] =	vst v63  }
0x5a: {  	_ = 	snop  }
0x5b: {  	[hbm4b:s4+s2] =	stream.indirect_vreg.scatter [tilespmem:s15], [sflag:$0x1], $0x80, v3, vm0, $0xb8;
	[tilespmem:$0x10100] =	vst v63  }
0x5c: {  	s18 =	simm.s32 $0xB000  }
0x5d: {  	[hbm4b:s5+s2] =	stream.indirect_vreg.scatter [tilespmem:s18], [sflag:$0x1], $0x80, v3, vm0, $0xb8;
	[tilespmem:$0x10100] =	vst v63  }
0x5e: {  	s18 =	simm.s32 $0xB800  }
0x5f: {  	[hbm4b:s6+s2] =	stream.indirect_vreg.scatter [tilespmem:s18], [sflag:$0x1], $0x80, v3, vm0, $0xb8;
	[tilespmem:$0x10100] =	vst v63  }
0x60: {  	v3 =	vld [tilespmem:$0x10030];
	_ =	sdelay $0x4  }
0x61: {  	v59 =	vshll.u32 v3, $0x3  }
0x62: {  	v3 =	vand.u32 $0x7, v3;
	v4 =	vand.u32 $0xFFFFFFC0, v59  }
0x63: {  	v3 =	vor.u32 v3, v4  }
0x64: {  	v4 =	vperm.xlane v3, v0;
	_ =	sdelay $0x1  }
0x65: {  	v4 =	vadd.s32 v1, v4;
	_ =	sdelay $0x3  }
0x66: {  	s18 =	simm.s32 $0xC000  }
0x67: {  	[hbm4b:s3+s2] =	stream.indirect_vreg.scatter [tilespmem:s18], [sflag:$0x1], $0x80, v4, vm0, $0xb8;
	[tilespmem:$0x10100] =	vst v63  }
0x68: {  	v3 =	vperm.xlane v3, v2;
	s18 =	simm.s32 $0xC800  }
0x69: {  	[hbm4b:s4+s2] =	stream.indirect_vreg.scatter [tilespmem:s18], [sflag:$0x1], $0x80, v4, vm0, $0xb8;
	[tilespmem:$0x10100] =	vst v63  }
0x6a: {  	v3 =	vadd.s32 v1, v3;
	s18 =	simm.s32 $0xD000  }
0x6b: {  	[hbm4b:s5+s2] =	stream.indirect_vreg.scatter [tilespmem:s18], [sflag:$0x1], $0x80, v4, vm0, $0xb8;
	[tilespmem:$0x10100] =	vst v63  }
0x6c: {  	s18 =	simm.s32 $0xD800  }
0x6d: {  	[hbm4b:s6+s2] =	stream.indirect_vreg.scatter [tilespmem:s18], [sflag:$0x1], $0x80, v4, vm0, $0xb8;
	[tilespmem:$0x10100] =	vst v63  }
0x6e: {  	s18 =	simm.s32 $0xE000  }
0x6f: {  	[hbm4b:s3+s2] =	stream.indirect_vreg.scatter [tilespmem:s18], [sflag:$0x1], $0x80, v3, vm0, $0xb8;
	[tilespmem:$0x10100] =	vst v63  }
0x70: {  	s18 =	simm.s32 $0xE800  }
0x71: {  	[hbm4b:s4+s2] =	stream.indirect_vreg.scatter [tilespmem:s18], [sflag:$0x1], $0x80, v3, vm0, $0xb8;
	[tilespmem:$0x10100] =	vst v63  }
0x72: {  	s18 =	simm.s32 $0xF000  }
0x73: {  	[hbm4b:s5+s2] =	stream.indirect_vreg.scatter [tilespmem:s18], [sflag:$0x1], $0x80, v3, vm0, $0xb8;
	[tilespmem:$0x10100] =	vst v63  }
0x74: {  	s18 =	simm.s32 $0xF800  }
0x75: {  	[hbm4b:s6+s2] =	stream.indirect_vreg.scatter [tilespmem:s18], [sflag:$0x1], $0x80, v3, vm0, $0xb8;
	[tilespmem:$0x10100] =	vst v63  }
0x76: {  	_ =	swait.ge [sflag:s16], $0x10000  }
0x77: {  	s17 =	rddreg [dreg:$0x6];
	[sflag:s16] =	ssyncset.done $0x0  }
0x78: {  	s18 =	rddreg [dreg:$0x9];
	[sflag:s16] =	ssyncadd.s32 $0xFFFF0000  }
0x79: {  	[tilespmem:s18], [sflag:$0x2] =	stream.linear.gather [hbm4b:s17+s2], $0x40, $0x38;
	[tilespmem:$0x10100] =	vst v63  }
0x7a: {  	_ =	swait.ge [sflag:s8], $0x40  }
0x7b: {  	[sflag:s8] =	ssyncset.done $0x0  }
0x7c: {  	s18 =	rddreg [dreg:$0x7];
	[sflag:s8] =	ssyncadd.s32 $0xFFFFFFC0  }
0x7d: {  	[tilespmem:s2], [sflag:$0x2] =	stream.linear.gather [hbm4b:s18+s2], $0x10000, $0x38;
	[tilespmem:$0x10100] =	vst v63  }
0x7e: {  	_ =	swait.ge [sflag:s8], $0x10000  }
0x7f: {  	[sflag:s8] =	ssyncset.done $0x0  }
0x80: {  	[sflag:s8] =	ssyncadd.s32 $0xFFFF0000  }
0x81: {  	v3 =	vld [tilespmem:$0x10080];
	_ =	sdelay $0x4  }
0x82: {  	v60 =	vshll.u32 v3, $0x3  }
0x83: {  	v3 =	vand.u32 $0x7, v3;
	v4 =	vand.u32 $0xFFFFFFC0, v60  }
0x84: {  	v3 =	vor.u32 v3, v4  }
0x85: {  	v4 =	vperm.xlane v3, v0;
	_ =	sdelay $0x1  }
0x86: {  	v4 =	vadd.s32 v1, v4;
	_ =	sdelay $0x4  }
0x87: {  	[hbm4b:s3+s2] =	stream.indirect_vreg.scatter [tilespmem:s2], [sflag:$0x1], $0x80, v4, vm0, $0xb8;
	[tilespmem:$0x10100] =	vst v63  }
0x88: {  	v3 =	vperm.xlane v3, v2  }
0x89: {  	[hbm4b:s4+s2] =	stream.indirect_vreg.scatter [tilespmem:s19], [sflag:$0x1], $0x80, v4, vm0, $0xb8;
	[tilespmem:$0x10100] =	vst v63  }
0x8a: {  	v3 =	vadd.s32 v1, v3  }
0x8b: {  	[hbm4b:s5+s2] =	stream.indirect_vreg.scatter [tilespmem:s20], [sflag:$0x1], $0x80, v4, vm0, $0xb8;
	[tilespmem:$0x10100] =	vst v63  }
0x8c: {  	_ = 	snop  }
0x8d: {  	[hbm4b:s6+s2] =	stream.indirect_vreg.scatter [tilespmem:s21], [sflag:$0x1], $0x80, v4, vm0, $0xb8;
	[tilespmem:$0x10100] =	vst v63  }
0x8e: {  	_ = 	snop  }
0x8f: {  	[hbm4b:s3+s2] =	stream.indirect_vreg.scatter [tilespmem:s22], [sflag:$0x1], $0x80, v3, vm0, $0xb8;
	[tilespmem:$0x10100] =	vst v63  }
0x90: {  	_ = 	snop  }
0x91: {  	[hbm4b:s4+s2] =	stream.indirect_vreg.scatter [tilespmem:s23], [sflag:$0x1], $0x80, v3, vm0, $0xb8;
	[tilespmem:$0x10100] =	vst v63  }
0x92: {  	_ = 	snop  }
0x93: {  	[hbm4b:s5+s2] =	stream.indirect_vreg.scatter [tilespmem:s24], [sflag:$0x1], $0x80, v3, vm0, $0xb8;
	[tilespmem:$0x10100] =	vst v63  }
0x94: {  	_ = 	snop  }
0x95: {  	[hbm4b:s6+s2] =	stream.indirect_vreg.scatter [tilespmem:s25], [sflag:$0x1], $0x80, v3, vm0, $0xb8;
	[tilespmem:$0x10100] =	vst v63  }
0x96: {  	v3 =	vld [tilespmem:$0x10090];
	_ =	sdelay $0x4  }
0x97: {  	v61 =	vshll.u32 v3, $0x3  }
0x98: {  	v3 =	vand.u32 $0x7, v3;
	v4 =	vand.u32 $0xFFFFFFC0, v61  }
0x99: {  	v3 =	vor.u32 v3, v4  }
0x9a: {  	v4 =	vperm.xlane v3, v0;
	_ =	sdelay $0x1  }
0x9b: {  	v4 =	vadd.s32 v1, v4;
	_ =	sdelay $0x4  }
0x9c: {  	[hbm4b:s3+s2] =	stream.indirect_vreg.scatter [tilespmem:s26], [sflag:$0x1], $0x80, v4, vm0, $0xb8;
	[tilespmem:$0x10100] =	vst v63  }
0x9d: {  	v3 =	vperm.xlane v3, v2  }
0x9e: {  	[hbm4b:s4+s2] =	stream.indirect_vreg.scatter [tilespmem:s28], [sflag:$0x1], $0x80, v4, vm0, $0xb8;
	[tilespmem:$0x10100] =	vst v63  }
0x9f: {  	v3 =	vadd.s32 v1, v3  }
0xa0: {  	[hbm4b:s5+s2] =	stream.indirect_vreg.scatter [tilespmem:s29], [sflag:$0x1], $0x80, v4, vm0, $0xb8;
	[tilespmem:$0x10100] =	vst v63  }
0xa1: {  	_ = 	snop  }
0xa2: {  	[hbm4b:s6+s2] =	stream.indirect_vreg.scatter [tilespmem:s30], [sflag:$0x1], $0x80, v4, vm0, $0xb8;
	[tilespmem:$0x10100] =	vst v63  }
0xa3: {  	_ = 	snop  }
0xa4: {  	[hbm4b:s3+s2] =	stream.indirect_vreg.scatter [tilespmem:s31], [sflag:$0x1], $0x80, v3, vm0, $0xb8;
	[tilespmem:$0x10100] =	vst v63  }
0xa5: {  	_ = 	snop  }
0xa6: {  	[hbm4b:s4+s2] =	stream.indirect_vreg.scatter [tilespmem:s1], [sflag:$0x1], $0x80, v3, vm0, $0xb8;
	[tilespmem:$0x10100] =	vst v63  }
0xa7: {  	_ = 	snop  }
0xa8: {  	[hbm4b:s5+s2] =	stream.indirect_vreg.scatter [tilespmem:s0], [sflag:$0x1], $0x80, v3, vm0, $0xb8;
	[tilespmem:$0x10100] =	vst v63  }
0xa9: {  	_ = 	snop  }
0xaa: {  	[hbm4b:s6+s2] =	stream.indirect_vreg.scatter [tilespmem:s9], [sflag:$0x1], $0x80, v3, vm0, $0xb8;
	[tilespmem:$0x10100] =	vst v63  }
0xab: {  	v3 =	vld [tilespmem:$0x100A0];
	_ =	sdelay $0x4  }
0xac: {  	v62 =	vshll.u32 v3, $0x3  }
0xad: {  	v3 =	vand.u32 $0x7, v3;
	v4 =	vand.u32 $0xFFFFFFC0, v62  }
0xae: {  	v3 =	vor.u32 v3, v4  }
0xaf: {  	v4 =	vperm.xlane v3, v0;
	_ =	sdelay $0x1  }
0xb0: {  	v4 =	vadd.s32 v1, v4;
	_ =	sdelay $0x4  }
0xb1: {  	[hbm4b:s3+s2] =	stream.indirect_vreg.scatter [tilespmem:s10], [sflag:$0x1], $0x80, v4, vm0, $0xb8;
	[tilespmem:$0x10100] =	vst v63  }
0xb2: {  	v3 =	vperm.xlane v3, v2  }
0xb3: {  	[hbm4b:s4+s2] =	stream.indirect_vreg.scatter [tilespmem:s11], [sflag:$0x1], $0x80, v4, vm0, $0xb8;
	[tilespmem:$0x10100] =	vst v63  }
0xb4: {  	v3 =	vadd.s32 v1, v3  }
0xb5: {  	[hbm4b:s5+s2] =	stream.indirect_vreg.scatter [tilespmem:s12], [sflag:$0x1], $0x80, v4, vm0, $0xb8;
	[tilespmem:$0x10100] =	vst v63  }
0xb6: {  	_ = 	snop  }
0xb7: {  	[hbm4b:s6+s2] =	stream.indirect_vreg.scatter [tilespmem:s13], [sflag:$0x1], $0x80, v4, vm0, $0xb8;
	[tilespmem:$0x10100] =	vst v63  }
0xb8: {  	_ = 	snop  }
0xb9: {  	[hbm4b:s3+s2] =	stream.indirect_vreg.scatter [tilespmem:s14], [sflag:$0x1], $0x80, v3, vm0, $0xb8;
	[tilespmem:$0x10100] =	vst v63  }
0xba: {  	_ = 	snop  }
0xbb: {  	[hbm4b:s4+s2] =	stream.indirect_vreg.scatter [tilespmem:s15], [sflag:$0x1], $0x80, v3, vm0, $0xb8;
	[tilespmem:$0x10100] =	vst v63  }
0xbc: {  	s17 =	simm.s32 $0xB000  }
0xbd: {  	[hbm4b:s5+s2] =	stream.indirect_vreg.scatter [tilespmem:s17], [sflag:$0x1], $0x80, v3, vm0, $0xb8;
	[tilespmem:$0x10100] =	vst v63  }
0xbe: {  	s18 =	simm.s32 $0xB800  }
0xbf: {  	[hbm4b:s6+s2] =	stream.indirect_vreg.scatter [tilespmem:s18], [sflag:$0x1], $0x80, v3, vm0, $0xb8;
	[tilespmem:$0x10100] =	vst v63  }
0xc0: {  	v3 =	vld [tilespmem:$0x100B0];
	_ =	sdelay $0x4  }
0xc1: {  	v63 =	vshll.u32 v3, $0x3  }
0xc2: {  	v3 =	vand.u32 $0x7, v3;
	v4 =	vand.u32 $0xFFFFFFC0, v63  }
0xc3: {  	v3 =	vor.u32 v3, v4  }
0xc4: {  	v4 =	vperm.xlane v3, v0;
	_ =	sdelay $0x1  }
0xc5: {  	v4 =	vadd.s32 v1, v4;
	_ =	sdelay $0x3  }
0xc6: {  	s17 =	simm.s32 $0xC000  }
0xc7: {  	[hbm4b:s3+s2] =	stream.indirect_vreg.scatter [tilespmem:s17], [sflag:$0x1], $0x80, v4, vm0, $0xb8;
	[tilespmem:$0x10100] =	vst v63  }
0xc8: {  	s18 =	simm.s32 $0xC800;
	v3 =	vperm.xlane v3, v2  }
0xc9: {  	[hbm4b:s4+s2] =	stream.indirect_vreg.scatter [tilespmem:s18], [sflag:$0x1], $0x80, v4, vm0, $0xb8;
	[tilespmem:$0x10100] =	vst v63  }
0xca: {  	v3 =	vadd.s32 v1, v3;
	s17 =	simm.s32 $0xD000  }
0xcb: {  	[hbm4b:s5+s2] =	stream.indirect_vreg.scatter [tilespmem:s17], [sflag:$0x1], $0x80, v4, vm0, $0xb8;
	[tilespmem:$0x10100] =	vst v63  }
0xcc: {  	s18 =	simm.s32 $0xD800  }
0xcd: {  	[hbm4b:s6+s2] =	stream.indirect_vreg.scatter [tilespmem:s18], [sflag:$0x1], $0x80, v4, vm0, $0xb8;
	[tilespmem:$0x10100] =	vst v63  }
0xce: {  	s17 =	simm.s32 $0xE000  }
0xcf: {  	[hbm4b:s3+s2] =	stream.indirect_vreg.scatter [tilespmem:s17], [sflag:$0x1], $0x80, v3, vm0, $0xb8;
	[tilespmem:$0x10100] =	vst v63  }
0xd0: {  	s18 =	simm.s32 $0xE800  }
0xd1: {  	[hbm4b:s4+s2] =	stream.indirect_vreg.scatter [tilespmem:s18], [sflag:$0x1], $0x80, v3, vm0, $0xb8;
	[tilespmem:$0x10100] =	vst v63  }
0xd2: {  	p0 =	sne.s32 s7, $0x1;
	s17 =	simm.s32 $0xF000  }
0xd3: {  	[hbm4b:s5+s2] =	stream.indirect_vreg.scatter [tilespmem:s17], [sflag:$0x1], $0x80, v3, vm0, $0xb8;
	[tilespmem:$0x10100] =	vst v63  }
.Ltmp0:
0xd4: {  	s18 =	simm.s32 $0xF800;
	(pc) =	sbr.rel @p0 .LBB2_1-.Ltmp0, $4  }
0xd5: {  	[hbm4b:s6+s2] =	stream.indirect_vreg.scatter [tilespmem:s18], [sflag:$0x1], $0x80, v3, vm0, $0xb8;
	[tilespmem:$0x10100] =	vst v63  }
0xd6: {  	_ =	swait.ge [sflag:s16], $0x10000  }
0xd7: {  	[sflag:s16] =	ssyncset.done $0x0  }
0xd8: {  	s7 =	sadd.s32 $0xFFFFFFFF, s7;
	[sflag:s16] =	ssyncadd.s32 $0xFFFF0000  }
0xd9: {  	_ =	sfence.sel $0x180000  }
0xda: {  	[bflag:$0x0] =	sbarrier.arrive $0xFFFF  }
0xdb: {  	_ =	strace $0x90000047  }
0xdc: {  	s0 =	stileid.u32;
	[bflag:$0x2] =	sbarrier.arrive $0xFFFF  }
0xdd: {  	p0 =	sne.s32 s0, $0x0;
	s0 =	rddreg [dreg:$0x3]  }
0xde: {  	s0 =	sadd.s32 @!p0 $0x100000, s0  }
0xdf: {  	[sflag:s0] =	ssyncadd.tile.s32 @!p0 $0x1;
	_ =	shalt  }
.Lfunc_end2:
_tile_overlayer_lowered:
.L_overlay_start_2:
0xe0: {  	(tag) =	ssettag $0x2  }
0xe1: {  	s0 =	rddreg [dreg:$0x0];
	s2 =	stileid.u32  }
0xe2: {  	s1 =	rddreg [dreg:$0x1];
	p0 =	sne.s32 s2, $0x0  }
0xe3: {  	s3 =	rddreg [dreg:$0x2];
	[bflag:$0x3] =	sbarrier.arrive $0xFFFF;
	s2 =	simm.s32 @!p0 $0x1C02  }
0xe4: {  	[timem:s3], [sflag:s2] =	dma.local @!p0 [hbm:s0], s1  }
0xe5: {  	s0 =	simm.s32 @!p0 $0x2  }
0xe6: {  	_ =	swait.ge @!p0 [sflag:s0], s1  }
0xe7: {  	s1 =	ssub.s32 @!p0 $0x0, s1;
	[sflag:s0] =	ssyncset.done @!p0 $0x0  }
0xe8: {  	[sflag:s0] =	ssyncadd.s32 @!p0 s1  }
0xe9: {  	[bflag:$0x3] =	sbarrier.arrive $0xFFFF  }
0xea: {  	_ =	shalt  }

// kernel: kernel.9.cloned.1.call-start
scs
__scs_entry_jumppad:
0x0: {  	(pc) =	sbr.rel $0x88, $3  }
0x1: {  	(tag) =	ssettag $0x0;
	lr =	simm.s32 $0x1  }
0x2: {  	[smem:$0x3F9C] =	sst lr;
	_ =	strace $0xD0000000  }
0x3: {  	_ = 	snop  }
0x4: {  	_ = 	snop  }
0x5: {  	_ = 	snop  }
0x6: {  	_ = 	snop  }
0x7: {  	_ = 	snop  }
__scs_overlays_trampoline_lowered:
0x8: {  	[smem:$0x3FAB] =	sst s0  }
0x9: {  	[smem:$0x3FAC] =	sst s1  }
0xa: {  	[smem:$0x3FAD] =	sst s2  }
0xb: {  	[smem:$0x3FAE] =	sst s3  }
0xc: {  	[smem:$0x3FAF] =	sst s4  }
0xd: {  	[smem:$0x3FB0] =	sst s5  }
0xe: {  	[smem:$0x3FB1] =	sst s6  }
0xf: {  	[smem:$0x3FB2] =	sst s7  }
0x10: {  	[smem:$0x3FB3] =	sst s8  }
0x11: {  	[smem:$0x3FB4] =	sst s9;
	s0 =	simm.s32 @!p0 $0x0  }
0x12: {  	s1 =	sld [smem:$0x3F9A];
	s0 =	simm.s32 @p0 $0x1  }
0x13: {  	[smem:$0x3FB5] =	sst s0;
	s0 =	simm.s32 @!p1 $0x0  }
0x14: {  	s2 =	sld [smem:$0x3F99];
	s0 =	simm.s32 @p1 $0x1  }
0x15: {  	[smem:$0x3FB6] =	sst s0;
	s0 =	simm.s32 @!p2 $0x0  }
0x16: {  	s3 =	sld [smem:$0x3FDB];
	s0 =	simm.s32 @p2 $0x1  }
0x17: {  	s4 =	simm.s32 $0x1BF5;
	[smem:$0x3FB8] =	sst s0  }
0x18: {  	s0 =	sld [smem:$0x3F9B];
	_ =	swait.ge [sflag:s4], $0x0  }
0x19: {  	s7 =	sld [smem:$0x3F9C]  }
0x1a: {  	s8 =	sadd.s32 $0xFFFFE003, lr  }
0x1b: {  	s9 =	sadd.s32 $0xFFFFFEF7, lr;
	s5 =	simm.s32 $0xFFFFFFFF;
	p2 =	slt.u32 s8, $0xFFFFF086  }
0x1c: {  	p1 =	slt.u32 s9, $0xF7A;
	s5 =	simm.s32 @!p2 $0x0  }
0x1d: {  	s5 =	simm.s32 @p1 $0x1;
	p0 =	seq.s32 s7, s2  }
0x1e: {  	s7 =	smul.u32 @!p0 $0xF7A, s2;
	p2 =	seq.s32 @!p0 s5, $0x0  }
0x1f: {  	s9 =	smul.u32 $0xF7A, s1;
	s8 =	simm.s32 @!p0 $0x1BF5;
	p2 =	por !p2, p0  }
0x20: {  	[sflag:s8] =	ssyncset.s32 @!p0 $0xFFFFF086;
	s6 =	sadd.s32 @!p0 s3, s7;
	s7 =	simm.s32 @!p0 $0x108  }
0x21: {  	s3 =	sadd.s32 s3, s9;
	s6 =	sadd.s32 @!p0 $0x88, s6;
	s7 =	simm.s32 @p2 $0x1082  }
0x22: {  	[simem:s7], [sflag:s8] =	dma.local @!p0 [hbm:s6], $0xF7A  }
0x23: {  	s9 =	sor.u32 $0xD0000000, s2;
	s6 =	simm.s32 $0x108;
	_ =	swait.ge @!p0 [sflag:s8], $0x0  }
0x24: {  	s3 =	sadd.s32 $0x88, s3;
	s6 =	simm.s32 @!p1 $0x1082;
	[sflag:s4] =	ssyncset.s32 $0xFFFFF086  }
0x25: {  	[simem:s6], [sflag:s4] =	dma.local [hbm:s3], $0xF7A  }
0x26: {  	[smem:$0x3F9C] =	sst s1;
	(tag) =	ssettag s2;
	_ =	strace s9  }
0x27: {  	s1 =	sld [smem:$0x3FAC]  }
0x28: {  	s2 =	sld [smem:$0x3FAD]  }
0x29: {  	s4 =	sld [smem:$0x3FAF]  }
0x2a: {  	p0 =	seq.s32 s5, $0x0;
	s5 =	sld [smem:$0x3FB0]  }
0x2b: {  	s6 =	sld [smem:$0x3FB1]  }
0x2c: {  	s7 =	sld [smem:$0x3FB2]  }
0x2d: {  	s3 =	simm.s32 $0x108;
	s8 =	sld [smem:$0x3FB3]  }
0x2e: {  	s3 =	simm.s32 @!p0 $0x1082;
	s9 =	sld [smem:$0x3FB4]  }
0x2f: {  	lr =	sadd.s32 s0, s3;
	s0 =	sld [smem:$0x3FAB]  }
0x30: {  	s3 =	sld [smem:$0x3FAE]  }
0x31: {  	[smem:$0x3FB7] =	sst s10  }
0x32: {  	s10 =	sld [smem:$0x3FB5];
	_ =	sdelay $0x3  }
0x33: {  	p0 =	seq.s32 s10, $0x1;
	s10 =	sld [smem:$0x3FB7];
	_ =	sdelay $0x3  }
0x34: {  	[smem:$0x3FB7] =	sst s10  }
0x35: {  	s10 =	sld [smem:$0x3FB6];
	_ =	sdelay $0x3  }
0x36: {  	p1 =	seq.s32 s10, $0x1;
	s10 =	sld [smem:$0x3FB7];
	_ =	sdelay $0x3  }
0x37: {  	[smem:$0x3FB7] =	sst s10  }
0x38: {  	s10 =	sld [smem:$0x3FB8]  }
0x39: {  	_ = 	snop;
	(pc) =	sbr.ind lr, $3  }
0x3a: {  	_ = 	snop  }
0x3b: {  	_ = 	snop  }
0x3c: {  	p2 =	seq.s32 s10, $0x1;
	s10 =	sld [smem:$0x3FB7]  }
0x3d: {  	_ =	shalt  }
0x3e: {  	_ =	shalt  }
0x3f: {  	_ =	shalt  }
0x40: {  	_ =	shalt  }
0x41: {  	_ =	shalt  }
0x42: {  	_ =	shalt  }
0x43: {  	_ =	shalt  }
0x44: {  	_ =	shalt  }
0x45: {  	_ =	shalt  }
0x46: {  	_ =	shalt  }
0x47: {  	_ =	shalt  }
0x48: {  	_ =	shalt  }
0x49: {  	_ =	shalt  }
0x4a: {  	_ =	shalt  }
0x4b: {  	_ =	shalt  }
0x4c: {  	_ =	shalt  }
0x4d: {  	_ =	shalt  }
0x4e: {  	_ =	shalt  }
0x4f: {  	_ =	shalt  }
0x50: {  	_ =	shalt  }
0x51: {  	_ =	shalt  }
0x52: {  	_ =	shalt  }
0x53: {  	_ =	shalt  }
0x54: {  	_ =	shalt  }
0x55: {  	_ =	shalt  }
0x56: {  	_ =	shalt  }
0x57: {  	_ =	shalt  }
0x58: {  	_ =	shalt  }
0x59: {  	_ =	shalt  }
0x5a: {  	_ =	shalt  }
0x5b: {  	_ =	shalt  }
0x5c: {  	_ =	shalt  }
0x5d: {  	_ =	shalt  }
0x5e: {  	_ =	shalt  }
0x5f: {  	_ =	shalt  }
0x60: {  	_ =	shalt  }
0x61: {  	_ =	shalt  }
0x62: {  	_ =	shalt  }
0x63: {  	_ =	shalt  }
0x64: {  	_ =	shalt  }
0x65: {  	_ =	shalt  }
0x66: {  	_ =	shalt  }
0x67: {  	_ =	shalt  }
0x68: {  	_ =	shalt  }
0x69: {  	_ =	shalt  }
0x6a: {  	_ =	shalt  }
0x6b: {  	_ =	shalt  }
0x6c: {  	_ =	shalt  }
0x6d: {  	_ =	shalt  }
0x6e: {  	_ =	shalt  }
0x6f: {  	_ =	shalt  }
0x70: {  	_ =	shalt  }
0x71: {  	_ =	shalt  }
0x72: {  	_ =	shalt  }
0x73: {  	_ =	shalt  }
0x74: {  	_ =	shalt  }
0x75: {  	_ =	shalt  }
0x76: {  	_ =	shalt  }
0x77: {  	_ =	shalt  }
0x78: {  	_ =	shalt  }
0x79: {  	_ =	shalt  }
0x7a: {  	_ =	shalt  }
0x7b: {  	_ =	shalt  }
0x7c: {  	_ =	shalt  }
0x7d: {  	_ =	shalt  }
0x7e: {  	_ =	shalt  }
0x7f: {  	_ =	shalt  }
0x80: {  	_ =	shalt  }
0x81: {  	_ =	shalt  }
0x82: {  	_ =	shalt  }
0x83: {  	_ =	shalt  }
0x84: {  	_ =	shalt  }
0x85: {  	_ =	shalt  }
0x86: {  	_ =	shalt  }
0x87: {  	_ =	shalt  }
.Lfunc_end0:
.L_simem_size_0:
called_computation.1_lowered:
.L_overlay_start_0:
0x88: {  	s2 =	sld [smem:$0x3FD9]  }
0x89: {  	s3 =	sld [smem:$0x3FFE];
	_ =	sdelay $0x1  }
0x8a: {  	s1 =	srdreg.scid  }
0x8b: {  	s0 =	sand.u32 $0x1, s1  }
0x8c: {  	s14 =	sshll.u32 s0, $0xA;
	s2 =	sadd.s32 s3, s2  }
0x8d: {  	s2 =	sadd.s32 s2, s14  }
0x8e: {  	[smem:$0x3FC3] =	sst s2  }
0x8f: {  	_ = 	snop  }
0x90: {  	s2 =	sld [smem:$0x3FD0];
	_ =	sdelay $0x2  }
0x91: {  	s15 =	simm.s32 $0xA;
	s4 =	simm.s32 $0x10  }
0x92: {  	[smem:s4], [sflag:s15] =	dma.local [hbm:s2], $0x1  }
0x93: {  	_ =	swait.eq [sflag:s15], $0x1  }
0x94: {  	[sflag:s15] =	ssyncset.done $0x0  }
0x95: {  	[sflag:s15] =	ssyncadd.s32 $0xFFFFFFFF  }
0x96: {  	s16 =	sld [smem:$0x10];
	(tm) =	ssettm $0x1  }
0x97: {  	s17 =	sld [smem:$0x3FFB];
	_ =	sdelay $0x3  }
0x98: {  	_ =	strace s17  }
0x99: {  	s3 =	sld [smem:$0x3FFC];
	_ =	sdelay $0x3  }
0x9a: {  	_ =	strace s3  }
0x9b: {  	s3 =	sld [smem:$0x3FFD];
	_ =	sdelay $0x3  }
0x9c: {  	_ =	strace s3  }
0x9d: {  	_ =	strace $0x8FFFFFFF  }
0x9e: {  	s18 =	sld [smem:$0x3FDB];
	_ =	sdelay $0x1  }
0x9f: {  	s19 =	simm.s32 $_scs_section_size  }
0xa0: {  	s5 =	simm.s32 $_size__tile_overlayer_lowered;
	s6 =	simm.s32 $_tile_overlayer_lowered  }
0xa1: {  	s22 =	simm.s32 $0x1BFF;
	s21 =	sshll.u32 s6, $0x1;
	s3 =	sadd.s32 s19, s18  }
0xa2: {  	s7 =	simm.s32 $0x0;
	s20 =	sshll.u32 s5, $0x1;
	s5 =	sadd.s32 s21, s3  }
0xa3: {  	[timem:s7], [sflag:s22] =	dma.local [hbm:s5], s20  }
0xa4: {  	_ =	swait.ge [sflag:s22], s20  }
0xa5: {  	s4 =	ssub.s32 $0x0, s20;
	[sflag:s22] =	ssyncset.done $0x0  }
0xa6: {  	[sflag:s22] =	ssyncadd.s32 s4;
	_ =	sdelay $0x1  }
0xa7: {  	s23 =	simm.s32 $0x1B8B  }
0xa8: {  	_ =	swait.ge [sflag:s23], $0x1  }
0xa9: {  	[sflag:s23] =	ssyncset.done $0x0  }
0xaa: {  	s25 =	simm.s32 $0x1B8E;
	s24 =	sld [smem:$0x3FFE];
	[sflag:s23] =	ssyncadd.s32 $0xFFFFFFFF  }
0xab: {  	s26 =	simm.s32 $execute0_lowered;
	[smem:$0x3FD2] =	sst s25  }
0xac: {  	s5 =	sshll.u32 s26, $0x1;
	_ =	strace $0x80000049;
	[dreg:$0x1] =	wrdreg $0xFFFFFFFF  }
0xad: {  	s28 =	simm.s32 $_size_execute0_lowered;
	s3 =	sadd.s32 s3, s5;
	[dreg:$0x0] =	wrdreg $0x0  }
0xae: {  	s5 =	sshll.u32 s28, $0x1;
	[dreg:$0x2] =	wrdreg s3  }
0xaf: {  	[dreg:$0x3] =	wrdreg s5  }
0xb0: {  	[dreg:$0x4] =	wrdreg $0xC0  }
0xb1: {  	_ =	task [dreg:s7], $0x5FFFF  }
0xb2: {  	[dreg:$0x1] =	wrdreg $0xFFFFFFFF  }
0xb3: {  	[dreg:$0x0] =	wrdreg $0x60  }
0xb4: {  	[dreg:$0x2] =	wrdreg s24  }
0xb5: {  	[dreg:$0x3] =	wrdreg s16  }
0xb6: {  	[dreg:$0x4] =	wrdreg $0x9  }
0xb7: {  	_ =	task.clear_ibuf [dreg:s7], $0x5FFFF;
	_ =	strace $0x90000049  }
0xb8: {  	s29 =	simm.s32 $0x9;
	_ =	strace $0x8000004B  }
0xb9: {  	_ =	swait.ge [sflag:s29], $0x1  }
0xba: {  	[sflag:s29] =	ssyncadd.s32 $0xFFFFFFFF  }
0xbb: {  	_ =	strace $0x9000004B  }
0xbc: {  	_ =	sfence  }
0xbd: {  	s30 =	sld [smem:$0x0];
	_ =	sdelay $0x2  }
0xbe: {  	s31 =	sshll.u32 s1, $0xD;
	s1 =	sshrl.u32 s1, $0x2  }
0xbf: {  	s3 =	sand.u32 $0x4000, s31;
	s1 =	sadd.s32 s1, s30  }
0xc0: {  	s0 =	sor.u32 s3, s0;
	s1 =	sshll.u32 s1, $0x11  }
0xc1: {  	s0 =	sor.u32 s1, s0  }
0xc2: {  	s0 =	sadd.s32 $0x8F2B, s0  }
0xc3: {  	[sflag:s0] =	ssyncadd.remote.s32 $0x1  }
0xc4: {  	_ =	sfence.sel $0xFFFF  }
0xc5: {  	[dreg:$0x0] =	wrdreg $0xFFFFFFFF;
	(pc) =	sbr.abs _section_cstart, $3  }
0xc6: {  	[dreg:$0x1] =	wrdreg $0xFFFFFFFF  }
0xc7: {  	_ =	task.clear_ibuf [dreg:s7], $0x2FFFF;
	_ =	strace $0x9FFFFFFF  }
0xc8: {  	(tm) =	ssettm $0x7FFFFFFF  }
0xc9: {  	_ =	shalt  }
tec
execute0_lowered:
.L_overlay_start_1:
0x0: {  	(tag) =	ssettag $0x1  }
0x1: {  	s0 =	srdreg.scid  }
0x2: {  	s1 =	stileid.u32;
	s2 =	rddreg [dreg:$0x1];
	s30 =	simm.s32 $0x2  }
0x3: {  	s28 =	simm.s32 $0xA800;
	s29 =	simm.s32 $0xB000;
	s3 =	sand.u32 $0x1, s0  }
0x4: {  	s31 =	simm.s32 $0xB800;
	s11 =	sshll.u32 s1, $0x7;
	s4 =	sshll.u32 s3, $0x6  }
0x5: {  	s0 =	rddreg [dreg:$0x0];
	s1 =	simm.s32 $0x0;
	s5 =	sor.u32 s4, s11  }
0x6: {  	[smem:$0x7FF] =	sst s1;
	s3 =	ssub.s32 $0x2, s3;
	s6 =	sshll.u32 s5, $0x2  }
0x7: {  	s9 =	sadd.s32 $0x108400, s0;
	s10 =	sshrl.u32 s3, $0x1;
	s7 =	sand.u32 $0x1E00, s6  }
0x8: {  	s3 =	ssub.s32 s3, s10;
	s10 =	sadd.s32 $0x108410, s0;
	s8 =	sor.u32 s4, s7  }
0x9: {  	s11 =	sor.u32 $0x10, s5;
	s4 =	sor.u32 s4, s6;
	s8 =	sshrl.u32 s8, $0x3  }
0xa: {  	s24 =	sor.u32 $0x30, s5;
	s4 =	sshrl.u32 s4, $0x3;
	s12 =	sadd.s32 s9, s8  }
0xb: {  	s8 =	sadd.s32 s8, s10;
	s13 =	sor.u32 $0x20, s4;
	[dreg:$0x3] =	wrdreg s12  }
0xc: {  	s4 =	sor.u32 $0x30, s4;
	[dreg:$0x4] =	wrdreg s8;
	s8 =	sadd.s32 s9, s13  }
0xd: {  	s12 =	sand.u32 $0x50, s11;
	s4 =	sadd.s32 s9, s4;
	[dreg:$0x5] =	wrdreg s8  }
0xe: {  	s14 =	sor.u32 s12, s7;
	[dreg:$0x6] =	wrdreg s4;
	s16 =	sor.u32 s6, s12  }
0xf: {  	s12 =	sor.u32 $0x20, s5;
	s15 =	sshrl.u32 s14, $0x3;
	s8 =	sshrl.u32 s16, $0x3  }
0x10: {  	s13 =	sand.u32 $0x60, s12;
	s14 =	sand.u32 $0x70, s24;
	s16 =	sshll.u32 s5, $0x7  }
0x11: {  	s5 =	simm.s32 $0xE800;
	s17 =	sadd.s32 s9, s15;
	s4 =	sadd.s32 s15, s10  }
0x12: {  	s18 =	sor.u32 $0x20, s8;
	s19 =	sor.u32 $0x30, s8;
	s20 =	sor.u32 s13, s7  }
0x13: {  	s22 =	sor.u32 s6, s13;
	s7 =	sor.u32 s14, s7;
	[dreg:$0x7] =	wrdreg s17  }
0x14: {  	s6 =	sor.u32 s6, s14;
	s14 =	simm.s32 $0xC000;
	[dreg:$0x8] =	wrdreg s4  }
0x15: {  	s4 =	sadd.s32 s9, s18;
	s21 =	sshrl.u32 s20, $0x3;
	s8 =	sshrl.u32 s22, $0x3  }
0x16: {  	s15 =	sshrl.u32 s6, $0x3;
	s17 =	sshll.u32 s11, $0x7;
	s18 =	sshll.u32 s12, $0x7  }
0x17: {  	s22 =	sadd.s32 $0x108800, s0;
	[dreg:$0x9] =	wrdreg s4;
	s4 =	sadd.s32 s9, s19  }
0x18: {  	s23 =	sadd.s32 s9, s21;
	s25 =	sor.u32 $0x20, s8;
	s26 =	sor.u32 $0x30, s8  }
0x19: {  	s8 =	sshrl.u32 s7, $0x3;
	s6 =	sor.u32 $0x20, s15;
	[dreg:$0xa] =	wrdreg s4  }
0x1a: {  	s19 =	sadd.s32 s2, s17;
	[dreg:$0xb] =	wrdreg s23;
	s4 =	sadd.s32 s21, s10  }
0x1b: {  	s20 =	sadd.s32 s2, s18;
	s7 =	sadd.s32 s9, s8;
	[dreg:$0xc] =	wrdreg s4  }
0x1c: {  	s6 =	sadd.s32 s9, s6;
	s4 =	sadd.s32 s9, s25;
	[dreg:$0xf] =	wrdreg s7  }
0x1d: {  	s21 =	sshll.u32 s24, $0x7;
	[dreg:$0xd] =	wrdreg s4;
	s4 =	sadd.s32 s9, s26  }
0x1e: {  	s23 =	sadd.s32 $0x108900, s0;
	[dreg:$0xe] =	wrdreg s4;
	s4 =	sadd.s32 s8, s10  }
0x1f: {  	s24 =	smax.u32 s3, $0x1;
	[dreg:$0x10] =	wrdreg s4;
	s4 =	sor.u32 $0x30, s15  }
0x20: {  	s3 =	simm.s32 $0xD800;
	[dreg:$0x11] =	wrdreg s6;
	s4 =	sadd.s32 s9, s4  }
0x21: {  	s25 =	sadd.s32 $0x108A00, s0;
	[dreg:$0x12] =	wrdreg s4;
	s4 =	sadd.s32 s2, s16  }
0x22: {  	s6 =	simm.s32 $0xF000;
	_ =	strace $0x8000004A;
	[dreg:$0x13] =	wrdreg s4  }
0x23: {  	s7 =	simm.s32 $0xF800;
	s26 =	sadd.s32 $0x108B00, s0;
	[dreg:$0x14] =	wrdreg s19  }
0x24: {  	v2 =	vlaneseq.u32;
	s0 =	simm.s32 $0xC800;
	s2 =	sadd.s32 s2, s21;
	[dreg:$0x15] =	wrdreg s20  }
0x25: {  	vm0 =	vmmov $0xffff;
	v1 =	vshrl.u32 v2, $0x3;
	s8 =	simm.s32 $0x1;
	s9 =	simm.s32 $0x0;
	[dreg:$0x16] =	wrdreg s2  }
0x26: {  	v0 =	vand.u32 $0x7, v2;
	v2 =	vor.u32 $0x8, v2;
	v1 =	vmul.u32 $0x8, v1;
	[dreg:$0x17] =	wrdreg s24;
	s2 =	simm.s32 $0xD000;
	s4 =	simm.s32 $0xE000  }
.LBB2_1:
0x27: {  	s10 =	rddreg [dreg:$0x3];
	s11 =	simm.s32 $0x10000  }
0x28: {  	[tilespmem:s11], [sflag:$0x2] =	stream.linear.gather [hbm4b:s10+s1], $0x10, $0x38;
	[tilespmem:$0x10200] =	vst v63  }
0x29: {  	_ =	swait.ge [sflag:s30], $0x10  }
0x2a: {  	[sflag:s30] =	ssyncset.done $0x0  }
0x2b: {  	s20 =	simm.s32 $0x10080;
	s19 =	rddreg [dreg:$0x4];
	[sflag:s30] =	ssyncadd.s32 $0xFFFFFFF0  }
0x2c: {  	[tilespmem:s20], [sflag:$0x2] =	stream.linear.gather [hbm4b:s19+s1], $0x10, $0x38;
	[tilespmem:$0x10200] =	vst v63  }
0x2d: {  	_ =	swait.ge [sflag:s30], $0x10  }
0x2e: {  	[sflag:s30] =	ssyncset.done $0x0  }
0x2f: {  	s24 =	simm.s32 $0x10100;
	s21 =	rddreg [dreg:$0x5];
	[sflag:s30] =	ssyncadd.s32 $0xFFFFFFF0  }
0x30: {  	[tilespmem:s24], [sflag:$0x2] =	stream.linear.gather [hbm4b:s21+s1], $0x10, $0x38;
	[tilespmem:$0x10200] =	vst v63  }
0x31: {  	_ =	swait.ge [sflag:s30], $0x10  }
0x32: {  	[sflag:s30] =	ssyncset.done $0x0  }
0x33: {  	s12 =	simm.s32 $0x10180;
	s11 =	rddreg [dreg:$0x6];
	[sflag:s30] =	ssyncadd.s32 $0xFFFFFFF0  }
0x34: {  	[tilespmem:s12], [sflag:$0x2] =	stream.linear.gather [hbm4b:s11+s1], $0x10, $0x38;
	[tilespmem:$0x10200] =	vst v63  }
0x35: {  	_ =	swait.ge [sflag:s30], $0x10  }
0x36: {  	[sflag:s30] =	ssyncset.done $0x0  }
0x37: {  	[sflag:s30] =	ssyncadd.s32 $0xFFFFFFF0  }
0x38: {  	v3 =	vld [tilespmem:$0x10000];
	_ =	sdelay $0x4  }
0x39: {  	v4 =	vshll.u32 v3, $0x3  }
0x3a: {  	v3 =	vand.u32 $0x7, v3;
	v4 =	vand.u32 $0xFFFFFFC0, v4  }
0x3b: {  	v3 =	vor.u32 v3, v4  }
0x3c: {  	v4 =	vperm.xlane v3, v0;
	_ =	sdelay $0x1  }
0x3d: {  	v4 =	vadd.s32 v1, v4;
	_ =	sdelay $0x4  }
0x3e: {  	[tilespmem:s1], [sflag:$0x1] =	stream.indirect_vreg.gather [hbm4b:s22+s1], $0x80, v4, vm0, $0xb8;
	[tilespmem:$0x10200] =	vst v63  }
0x3f: {  	s13 =	simm.s32 $0x800;
	v3 =	vperm.xlane v3, v2  }
0x40: {  	[tilespmem:s13], [sflag:$0x1] =	stream.indirect_vreg.gather [hbm4b:s23+s1], $0x80, v4, vm0, $0xb8;
	[tilespmem:$0x10200] =	vst v63  }
0x41: {  	s15 =	simm.s32 $0x1000;
	v3 =	vadd.s32 v1, v3  }
0x42: {  	[tilespmem:s15], [sflag:$0x1] =	stream.indirect_vreg.gather [hbm4b:s25+s1], $0x80, v4, vm0, $0xb8;
	[tilespmem:$0x10200] =	vst v63  }
0x43: {  	s16 =	simm.s32 $0x1800  }
0x44: {  	[tilespmem:s16], [sflag:$0x1] =	stream.indirect_vreg.gather [hbm4b:s26+s1], $0x80, v4, vm0, $0xb8;
	[tilespmem:$0x10200] =	vst v63  }
0x45: {  	s17 =	simm.s32 $0x2000  }
0x46: {  	[tilespmem:s17], [sflag:$0x1] =	stream.indirect_vreg.gather [hbm4b:s22+s1], $0x80, v3, vm0, $0xb8;
	[tilespmem:$0x10200] =	vst v63  }
0x47: {  	s18 =	simm.s32 $0x2800  }
0x48: {  	[tilespmem:s18], [sflag:$0x1] =	stream.indirect_vreg.gather [hbm4b:s23+s1], $0x80, v3, vm0, $0xb8;
	[tilespmem:$0x10200] =	vst v63  }
0x49: {  	s19 =	simm.s32 $0x3000  }
0x4a: {  	[tilespmem:s19], [sflag:$0x1] =	stream.indirect_vreg.gather [hbm4b:s25+s1], $0x80, v3, vm0, $0xb8;
	[tilespmem:$0x10200] =	vst v63  }
0x4b: {  	s20 =	simm.s32 $0x3800  }
0x4c: {  	[tilespmem:s20], [sflag:$0x1] =	stream.indirect_vreg.gather [hbm4b:s26+s1], $0x80, v3, vm0, $0xb8;
	[tilespmem:$0x10200] =	vst v63  }
0x4d: {  	v3 =	vld [tilespmem:$0x10080];
	_ =	sdelay $0x4  }
0x4e: {  	v61 =	vshll.u32 v3, $0x3  }
0x4f: {  	v3 =	vand.u32 $0x7, v3;
	v4 =	vand.u32 $0xFFFFFFC0, v61  }
0x50: {  	v3 =	vor.u32 v3, v4  }
0x51: {  	v4 =	vperm.xlane v3, v0;
	_ =	sdelay $0x1  }
0x52: {  	v4 =	vadd.s32 v1, v4;
	_ =	sdelay $0x3  }
0x53: {  	s21 =	simm.s32 $0x4000  }
0x54: {  	[tilespmem:s21], [sflag:$0x1] =	stream.indirect_vreg.gather [hbm4b:s22+s1], $0x80, v4, vm0, $0xb8;
	[tilespmem:$0x10200] =	vst v63  }
0x55: {  	s24 =	simm.s32 $0x4800;
	v3 =	vperm.xlane v3, v2  }
0x56: {  	[tilespmem:s24], [sflag:$0x1] =	stream.indirect_vreg.gather [hbm4b:s23+s1], $0x80, v4, vm0, $0xb8;
	[tilespmem:$0x10200] =	vst v63  }
0x57: {  	s11 =	simm.s32 $0x5000;
	v3 =	vadd.s32 v1, v3  }
0x58: {  	[tilespmem:s11], [sflag:$0x1] =	stream.indirect_vreg.gather [hbm4b:s25+s1], $0x80, v4, vm0, $0xb8;
	[tilespmem:$0x10200] =	vst v63  }
0x59: {  	s12 =	simm.s32 $0x5800  }
0x5a: {  	[tilespmem:s12], [sflag:$0x1] =	stream.indirect_vreg.gather [hbm4b:s26+s1], $0x80, v4, vm0, $0xb8;
	[tilespmem:$0x10200] =	vst v63  }
0x5b: {  	s13 =	simm.s32 $0x6000  }
0x5c: {  	[tilespmem:s13], [sflag:$0x1] =	stream.indirect_vreg.gather [hbm4b:s22+s1], $0x80, v3, vm0, $0xb8;
	[tilespmem:$0x10200] =	vst v63  }
0x5d: {  	s15 =	simm.s32 $0x6800  }
0x5e: {  	[tilespmem:s15], [sflag:$0x1] =	stream.indirect_vreg.gather [hbm4b:s23+s1], $0x80, v3, vm0, $0xb8;
	[tilespmem:$0x10200] =	vst v63  }
0x5f: {  	s16 =	simm.s32 $0x7000  }
0x60: {  	[tilespmem:s16], [sflag:$0x1] =	stream.indirect_vreg.gather [hbm4b:s25+s1], $0x80, v3, vm0, $0xb8;
	[tilespmem:$0x10200] =	vst v63  }
0x61: {  	s17 =	simm.s32 $0x7800  }
0x62: {  	[tilespmem:s17], [sflag:$0x1] =	stream.indirect_vreg.gather [hbm4b:s26+s1], $0x80, v3, vm0, $0xb8;
	[tilespmem:$0x10200] =	vst v63  }
0x63: {  	v3 =	vld [tilespmem:$0x10100];
	_ =	sdelay $0x4  }
0x64: {  	v62 =	vshll.u32 v3, $0x3  }
0x65: {  	v3 =	vand.u32 $0x7, v3;
	v4 =	vand.u32 $0xFFFFFFC0, v62  }
0x66: {  	v3 =	vor.u32 v3, v4  }
0x67: {  	v4 =	vperm.xlane v3, v0;
	_ =	sdelay $0x1  }
0x68: {  	v4 =	vadd.s32 v1, v4;
	_ =	sdelay $0x3  }
0x69: {  	s18 =	simm.s32 $0x8000  }
0x6a: {  	[tilespmem:s18], [sflag:$0x1] =	stream.indirect_vreg.gather [hbm4b:s22+s1], $0x80, v4, vm0, $0xb8;
	[tilespmem:$0x10200] =	vst v63  }
0x6b: {  	s19 =	simm.s32 $0x8800;
	v3 =	vperm.xlane v3, v2  }
0x6c: {  	[tilespmem:s19], [sflag:$0x1] =	stream.indirect_vreg.gather [hbm4b:s23+s1], $0x80, v4, vm0, $0xb8;
	[tilespmem:$0x10200] =	vst v63  }
0x6d: {  	s20 =	simm.s32 $0x9000;
	v3 =	vadd.s32 v1, v3  }
0x6e: {  	[tilespmem:s20], [sflag:$0x1] =	stream.indirect_vreg.gather [hbm4b:s25+s1], $0x80, v4, vm0, $0xb8;
	[tilespmem:$0x10200] =	vst v63  }
0x6f: {  	s21 =	simm.s32 $0x9800  }
0x70: {  	[tilespmem:s21], [sflag:$0x1] =	stream.indirect_vreg.gather [hbm4b:s26+s1], $0x80, v4, vm0, $0xb8;
	[tilespmem:$0x10200] =	vst v63  }
0x71: {  	s24 =	simm.s32 $0xA000  }
0x72: {  	[tilespmem:s24], [sflag:$0x1] =	stream.indirect_vreg.gather [hbm4b:s22+s1], $0x80, v3, vm0, $0xb8;
	[tilespmem:$0x10200] =	vst v63  }
0x73: {  	_ = 	snop  }
0x74: {  	[tilespmem:s28], [sflag:$0x1] =	stream.indirect_vreg.gather [hbm4b:s23+s1], $0x80, v3, vm0, $0xb8;
	[tilespmem:$0x10200] =	vst v63  }
0x75: {  	_ = 	snop  }
0x76: {  	[tilespmem:s29], [sflag:$0x1] =	stream.indirect_vreg.gather [hbm4b:s25+s1], $0x80, v3, vm0, $0xb8;
	[tilespmem:$0x10200] =	vst v63  }
0x77: {  	_ = 	snop  }
0x78: {  	[tilespmem:s31], [sflag:$0x1] =	stream.indirect_vreg.gather [hbm4b:s26+s1], $0x80, v3, vm0, $0xb8;
	[tilespmem:$0x10200] =	vst v63  }
0x79: {  	v3 =	vld [tilespmem:$0x10180];
	_ =	sdelay $0x4  }
0x7a: {  	v63 =	vshll.u32 v3, $0x3  }
0x7b: {  	v3 =	vand.u32 $0x7, v3;
	v4 =	vand.u32 $0xFFFFFFC0, v63  }
0x7c: {  	v3 =	vor.u32 v3, v4  }
0x7d: {  	v4 =	vperm.xlane v3, v0;
	_ =	sdelay $0x1  }
0x7e: {  	v4 =	vadd.s32 v1, v4;
	_ =	sdelay $0x4  }
0x7f: {  	[tilespmem:s14], [sflag:$0x1] =	stream.indirect_vreg.gather [hbm4b:s22+s1], $0x80, v4, vm0, $0xb8;
	[tilespmem:$0x10200] =	vst v63  }
0x80: {  	v3 =	vperm.xlane v3, v2  }
0x81: {  	[tilespmem:s0], [sflag:$0x1] =	stream.indirect_vreg.gather [hbm4b:s23+s1], $0x80, v4, vm0, $0xb8;
	[tilespmem:$0x10200] =	vst v63  }
0x82: {  	v3 =	vadd.s32 v1, v3  }
0x83: {  	[tilespmem:s2], [sflag:$0x1] =	stream.indirect_vreg.gather [hbm4b:s25+s1], $0x80, v4, vm0, $0xb8;
	[tilespmem:$0x10200] =	vst v63  }
0x84: {  	_ = 	snop  }
0x85: {  	[tilespmem:s3], [sflag:$0x1] =	stream.indirect_vreg.gather [hbm4b:s26+s1], $0x80, v4, vm0, $0xb8;
	[tilespmem:$0x10200] =	vst v63  }
0x86: {  	_ = 	snop  }
0x87: {  	[tilespmem:s4], [sflag:$0x1] =	stream.indirect_vreg.gather [hbm4b:s22+s1], $0x80, v3, vm0, $0xb8;
	[tilespmem:$0x10200] =	vst v63  }
0x88: {  	_ = 	snop  }
0x89: {  	[tilespmem:s5], [sflag:$0x1] =	stream.indirect_vreg.gather [hbm4b:s23+s1], $0x80, v3, vm0, $0xb8;
	[tilespmem:$0x10200] =	vst v63  }
0x8a: {  	_ = 	snop  }
0x8b: {  	[tilespmem:s6], [sflag:$0x1] =	stream.indirect_vreg.gather [hbm4b:s25+s1], $0x80, v3, vm0, $0xb8;
	[tilespmem:$0x10200] =	vst v63  }
0x8c: {  	_ = 	snop  }
0x8d: {  	[tilespmem:s7], [sflag:$0x1] =	stream.indirect_vreg.gather [hbm4b:s26+s1], $0x80, v3, vm0, $0xb8;
	[tilespmem:$0x10200] =	vst v63  }
0x8e: {  	_ =	swait.ge [sflag:s8], $0x4000  }
0x8f: {  	[sflag:s8] =	ssyncset.done $0x0  }
0x90: {  	[sflag:s8] =	ssyncadd.s32 $0xFFFFC000  }
0x91: {  	_ =	swait.ge [sflag:s8], $0x4000  }
0x92: {  	[sflag:s8] =	ssyncset.done $0x0  }
0x93: {  	[sflag:s8] =	ssyncadd.s32 $0xFFFFC000  }
0x94: {  	_ =	swait.ge [sflag:s8], $0x4000  }
0x95: {  	[sflag:s8] =	ssyncset.done $0x0  }
0x96: {  	[sflag:s8] =	ssyncadd.s32 $0xFFFFC000  }
0x97: {  	_ =	swait.ge [sflag:s8], $0x4000  }
0x98: {  	s10 =	simm.s32 $0x0;
	[sflag:s8] =	ssyncset.done $0x0  }
0x99: {  	s11 =	simm.s32 $0x0;
	s12 =	simm.s32 $0x0;
	[sflag:s8] =	ssyncadd.s32 $0xFFFFC000  }
.LBB2_2:
0x9a: {  	s13 =	sshll.u32 s11, $0x2;
	s15 =	sand.u32 $0x7, s10  }
0x9b: {  	s13 =	sand.u32 $0xFFFF8000, s13;
	s15 =	sshll.u32 s15, $0x9  }
0x9c: {  	s13 =	sor.u32 s15, s13  }
0x9d: {  	s17 =	sshrl.u32 s13, $0x2  }
0x9e: {  	s16 =	sor.u32 $0x40, s17  }
0x9f: {  	s13 =	sadd.s32 $0xC040, s17;
	v3 =	vld [tilespmem:s16+$0xFFFFFFC0]  }
0xa0: {  	s15 =	sadd.s32 $0x8040, s17;
	v4 =	vld [tilespmem:s13+$0xFFFFFFC0]  }
0xa1: {  	s17 =	sadd.s32 $0x4040, s17;
	v5 =	vld [tilespmem:s15+$0xFFFFFFC0]  }
0xa2: {  	v6 =	vld [tilespmem:s17+$0xFFFFFFC0];
	_ =	sdelay $0x4  }
0xa3: {  	v3 =	vadd.f32 v6, v3;
	v4 =	vadd.f32 v4, v5;
	_ =	sdelay $0x1  }
0xa4: {  	v3 =	vadd.f32 v4, v3;
	_ =	sdelay $0x1  }
0xa5: {  	[tilespmem:s16+$0xFFFFFFC0] =	vst v3;
	v3 =	vld [tilespmem:s16+$0xFFFFFFD0]  }
0xa6: {  	v4 =	vld [tilespmem:s13+$0xFFFFFFD0]  }
0xa7: {  	v5 =	vld [tilespmem:s17+$0xFFFFFFD0]  }
0xa8: {  	v6 =	vld [tilespmem:s15+$0xFFFFFFD0];
	_ =	sdelay $0x4  }
0xa9: {  	v3 =	vadd.f32 v5, v3;
	v4 =	vadd.f32 v4, v6;
	_ =	sdelay $0x1  }
0xaa: {  	v3 =	vadd.f32 v4, v3;
	_ =	sdelay $0x1  }
0xab: {  	[tilespmem:s16+$0xFFFFFFD0] =	vst v3;
	v3 =	vld [tilespmem:s16+$0xFFFFFFE0]  }
0xac: {  	v4 =	vld [tilespmem:s17+$0xFFFFFFE0]  }
0xad: {  	v5 =	vld [tilespmem:s15+$0xFFFFFFE0]  }
0xae: {  	v6 =	vld [tilespmem:s13+$0xFFFFFFE0];
	_ =	sdelay $0x4  }
0xaf: {  	v3 =	vadd.f32 v4, v3;
	v4 =	vadd.f32 v6, v5;
	_ =	sdelay $0x1  }
0xb0: {  	v3 =	vadd.f32 v4, v3;
	_ =	sdelay $0x1  }
0xb1: {  	[tilespmem:s16+$0xFFFFFFE0] =	vst v3;
	v3 =	vld [tilespmem:s16+$0xFFFFFFF0]  }
0xb2: {  	v4 =	vld [tilespmem:s15+$0xFFFFFFF0]  }
0xb3: {  	v5 =	vld [tilespmem:s17+$0xFFFFFFF0]  }
0xb4: {  	v6 =	vld [tilespmem:s13+$0xFFFFFFF0];
	_ =	sdelay $0x4  }
0xb5: {  	v3 =	vadd.f32 v5, v3;
	v4 =	vadd.f32 v6, v4;
	_ =	sdelay $0x1  }
0xb6: {  	v3 =	vadd.f32 v4, v3;
	_ =	sdelay $0x1  }
0xb7: {  	[tilespmem:s16+$0xFFFFFFF0] =	vst v3;
	v3 =	vld [tilespmem:s16+$0x0]  }
0xb8: {  	v4 =	vld [tilespmem:s15+$0x0]  }
0xb9: {  	v5 =	vld [tilespmem:s17+$0x0]  }
0xba: {  	v6 =	vld [tilespmem:s13+$0x0];
	_ =	sdelay $0x4  }
0xbb: {  	v3 =	vadd.f32 v5, v3;
	v4 =	vadd.f32 v6, v4;
	_ =	sdelay $0x1  }
0xbc: {  	v3 =	vadd.f32 v4, v3;
	_ =	sdelay $0x1  }
0xbd: {  	[tilespmem:s16+$0x0] =	vst v3;
	v3 =	vld [tilespmem:s16+$0x10]  }
0xbe: {  	v4 =	vld [tilespmem:s17+$0x10]  }
0xbf: {  	v5 =	vld [tilespmem:s15+$0x10]  }
0xc0: {  	v6 =	vld [tilespmem:s13+$0x10];
	_ =	sdelay $0x4  }
0xc1: {  	v3 =	vadd.f32 v4, v3;
	v4 =	vadd.f32 v6, v5;
	_ =	sdelay $0x1  }
0xc2: {  	v3 =	vadd.f32 v4, v3;
	_ =	sdelay $0x1  }
0xc3: {  	[tilespmem:s16+$0x10] =	vst v3;
	v3 =	vld [tilespmem:s16+$0x20]  }
0xc4: {  	v4 =	vld [tilespmem:s13+$0x20]  }
0xc5: {  	v5 =	vld [tilespmem:s17+$0x20]  }
0xc6: {  	v6 =	vld [tilespmem:s15+$0x20];
	_ =	sdelay $0x4  }
0xc7: {  	s19 =	simm.s32 $0x0;
	s21 =	sadd.s32 $0x400, s15;
	v3 =	vadd.f32 v5, v3;
	v4 =	vadd.f32 v4, v6  }
0xc8: {  	s24 =	sadd.s32 $0x400, s13;
	s18 =	smov.u32 s16;
	s20 =	smov.u32 s17  }
.LBB2_3:
0xc9: {  	s19 =	sadd.s32 $0x8, s19;
	v3 =	vadd.f32 v4, v3;
	s16 =	sadd.s32 $0x400, s16;
	s17 =	sadd.s32 $0x400, s17  }
0xca: {  	p0 =	slt.u32 s19, $0x38  }
0xcb: {  	[tilespmem:s18+$0x20] =	vst v3;
	v3 =	vld [tilespmem:s18+$0x30]  }
0xcc: {  	v4 =	vld [tilespmem:s20+$0x30];
	s20 =	smov.u32 s17  }
0xcd: {  	v5 =	vld [tilespmem:s13+$0x30];
	s13 =	smov.u32 s24  }
0xce: {  	v6 =	vld [tilespmem:s15+$0x30];
	s15 =	smov.u32 s21;
	_ =	sdelay $0x2  }
0xcf: {  	v3 =	vadd.f32 v4, v3;
	_ =	sdelay $0x1  }
0xd0: {  	v4 =	vadd.f32 v5, v6;
	_ =	sdelay $0x1  }
0xd1: {  	v3 =	vadd.f32 v4, v3;
	_ =	sdelay $0x1  }
0xd2: {  	v4 =	vld [tilespmem:s16+$0xFFFFFFC0];
	[tilespmem:s18+$0x30] =	vst v3;
	s18 =	smov.u32 s16  }
0xd3: {  	v3 =	vld [tilespmem:s24+$0xFFFFFFC0]  }
0xd4: {  	v5 =	vld [tilespmem:s21+$0xFFFFFFC0]  }
0xd5: {  	v6 =	vld [tilespmem:s17+$0xFFFFFFC0];
	_ =	sdelay $0x4  }
0xd6: {  	v3 =	vadd.f32 v3, v5;
	v4 =	vadd.f32 v6, v4;
	_ =	sdelay $0x1  }
0xd7: {  	v3 =	vadd.f32 v3, v4;
	_ =	sdelay $0x1  }
0xd8: {  	[tilespmem:s16+$0xFFFFFFC0] =	vst v3;
	v3 =	vld [tilespmem:s16+$0xFFFFFFD0]  }
0xd9: {  	v4 =	vld [tilespmem:s24+$0xFFFFFFD0]  }
0xda: {  	v5 =	vld [tilespmem:s17+$0xFFFFFFD0]  }
0xdb: {  	v6 =	vld [tilespmem:s21+$0xFFFFFFD0];
	_ =	sdelay $0x3  }
0xdc: {  	v3 =	vadd.f32 v5, v3  }
0xdd: {  	v4 =	vadd.f32 v4, v6;
	_ =	sdelay $0x1  }
0xde: {  	v3 =	vadd.f32 v4, v3;
	_ =	sdelay $0x1  }
0xdf: {  	[tilespmem:s16+$0xFFFFFFD0] =	vst v3;
	v3 =	vld [tilespmem:s16+$0xFFFFFFE0]  }
0xe0: {  	v4 =	vld [tilespmem:s17+$0xFFFFFFE0]  }
0xe1: {  	v5 =	vld [tilespmem:s21+$0xFFFFFFE0]  }
0xe2: {  	v6 =	vld [tilespmem:s24+$0xFFFFFFE0];
	_ =	sdelay $0x4  }
0xe3: {  	v3 =	vadd.f32 v4, v3;
	v4 =	vadd.f32 v6, v5;
	_ =	sdelay $0x1  }
0xe4: {  	v3 =	vadd.f32 v4, v3;
	_ =	sdelay $0x1  }
0xe5: {  	[tilespmem:s16+$0xFFFFFFE0] =	vst v3;
	v3 =	vld [tilespmem:s16+$0xFFFFFFF0]  }
0xe6: {  	v4 =	vld [tilespmem:s21+$0xFFFFFFF0]  }
0xe7: {  	v5 =	vld [tilespmem:s17+$0xFFFFFFF0]  }
0xe8: {  	v6 =	vld [tilespmem:s24+$0xFFFFFFF0];
	_ =	sdelay $0x3  }
0xe9: {  	v3 =	vadd.f32 v5, v3  }
0xea: {  	v4 =	vadd.f32 v6, v4;
	_ =	sdelay $0x1  }
0xeb: {  	v3 =	vadd.f32 v4, v3;
	_ =	sdelay $0x1  }
0xec: {  	[tilespmem:s16+$0xFFFFFFF0] =	vst v3;
	v3 =	vld [tilespmem:s16+$0x0]  }
0xed: {  	v4 =	vld [tilespmem:s21+$0x0]  }
0xee: {  	v5 =	vld [tilespmem:s17+$0x0]  }
0xef: {  	v6 =	vld [tilespmem:s24+$0x0];
	_ =	sdelay $0x3  }
0xf0: {  	v3 =	vadd.f32 v5, v3  }
0xf1: {  	v4 =	vadd.f32 v6, v4;
	_ =	sdelay $0x1  }
0xf2: {  	v3 =	vadd.f32 v4, v3;
	_ =	sdelay $0x1  }
0xf3: {  	[tilespmem:s16+$0x0] =	vst v3;
	v3 =	vld [tilespmem:s16+$0x10]  }
0xf4: {  	v4 =	vld [tilespmem:s17+$0x10]  }
0xf5: {  	v5 =	vld [tilespmem:s21+$0x10]  }
0xf6: {  	v6 =	vld [tilespmem:s24+$0x10];
	_ =	sdelay $0x4  }
0xf7: {  	v3 =	vadd.f32 v4, v3;
	v4 =	vadd.f32 v6, v5;
	_ =	sdelay $0x1  }
0xf8: {  	v3 =	vadd.f32 v4, v3;
	_ =	sdelay $0x1  }
0xf9: {  	[tilespmem:s16+$0x10] =	vst v3;
	v3 =	vld [tilespmem:s16+$0x20]  }
0xfa: {  	v4 =	vld [tilespmem:s24+$0x20]  }
0xfb: {  	v5 =	vld [tilespmem:s17+$0x20]  }
0xfc: {  	v6 =	vld [tilespmem:s21+$0x20];
	_ =	sdelay $0x1  }
.Ltmp0:
0xfd: {  	(pc) =	sbr.rel @p0 .LBB2_3-.Ltmp0, $4  }
0xfe: {  	_ = 	snop  }
0xff: {  	v3 =	vadd.f32 v5, v3  }
0x100: {  	v4 =	vadd.f32 v4, v6  }
0x101: {  	s24 =	sadd.s32 $0x400, s24;
	s21 =	sadd.s32 $0x400, s21  }
0x102: {  	v3 =	vadd.f32 v4, v3;
	_ =	sdelay $0x1  }
0x103: {  	[tilespmem:s18+$0x20] =	vst v3;
	v3 =	vld [tilespmem:s18+$0x30]  }
0x104: {  	v62 =	vld [tilespmem:s20+$0x30]  }
0x105: {  	v5 =	vld [tilespmem:s13+$0x30]  }
0x106: {  	v6 =	vld [tilespmem:s15+$0x30];
	_ =	sdelay $0x2  }
0x107: {  	s12 =	sadd.s32 $0x1, s12  }
0x108: {  	p0 =	sne.s32 s12, $0x10  }
.Ltmp1:
0x109: {  	v3 =	vadd.f32 v62, v3;
	v63 =	vadd.f32 v5, v6;
	(pc) =	sbr.rel @p0 .LBB2_2-.Ltmp1, $3  }
0x10a: {  	_ = 	snop  }
0x10b: {  	v3 =	vadd.f32 v63, v3;
	_ =	sdelay $0x1  }
0x10c: {  	s11 =	sadd.s32 $0x400, s11;
	s10 =	sadd.s32 $0x1, s10;
	[tilespmem:s18+$0x30] =	vst v3  }
0x10d: {  	s10 =	simm.s32 $0x0;
	s11 =	rddreg [dreg:$0x13]  }
0x10e: {  	[hbm4b:s11+s10] =	stream.linear.scatter [tilespmem:s10], [sflag:$0x2], $0x4000, $0x38;
	[tilespmem:$0x10200] =	vst v63  }
0x10f: {  	_ =	swait.ge [sflag:s30], $0x4000  }
0x110: {  	[sflag:s30] =	ssyncset.done $0x0  }
0x111: {  	s12 =	simm.s32 $0x10000;
	s16 =	rddreg [dreg:$0x7];
	[sflag:s30] =	ssyncadd.s32 $0xFFFFC000  }
0x112: {  	[tilespmem:s12], [sflag:$0x2] =	stream.linear.gather [hbm4b:s16+s10], $0x10, $0x38;
	[tilespmem:$0x10200] =	vst v63  }
0x113: {  	_ =	swait.ge [sflag:s30], $0x10  }
0x114: {  	[sflag:s30] =	ssyncset.done $0x0  }
0x115: {  	s18 =	simm.s32 $0x10080;
	s17 =	rddreg [dreg:$0x8];
	[sflag:s30] =	ssyncadd.s32 $0xFFFFFFF0  }
0x116: {  	[tilespmem:s18], [sflag:$0x2] =	stream.linear.gather [hbm4b:s17+s10], $0x10, $0x38;
	[tilespmem:$0x10200] =	vst v63  }
0x117: {  	_ =	swait.ge [sflag:s30], $0x10  }
0x118: {  	[sflag:s30] =	ssyncset.done $0x0  }
0x119: {  	s20 =	simm.s32 $0x10100;
	s19 =	rddreg [dreg:$0x9];
	[sflag:s30] =	ssyncadd.s32 $0xFFFFFFF0  }
0x11a: {  	[tilespmem:s20], [sflag:$0x2] =	stream.linear.gather [hbm4b:s19+s10], $0x10, $0x38;
	[tilespmem:$0x10200] =	vst v63  }
0x11b: {  	_ =	swait.ge [sflag:s30], $0x10  }
0x11c: {  	[sflag:s30] =	ssyncset.done $0x0  }
0x11d: {  	s24 =	simm.s32 $0x10180;
	s21 =	rddreg [dreg:$0xa];
	[sflag:s30] =	ssyncadd.s32 $0xFFFFFFF0  }
0x11e: {  	[tilespmem:s24], [sflag:$0x2] =	stream.linear.gather [hbm4b:s21+s10], $0x10, $0x38;
	[tilespmem:$0x10200] =	vst v63  }
0x11f: {  	_ =	swait.ge [sflag:s30], $0x10  }
0x120: {  	[sflag:s30] =	ssyncset.done $0x0  }
0x121: {  	[sflag:s30] =	ssyncadd.s32 $0xFFFFFFF0  }
0x122: {  	v3 =	vld [tilespmem:$0x10000];
	_ =	sdelay $0x4  }
0x123: {  	v4 =	vshll.u32 v3, $0x3  }
0x124: {  	v3 =	vand.u32 $0x7, v3;
	v4 =	vand.u32 $0xFFFFFFC0, v4  }
0x125: {  	v3 =	vor.u32 v3, v4  }
0x126: {  	v4 =	vperm.xlane v3, v0;
	_ =	sdelay $0x1  }
0x127: {  	v4 =	vadd.s32 v1, v4;
	_ =	sdelay $0x4  }
0x128: {  	[tilespmem:s10], [sflag:$0x1] =	stream.indirect_vreg.gather [hbm4b:s22+s10], $0x80, v4, vm0, $0xb8;
	[tilespmem:$0x10200] =	vst v63  }
0x129: {  	s12 =	simm.s32 $0x800;
	v3 =	vperm.xlane v3, v2  }
0x12a: {  	[tilespmem:s12], [sflag:$0x1] =	stream.indirect_vreg.gather [hbm4b:s23+s10], $0x80, v4, vm0, $0xb8;
	[tilespmem:$0x10200] =	vst v63  }
0x12b: {  	s13 =	simm.s32 $0x1000;
	v3 =	vadd.s32 v1, v3  }
0x12c: {  	[tilespmem:s13], [sflag:$0x1] =	stream.indirect_vreg.gather [hbm4b:s25+s10], $0x80, v4, vm0, $0xb8;
	[tilespmem:$0x10200] =	vst v63  }
0x12d: {  	s15 =	simm.s32 $0x1800  }
0x12e: {  	[tilespmem:s15], [sflag:$0x1] =	stream.indirect_vreg.gather [hbm4b:s26+s10], $0x80, v4, vm0, $0xb8;
	[tilespmem:$0x10200] =	vst v63  }
0x12f: {  	s16 =	simm.s32 $0x2000  }
0x130: {  	[tilespmem:s16], [sflag:$0x1] =	stream.indirect_vreg.gather [hbm4b:s22+s10], $0x80, v3, vm0, $0xb8;
	[tilespmem:$0x10200] =	vst v63  }
0x131: {  	s17 =	simm.s32 $0x2800  }
0x132: {  	[tilespmem:s17], [sflag:$0x1] =	stream.indirect_vreg.gather [hbm4b:s23+s10], $0x80, v3, vm0, $0xb8;
	[tilespmem:$0x10200] =	vst v63  }
0x133: {  	s18 =	simm.s32 $0x3000  }
0x134: {  	[tilespmem:s18], [sflag:$0x1] =	stream.indirect_vreg.gather [hbm4b:s25+s10], $0x80, v3, vm0, $0xb8;
	[tilespmem:$0x10200] =	vst v63  }
0x135: {  	s19 =	simm.s32 $0x3800  }
0x136: {  	[tilespmem:s19], [sflag:$0x1] =	stream.indirect_vreg.gather [hbm4b:s26+s10], $0x80, v3, vm0, $0xb8;
	[tilespmem:$0x10200] =	vst v63  }
0x137: {  	v3 =	vld [tilespmem:$0x10080];
	_ =	sdelay $0x4  }
0x138: {  	v61 =	vshll.u32 v3, $0x3  }
0x139: {  	v3 =	vand.u32 $0x7, v3;
	v4 =	vand.u32 $0xFFFFFFC0, v61  }
0x13a: {  	v3 =	vor.u32 v3, v4  }
0x13b: {  	v4 =	vperm.xlane v3, v0;
	_ =	sdelay $0x1  }
0x13c: {  	v4 =	vadd.s32 v1, v4;
	_ =	sdelay $0x3  }
0x13d: {  	s20 =	simm.s32 $0x4000  }
0x13e: {  	[tilespmem:s20], [sflag:$0x1] =	stream.indirect_vreg.gather [hbm4b:s22+s10], $0x80, v4, vm0, $0xb8;
	[tilespmem:$0x10200] =	vst v63  }
0x13f: {  	s21 =	simm.s32 $0x4800;
	v3 =	vperm.xlane v3, v2  }
0x140: {  	[tilespmem:s21], [sflag:$0x1] =	stream.indirect_vreg.gather [hbm4b:s23+s10], $0x80, v4, vm0, $0xb8;
	[tilespmem:$0x10200] =	vst v63  }
0x141: {  	s24 =	simm.s32 $0x5000;
	v3 =	vadd.s32 v1, v3  }
0x142: {  	[tilespmem:s24], [sflag:$0x1] =	stream.indirect_vreg.gather [hbm4b:s25+s10], $0x80, v4, vm0, $0xb8;
	[tilespmem:$0x10200] =	vst v63  }
0x143: {  	s12 =	simm.s32 $0x5800  }
0x144: {  	[tilespmem:s12], [sflag:$0x1] =	stream.indirect_vreg.gather [hbm4b:s26+s10], $0x80, v4, vm0, $0xb8;
	[tilespmem:$0x10200] =	vst v63  }
0x145: {  	s13 =	simm.s32 $0x6000  }
0x146: {  	[tilespmem:s13], [sflag:$0x1] =	stream.indirect_vreg.gather [hbm4b:s22+s10], $0x80, v3, vm0, $0xb8;
	[tilespmem:$0x10200] =	vst v63  }
0x147: {  	s15 =	simm.s32 $0x6800  }
0x148: {  	[tilespmem:s15], [sflag:$0x1] =	stream.indirect_vreg.gather [hbm4b:s23+s10], $0x80, v3, vm0, $0xb8;
	[tilespmem:$0x10200] =	vst v63  }
0x149: {  	s16 =	simm.s32 $0x7000  }
0x14a: {  	[tilespmem:s16], [sflag:$0x1] =	stream.indirect_vreg.gather [hbm4b:s25+s10], $0x80, v3, vm0, $0xb8;
	[tilespmem:$0x10200] =	vst v63  }
0x14b: {  	s17 =	simm.s32 $0x7800  }
0x14c: {  	[tilespmem:s17], [sflag:$0x1] =	stream.indirect_vreg.gather [hbm4b:s26+s10], $0x80, v3, vm0, $0xb8;
	[tilespmem:$0x10200] =	vst v63  }
0x14d: {  	v3 =	vld [tilespmem:$0x10100];
	_ =	sdelay $0x4  }
0x14e: {  	v62 =	vshll.u32 v3, $0x3  }
0x14f: {  	v3 =	vand.u32 $0x7, v3;
	v4 =	vand.u32 $0xFFFFFFC0, v62  }
0x150: {  	v3 =	vor.u32 v3, v4  }
0x151: {  	v4 =	vperm.xlane v3, v0;
	_ =	sdelay $0x1  }
0x152: {  	v4 =	vadd.s32 v1, v4;
	_ =	sdelay $0x3  }
0x153: {  	s18 =	simm.s32 $0x8000  }
0x154: {  	[tilespmem:s18], [sflag:$0x1] =	stream.indirect_vreg.gather [hbm4b:s22+s10], $0x80, v4, vm0, $0xb8;
	[tilespmem:$0x10200] =	vst v63  }
0x155: {  	s19 =	simm.s32 $0x8800;
	v3 =	vperm.xlane v3, v2  }
0x156: {  	[tilespmem:s19], [sflag:$0x1] =	stream.indirect_vreg.gather [hbm4b:s23+s10], $0x80, v4, vm0, $0xb8;
	[tilespmem:$0x10200] =	vst v63  }
0x157: {  	s20 =	simm.s32 $0x9000;
	v3 =	vadd.s32 v1, v3  }
0x158: {  	[tilespmem:s20], [sflag:$0x1] =	stream.indirect_vreg.gather [hbm4b:s25+s10], $0x80, v4, vm0, $0xb8;
	[tilespmem:$0x10200] =	vst v63  }
0x159: {  	s21 =	simm.s32 $0x9800  }
0x15a: {  	[tilespmem:s21], [sflag:$0x1] =	stream.indirect_vreg.gather [hbm4b:s26+s10], $0x80, v4, vm0, $0xb8;
	[tilespmem:$0x10200] =	vst v63  }
0x15b: {  	s24 =	simm.s32 $0xA000  }
0x15c: {  	[tilespmem:s24], [sflag:$0x1] =	stream.indirect_vreg.gather [hbm4b:s22+s10], $0x80, v3, vm0, $0xb8;
	[tilespmem:$0x10200] =	vst v63  }
0x15d: {  	_ = 	snop  }
0x15e: {  	[tilespmem:s28], [sflag:$0x1] =	stream.indirect_vreg.gather [hbm4b:s23+s10], $0x80, v3, vm0, $0xb8;
	[tilespmem:$0x10200] =	vst v63  }
0x15f: {  	_ = 	snop  }
0x160: {  	[tilespmem:s29], [sflag:$0x1] =	stream.indirect_vreg.gather [hbm4b:s25+s10], $0x80, v3, vm0, $0xb8;
	[tilespmem:$0x10200] =	vst v63  }
0x161: {  	_ = 	snop  }
0x162: {  	[tilespmem:s31], [sflag:$0x1] =	stream.indirect_vreg.gather [hbm4b:s26+s10], $0x80, v3, vm0, $0xb8;
	[tilespmem:$0x10200] =	vst v63  }
0x163: {  	v3 =	vld [tilespmem:$0x10180];
	_ =	sdelay $0x4  }
0x164: {  	v63 =	vshll.u32 v3, $0x3  }
0x165: {  	v3 =	vand.u32 $0x7, v3;
	v4 =	vand.u32 $0xFFFFFFC0, v63  }
0x166: {  	v3 =	vor.u32 v3, v4  }
0x167: {  	v4 =	vperm.xlane v3, v0;
	_ =	sdelay $0x1  }
0x168: {  	v4 =	vadd.s32 v1, v4;
	_ =	sdelay $0x4  }
0x169: {  	[tilespmem:s14], [sflag:$0x1] =	stream.indirect_vreg.gather [hbm4b:s22+s10], $0x80, v4, vm0, $0xb8;
	[tilespmem:$0x10200] =	vst v63  }
0x16a: {  	v3 =	vperm.xlane v3, v2  }
0x16b: {  	[tilespmem:s0], [sflag:$0x1] =	stream.indirect_vreg.gather [hbm4b:s23+s10], $0x80, v4, vm0, $0xb8;
	[tilespmem:$0x10200] =	vst v63  }
0x16c: {  	v3 =	vadd.s32 v1, v3  }
0x16d: {  	[tilespmem:s2], [sflag:$0x1] =	stream.indirect_vreg.gather [hbm4b:s25+s10], $0x80, v4, vm0, $0xb8;
	[tilespmem:$0x10200] =	vst v63  }
0x16e: {  	_ = 	snop  }
0x16f: {  	[tilespmem:s3], [sflag:$0x1] =	stream.indirect_vreg.gather [hbm4b:s26+s10], $0x80, v4, vm0, $0xb8;
	[tilespmem:$0x10200] =	vst v63  }
0x170: {  	_ = 	snop  }
0x171: {  	[tilespmem:s4], [sflag:$0x1] =	stream.indirect_vreg.gather [hbm4b:s22+s10], $0x80, v3, vm0, $0xb8;
	[tilespmem:$0x10200] =	vst v63  }
0x172: {  	_ = 	snop  }
0x173: {  	[tilespmem:s5], [sflag:$0x1] =	stream.indirect_vreg.gather [hbm4b:s23+s10], $0x80, v3, vm0, $0xb8;
	[tilespmem:$0x10200] =	vst v63  }
0x174: {  	_ = 	snop  }
0x175: {  	[tilespmem:s6], [sflag:$0x1] =	stream.indirect_vreg.gather [hbm4b:s25+s10], $0x80, v3, vm0, $0xb8;
	[tilespmem:$0x10200] =	vst v63  }
0x176: {  	_ = 	snop  }
0x177: {  	[tilespmem:s7], [sflag:$0x1] =	stream.indirect_vreg.gather [hbm4b:s26+s10], $0x80, v3, vm0, $0xb8;
	[tilespmem:$0x10200] =	vst v63  }
0x178: {  	_ =	swait.ge [sflag:s8], $0x4000  }
0x179: {  	[sflag:s8] =	ssyncset.done $0x0  }
0x17a: {  	[sflag:s8] =	ssyncadd.s32 $0xFFFFC000  }
0x17b: {  	_ =	swait.ge [sflag:s8], $0x4000  }
0x17c: {  	[sflag:s8] =	ssyncset.done $0x0  }
0x17d: {  	[sflag:s8] =	ssyncadd.s32 $0xFFFFC000  }
0x17e: {  	_ =	swait.ge [sflag:s8], $0x4000  }
0x17f: {  	[sflag:s8] =	ssyncset.done $0x0  }
0x180: {  	[sflag:s8] =	ssyncadd.s32 $0xFFFFC000  }
0x181: {  	_ =	swait.ge [sflag:s8], $0x4000  }
0x182: {  	[sflag:s8] =	ssyncset.done $0x0  }
0x183: {  	s11 =	simm.s32 $0x0;
	s12 =	simm.s32 $0x0;
	[sflag:s8] =	ssyncadd.s32 $0xFFFFC000  }
.LBB2_6:
0x184: {  	s13 =	sshll.u32 s11, $0x2;
	s15 =	sand.u32 $0x7, s10  }
0x185: {  	s13 =	sand.u32 $0xFFFF8000, s13;
	s15 =	sshll.u32 s15, $0x9  }
0x186: {  	s13 =	sor.u32 s15, s13  }
0x187: {  	s17 =	sshrl.u32 s13, $0x2  }
0x188: {  	s16 =	sor.u32 $0x40, s17  }
0x189: {  	s13 =	sadd.s32 $0xC040, s17;
	v3 =	vld [tilespmem:s16+$0xFFFFFFC0]  }
0x18a: {  	s15 =	sadd.s32 $0x8040, s17;
	v4 =	vld [tilespmem:s13+$0xFFFFFFC0]  }
0x18b: {  	s17 =	sadd.s32 $0x4040, s17;
	v5 =	vld [tilespmem:s15+$0xFFFFFFC0]  }
0x18c: {  	v6 =	vld [tilespmem:s17+$0xFFFFFFC0];
	_ =	sdelay $0x4  }
0x18d: {  	v3 =	vadd.f32 v6, v3;
	v4 =	vadd.f32 v4, v5;
	_ =	sdelay $0x1  }
0x18e: {  	v3 =	vadd.f32 v4, v3;
	_ =	sdelay $0x1  }
0x18f: {  	[tilespmem:s16+$0xFFFFFFC0] =	vst v3;
	v3 =	vld [tilespmem:s16+$0xFFFFFFD0]  }
0x190: {  	v4 =	vld [tilespmem:s13+$0xFFFFFFD0]  }
0x191: {  	v5 =	vld [tilespmem:s17+$0xFFFFFFD0]  }
0x192: {  	v6 =	vld [tilespmem:s15+$0xFFFFFFD0];
	_ =	sdelay $0x4  }
0x193: {  	v3 =	vadd.f32 v5, v3;
	v4 =	vadd.f32 v4, v6;
	_ =	sdelay $0x1  }
0x194: {  	v3 =	vadd.f32 v4, v3;
	_ =	sdelay $0x1  }
0x195: {  	[tilespmem:s16+$0xFFFFFFD0] =	vst v3;
	v3 =	vld [tilespmem:s16+$0xFFFFFFE0]  }
0x196: {  	v4 =	vld [tilespmem:s17+$0xFFFFFFE0]  }
0x197: {  	v5 =	vld [tilespmem:s15+$0xFFFFFFE0]  }
0x198: {  	v6 =	vld [tilespmem:s13+$0xFFFFFFE0];
	_ =	sdelay $0x4  }
0x199: {  	v3 =	vadd.f32 v4, v3;
	v4 =	vadd.f32 v6, v5;
	_ =	sdelay $0x1  }
0x19a: {  	v3 =	vadd.f32 v4, v3;
	_ =	sdelay $0x1  }
0x19b: {  	[tilespmem:s16+$0xFFFFFFE0] =	vst v3;
	v3 =	vld [tilespmem:s16+$0xFFFFFFF0]  }
0x19c: {  	v4 =	vld [tilespmem:s15+$0xFFFFFFF0]  }
0x19d: {  	v5 =	vld [tilespmem:s17+$0xFFFFFFF0]  }
0x19e: {  	v6 =	vld [tilespmem:s13+$0xFFFFFFF0];
	_ =	sdelay $0x4  }
0x19f: {  	v3 =	vadd.f32 v5, v3;
	v4 =	vadd.f32 v6, v4;
	_ =	sdelay $0x1  }
0x1a0: {  	v3 =	vadd.f32 v4, v3;
	_ =	sdelay $0x1  }
0x1a1: {  	[tilespmem:s16+$0xFFFFFFF0] =	vst v3;
	v3 =	vld [tilespmem:s16+$0x0]  }
0x1a2: {  	v4 =	vld [tilespmem:s15+$0x0]  }
0x1a3: {  	v5 =	vld [tilespmem:s17+$0x0]  }
0x1a4: {  	v6 =	vld [tilespmem:s13+$0x0];
	_ =	sdelay $0x4  }
0x1a5: {  	v3 =	vadd.f32 v5, v3;
	v4 =	vadd.f32 v6, v4;
	_ =	sdelay $0x1  }
0x1a6: {  	v3 =	vadd.f32 v4, v3;
	_ =	sdelay $0x1  }
0x1a7: {  	[tilespmem:s16+$0x0] =	vst v3;
	v3 =	vld [tilespmem:s16+$0x10]  }
0x1a8: {  	v4 =	vld [tilespmem:s17+$0x10]  }
0x1a9: {  	v5 =	vld [tilespmem:s15+$0x10]  }
0x1aa: {  	v6 =	vld [tilespmem:s13+$0x10];
	_ =	sdelay $0x4  }
0x1ab: {  	v3 =	vadd.f32 v4, v3;
	v4 =	vadd.f32 v6, v5;
	_ =	sdelay $0x1  }
0x1ac: {  	v3 =	vadd.f32 v4, v3;
	_ =	sdelay $0x1  }
0x1ad: {  	[tilespmem:s16+$0x10] =	vst v3;
	v3 =	vld [tilespmem:s16+$0x20]  }
0x1ae: {  	v4 =	vld [tilespmem:s13+$0x20]  }
0x1af: {  	v5 =	vld [tilespmem:s17+$0x20]  }
0x1b0: {  	v6 =	vld [tilespmem:s15+$0x20];
	_ =	sdelay $0x4  }
0x1b1: {  	s19 =	simm.s32 $0x0;
	s21 =	sadd.s32 $0x400, s15;
	v3 =	vadd.f32 v5, v3;
	v4 =	vadd.f32 v4, v6  }
0x1b2: {  	s24 =	sadd.s32 $0x400, s13;
	s18 =	smov.u32 s16;
	s20 =	smov.u32 s17  }
.LBB2_7:
0x1b3: {  	s19 =	sadd.s32 $0x8, s19;
	v3 =	vadd.f32 v4, v3;
	s16 =	sadd.s32 $0x400, s16;
	s17 =	sadd.s32 $0x400, s17  }
0x1b4: {  	p0 =	slt.u32 s19, $0x38  }
0x1b5: {  	[tilespmem:s18+$0x20] =	vst v3;
	v3 =	vld [tilespmem:s18+$0x30]  }
0x1b6: {  	v4 =	vld [tilespmem:s20+$0x30];
	s20 =	smov.u32 s17  }
0x1b7: {  	v5 =	vld [tilespmem:s13+$0x30];
	s13 =	smov.u32 s24  }
0x1b8: {  	v6 =	vld [tilespmem:s15+$0x30];
	s15 =	smov.u32 s21;
	_ =	sdelay $0x2  }
0x1b9: {  	v3 =	vadd.f32 v4, v3;
	_ =	sdelay $0x1  }
0x1ba: {  	v4 =	vadd.f32 v5, v6;
	_ =	sdelay $0x1  }
0x1bb: {  	v3 =	vadd.f32 v4, v3;
	_ =	sdelay $0x1  }
0x1bc: {  	v4 =	vld [tilespmem:s16+$0xFFFFFFC0];
	[tilespmem:s18+$0x30] =	vst v3;
	s18 =	smov.u32 s16  }
0x1bd: {  	v3 =	vld [tilespmem:s24+$0xFFFFFFC0]  }
0x1be: {  	v5 =	vld [tilespmem:s21+$0xFFFFFFC0]  }
0x1bf: {  	v6 =	vld [tilespmem:s17+$0xFFFFFFC0];
	_ =	sdelay $0x4  }
0x1c0: {  	v3 =	vadd.f32 v3, v5;
	v4 =	vadd.f32 v6, v4;
	_ =	sdelay $0x1  }
0x1c1: {  	v3 =	vadd.f32 v3, v4;
	_ =	sdelay $0x1  }
0x1c2: {  	[tilespmem:s16+$0xFFFFFFC0] =	vst v3;
	v3 =	vld [tilespmem:s16+$0xFFFFFFD0]  }
0x1c3: {  	v4 =	vld [tilespmem:s24+$0xFFFFFFD0]  }
0x1c4: {  	v5 =	vld [tilespmem:s17+$0xFFFFFFD0]  }
0x1c5: {  	v6 =	vld [tilespmem:s21+$0xFFFFFFD0];
	_ =	sdelay $0x3  }
0x1c6: {  	v3 =	vadd.f32 v5, v3  }
0x1c7: {  	v4 =	vadd.f32 v4, v6;
	_ =	sdelay $0x1  }
0x1c8: {  	v3 =	vadd.f32 v4, v3;
	_ =	sdelay $0x1  }
0x1c9: {  	[tilespmem:s16+$0xFFFFFFD0] =	vst v3;
	v3 =	vld [tilespmem:s16+$0xFFFFFFE0]  }
0x1ca: {  	v4 =	vld [tilespmem:s17+$0xFFFFFFE0]  }
0x1cb: {  	v5 =	vld [tilespmem:s21+$0xFFFFFFE0]  }
0x1cc: {  	v6 =	vld [tilespmem:s24+$0xFFFFFFE0];
	_ =	sdelay $0x4  }
0x1cd: {  	v3 =	vadd.f32 v4, v3;
	v4 =	vadd.f32 v6, v5;
	_ =	sdelay $0x1  }
0x1ce: {  	v3 =	vadd.f32 v4, v3;
	_ =	sdelay $0x1  }
0x1cf: {  	[tilespmem:s16+$0xFFFFFFE0] =	vst v3;
	v3 =	vld [tilespmem:s16+$0xFFFFFFF0]  }
0x1d0: {  	v4 =	vld [tilespmem:s21+$0xFFFFFFF0]  }
0x1d1: {  	v5 =	vld [tilespmem:s17+$0xFFFFFFF0]  }
0x1d2: {  	v6 =	vld [tilespmem:s24+$0xFFFFFFF0];
	_ =	sdelay $0x3  }
0x1d3: {  	v3 =	vadd.f32 v5, v3  }
0x1d4: {  	v4 =	vadd.f32 v6, v4;
	_ =	sdelay $0x1  }
0x1d5: {  	v3 =	vadd.f32 v4, v3;
	_ =	sdelay $0x1  }
0x1d6: {  	[tilespmem:s16+$0xFFFFFFF0] =	vst v3;
	v3 =	vld [tilespmem:s16+$0x0]  }
0x1d7: {  	v4 =	vld [tilespmem:s21+$0x0]  }
0x1d8: {  	v5 =	vld [tilespmem:s17+$0x0]  }
0x1d9: {  	v6 =	vld [tilespmem:s24+$0x0];
	_ =	sdelay $0x3  }
0x1da: {  	v3 =	vadd.f32 v5, v3  }
0x1db: {  	v4 =	vadd.f32 v6, v4;
	_ =	sdelay $0x1  }
0x1dc: {  	v3 =	vadd.f32 v4, v3;
	_ =	sdelay $0x1  }
0x1dd: {  	[tilespmem:s16+$0x0] =	vst v3;
	v3 =	vld [tilespmem:s16+$0x10]  }
0x1de: {  	v4 =	vld [tilespmem:s17+$0x10]  }
0x1df: {  	v5 =	vld [tilespmem:s21+$0x10]  }
0x1e0: {  	v6 =	vld [tilespmem:s24+$0x10];
	_ =	sdelay $0x4  }
0x1e1: {  	v3 =	vadd.f32 v4, v3;
	v4 =	vadd.f32 v6, v5;
	_ =	sdelay $0x1  }
0x1e2: {  	v3 =	vadd.f32 v4, v3;
	_ =	sdelay $0x1  }
0x1e3: {  	[tilespmem:s16+$0x10] =	vst v3;
	v3 =	vld [tilespmem:s16+$0x20]  }
0x1e4: {  	v4 =	vld [tilespmem:s24+$0x20]  }
0x1e5: {  	v5 =	vld [tilespmem:s17+$0x20]  }
0x1e6: {  	v6 =	vld [tilespmem:s21+$0x20];
	_ =	sdelay $0x1  }
.Ltmp2:
0x1e7: {  	(pc) =	sbr.rel @p0 .LBB2_7-.Ltmp2, $4  }
0x1e8: {  	_ = 	snop  }
0x1e9: {  	v3 =	vadd.f32 v5, v3  }
0x1ea: {  	v4 =	vadd.f32 v4, v6  }
0x1eb: {  	s24 =	sadd.s32 $0x400, s24;
	s21 =	sadd.s32 $0x400, s21  }
0x1ec: {  	v3 =	vadd.f32 v4, v3;
	_ =	sdelay $0x1  }
0x1ed: {  	[tilespmem:s18+$0x20] =	vst v3;
	v3 =	vld [tilespmem:s18+$0x30]  }
0x1ee: {  	v62 =	vld [tilespmem:s20+$0x30]  }
0x1ef: {  	v5 =	vld [tilespmem:s13+$0x30]  }
0x1f0: {  	v6 =	vld [tilespmem:s15+$0x30];
	_ =	sdelay $0x2  }
0x1f1: {  	s12 =	sadd.s32 $0x1, s12  }
0x1f2: {  	p0 =	sne.s32 s12, $0x10  }
.Ltmp3:
0x1f3: {  	v3 =	vadd.f32 v62, v3;
	v63 =	vadd.f32 v5, v6;
	(pc) =	sbr.rel @p0 .LBB2_6-.Ltmp3, $3  }
0x1f4: {  	_ = 	snop  }
0x1f5: {  	v3 =	vadd.f32 v63, v3;
	_ =	sdelay $0x1  }
0x1f6: {  	s11 =	sadd.s32 $0x400, s11;
	s10 =	sadd.s32 $0x1, s10;
	[tilespmem:s18+$0x30] =	vst v3  }
0x1f7: {  	s10 =	simm.s32 $0x0;
	s11 =	rddreg [dreg:$0x14]  }
0x1f8: {  	[hbm4b:s11+s10] =	stream.linear.scatter [tilespmem:s10], [sflag:$0x2], $0x4000, $0x38;
	[tilespmem:$0x10200] =	vst v63  }
0x1f9: {  	_ =	swait.ge [sflag:s30], $0x4000  }
0x1fa: {  	[sflag:s30] =	ssyncset.done $0x0  }
0x1fb: {  	s12 =	simm.s32 $0x10000;
	s16 =	rddreg [dreg:$0xb];
	[sflag:s30] =	ssyncadd.s32 $0xFFFFC000  }
0x1fc: {  	[tilespmem:s12], [sflag:$0x2] =	stream.linear.gather [hbm4b:s16+s10], $0x10, $0x38;
	[tilespmem:$0x10200] =	vst v63  }
0x1fd: {  	_ =	swait.ge [sflag:s30], $0x10  }
0x1fe: {  	[sflag:s30] =	ssyncset.done $0x0  }
0x1ff: {  	s18 =	simm.s32 $0x10080;
	s17 =	rddreg [dreg:$0xc];
	[sflag:s30] =	ssyncadd.s32 $0xFFFFFFF0  }
0x200: {  	[tilespmem:s18], [sflag:$0x2] =	stream.linear.gather [hbm4b:s17+s10], $0x10, $0x38;
	[tilespmem:$0x10200] =	vst v63  }
0x201: {  	_ =	swait.ge [sflag:s30], $0x10  }
0x202: {  	[sflag:s30] =	ssyncset.done $0x0  }
0x203: {  	s20 =	simm.s32 $0x10100;
	s19 =	rddreg [dreg:$0xd];
	[sflag:s30] =	ssyncadd.s32 $0xFFFFFFF0  }
0x204: {  	[tilespmem:s20], [sflag:$0x2] =	stream.linear.gather [hbm4b:s19+s10], $0x10, $0x38;
	[tilespmem:$0x10200] =	vst v63  }
0x205: {  	_ =	swait.ge [sflag:s30], $0x10  }
0x206: {  	[sflag:s30] =	ssyncset.done $0x0  }
0x207: {  	s24 =	simm.s32 $0x10180;
	s21 =	rddreg [dreg:$0xe];
	[sflag:s30] =	ssyncadd.s32 $0xFFFFFFF0  }
0x208: {  	[tilespmem:s24], [sflag:$0x2] =	stream.linear.gather [hbm4b:s21+s10], $0x10, $0x38;
	[tilespmem:$0x10200] =	vst v63  }
0x209: {  	_ =	swait.ge [sflag:s30], $0x10  }
0x20a: {  	[sflag:s30] =	ssyncset.done $0x0  }
0x20b: {  	[sflag:s30] =	ssyncadd.s32 $0xFFFFFFF0  }
0x20c: {  	v3 =	vld [tilespmem:$0x10000];
	_ =	sdelay $0x4  }
0x20d: {  	v4 =	vshll.u32 v3, $0x3  }
0x20e: {  	v3 =	vand.u32 $0x7, v3;
	v4 =	vand.u32 $0xFFFFFFC0, v4  }
0x20f: {  	v3 =	vor.u32 v3, v4  }
0x210: {  	v4 =	vperm.xlane v3, v0;
	_ =	sdelay $0x1  }
0x211: {  	v4 =	vadd.s32 v1, v4;
	_ =	sdelay $0x4  }
0x212: {  	[tilespmem:s10], [sflag:$0x1] =	stream.indirect_vreg.gather [hbm4b:s22+s10], $0x80, v4, vm0, $0xb8;
	[tilespmem:$0x10200] =	vst v63  }
0x213: {  	s12 =	simm.s32 $0x800;
	v3 =	vperm.xlane v3, v2  }
0x214: {  	[tilespmem:s12], [sflag:$0x1] =	stream.indirect_vreg.gather [hbm4b:s23+s10], $0x80, v4, vm0, $0xb8;
	[tilespmem:$0x10200] =	vst v63  }
0x215: {  	s13 =	simm.s32 $0x1000;
	v3 =	vadd.s32 v1, v3  }
0x216: {  	[tilespmem:s13], [sflag:$0x1] =	stream.indirect_vreg.gather [hbm4b:s25+s10], $0x80, v4, vm0, $0xb8;
	[tilespmem:$0x10200] =	vst v63  }
0x217: {  	s15 =	simm.s32 $0x1800  }
0x218: {  	[tilespmem:s15], [sflag:$0x1] =	stream.indirect_vreg.gather [hbm4b:s26+s10], $0x80, v4, vm0, $0xb8;
	[tilespmem:$0x10200] =	vst v63  }
0x219: {  	s16 =	simm.s32 $0x2000  }
0x21a: {  	[tilespmem:s16], [sflag:$0x1] =	stream.indirect_vreg.gather [hbm4b:s22+s10], $0x80, v3, vm0, $0xb8;
	[tilespmem:$0x10200] =	vst v63  }
0x21b: {  	s17 =	simm.s32 $0x2800  }
0x21c: {  	[tilespmem:s17], [sflag:$0x1] =	stream.indirect_vreg.gather [hbm4b:s23+s10], $0x80, v3, vm0, $0xb8;
	[tilespmem:$0x10200] =	vst v63  }
0x21d: {  	s18 =	simm.s32 $0x3000  }
0x21e: {  	[tilespmem:s18], [sflag:$0x1] =	stream.indirect_vreg.gather [hbm4b:s25+s10], $0x80, v3, vm0, $0xb8;
	[tilespmem:$0x10200] =	vst v63  }
0x21f: {  	s19 =	simm.s32 $0x3800  }
0x220: {  	[tilespmem:s19], [sflag:$0x1] =	stream.indirect_vreg.gather [hbm4b:s26+s10], $0x80, v3, vm0, $0xb8;
	[tilespmem:$0x10200] =	vst v63  }
0x221: {  	v3 =	vld [tilespmem:$0x10080];
	_ =	sdelay $0x4  }
0x222: {  	v61 =	vshll.u32 v3, $0x3  }
0x223: {  	v3 =	vand.u32 $0x7, v3;
	v4 =	vand.u32 $0xFFFFFFC0, v61  }
0x224: {  	v3 =	vor.u32 v3, v4  }
0x225: {  	v4 =	vperm.xlane v3, v0;
	_ =	sdelay $0x1  }
0x226: {  	v4 =	vadd.s32 v1, v4;
	_ =	sdelay $0x3  }
0x227: {  	s20 =	simm.s32 $0x4000  }
0x228: {  	[tilespmem:s20], [sflag:$0x1] =	stream.indirect_vreg.gather [hbm4b:s22+s10], $0x80, v4, vm0, $0xb8;
	[tilespmem:$0x10200] =	vst v63  }
0x229: {  	s21 =	simm.s32 $0x4800;
	v3 =	vperm.xlane v3, v2  }
0x22a: {  	[tilespmem:s21], [sflag:$0x1] =	stream.indirect_vreg.gather [hbm4b:s23+s10], $0x80, v4, vm0, $0xb8;
	[tilespmem:$0x10200] =	vst v63  }
0x22b: {  	s24 =	simm.s32 $0x5000;
	v3 =	vadd.s32 v1, v3  }
0x22c: {  	[tilespmem:s24], [sflag:$0x1] =	stream.indirect_vreg.gather [hbm4b:s25+s10], $0x80, v4, vm0, $0xb8;
	[tilespmem:$0x10200] =	vst v63  }
0x22d: {  	s12 =	simm.s32 $0x5800  }
0x22e: {  	[tilespmem:s12], [sflag:$0x1] =	stream.indirect_vreg.gather [hbm4b:s26+s10], $0x80, v4, vm0, $0xb8;
	[tilespmem:$0x10200] =	vst v63  }
0x22f: {  	s13 =	simm.s32 $0x6000  }
0x230: {  	[tilespmem:s13], [sflag:$0x1] =	stream.indirect_vreg.gather [hbm4b:s22+s10], $0x80, v3, vm0, $0xb8;
	[tilespmem:$0x10200] =	vst v63  }
0x231: {  	s15 =	simm.s32 $0x6800  }
0x232: {  	[tilespmem:s15], [sflag:$0x1] =	stream.indirect_vreg.gather [hbm4b:s23+s10], $0x80, v3, vm0, $0xb8;
	[tilespmem:$0x10200] =	vst v63  }
0x233: {  	s16 =	simm.s32 $0x7000  }
0x234: {  	[tilespmem:s16], [sflag:$0x1] =	stream.indirect_vreg.gather [hbm4b:s25+s10], $0x80, v3, vm0, $0xb8;
	[tilespmem:$0x10200] =	vst v63  }
0x235: {  	s17 =	simm.s32 $0x7800  }
0x236: {  	[tilespmem:s17], [sflag:$0x1] =	stream.indirect_vreg.gather [hbm4b:s26+s10], $0x80, v3, vm0, $0xb8;
	[tilespmem:$0x10200] =	vst v63  }
0x237: {  	v3 =	vld [tilespmem:$0x10100];
	_ =	sdelay $0x4  }
0x238: {  	v62 =	vshll.u32 v3, $0x3  }
0x239: {  	v3 =	vand.u32 $0x7, v3;
	v4 =	vand.u32 $0xFFFFFFC0, v62  }
0x23a: {  	v3 =	vor.u32 v3, v4  }
0x23b: {  	v4 =	vperm.xlane v3, v0;
	_ =	sdelay $0x1  }
0x23c: {  	v4 =	vadd.s32 v1, v4;
	_ =	sdelay $0x3  }
0x23d: {  	s18 =	simm.s32 $0x8000  }
0x23e: {  	[tilespmem:s18], [sflag:$0x1] =	stream.indirect_vreg.gather [hbm4b:s22+s10], $0x80, v4, vm0, $0xb8;
	[tilespmem:$0x10200] =	vst v63  }
0x23f: {  	s19 =	simm.s32 $0x8800;
	v3 =	vperm.xlane v3, v2  }
0x240: {  	[tilespmem:s19], [sflag:$0x1] =	stream.indirect_vreg.gather [hbm4b:s23+s10], $0x80, v4, vm0, $0xb8;
	[tilespmem:$0x10200] =	vst v63  }
0x241: {  	s20 =	simm.s32 $0x9000;
	v3 =	vadd.s32 v1, v3  }
0x242: {  	[tilespmem:s20], [sflag:$0x1] =	stream.indirect_vreg.gather [hbm4b:s25+s10], $0x80, v4, vm0, $0xb8;
	[tilespmem:$0x10200] =	vst v63  }
0x243: {  	s21 =	simm.s32 $0x9800  }
0x244: {  	[tilespmem:s21], [sflag:$0x1] =	stream.indirect_vreg.gather [hbm4b:s26+s10], $0x80, v4, vm0, $0xb8;
	[tilespmem:$0x10200] =	vst v63  }
0x245: {  	s24 =	simm.s32 $0xA000  }
0x246: {  	[tilespmem:s24], [sflag:$0x1] =	stream.indirect_vreg.gather [hbm4b:s22+s10], $0x80, v3, vm0, $0xb8;
	[tilespmem:$0x10200] =	vst v63  }
0x247: {  	_ = 	snop  }
0x248: {  	[tilespmem:s28], [sflag:$0x1] =	stream.indirect_vreg.gather [hbm4b:s23+s10], $0x80, v3, vm0, $0xb8;
	[tilespmem:$0x10200] =	vst v63  }
0x249: {  	_ = 	snop  }
0x24a: {  	[tilespmem:s29], [sflag:$0x1] =	stream.indirect_vreg.gather [hbm4b:s25+s10], $0x80, v3, vm0, $0xb8;
	[tilespmem:$0x10200] =	vst v63  }
0x24b: {  	_ = 	snop  }
0x24c: {  	[tilespmem:s31], [sflag:$0x1] =	stream.indirect_vreg.gather [hbm4b:s26+s10], $0x80, v3, vm0, $0xb8;
	[tilespmem:$0x10200] =	vst v63  }
0x24d: {  	v3 =	vld [tilespmem:$0x10180];
	_ =	sdelay $0x4  }
0x24e: {  	v63 =	vshll.u32 v3, $0x3  }
0x24f: {  	v3 =	vand.u32 $0x7, v3;
	v4 =	vand.u32 $0xFFFFFFC0, v63  }
0x250: {  	v3 =	vor.u32 v3, v4  }
0x251: {  	v4 =	vperm.xlane v3, v0;
	_ =	sdelay $0x1  }
0x252: {  	v4 =	vadd.s32 v1, v4;
	_ =	sdelay $0x4  }
0x253: {  	[tilespmem:s14], [sflag:$0x1] =	stream.indirect_vreg.gather [hbm4b:s22+s10], $0x80, v4, vm0, $0xb8;
	[tilespmem:$0x10200] =	vst v63  }
0x254: {  	v3 =	vperm.xlane v3, v2  }
0x255: {  	[tilespmem:s0], [sflag:$0x1] =	stream.indirect_vreg.gather [hbm4b:s23+s10], $0x80, v4, vm0, $0xb8;
	[tilespmem:$0x10200] =	vst v63  }
0x256: {  	v3 =	vadd.s32 v1, v3  }
0x257: {  	[tilespmem:s2], [sflag:$0x1] =	stream.indirect_vreg.gather [hbm4b:s25+s10], $0x80, v4, vm0, $0xb8;
	[tilespmem:$0x10200] =	vst v63  }
0x258: {  	_ = 	snop  }
0x259: {  	[tilespmem:s3], [sflag:$0x1] =	stream.indirect_vreg.gather [hbm4b:s26+s10], $0x80, v4, vm0, $0xb8;
	[tilespmem:$0x10200] =	vst v63  }
0x25a: {  	_ = 	snop  }
0x25b: {  	[tilespmem:s4], [sflag:$0x1] =	stream.indirect_vreg.gather [hbm4b:s22+s10], $0x80, v3, vm0, $0xb8;
	[tilespmem:$0x10200] =	vst v63  }
0x25c: {  	_ = 	snop  }
0x25d: {  	[tilespmem:s5], [sflag:$0x1] =	stream.indirect_vreg.gather [hbm4b:s23+s10], $0x80, v3, vm0, $0xb8;
	[tilespmem:$0x10200] =	vst v63  }
0x25e: {  	_ = 	snop  }
0x25f: {  	[tilespmem:s6], [sflag:$0x1] =	stream.indirect_vreg.gather [hbm4b:s25+s10], $0x80, v3, vm0, $0xb8;
	[tilespmem:$0x10200] =	vst v63  }
0x260: {  	_ = 	snop  }
0x261: {  	[tilespmem:s7], [sflag:$0x1] =	stream.indirect_vreg.gather [hbm4b:s26+s10], $0x80, v3, vm0, $0xb8;
	[tilespmem:$0x10200] =	vst v63  }
0x262: {  	_ =	swait.ge [sflag:s8], $0x4000  }
0x263: {  	[sflag:s8] =	ssyncset.done $0x0  }
0x264: {  	[sflag:s8] =	ssyncadd.s32 $0xFFFFC000  }
0x265: {  	_ =	swait.ge [sflag:s8], $0x4000  }
0x266: {  	[sflag:s8] =	ssyncset.done $0x0  }
0x267: {  	[sflag:s8] =	ssyncadd.s32 $0xFFFFC000  }
0x268: {  	_ =	swait.ge [sflag:s8], $0x4000  }
0x269: {  	[sflag:s8] =	ssyncset.done $0x0  }
0x26a: {  	[sflag:s8] =	ssyncadd.s32 $0xFFFFC000  }
0x26b: {  	_ =	swait.ge [sflag:s8], $0x4000  }
0x26c: {  	[sflag:s8] =	ssyncset.done $0x0  }
0x26d: {  	s11 =	simm.s32 $0x0;
	s12 =	simm.s32 $0x0;
	[sflag:s8] =	ssyncadd.s32 $0xFFFFC000  }
.LBB2_10:
0x26e: {  	s13 =	sshll.u32 s11, $0x2;
	s15 =	sand.u32 $0x7, s10  }
0x26f: {  	s13 =	sand.u32 $0xFFFF8000, s13;
	s15 =	sshll.u32 s15, $0x9  }
0x270: {  	s13 =	sor.u32 s15, s13  }
0x271: {  	s17 =	sshrl.u32 s13, $0x2  }
0x272: {  	s16 =	sor.u32 $0x40, s17  }
0x273: {  	s13 =	sadd.s32 $0xC040, s17;
	v3 =	vld [tilespmem:s16+$0xFFFFFFC0]  }
0x274: {  	s15 =	sadd.s32 $0x8040, s17;
	v4 =	vld [tilespmem:s13+$0xFFFFFFC0]  }
0x275: {  	s17 =	sadd.s32 $0x4040, s17;
	v5 =	vld [tilespmem:s15+$0xFFFFFFC0]  }
0x276: {  	v6 =	vld [tilespmem:s17+$0xFFFFFFC0];
	_ =	sdelay $0x4  }
0x277: {  	v3 =	vadd.f32 v6, v3;
	v4 =	vadd.f32 v4, v5;
	_ =	sdelay $0x1  }
0x278: {  	v3 =	vadd.f32 v4, v3;
	_ =	sdelay $0x1  }
0x279: {  	[tilespmem:s16+$0xFFFFFFC0] =	vst v3;
	v3 =	vld [tilespmem:s16+$0xFFFFFFD0]  }
0x27a: {  	v4 =	vld [tilespmem:s13+$0xFFFFFFD0]  }
0x27b: {  	v5 =	vld [tilespmem:s17+$0xFFFFFFD0]  }
0x27c: {  	v6 =	vld [tilespmem:s15+$0xFFFFFFD0];
	_ =	sdelay $0x4  }
0x27d: {  	v3 =	vadd.f32 v5, v3;
	v4 =	vadd.f32 v4, v6;
	_ =	sdelay $0x1  }
0x27e: {  	v3 =	vadd.f32 v4, v3;
	_ =	sdelay $0x1  }
0x27f: {  	[tilespmem:s16+$0xFFFFFFD0] =	vst v3;
	v3 =	vld [tilespmem:s16+$0xFFFFFFE0]  }
0x280: {  	v4 =	vld [tilespmem:s17+$0xFFFFFFE0]  }
0x281: {  	v5 =	vld [tilespmem:s15+$0xFFFFFFE0]  }
0x282: {  	v6 =	vld [tilespmem:s13+$0xFFFFFFE0];
	_ =	sdelay $0x4  }
0x283: {  	v3 =	vadd.f32 v4, v3;
	v4 =	vadd.f32 v6, v5;
	_ =	sdelay $0x1  }
0x284: {  	v3 =	vadd.f32 v4, v3;
	_ =	sdelay $0x1  }
0x285: {  	[tilespmem:s16+$0xFFFFFFE0] =	vst v3;
	v3 =	vld [tilespmem:s16+$0xFFFFFFF0]  }
0x286: {  	v4 =	vld [tilespmem:s15+$0xFFFFFFF0]  }
0x287: {  	v5 =	vld [tilespmem:s17+$0xFFFFFFF0]  }
0x288: {  	v6 =	vld [tilespmem:s13+$0xFFFFFFF0];
	_ =	sdelay $0x4  }
0x289: {  	v3 =	vadd.f32 v5, v3;
	v4 =	vadd.f32 v6, v4;
	_ =	sdelay $0x1  }
0x28a: {  	v3 =	vadd.f32 v4, v3;
	_ =	sdelay $0x1  }
0x28b: {  	[tilespmem:s16+$0xFFFFFFF0] =	vst v3;
	v3 =	vld [tilespmem:s16+$0x0]  }
0x28c: {  	v4 =	vld [tilespmem:s15+$0x0]  }
0x28d: {  	v5 =	vld [tilespmem:s17+$0x0]  }
0x28e: {  	v6 =	vld [tilespmem:s13+$0x0];
	_ =	sdelay $0x4  }
0x28f: {  	v3 =	vadd.f32 v5, v3;
	v4 =	vadd.f32 v6, v4;
	_ =	sdelay $0x1  }
0x290: {  	v3 =	vadd.f32 v4, v3;
	_ =	sdelay $0x1  }
0x291: {  	[tilespmem:s16+$0x0] =	vst v3;
	v3 =	vld [tilespmem:s16+$0x10]  }
0x292: {  	v4 =	vld [tilespmem:s17+$0x10]  }
0x293: {  	v5 =	vld [tilespmem:s15+$0x10]  }
0x294: {  	v6 =	vld [tilespmem:s13+$0x10];
	_ =	sdelay $0x4  }
0x295: {  	v3 =	vadd.f32 v4, v3;
	v4 =	vadd.f32 v6, v5;
	_ =	sdelay $0x1  }
0x296: {  	v3 =	vadd.f32 v4, v3;
	_ =	sdelay $0x1  }
0x297: {  	[tilespmem:s16+$0x10] =	vst v3;
	v3 =	vld [tilespmem:s16+$0x20]  }
0x298: {  	v4 =	vld [tilespmem:s13+$0x20]  }
0x299: {  	v5 =	vld [tilespmem:s17+$0x20]  }
0x29a: {  	v6 =	vld [tilespmem:s15+$0x20];
	_ =	sdelay $0x4  }
0x29b: {  	s19 =	simm.s32 $0x0;
	s21 =	sadd.s32 $0x400, s15;
	v3 =	vadd.f32 v5, v3;
	v4 =	vadd.f32 v4, v6  }
0x29c: {  	s24 =	sadd.s32 $0x400, s13;
	s18 =	smov.u32 s16;
	s20 =	smov.u32 s17  }
.LBB2_11:
0x29d: {  	s19 =	sadd.s32 $0x8, s19;
	v3 =	vadd.f32 v4, v3;
	s16 =	sadd.s32 $0x400, s16;
	s17 =	sadd.s32 $0x400, s17  }
0x29e: {  	p0 =	slt.u32 s19, $0x38  }
0x29f: {  	[tilespmem:s18+$0x20] =	vst v3;
	v3 =	vld [tilespmem:s18+$0x30]  }
0x2a0: {  	v4 =	vld [tilespmem:s20+$0x30];
	s20 =	smov.u32 s17  }
0x2a1: {  	v5 =	vld [tilespmem:s13+$0x30];
	s13 =	smov.u32 s24  }
0x2a2: {  	v6 =	vld [tilespmem:s15+$0x30];
	s15 =	smov.u32 s21;
	_ =	sdelay $0x2  }
0x2a3: {  	v3 =	vadd.f32 v4, v3;
	_ =	sdelay $0x1  }
0x2a4: {  	v4 =	vadd.f32 v5, v6;
	_ =	sdelay $0x1  }
0x2a5: {  	v3 =	vadd.f32 v4, v3;
	_ =	sdelay $0x1  }
0x2a6: {  	v4 =	vld [tilespmem:s16+$0xFFFFFFC0];
	[tilespmem:s18+$0x30] =	vst v3;
	s18 =	smov.u32 s16  }
0x2a7: {  	v3 =	vld [tilespmem:s24+$0xFFFFFFC0]  }
0x2a8: {  	v5 =	vld [tilespmem:s21+$0xFFFFFFC0]  }
0x2a9: {  	v6 =	vld [tilespmem:s17+$0xFFFFFFC0];
	_ =	sdelay $0x4  }
0x2aa: {  	v3 =	vadd.f32 v3, v5;
	v4 =	vadd.f32 v6, v4;
	_ =	sdelay $0x1  }
0x2ab: {  	v3 =	vadd.f32 v3, v4;
	_ =	sdelay $0x1  }
0x2ac: {  	[tilespmem:s16+$0xFFFFFFC0] =	vst v3;
	v3 =	vld [tilespmem:s16+$0xFFFFFFD0]  }
0x2ad: {  	v4 =	vld [tilespmem:s24+$0xFFFFFFD0]  }
0x2ae: {  	v5 =	vld [tilespmem:s17+$0xFFFFFFD0]  }
0x2af: {  	v6 =	vld [tilespmem:s21+$0xFFFFFFD0];
	_ =	sdelay $0x3  }
0x2b0: {  	v3 =	vadd.f32 v5, v3  }
0x2b1: {  	v4 =	vadd.f32 v4, v6;
	_ =	sdelay $0x1  }
0x2b2: {  	v3 =	vadd.f32 v4, v3;
	_ =	sdelay $0x1  }
0x2b3: {  	[tilespmem:s16+$0xFFFFFFD0] =	vst v3;
	v3 =	vld [tilespmem:s16+$0xFFFFFFE0]  }
0x2b4: {  	v4 =	vld [tilespmem:s17+$0xFFFFFFE0]  }
0x2b5: {  	v5 =	vld [tilespmem:s21+$0xFFFFFFE0]  }
0x2b6: {  	v6 =	vld [tilespmem:s24+$0xFFFFFFE0];
	_ =	sdelay $0x4  }
0x2b7: {  	v3 =	vadd.f32 v4, v3;
	v4 =	vadd.f32 v6, v5;
	_ =	sdelay $0x1  }
0x2b8: {  	v3 =	vadd.f32 v4, v3;
	_ =	sdelay $0x1  }
0x2b9: {  	[tilespmem:s16+$0xFFFFFFE0] =	vst v3;
	v3 =	vld [tilespmem:s16+$0xFFFFFFF0]  }
0x2ba: {  	v4 =	vld [tilespmem:s21+$0xFFFFFFF0]  }
0x2bb: {  	v5 =	vld [tilespmem:s17+$0xFFFFFFF0]  }
0x2bc: {  	v6 =	vld [tilespmem:s24+$0xFFFFFFF0];
	_ =	sdelay $0x3  }
0x2bd: {  	v3 =	vadd.f32 v5, v3  }
0x2be: {  	v4 =	vadd.f32 v6, v4;
	_ =	sdelay $0x1  }
0x2bf: {  	v3 =	vadd.f32 v4, v3;
	_ =	sdelay $0x1  }
0x2c0: {  	[tilespmem:s16+$0xFFFFFFF0] =	vst v3;
	v3 =	vld [tilespmem:s16+$0x0]  }
0x2c1: {  	v4 =	vld [tilespmem:s21+$0x0]  }
0x2c2: {  	v5 =	vld [tilespmem:s17+$0x0]  }
0x2c3: {  	v6 =	vld [tilespmem:s24+$0x0];
	_ =	sdelay $0x3  }
0x2c4: {  	v3 =	vadd.f32 v5, v3  }
0x2c5: {  	v4 =	vadd.f32 v6, v4;
	_ =	sdelay $0x1  }
0x2c6: {  	v3 =	vadd.f32 v4, v3;
	_ =	sdelay $0x1  }
0x2c7: {  	[tilespmem:s16+$0x0] =	vst v3;
	v3 =	vld [tilespmem:s16+$0x10]  }
0x2c8: {  	v4 =	vld [tilespmem:s17+$0x10]  }
0x2c9: {  	v5 =	vld [tilespmem:s21+$0x10]  }
0x2ca: {  	v6 =	vld [tilespmem:s24+$0x10];
	_ =	sdelay $0x4  }
0x2cb: {  	v3 =	vadd.f32 v4, v3;
	v4 =	vadd.f32 v6, v5;
	_ =	sdelay $0x1  }
0x2cc: {  	v3 =	vadd.f32 v4, v3;
	_ =	sdelay $0x1  }
0x2cd: {  	[tilespmem:s16+$0x10] =	vst v3;
	v3 =	vld [tilespmem:s16+$0x20]  }
0x2ce: {  	v4 =	vld [tilespmem:s24+$0x20]  }
0x2cf: {  	v5 =	vld [tilespmem:s17+$0x20]  }
0x2d0: {  	v6 =	vld [tilespmem:s21+$0x20];
	_ =	sdelay $0x1  }
.Ltmp4:
0x2d1: {  	(pc) =	sbr.rel @p0 .LBB2_11-.Ltmp4, $4  }
0x2d2: {  	_ = 	snop  }
0x2d3: {  	v3 =	vadd.f32 v5, v3  }
0x2d4: {  	v4 =	vadd.f32 v4, v6  }
0x2d5: {  	s24 =	sadd.s32 $0x400, s24;
	s21 =	sadd.s32 $0x400, s21  }
0x2d6: {  	v3 =	vadd.f32 v4, v3;
	_ =	sdelay $0x1  }
0x2d7: {  	[tilespmem:s18+$0x20] =	vst v3;
	v3 =	vld [tilespmem:s18+$0x30]  }
0x2d8: {  	v62 =	vld [tilespmem:s20+$0x30]  }
0x2d9: {  	v5 =	vld [tilespmem:s13+$0x30]  }
0x2da: {  	v6 =	vld [tilespmem:s15+$0x30];
	_ =	sdelay $0x2  }
0x2db: {  	s12 =	sadd.s32 $0x1, s12  }
0x2dc: {  	p0 =	sne.s32 s12, $0x10  }
.Ltmp5:
0x2dd: {  	v3 =	vadd.f32 v62, v3;
	v63 =	vadd.f32 v5, v6;
	(pc) =	sbr.rel @p0 .LBB2_10-.Ltmp5, $3  }
0x2de: {  	_ = 	snop  }
0x2df: {  	v3 =	vadd.f32 v63, v3;
	_ =	sdelay $0x1  }
0x2e0: {  	s11 =	sadd.s32 $0x400, s11;
	s10 =	sadd.s32 $0x1, s10;
	[tilespmem:s18+$0x30] =	vst v3  }
0x2e1: {  	s10 =	simm.s32 $0x0;
	s11 =	rddreg [dreg:$0x15]  }
0x2e2: {  	[hbm4b:s11+s10] =	stream.linear.scatter [tilespmem:s10], [sflag:$0x2], $0x4000, $0x38;
	[tilespmem:$0x10200] =	vst v63  }
0x2e3: {  	_ =	swait.ge [sflag:s30], $0x4000  }
0x2e4: {  	[sflag:s30] =	ssyncset.done $0x0  }
0x2e5: {  	s12 =	simm.s32 $0x10000;
	s16 =	rddreg [dreg:$0xf];
	[sflag:s30] =	ssyncadd.s32 $0xFFFFC000  }
0x2e6: {  	[tilespmem:s12], [sflag:$0x2] =	stream.linear.gather [hbm4b:s16+s10], $0x10, $0x38;
	[tilespmem:$0x10200] =	vst v63  }
0x2e7: {  	_ =	swait.ge [sflag:s30], $0x10  }
0x2e8: {  	[sflag:s30] =	ssyncset.done $0x0  }
0x2e9: {  	s18 =	simm.s32 $0x10080;
	s17 =	rddreg [dreg:$0x10];
	[sflag:s30] =	ssyncadd.s32 $0xFFFFFFF0  }
0x2ea: {  	[tilespmem:s18], [sflag:$0x2] =	stream.linear.gather [hbm4b:s17+s10], $0x10, $0x38;
	[tilespmem:$0x10200] =	vst v63  }
0x2eb: {  	_ =	swait.ge [sflag:s30], $0x10  }
0x2ec: {  	[sflag:s30] =	ssyncset.done $0x0  }
0x2ed: {  	s20 =	simm.s32 $0x10100;
	s19 =	rddreg [dreg:$0x11];
	[sflag:s30] =	ssyncadd.s32 $0xFFFFFFF0  }
0x2ee: {  	[tilespmem:s20], [sflag:$0x2] =	stream.linear.gather [hbm4b:s19+s10], $0x10, $0x38;
	[tilespmem:$0x10200] =	vst v63  }
0x2ef: {  	_ =	swait.ge [sflag:s30], $0x10  }
0x2f0: {  	[sflag:s30] =	ssyncset.done $0x0  }
0x2f1: {  	s24 =	simm.s32 $0x10180;
	s21 =	rddreg [dreg:$0x12];
	[sflag:s30] =	ssyncadd.s32 $0xFFFFFFF0  }
0x2f2: {  	[tilespmem:s24], [sflag:$0x2] =	stream.linear.gather [hbm4b:s21+s10], $0x10, $0x38;
	[tilespmem:$0x10200] =	vst v63  }
0x2f3: {  	_ =	swait.ge [sflag:s30], $0x10  }
0x2f4: {  	[sflag:s30] =	ssyncset.done $0x0  }
0x2f5: {  	[sflag:s30] =	ssyncadd.s32 $0xFFFFFFF0  }
0x2f6: {  	v3 =	vld [tilespmem:$0x10000];
	_ =	sdelay $0x4  }
0x2f7: {  	v4 =	vshll.u32 v3, $0x3  }
0x2f8: {  	v3 =	vand.u32 $0x7, v3;
	v4 =	vand.u32 $0xFFFFFFC0, v4  }
0x2f9: {  	v3 =	vor.u32 v3, v4  }
0x2fa: {  	v4 =	vperm.xlane v3, v0;
	_ =	sdelay $0x1  }
0x2fb: {  	v4 =	vadd.s32 v1, v4;
	_ =	sdelay $0x4  }
0x2fc: {  	[tilespmem:s10], [sflag:$0x1] =	stream.indirect_vreg.gather [hbm4b:s22+s10], $0x80, v4, vm0, $0xb8;
	[tilespmem:$0x10200] =	vst v63  }
0x2fd: {  	s12 =	simm.s32 $0x800;
	v3 =	vperm.xlane v3, v2  }
0x2fe: {  	[tilespmem:s12], [sflag:$0x1] =	stream.indirect_vreg.gather [hbm4b:s23+s10], $0x80, v4, vm0, $0xb8;
	[tilespmem:$0x10200] =	vst v63  }
0x2ff: {  	s13 =	simm.s32 $0x1000;
	v3 =	vadd.s32 v1, v3  }
0x300: {  	[tilespmem:s13], [sflag:$0x1] =	stream.indirect_vreg.gather [hbm4b:s25+s10], $0x80, v4, vm0, $0xb8;
	[tilespmem:$0x10200] =	vst v63  }
0x301: {  	s15 =	simm.s32 $0x1800  }
0x302: {  	[tilespmem:s15], [sflag:$0x1] =	stream.indirect_vreg.gather [hbm4b:s26+s10], $0x80, v4, vm0, $0xb8;
	[tilespmem:$0x10200] =	vst v63  }
0x303: {  	s16 =	simm.s32 $0x2000  }
0x304: {  	[tilespmem:s16], [sflag:$0x1] =	stream.indirect_vreg.gather [hbm4b:s22+s10], $0x80, v3, vm0, $0xb8;
	[tilespmem:$0x10200] =	vst v63  }
0x305: {  	s17 =	simm.s32 $0x2800  }
0x306: {  	[tilespmem:s17], [sflag:$0x1] =	stream.indirect_vreg.gather [hbm4b:s23+s10], $0x80, v3, vm0, $0xb8;
	[tilespmem:$0x10200] =	vst v63  }
0x307: {  	s18 =	simm.s32 $0x3000  }
0x308: {  	[tilespmem:s18], [sflag:$0x1] =	stream.indirect_vreg.gather [hbm4b:s25+s10], $0x80, v3, vm0, $0xb8;
	[tilespmem:$0x10200] =	vst v63  }
0x309: {  	s19 =	simm.s32 $0x3800  }
0x30a: {  	[tilespmem:s19], [sflag:$0x1] =	stream.indirect_vreg.gather [hbm4b:s26+s10], $0x80, v3, vm0, $0xb8;
	[tilespmem:$0x10200] =	vst v63  }
0x30b: {  	v3 =	vld [tilespmem:$0x10080];
	_ =	sdelay $0x4  }
0x30c: {  	v61 =	vshll.u32 v3, $0x3  }
0x30d: {  	v3 =	vand.u32 $0x7, v3;
	v4 =	vand.u32 $0xFFFFFFC0, v61  }
0x30e: {  	v3 =	vor.u32 v3, v4  }
0x30f: {  	v4 =	vperm.xlane v3, v0;
	_ =	sdelay $0x1  }
0x310: {  	v4 =	vadd.s32 v1, v4;
	_ =	sdelay $0x3  }
0x311: {  	s20 =	simm.s32 $0x4000  }
0x312: {  	[tilespmem:s20], [sflag:$0x1] =	stream.indirect_vreg.gather [hbm4b:s22+s10], $0x80, v4, vm0, $0xb8;
	[tilespmem:$0x10200] =	vst v63  }
0x313: {  	s21 =	simm.s32 $0x4800;
	v3 =	vperm.xlane v3, v2  }
0x314: {  	[tilespmem:s21], [sflag:$0x1] =	stream.indirect_vreg.gather [hbm4b:s23+s10], $0x80, v4, vm0, $0xb8;
	[tilespmem:$0x10200] =	vst v63  }
0x315: {  	s24 =	simm.s32 $0x5000;
	v3 =	vadd.s32 v1, v3  }
0x316: {  	[tilespmem:s24], [sflag:$0x1] =	stream.indirect_vreg.gather [hbm4b:s25+s10], $0x80, v4, vm0, $0xb8;
	[tilespmem:$0x10200] =	vst v63  }
0x317: {  	s12 =	simm.s32 $0x5800  }
0x318: {  	[tilespmem:s12], [sflag:$0x1] =	stream.indirect_vreg.gather [hbm4b:s26+s10], $0x80, v4, vm0, $0xb8;
	[tilespmem:$0x10200] =	vst v63  }
0x319: {  	s13 =	simm.s32 $0x6000  }
0x31a: {  	[tilespmem:s13], [sflag:$0x1] =	stream.indirect_vreg.gather [hbm4b:s22+s10], $0x80, v3, vm0, $0xb8;
	[tilespmem:$0x10200] =	vst v63  }
0x31b: {  	s15 =	simm.s32 $0x6800  }
0x31c: {  	[tilespmem:s15], [sflag:$0x1] =	stream.indirect_vreg.gather [hbm4b:s23+s10], $0x80, v3, vm0, $0xb8;
	[tilespmem:$0x10200] =	vst v63  }
0x31d: {  	s16 =	simm.s32 $0x7000  }
0x31e: {  	[tilespmem:s16], [sflag:$0x1] =	stream.indirect_vreg.gather [hbm4b:s25+s10], $0x80, v3, vm0, $0xb8;
	[tilespmem:$0x10200] =	vst v63  }
0x31f: {  	s17 =	simm.s32 $0x7800  }
0x320: {  	[tilespmem:s17], [sflag:$0x1] =	stream.indirect_vreg.gather [hbm4b:s26+s10], $0x80, v3, vm0, $0xb8;
	[tilespmem:$0x10200] =	vst v63  }
0x321: {  	v3 =	vld [tilespmem:$0x10100];
	_ =	sdelay $0x4  }
0x322: {  	v62 =	vshll.u32 v3, $0x3  }
0x323: {  	v3 =	vand.u32 $0x7, v3;
	v4 =	vand.u32 $0xFFFFFFC0, v62  }
0x324: {  	v3 =	vor.u32 v3, v4  }
0x325: {  	v4 =	vperm.xlane v3, v0;
	_ =	sdelay $0x1  }
0x326: {  	v4 =	vadd.s32 v1, v4;
	_ =	sdelay $0x3  }
0x327: {  	s18 =	simm.s32 $0x8000  }
0x328: {  	[tilespmem:s18], [sflag:$0x1] =	stream.indirect_vreg.gather [hbm4b:s22+s10], $0x80, v4, vm0, $0xb8;
	[tilespmem:$0x10200] =	vst v63  }
0x329: {  	s19 =	simm.s32 $0x8800;
	v3 =	vperm.xlane v3, v2  }
0x32a: {  	[tilespmem:s19], [sflag:$0x1] =	stream.indirect_vreg.gather [hbm4b:s23+s10], $0x80, v4, vm0, $0xb8;
	[tilespmem:$0x10200] =	vst v63  }
0x32b: {  	s20 =	simm.s32 $0x9000;
	v3 =	vadd.s32 v1, v3  }
0x32c: {  	[tilespmem:s20], [sflag:$0x1] =	stream.indirect_vreg.gather [hbm4b:s25+s10], $0x80, v4, vm0, $0xb8;
	[tilespmem:$0x10200] =	vst v63  }
0x32d: {  	s21 =	simm.s32 $0x9800  }
0x32e: {  	[tilespmem:s21], [sflag:$0x1] =	stream.indirect_vreg.gather [hbm4b:s26+s10], $0x80, v4, vm0, $0xb8;
	[tilespmem:$0x10200] =	vst v63  }
0x32f: {  	s24 =	simm.s32 $0xA000  }
0x330: {  	[tilespmem:s24], [sflag:$0x1] =	stream.indirect_vreg.gather [hbm4b:s22+s10], $0x80, v3, vm0, $0xb8;
	[tilespmem:$0x10200] =	vst v63  }
0x331: {  	_ = 	snop  }
0x332: {  	[tilespmem:s28], [sflag:$0x1] =	stream.indirect_vreg.gather [hbm4b:s23+s10], $0x80, v3, vm0, $0xb8;
	[tilespmem:$0x10200] =	vst v63  }
0x333: {  	_ = 	snop  }
0x334: {  	[tilespmem:s29], [sflag:$0x1] =	stream.indirect_vreg.gather [hbm4b:s25+s10], $0x80, v3, vm0, $0xb8;
	[tilespmem:$0x10200] =	vst v63  }
0x335: {  	_ = 	snop  }
0x336: {  	[tilespmem:s31], [sflag:$0x1] =	stream.indirect_vreg.gather [hbm4b:s26+s10], $0x80, v3, vm0, $0xb8;
	[tilespmem:$0x10200] =	vst v63  }
0x337: {  	v3 =	vld [tilespmem:$0x10180];
	_ =	sdelay $0x4  }
0x338: {  	v63 =	vshll.u32 v3, $0x3  }
0x339: {  	v3 =	vand.u32 $0x7, v3;
	v4 =	vand.u32 $0xFFFFFFC0, v63  }
0x33a: {  	v3 =	vor.u32 v3, v4  }
0x33b: {  	v4 =	vperm.xlane v3, v0;
	_ =	sdelay $0x1  }
0x33c: {  	v4 =	vadd.s32 v1, v4;
	_ =	sdelay $0x4  }
0x33d: {  	[tilespmem:s14], [sflag:$0x1] =	stream.indirect_vreg.gather [hbm4b:s22+s10], $0x80, v4, vm0, $0xb8;
	[tilespmem:$0x10200] =	vst v63  }
0x33e: {  	v3 =	vperm.xlane v3, v2  }
0x33f: {  	[tilespmem:s0], [sflag:$0x1] =	stream.indirect_vreg.gather [hbm4b:s23+s10], $0x80, v4, vm0, $0xb8;
	[tilespmem:$0x10200] =	vst v63  }
0x340: {  	v3 =	vadd.s32 v1, v3  }
0x341: {  	[tilespmem:s2], [sflag:$0x1] =	stream.indirect_vreg.gather [hbm4b:s25+s10], $0x80, v4, vm0, $0xb8;
	[tilespmem:$0x10200] =	vst v63  }
0x342: {  	_ = 	snop  }
0x343: {  	[tilespmem:s3], [sflag:$0x1] =	stream.indirect_vreg.gather [hbm4b:s26+s10], $0x80, v4, vm0, $0xb8;
	[tilespmem:$0x10200] =	vst v63  }
0x344: {  	_ = 	snop  }
0x345: {  	[tilespmem:s4], [sflag:$0x1] =	stream.indirect_vreg.gather [hbm4b:s22+s10], $0x80, v3, vm0, $0xb8;
	[tilespmem:$0x10200] =	vst v63  }
0x346: {  	_ = 	snop  }
0x347: {  	[tilespmem:s5], [sflag:$0x1] =	stream.indirect_vreg.gather [hbm4b:s23+s10], $0x80, v3, vm0, $0xb8;
	[tilespmem:$0x10200] =	vst v63  }
0x348: {  	_ = 	snop  }
0x349: {  	[tilespmem:s6], [sflag:$0x1] =	stream.indirect_vreg.gather [hbm4b:s25+s10], $0x80, v3, vm0, $0xb8;
	[tilespmem:$0x10200] =	vst v63  }
0x34a: {  	_ = 	snop  }
0x34b: {  	[tilespmem:s7], [sflag:$0x1] =	stream.indirect_vreg.gather [hbm4b:s26+s10], $0x80, v3, vm0, $0xb8;
	[tilespmem:$0x10200] =	vst v63  }
0x34c: {  	_ =	swait.ge [sflag:s8], $0x4000  }
0x34d: {  	[sflag:s8] =	ssyncset.done $0x0  }
0x34e: {  	[sflag:s8] =	ssyncadd.s32 $0xFFFFC000  }
0x34f: {  	_ =	swait.ge [sflag:s8], $0x4000  }
0x350: {  	[sflag:s8] =	ssyncset.done $0x0  }
0x351: {  	[sflag:s8] =	ssyncadd.s32 $0xFFFFC000  }
0x352: {  	_ =	swait.ge [sflag:s8], $0x4000  }
0x353: {  	[sflag:s8] =	ssyncset.done $0x0  }
0x354: {  	[sflag:s8] =	ssyncadd.s32 $0xFFFFC000  }
0x355: {  	_ =	swait.ge [sflag:s8], $0x4000  }
0x356: {  	[sflag:s8] =	ssyncset.done $0x0  }
0x357: {  	s11 =	simm.s32 $0x0;
	s12 =	simm.s32 $0x0;
	[sflag:s8] =	ssyncadd.s32 $0xFFFFC000  }
.LBB2_14:
0x358: {  	s13 =	sshll.u32 s11, $0x2;
	s15 =	sand.u32 $0x7, s10  }
0x359: {  	s13 =	sand.u32 $0xFFFF8000, s13;
	s15 =	sshll.u32 s15, $0x9  }
0x35a: {  	s13 =	sor.u32 s15, s13  }
0x35b: {  	s17 =	sshrl.u32 s13, $0x2  }
0x35c: {  	s16 =	sor.u32 $0x40, s17  }
0x35d: {  	s13 =	sadd.s32 $0xC040, s17;
	v3 =	vld [tilespmem:s16+$0xFFFFFFC0]  }
0x35e: {  	s15 =	sadd.s32 $0x8040, s17;
	v4 =	vld [tilespmem:s13+$0xFFFFFFC0]  }
0x35f: {  	s17 =	sadd.s32 $0x4040, s17;
	v5 =	vld [tilespmem:s15+$0xFFFFFFC0]  }
0x360: {  	v6 =	vld [tilespmem:s17+$0xFFFFFFC0];
	_ =	sdelay $0x4  }
0x361: {  	v3 =	vadd.f32 v6, v3;
	v4 =	vadd.f32 v4, v5;
	_ =	sdelay $0x1  }
0x362: {  	v3 =	vadd.f32 v4, v3;
	_ =	sdelay $0x1  }
0x363: {  	[tilespmem:s16+$0xFFFFFFC0] =	vst v3;
	v3 =	vld [tilespmem:s16+$0xFFFFFFD0]  }
0x364: {  	v4 =	vld [tilespmem:s13+$0xFFFFFFD0]  }
0x365: {  	v5 =	vld [tilespmem:s17+$0xFFFFFFD0]  }
0x366: {  	v6 =	vld [tilespmem:s15+$0xFFFFFFD0];
	_ =	sdelay $0x4  }
0x367: {  	v3 =	vadd.f32 v5, v3;
	v4 =	vadd.f32 v4, v6;
	_ =	sdelay $0x1  }
0x368: {  	v3 =	vadd.f32 v4, v3;
	_ =	sdelay $0x1  }
0x369: {  	[tilespmem:s16+$0xFFFFFFD0] =	vst v3;
	v3 =	vld [tilespmem:s16+$0xFFFFFFE0]  }
0x36a: {  	v4 =	vld [tilespmem:s17+$0xFFFFFFE0]  }
0x36b: {  	v5 =	vld [tilespmem:s15+$0xFFFFFFE0]  }
0x36c: {  	v6 =	vld [tilespmem:s13+$0xFFFFFFE0];
	_ =	sdelay $0x4  }
0x36d: {  	v3 =	vadd.f32 v4, v3;
	v4 =	vadd.f32 v6, v5;
	_ =	sdelay $0x1  }
0x36e: {  	v3 =	vadd.f32 v4, v3;
	_ =	sdelay $0x1  }
0x36f: {  	[tilespmem:s16+$0xFFFFFFE0] =	vst v3;
	v3 =	vld [tilespmem:s16+$0xFFFFFFF0]  }
0x370: {  	v4 =	vld [tilespmem:s15+$0xFFFFFFF0]  }
0x371: {  	v5 =	vld [tilespmem:s17+$0xFFFFFFF0]  }
0x372: {  	v6 =	vld [tilespmem:s13+$0xFFFFFFF0];
	_ =	sdelay $0x4  }
0x373: {  	v3 =	vadd.f32 v5, v3;
	v4 =	vadd.f32 v6, v4;
	_ =	sdelay $0x1  }
0x374: {  	v3 =	vadd.f32 v4, v3;
	_ =	sdelay $0x1  }
0x375: {  	[tilespmem:s16+$0xFFFFFFF0] =	vst v3;
	v3 =	vld [tilespmem:s16+$0x0]  }
0x376: {  	v4 =	vld [tilespmem:s15+$0x0]  }
0x377: {  	v5 =	vld [tilespmem:s17+$0x0]  }
0x378: {  	v6 =	vld [tilespmem:s13+$0x0];
	_ =	sdelay $0x4  }
0x379: {  	v3 =	vadd.f32 v5, v3;
	v4 =	vadd.f32 v6, v4;
	_ =	sdelay $0x1  }
0x37a: {  	v3 =	vadd.f32 v4, v3;
	_ =	sdelay $0x1  }
0x37b: {  	[tilespmem:s16+$0x0] =	vst v3;
	v3 =	vld [tilespmem:s16+$0x10]  }
0x37c: {  	v4 =	vld [tilespmem:s17+$0x10]  }
0x37d: {  	v5 =	vld [tilespmem:s15+$0x10]  }
0x37e: {  	v6 =	vld [tilespmem:s13+$0x10];
	_ =	sdelay $0x4  }
0x37f: {  	v3 =	vadd.f32 v4, v3;
	v4 =	vadd.f32 v6, v5;
	_ =	sdelay $0x1  }
0x380: {  	v3 =	vadd.f32 v4, v3;
	_ =	sdelay $0x1  }
0x381: {  	[tilespmem:s16+$0x10] =	vst v3;
	v3 =	vld [tilespmem:s16+$0x20]  }
0x382: {  	v4 =	vld [tilespmem:s13+$0x20]  }
0x383: {  	v5 =	vld [tilespmem:s17+$0x20]  }
0x384: {  	v6 =	vld [tilespmem:s15+$0x20];
	_ =	sdelay $0x4  }
0x385: {  	s19 =	simm.s32 $0x0;
	s21 =	sadd.s32 $0x400, s15;
	v3 =	vadd.f32 v5, v3;
	v4 =	vadd.f32 v4, v6  }
0x386: {  	s24 =	sadd.s32 $0x400, s13;
	s18 =	smov.u32 s16;
	s20 =	smov.u32 s17  }
.LBB2_15:
0x387: {  	s19 =	sadd.s32 $0x8, s19;
	v3 =	vadd.f32 v4, v3;
	s16 =	sadd.s32 $0x400, s16;
	s17 =	sadd.s32 $0x400, s17  }
0x388: {  	p0 =	slt.u32 s19, $0x38  }
0x389: {  	[tilespmem:s18+$0x20] =	vst v3;
	v3 =	vld [tilespmem:s18+$0x30]  }
0x38a: {  	v4 =	vld [tilespmem:s20+$0x30];
	s20 =	smov.u32 s17  }
0x38b: {  	v5 =	vld [tilespmem:s13+$0x30];
	s13 =	smov.u32 s24  }
0x38c: {  	v6 =	vld [tilespmem:s15+$0x30];
	s15 =	smov.u32 s21;
	_ =	sdelay $0x2  }
0x38d: {  	v3 =	vadd.f32 v4, v3;
	_ =	sdelay $0x1  }
0x38e: {  	v4 =	vadd.f32 v5, v6;
	_ =	sdelay $0x1  }
0x38f: {  	v3 =	vadd.f32 v4, v3;
	_ =	sdelay $0x1  }
0x390: {  	v4 =	vld [tilespmem:s16+$0xFFFFFFC0];
	[tilespmem:s18+$0x30] =	vst v3;
	s18 =	smov.u32 s16  }
0x391: {  	v3 =	vld [tilespmem:s24+$0xFFFFFFC0]  }
0x392: {  	v5 =	vld [tilespmem:s21+$0xFFFFFFC0]  }
0x393: {  	v6 =	vld [tilespmem:s17+$0xFFFFFFC0];
	_ =	sdelay $0x4  }
0x394: {  	v3 =	vadd.f32 v3, v5;
	v4 =	vadd.f32 v6, v4;
	_ =	sdelay $0x1  }
0x395: {  	v3 =	vadd.f32 v3, v4;
	_ =	sdelay $0x1  }
0x396: {  	[tilespmem:s16+$0xFFFFFFC0] =	vst v3;
	v3 =	vld [tilespmem:s16+$0xFFFFFFD0]  }
0x397: {  	v4 =	vld [tilespmem:s24+$0xFFFFFFD0]  }
0x398: {  	v5 =	vld [tilespmem:s17+$0xFFFFFFD0]  }
0x399: {  	v6 =	vld [tilespmem:s21+$0xFFFFFFD0];
	_ =	sdelay $0x3  }
0x39a: {  	v3 =	vadd.f32 v5, v3  }
0x39b: {  	v4 =	vadd.f32 v4, v6;
	_ =	sdelay $0x1  }
0x39c: {  	v3 =	vadd.f32 v4, v3;
	_ =	sdelay $0x1  }
0x39d: {  	[tilespmem:s16+$0xFFFFFFD0] =	vst v3;
	v3 =	vld [tilespmem:s16+$0xFFFFFFE0]  }
0x39e: {  	v4 =	vld [tilespmem:s17+$0xFFFFFFE0]  }
0x39f: {  	v5 =	vld [tilespmem:s21+$0xFFFFFFE0]  }
0x3a0: {  	v6 =	vld [tilespmem:s24+$0xFFFFFFE0];
	_ =	sdelay $0x4  }
0x3a1: {  	v3 =	vadd.f32 v4, v3;
	v4 =	vadd.f32 v6, v5;
	_ =	sdelay $0x1  }
0x3a2: {  	v3 =	vadd.f32 v4, v3;
	_ =	sdelay $0x1  }
0x3a3: {  	[tilespmem:s16+$0xFFFFFFE0] =	vst v3;
	v3 =	vld [tilespmem:s16+$0xFFFFFFF0]  }
0x3a4: {  	v4 =	vld [tilespmem:s21+$0xFFFFFFF0]  }
0x3a5: {  	v5 =	vld [tilespmem:s17+$0xFFFFFFF0]  }
0x3a6: {  	v6 =	vld [tilespmem:s24+$0xFFFFFFF0];
	_ =	sdelay $0x3  }
0x3a7: {  	v3 =	vadd.f32 v5, v3  }
0x3a8: {  	v4 =	vadd.f32 v6, v4;
	_ =	sdelay $0x1  }
0x3a9: {  	v3 =	vadd.f32 v4, v3;
	_ =	sdelay $0x1  }
0x3aa: {  	[tilespmem:s16+$0xFFFFFFF0] =	vst v3;
	v3 =	vld [tilespmem:s16+$0x0]  }
0x3ab: {  	v4 =	vld [tilespmem:s21+$0x0]  }
0x3ac: {  	v5 =	vld [tilespmem:s17+$0x0]  }
0x3ad: {  	v6 =	vld [tilespmem:s24+$0x0];
	_ =	sdelay $0x3  }
0x3ae: {  	v3 =	vadd.f32 v5, v3  }
0x3af: {  	v4 =	vadd.f32 v6, v4;
	_ =	sdelay $0x1  }
0x3b0: {  	v3 =	vadd.f32 v4, v3;
	_ =	sdelay $0x1  }
0x3b1: {  	[tilespmem:s16+$0x0] =	vst v3;
	v3 =	vld [tilespmem:s16+$0x10]  }
0x3b2: {  	v4 =	vld [tilespmem:s17+$0x10]  }
0x3b3: {  	v5 =	vld [tilespmem:s21+$0x10]  }
0x3b4: {  	v6 =	vld [tilespmem:s24+$0x10];
	_ =	sdelay $0x4  }
0x3b5: {  	v3 =	vadd.f32 v4, v3;
	v4 =	vadd.f32 v6, v5;
	_ =	sdelay $0x1  }
0x3b6: {  	v3 =	vadd.f32 v4, v3;
	_ =	sdelay $0x1  }
0x3b7: {  	[tilespmem:s16+$0x10] =	vst v3;
	v3 =	vld [tilespmem:s16+$0x20]  }
0x3b8: {  	v4 =	vld [tilespmem:s24+$0x20]  }
0x3b9: {  	v5 =	vld [tilespmem:s17+$0x20]  }
0x3ba: {  	v6 =	vld [tilespmem:s21+$0x20];
	_ =	sdelay $0x1  }
.Ltmp6:
0x3bb: {  	(pc) =	sbr.rel @p0 .LBB2_15-.Ltmp6, $4  }
0x3bc: {  	_ = 	snop  }
0x3bd: {  	v3 =	vadd.f32 v5, v3  }
0x3be: {  	v4 =	vadd.f32 v4, v6  }
0x3bf: {  	s24 =	sadd.s32 $0x400, s24;
	s21 =	sadd.s32 $0x400, s21  }
0x3c0: {  	v3 =	vadd.f32 v4, v3;
	_ =	sdelay $0x1  }
0x3c1: {  	[tilespmem:s18+$0x20] =	vst v3;
	v3 =	vld [tilespmem:s18+$0x30]  }
0x3c2: {  	v62 =	vld [tilespmem:s20+$0x30]  }
0x3c3: {  	v5 =	vld [tilespmem:s13+$0x30]  }
0x3c4: {  	v6 =	vld [tilespmem:s15+$0x30];
	_ =	sdelay $0x2  }
0x3c5: {  	s12 =	sadd.s32 $0x1, s12  }
0x3c6: {  	p0 =	sne.s32 s12, $0x10  }
.Ltmp7:
0x3c7: {  	v3 =	vadd.f32 v62, v3;
	v63 =	vadd.f32 v5, v6;
	(pc) =	sbr.rel @p0 .LBB2_14-.Ltmp7, $3  }
0x3c8: {  	_ = 	snop  }
0x3c9: {  	v3 =	vadd.f32 v63, v3;
	_ =	sdelay $0x1  }
0x3ca: {  	s11 =	sadd.s32 $0x400, s11;
	s10 =	sadd.s32 $0x1, s10;
	[tilespmem:s18+$0x30] =	vst v3  }
0x3cb: {  	s10 =	rddreg [dreg:$0x16]  }
0x3cc: {  	[hbm4b:s10+s1] =	stream.linear.scatter [tilespmem:s1], [sflag:$0x2], $0x4000, $0x38;
	[tilespmem:$0x10200] =	vst v63  }
0x3cd: {  	_ =	swait.ge [sflag:s30], $0x4000  }
0x3ce: {  	s9 =	sadd.s32 $0x1, s9;
	s24 =	rddreg [dreg:$0x17]  }
0x3cf: {  	p0 =	sne.s32 s9, s24  }
.Ltmp8:
0x3d0: {  	_ = 	snop;
	(pc) =	sbr.rel @p0 .LBB2_1-.Ltmp8, $3  }
0x3d1: {  	_ =	sdelay $0x1  }
0x3d2: {  	[sflag:s30] =	ssyncset.done $0x0  }
0x3d3: {  	[sflag:s30] =	ssyncadd.s32 $0xFFFFC000  }
0x3d4: {  	_ =	sfence.sel $0x180000  }
0x3d5: {  	[bflag:$0x0] =	sbarrier.arrive $0xFFFF  }
0x3d6: {  	_ =	strace $0x9000004A  }
0x3d7: {  	s0 =	stileid.u32;
	[bflag:$0x2] =	sbarrier.arrive $0xFFFF  }
0x3d8: {  	p0 =	sne.s32 s0, $0x0;
	s0 =	rddreg [dreg:$0x2]  }
0x3d9: {  	s0 =	sadd.s32 @!p0 $0x100000, s0  }
0x3da: {  	[sflag:s0] =	ssyncadd.tile.s32 @!p0 $0x1;
	_ =	shalt  }
.Lfunc_end2:
_tile_overlayer_lowered:
.L_overlay_start_2:
0x3db: {  	(tag) =	ssettag $0x2  }
0x3dc: {  	s0 =	rddreg [dreg:$0x0];
	s2 =	stileid.u32  }
0x3dd: {  	s1 =	rddreg [dreg:$0x1];
	p0 =	sne.s32 s2, $0x0  }
0x3de: {  	s3 =	rddreg [dreg:$0x2];
	[bflag:$0x3] =	sbarrier.arrive $0xFFFF;
	s2 =	simm.s32 @!p0 $0x1C02  }
0x3df: {  	[timem:s3], [sflag:s2] =	dma.local @!p0 [hbm:s0], s1  }
0x3e0: {  	s0 =	simm.s32 @!p0 $0x2  }
0x3e1: {  	_ =	swait.ge @!p0 [sflag:s0], s1  }
0x3e2: {  	s1 =	ssub.s32 @!p0 $0x0, s1;
	[sflag:s0] =	ssyncset.done @!p0 $0x0  }
0x3e3: {  	[sflag:s0] =	ssyncadd.s32 @!p0 s1  }
0x3e4: {  	[bflag:$0x3] =	sbarrier.arrive $0xFFFF  }
0x3e5: {  	_ =	shalt  }

</sc_bundles>
